<compile_context>
chip_gen: v7x
topology: tpu7x:2x2x1
jax: 0.10.2.dev20260603
libtpu: 0.0.44.dev20260713+nightly
codegen_flags: <defaults>
</compile_context>

<pallas_src>
import dataclasses
import functools

import jax
import jax.numpy as jnp
from jax import lax
from jax.experimental import pallas as pl
from jax.experimental.pallas import tpu as pltpu
from jax.experimental.pallas import tpu_sc as plsc

N = 10000
E = 320000
FIN = 128
FQK = 128
FV = 128
H = 8
FH = 16
NTILES = 32
EPT = E // NTILES
NP = 10240
ND = NP // 8
RPT = NP // 16
DPT = ND // 16
ZB = 16

EA = 80
SA = EPT // EA
NBUF = 4

EC = 64
SC = EPT // EC
TC = EPT - SC * EC


def _compiler_params():
    cp = pltpu.CompilerParams()
    if "needs_layout_passes" in pltpu.CompilerParams.__dataclass_fields__:
        cp = dataclasses.replace(cp, needs_layout_passes=False)
    return cp


def _mesh():
    return plsc.VectorSubcoreMesh(core_axis_name="c", subcore_axis_name="s")


def _pack_perm():
    f = lax.broadcasted_iota(jnp.int32, (FQK, FQK), 0)
    c = lax.broadcasted_iota(jnp.int32, (FQK, FQK), 1)
    return (f == 2 * (c % 64) + (c // 64)).astype(jnp.float32)


def _proj_body(x_ref, w_ref, q_ref, kv_ref):
    p = lax.dot_general(x_ref[...], w_ref[...], (((1,), (1,)), ((), ())),
                        preferred_element_type=jnp.float32)
    q = p[:, :FQK] * (FH ** -0.5)
    q_ref[...] = lax.dot_general(q, _pack_perm(), (((1,), (0,)), ((), ())),
                                 preferred_element_type=jnp.float32)
    kv_f = p[:, FQK:]
    cc = lax.broadcasted_iota(jnp.int32, (FQK + FV, (FQK + FV) // 2), 0)
    jj = lax.broadcasted_iota(jnp.int32, (FQK + FV, (FQK + FV) // 2), 1)
    sel_even = (cc == 2 * jj).astype(jnp.float32)
    sel_odd = (cc == 2 * jj + 1).astype(jnp.float32)
    ke = lax.dot_general(kv_f, sel_even, (((1,), (0,)), ((), ())),
                         preferred_element_type=jnp.float32)
    ko = lax.dot_general(kv_f, sel_odd, (((1,), (0,)), ((), ())),
                         preferred_element_type=jnp.float32)

    def b16(xf):
        u = lax.bitcast_convert_type(xf, jnp.int32)
        r = u + 0x7FFF + (lax.shift_right_logical(u, 16) & 1)
        return lax.shift_right_logical(r, 16)

    kv_ref[...] = b16(ke) | (b16(ko) << 16)


def _project(x, W):
    blk = 1000
    return pl.pallas_call(
        _proj_body,
        grid=(N // blk,),
        in_specs=[
            pl.BlockSpec((blk, FIN), lambda i: (i, 0)),
            pl.BlockSpec((2 * FQK + FV, FIN), lambda i: (0, 0)),
        ],
        out_specs=[
            pl.BlockSpec((blk, FQK), lambda i: (i, 0)),
            pl.BlockSpec((blk, (FQK + FV) // 2), lambda i: (i, 0)),
        ],
        out_shape=[
            jax.ShapeDtypeStruct((N, FQK), jnp.float32),
            jax.ShapeDtypeStruct((N, (FQK + FV) // 2), jnp.int32),
        ],
    )(x, W)


def _sc_gather_body(q_hbm, kv_hbm, src_hbm, dst_hbm, qs_hbm, kvs_hbm,
                    *scratch):
    S = scratch[0:NBUF]
    D = scratch[NBUF:2 * NBUF]
    Q = scratch[2 * NBUF:3 * NBUF]
    K = scratch[3 * NBUF:4 * NBUF]
    SI = scratch[4 * NBUF:5 * NBUF]
    SG = scratch[5 * NBUF:6 * NBUF]
    SW = scratch[6 * NBUF:7 * NBUF]
    cid = lax.axis_index("c")
    sid = lax.axis_index("s")
    tb = (cid * 16 + sid) * EPT

    def issue_idx(u, step):
        base = tb + step * EA
        pltpu.async_copy(src_hbm.at[pl.ds(base, EA)], S[u], SI[u])
        pltpu.async_copy(dst_hbm.at[pl.ds(base, EA)], D[u], SI[u])

    def wait_idx(u):
        pltpu.make_async_copy(src_hbm.at[pl.ds(0, EA)], S[u], SI[u]).wait()
        pltpu.make_async_copy(dst_hbm.at[pl.ds(0, EA)], D[u], SI[u]).wait()

    def issue_gather(u):
        pltpu.async_copy(q_hbm.at[S[u]], Q[u], SG[u])
        pltpu.async_copy(kv_hbm.at[D[u]], K[u], SG[u])

    def wait_gather(u):
        pltpu.make_async_copy(q_hbm.at[S[u]], Q[u], SG[u]).wait()
        pltpu.make_async_copy(kv_hbm.at[D[u]], K[u], SG[u]).wait()

    def issue_write(u, step):
        base = tb + step * EA
        pltpu.async_copy(Q[u], qs_hbm.at[pl.ds(base, EA)], SW[u])
        pltpu.async_copy(K[u], kvs_hbm.at[pl.ds(base, EA)], SW[u])

    def wait_write(u):
        pltpu.make_async_copy(Q[u], qs_hbm.at[pl.ds(0, EA)], SW[u]).wait()
        pltpu.make_async_copy(K[u], kvs_hbm.at[pl.ds(0, EA)], SW[u]).wait()

    issue_idx(0, 0)
    issue_idx(1, 1)
    issue_idx(2, 2)
    wait_idx(0)
    issue_gather(0)

    def step_fn(u, i):
        nu = (u + 1) % NBUF
        pu = (u + NBUF - 1) % NBUF

        @pl.when(i + 1 < SA)
        def _():
            wait_idx(nu)

        @pl.when(jnp.logical_and(i + 1 < SA, i >= 3))
        def _():
            wait_write(nu)

        @pl.when(i + 1 < SA)
        def _():
            issue_gather(nu)

        wait_gather(u)
        issue_write(u, i)

        @pl.when(i + 3 < SA)
        def _():
            issue_idx(pu, i + 3)

    @pl.loop(0, SA // NBUF)
    def _(it):
        for u in range(NBUF):
            step_fn(u, it * NBUF + u)

    for i in range((SA // NBUF) * NBUF, SA):
        step_fn(i % NBUF, i)

    for u in range(NBUF):
        wait_write((SA - 4 + u) % NBUF)


def _sc_gather(q_tbl, kv_i, src, dst):
    buf = ([pltpu.VMEM((EA,), jnp.int32)] * NBUF
           + [pltpu.VMEM((EA,), jnp.int32)] * NBUF
           + [pltpu.VMEM((EA, FQK), jnp.float32)] * NBUF
           + [pltpu.VMEM((EA, 128), jnp.int32)] * NBUF
           + [pltpu.SemaphoreType.DMA] * (3 * NBUF))
    fn = pl.kernel(
        _sc_gather_body,
        compiler_params=_compiler_params(),
        out_type=[
            jax.ShapeDtypeStruct((E, FQK), jnp.float32),
            jax.ShapeDtypeStruct((E, 128), jnp.int32),
        ],
        mesh=_mesh(),
        scratch_types=buf,
    )
    return fn(q_tbl, kv_i, src, dst)


def _edge_body(src_ref, qs_ref, kvs_ref, wv_ref, dn_ref):
    blk = qs_ref.shape[0]
    qp = qs_ref[...]
    kvi = kvs_ref[...]
    ki = kvi[:, :64]
    vi = kvi[:, 64:]
    himask = jnp.int32(-65536)

    def unlo(z):
        return lax.bitcast_convert_type(z << 16, jnp.float32)

    def unhi(z):
        return lax.bitcast_convert_type(z & himask, jnp.float32)

    prodh = qp[:, :64] * unlo(ki) + qp[:, 64:] * unhi(ki)
    vp = jnp.concatenate([unlo(vi), unhi(vi)], axis=1)
    ch = lax.broadcasted_iota(jnp.int32, (64, H), 0) // (FH // 2)
    hh = lax.broadcasted_iota(jnp.int32, (64, H), 1)
    sum8 = (ch == hh).astype(jnp.float32)
    hr = lax.broadcasted_iota(jnp.int32, (H, FV), 0)
    hc = lax.broadcasted_iota(jnp.int32, (H, FV), 1)
    expand_p = (((hc % 64) // (FH // 2)) == hr).astype(jnp.float32)
    tile8 = ((hc & 15) == hr).astype(jnp.float32)

    aw = lax.dot_general(prodh, sum8, (((1,), (0,)), ((), ())),
                         preferred_element_type=jnp.float32)
    w = jnp.exp(aw)
    wrep = lax.dot_general(w, expand_p, (((1,), (0,)), ((), ())),
                           preferred_element_type=jnp.float32)
    wv_ref[...] = wrep * vp
    wtile = lax.dot_general(w, tile8, (((1,), (0,)), ((), ())),
                            preferred_element_type=jnp.float32)
    grp = jnp.broadcast_to(src_ref[...] & 7, (blk, FV))
    lane16 = lax.broadcasted_iota(jnp.int32, (blk, FV), 1) // FH
    dn_ref[...] = jnp.where(lane16 == grp, wtile, 0.0)


def _edge_compute(src2, qs, kvs):
    blk = 4000
    return pl.pallas_call(
        _edge_body,
        grid=(E // blk,),
        in_specs=[
            pl.BlockSpec((blk, 1), lambda i: (i, 0)),
            pl.BlockSpec((blk, FQK), lambda i: (i, 0)),
            pl.BlockSpec((blk, 128), lambda i: (i, 0)),
        ],
        out_specs=[
            pl.BlockSpec((blk, FV), lambda i: (i, 0)),
            pl.BlockSpec((blk, 128), lambda i: (i, 0)),
        ],
        out_shape=[
            jax.ShapeDtypeStruct((E, FV), jnp.float32),
            jax.ShapeDtypeStruct((E, 128), jnp.float32),
        ],
    )(src2, qs, kvs)


def _sc_scatter_body(wv_hbm, dn_hbm, src_hbm, num_hbm, den_hbm,
                     s0, w0, n0, s1, w1, n1, st, didx, dt_, zv,
                     acc_n, acc_d, i0, i1, l0, l1, sz):
    cid = lax.axis_index("c")
    sid = lax.axis_index("s")
    tb = (cid * 16 + sid) * EPT
    zero16 = jnp.zeros((16,), jnp.float32)
    S = (s0, s1)
    Wb = (w0, w1)
    Nb = (n0, n1)
    SI = (i0, i1)
    SL = (l0, l1)

    @pl.loop(0, ZB)
    def _(i):
        for j in range(FV // 16):
            zv[i, pl.ds(16 * j, 16)] = zero16

    ztargets = [acc_n.at[pl.ds(sid * RPT + r * ZB, ZB)]
                for r in range(RPT // ZB)]
    ztargets += [acc_d.at[pl.ds(sid * DPT + r * ZB, ZB)]
                 for r in range(DPT // ZB)]
    for wave in range(0, len(ztargets), 15):
        hs = [pltpu.async_copy(zv, t, sz) for t in ztargets[wave:wave + 15]]
        for hh in hs:
            hh.wait()
    plsc.subcore_barrier()

    def issue_load(b, step):
        base = tb + step * EC
        pltpu.async_copy(src_hbm.at[pl.ds(base, EC)], S[b], SI[b])
        pltpu.async_copy(wv_hbm.at[pl.ds(base, EC)], Wb[b], SL[b])
        pltpu.async_copy(dn_hbm.at[pl.ds(base, EC)], Nb[b], SL[b])

    def wait_load(b):
        pltpu.make_async_copy(src_hbm.at[pl.ds(0, EC)], S[b], SI[b]).wait()
        pltpu.make_async_copy(wv_hbm.at[pl.ds(0, EC)], Wb[b], SL[b]).wait()
        pltpu.make_async_copy(dn_hbm.at[pl.ds(0, EC)], Nb[b], SL[b]).wait()

    issue_load(0, 0)
    issue_load(1, 1)

    @pl.loop(0, SC // 2)
    def _(it):
        for b in (0, 1):
            i = it * 2 + b
            wait_load(b)

            @pl.loop(0, EC // 16)
            def _(c):
                didx[pl.ds(c * 16, 16)] = lax.shift_right_logical(
                    S[b][pl.ds(c * 16, 16)], 3)

            pltpu.sync_copy(Wb[b], acc_n.at[S[b]], add=True)
            pltpu.sync_copy(Nb[b], acc_d.at[didx], add=True)

            @pl.when(i + 2 < SC)
            def _():
                issue_load(b, i + 2)

    base_t = tb + SC * EC
    pltpu.sync_copy(src_hbm.at[pl.ds(base_t, TC)], st)
    pltpu.sync_copy(wv_hbm.at[pl.ds(base_t, TC)], w0.at[pl.ds(0, TC)])
    pltpu.sync_copy(dn_hbm.at[pl.ds(base_t, TC)], n0.at[pl.ds(0, TC)])
    dt_[pl.ds(0, 16)] = lax.shift_right_logical(st[pl.ds(0, 16)], 3)
    pltpu.sync_copy(w0.at[pl.ds(0, TC)], acc_n.at[st], add=True)
    pltpu.sync_copy(n0.at[pl.ds(0, TC)], acc_d.at[dt_], add=True)

    plsc.subcore_barrier()
    for r in range(RPT // EC):
        pltpu.sync_copy(acc_n.at[pl.ds(sid * RPT + r * EC, EC)], w0)
        pltpu.sync_copy(w0, num_hbm.at[cid, pl.ds(sid * RPT + r * EC, EC)])
    for r in range(DPT // 16):
        pltpu.sync_copy(acc_d.at[pl.ds(sid * DPT + r * 16, 16)],
                        w0.at[pl.ds(0, 16)])
        pltpu.sync_copy(w0.at[pl.ds(0, 16)],
                        den_hbm.at[cid, pl.ds(sid * DPT + r * 16, 16)])


def _sc_scatter(wv, dn, src):
    dbuf = [
        pltpu.VMEM((EC,), jnp.int32),
        pltpu.VMEM((EC, FV), jnp.float32),
        pltpu.VMEM((EC, 128), jnp.float32),
    ]
    fn = pl.kernel(
        _sc_scatter_body,
        compiler_params=_compiler_params(),
        out_type=[
            jax.ShapeDtypeStruct((2, NP, FV), jnp.float32),
            jax.ShapeDtypeStruct((2, ND, 128), jnp.float32),
        ],
        mesh=_mesh(),
        scratch_types=dbuf + dbuf + [
            pltpu.VMEM((TC,), jnp.int32),
            pltpu.VMEM((EC,), jnp.int32),
            pltpu.VMEM((TC,), jnp.int32),
            pltpu.VMEM((ZB, 128), jnp.float32),
            pltpu.VMEM_SHARED((NP, FV), jnp.float32),
            pltpu.VMEM_SHARED((ND, 128), jnp.float32),
        ] + [pltpu.SemaphoreType.DMA] * 5,
    )
    return fn(wv, dn, src)


def _comb_body(num_ref, den_ref, o_ref):
    num = num_ref[0] + num_ref[1]
    den16 = den_ref[0] + den_ref[1]
    col = (lax.broadcasted_iota(jnp.int32, (16, FV), 1) % 64) // (FH // 2)
    row = lax.broadcasted_iota(jnp.int32, (16, FV), 0)
    ex = (col == row).astype(jnp.float32)
    rep = lax.dot_general(den16, ex, (((1,), (0,)), ((), ())),
                          preferred_element_type=jnp.float32)
    outp = jnp.where(rep > 0, num / rep, 0.0)
    o_ref[...] = lax.dot_general(outp, _pack_perm(), (((1,), (1,)), ((), ())),
                                 preferred_element_type=jnp.float32)


def _combine(nd_num, nd_den16):
    blk = 1000
    return pl.pallas_call(
        _comb_body,
        grid=(N // blk,),
        in_specs=[
            pl.BlockSpec((2, blk, FV), lambda i: (0, i, 0)),
            pl.BlockSpec((2, blk, 16), lambda i: (0, i, 0)),
        ],
        out_specs=pl.BlockSpec((blk, FV), lambda i: (i, 0)),
        out_shape=jax.ShapeDtypeStruct((N, FV), jnp.float32),
    )(nd_num, nd_den16)


def kernel(x, batch, ei, W):
    del batch
    src = ei[0]
    dst = ei[1]
    q_tbl, kv_i = _project(x, W)
    qs, kvs = _sc_gather(q_tbl, kv_i, src, dst)
    wv, dn = _edge_compute(src.reshape(E, 1), qs, kvs)
    nd_num, nd_den = _sc_scatter(wv, dn, src)
    return _combine(nd_num, nd_den.reshape(2, NP, 16))

# --- scband reference (transcript-rebuilt; emitter-appended) ---
"""Pipeline reference for scband-self-attention-layer-sparse-37769942401756 (READ-ONLY COPY).

The authoritative reference and input builder live on the scoring server;
editing this copy changes nothing except your own understanding.
"""

import jax, jax.numpy as jnp
import numpy as np

Fin = 128
Fqk = 128
Fv = 128
H = 8
N = 10000
E = 320000
NB = 16


def setup_inputs(seed: int = 0) -> dict:
    key = jax.random.key(seed)
    k1, k2, k3, k4 = jax.random.split(key, 4)
    x = jax.random.normal(k1, (N, Fin), dtype=jnp.float32)
    batch = jnp.sort(jax.random.randint(k2, (N,), 0, NB))
    ei = jax.random.randint(k3, (2, E), 0, N)
    W = jax.random.normal(k4, (2 * Fqk + Fv, Fin), dtype=jnp.float32) * (Fin ** -0.5)
    return {"x": x, "batch": batch, "ei": ei, "W": W}


def reference(x, batch, ei, W):
    src = ei[0]
    dest = ei[1]
    B = batch[-1] + 1  # computed in original forward (unused downstream)
    Fh = Fqk // H
    Fhv = Fv // H
    scaling = float(Fh) ** (-0.5)
    proj = x @ W.T
    q = proj[:, :Fqk] * scaling
    k = proj[:, Fqk:2 * Fqk]
    v = proj[:, 2 * Fqk:]
    q = q.reshape(-1, H, Fh)
    k = k.reshape(-1, H, Fh)
    v = v.reshape(-1, H, Fhv)
    qs = q[src]
    ks = k[dest]
    vs = v[dest]
    # per-edge, per-head attention logits: (1,Fh) @ (Fh,1) -> scalar
    aw = jnp.sum(qs * ks, axis=-1)  # [E, H]
    # scatter_softmax over edges grouped by src node
    exp = jnp.exp(aw)
    expsum = jax.ops.segment_sum(exp, src, num_segments=N)
    aw = exp / expsum[src]
    # weighted sum of values, scatter-summed back to src nodes
    out = aw[:, :, None] * vs  # [E, H, Fhv]
    out = jax.ops.segment_sum(out, src, num_segments=N)
    out = out.reshape(-1, H * Fhv)
    return out

if __name__ == "__main__":
    import jax
    _d = setup_inputs()
    print(jax.jit(kernel)(*tuple(_d.values())))

</pallas_src>

<mosaic_0001>
#map = affine_map<(d0, d1) -> (0, 0)>
#map1 = affine_map<(d0, d1) -> (0)>
module attributes {stable_mosaic.version = 14 : i64} {
  func.func @_sc_gather_body(%arg0: i32, %arg1: i32, %arg2: memref<10000x128xf32, #tpu.memory_space<hbm>>, %arg3: memref<10000x128xi32, #tpu.memory_space<hbm>>, %arg4: memref<320000xi32, #tpu.memory_space<hbm>>, %arg5: memref<320000xi32, #tpu.memory_space<hbm>>, %arg6: memref<320000x128xf32, #tpu.memory_space<hbm>>, %arg7: memref<320000x128xi32, #tpu.memory_space<hbm>>, %arg8: memref<80xi32, #tpu.memory_space<vmem>>, %arg9: memref<80xi32, #tpu.memory_space<vmem>>, %arg10: memref<80xi32, #tpu.memory_space<vmem>>, %arg11: memref<80xi32, #tpu.memory_space<vmem>>, %arg12: memref<80xi32, #tpu.memory_space<vmem>>, %arg13: memref<80xi32, #tpu.memory_space<vmem>>, %arg14: memref<80xi32, #tpu.memory_space<vmem>>, %arg15: memref<80xi32, #tpu.memory_space<vmem>>, %arg16: memref<80x128xf32, #tpu.memory_space<vmem>>, %arg17: memref<80x128xf32, #tpu.memory_space<vmem>>, %arg18: memref<80x128xf32, #tpu.memory_space<vmem>>, %arg19: memref<80x128xf32, #tpu.memory_space<vmem>>, %arg20: memref<80x128xi32, #tpu.memory_space<vmem>>, %arg21: memref<80x128xi32, #tpu.memory_space<vmem>>, %arg22: memref<80x128xi32, #tpu.memory_space<vmem>>, %arg23: memref<80x128xi32, #tpu.memory_space<vmem>>, %arg24: memref<!tpu.dma_semaphore, #tpu.memory_space<semaphore_mem>>, %arg25: memref<!tpu.dma_semaphore, #tpu.memory_space<semaphore_mem>>, %arg26: memref<!tpu.dma_semaphore, #tpu.memory_space<semaphore_mem>>, %arg27: memref<!tpu.dma_semaphore, #tpu.memory_space<semaphore_mem>>, %arg28: memref<!tpu.dma_semaphore, #tpu.memory_space<semaphore_mem>>, %arg29: memref<!tpu.dma_semaphore, #tpu.memory_space<semaphore_mem>>, %arg30: memref<!tpu.dma_semaphore, #tpu.memory_space<semaphore_mem>>, %arg31: memref<!tpu.dma_semaphore, #tpu.memory_space<semaphore_mem>>, %arg32: memref<!tpu.dma_semaphore, #tpu.memory_space<semaphore_mem>>, %arg33: memref<!tpu.dma_semaphore, #tpu.memory_space<semaphore_mem>>, %arg34: memref<!tpu.dma_semaphore, #tpu.memory_space<semaphore_mem>>, %arg35: memref<!tpu.dma_semaphore, #tpu.memory_space<semaphore_mem>>) attributes {dimension_semantics = [#tpu.dimension_semantics<core_parallel>, #tpu.dimension_semantics<subcore_parallel>], iteration_bounds = array<i64: 2, 16>, scalar_prefetch = 0 : i64, scratch_operands = 28 : i64, tpu.core_type = #tpu.core_type<sc_vector_subcore>, window_params = [{transform_indices = #map}, {transform_indices = #map}, {transform_indices = #map1}, {transform_indices = #map1}, {transform_indices = #map}, {transform_indices = #map}]} {
    %mul3A = arith.constant 16 : i32
    %mul3A_0 = arith.muli %arg0, %mul3A : i32
    %add3A = arith.addi %mul3A_0, %arg1 : i32
    %mul3A_1 = arith.constant 10000 : i32
    %mul3A_2 = arith.muli %add3A, %mul3A_1 : i32
    %add3A_3 = arith.constant 0 : i32
    %add3A_4 = arith.addi %mul3A_2, %add3A_3 : i32
    %dma_start3A = tpu.memref_slice %arg4[%add3A_4] : memref<320000xi32, #tpu.memory_space<hbm>> -> memref<80xi32, #tpu.memory_space<hbm>>
    %dma_start3A_5 = tpu.memref_slice %arg4[%add3A_4] : memref<320000xi32, #tpu.memory_space<hbm>> -> memref<80xi32, #tpu.memory_space<hbm>>
    tpu.enqueue_dma source(%dma_start3A_5 : memref<80xi32, #tpu.memory_space<hbm>>) target(%arg8 : memref<80xi32, #tpu.memory_space<vmem>>) target_semaphore(%arg24 : memref<!tpu.dma_semaphore, #tpu.memory_space<semaphore_mem>>)
    %dma_start3A_6 = tpu.memref_slice %arg5[%add3A_4] : memref<320000xi32, #tpu.memory_space<hbm>> -> memref<80xi32, #tpu.memory_space<hbm>>
    %dma_start3A_7 = tpu.memref_slice %arg5[%add3A_4] : memref<320000xi32, #tpu.memory_space<hbm>> -> memref<80xi32, #tpu.memory_space<hbm>>
    tpu.enqueue_dma source(%dma_start3A_7 : memref<80xi32, #tpu.memory_space<hbm>>) target(%arg12 : memref<80xi32, #tpu.memory_space<vmem>>) target_semaphore(%arg24 : memref<!tpu.dma_semaphore, #tpu.memory_space<semaphore_mem>>)
    %add3A_8 = arith.constant 80 : i32
    %add3A_9 = arith.addi %mul3A_2, %add3A_8 : i32
    %dma_start3A_10 = tpu.memref_slice %arg4[%add3A_9] : memref<320000xi32, #tpu.memory_space<hbm>> -> memref<80xi32, #tpu.memory_space<hbm>>
    %dma_start3A_11 = tpu.memref_slice %arg4[%add3A_9] : memref<320000xi32, #tpu.memory_space<hbm>> -> memref<80xi32, #tpu.memory_space<hbm>>
    tpu.enqueue_dma source(%dma_start3A_11 : memref<80xi32, #tpu.memory_space<hbm>>) target(%arg9 : memref<80xi32, #tpu.memory_space<vmem>>) target_semaphore(%arg25 : memref<!tpu.dma_semaphore, #tpu.memory_space<semaphore_mem>>)
    %dma_start3A_12 = tpu.memref_slice %arg5[%add3A_9] : memref<320000xi32, #tpu.memory_space<hbm>> -> memref<80xi32, #tpu.memory_space<hbm>>
    %dma_start3A_13 = tpu.memref_slice %arg5[%add3A_9] : memref<320000xi32, #tpu.memory_space<hbm>> -> memref<80xi32, #tpu.memory_space<hbm>>
    tpu.enqueue_dma source(%dma_start3A_13 : memref<80xi32, #tpu.memory_space<hbm>>) target(%arg13 : memref<80xi32, #tpu.memory_space<vmem>>) target_semaphore(%arg25 : memref<!tpu.dma_semaphore, #tpu.memory_space<semaphore_mem>>)
    %add3A_14 = arith.constant 160 : i32
    %add3A_15 = arith.addi %mul3A_2, %add3A_14 : i32
    %dma_start3A_16 = tpu.memref_slice %arg4[%add3A_15] : memref<320000xi32, #tpu.memory_space<hbm>> -> memref<80xi32, #tpu.memory_space<hbm>>
    %dma_start3A_17 = tpu.memref_slice %arg4[%add3A_15] : memref<320000xi32, #tpu.memory_space<hbm>> -> memref<80xi32, #tpu.memory_space<hbm>>
    tpu.enqueue_dma source(%dma_start3A_17 : memref<80xi32, #tpu.memory_space<hbm>>) target(%arg10 : memref<80xi32, #tpu.memory_space<vmem>>) target_semaphore(%arg26 : memref<!tpu.dma_semaphore, #tpu.memory_space<semaphore_mem>>)
    %dma_start3A_18 = tpu.memref_slice %arg5[%add3A_15] : memref<320000xi32, #tpu.memory_space<hbm>> -> memref<80xi32, #tpu.memory_space<hbm>>
    %dma_start3A_19 = tpu.memref_slice %arg5[%add3A_15] : memref<320000xi32, #tpu.memory_space<hbm>> -> memref<80xi32, #tpu.memory_space<hbm>>
    tpu.enqueue_dma source(%dma_start3A_19 : memref<80xi32, #tpu.memory_space<hbm>>) target(%arg14 : memref<80xi32, #tpu.memory_space<vmem>>) target_semaphore(%arg26 : memref<!tpu.dma_semaphore, #tpu.memory_space<semaphore_mem>>)
    %dma_wait3A = arith.constant 0 : i32
    %dma_wait3A_20 = tpu.memref_slice %arg4[%dma_wait3A] : memref<320000xi32, #tpu.memory_space<hbm>> -> memref<80xi32, #tpu.memory_space<hbm>>
    %dma_wait3A_21 = arith.constant 0 : i32
    %dma_wait3A_22 = tpu.memref_slice %arg4[%dma_wait3A_21] : memref<320000xi32, #tpu.memory_space<hbm>> -> memref<80xi32, #tpu.memory_space<hbm>>
    tpu.wait_dma2 semaphore(%arg24 : memref<!tpu.dma_semaphore, #tpu.memory_space<semaphore_mem>>) src(%dma_wait3A_22 : memref<80xi32, #tpu.memory_space<hbm>>) dst(%arg8 : memref<80xi32, #tpu.memory_space<vmem>>)
    %dma_wait3A_23 = arith.constant 0 : i32
    %dma_wait3A_24 = tpu.memref_slice %arg5[%dma_wait3A_23] : memref<320000xi32, #tpu.memory_space<hbm>> -> memref<80xi32, #tpu.memory_space<hbm>>
    %dma_wait3A_25 = arith.constant 0 : i32
    %dma_wait3A_26 = tpu.memref_slice %arg5[%dma_wait3A_25] : memref<320000xi32, #tpu.memory_space<hbm>> -> memref<80xi32, #tpu.memory_space<hbm>>
    tpu.wait_dma2 semaphore(%arg24 : memref<!tpu.dma_semaphore, #tpu.memory_space<semaphore_mem>>) src(%dma_wait3A_26 : memref<80xi32, #tpu.memory_space<hbm>>) dst(%arg12 : memref<80xi32, #tpu.memory_space<vmem>>)
    %dma_start3A_27 = arith.constant 0 : i32
    %dma_start3A_28 = arith.constant 0 : i32
    %dma_start3A_29 = tpu.memref_slice %arg2[%dma_start3A_27, %dma_start3A_28] : memref<10000x128xf32, #tpu.memory_space<hbm>> -> memref<10000x128xf32, #tpu.memory_space<hbm>>
    tpu.enqueue_indirect_dma source(%dma_start3A_29 : memref<10000x128xf32, #tpu.memory_space<hbm>>) target(%arg16 : memref<80x128xf32, #tpu.memory_space<vmem>>) offsets(%arg8 : memref<80xi32, #tpu.memory_space<vmem>>) semaphore(%arg28 : memref<!tpu.dma_semaphore, #tpu.memory_space<semaphore_mem>>)
    %dma_start3A_30 = arith.constant 0 : i32
    %dma_start3A_31 = arith.constant 0 : i32
    %dma_start3A_32 = tpu.memref_slice %arg3[%dma_start3A_30, %dma_start3A_31] : memref<10000x128xi32, #tpu.memory_space<hbm>> -> memref<10000x128xi32, #tpu.memory_space<hbm>>
    tpu.enqueue_indirect_dma source(%dma_start3A_32 : memref<10000x128xi32, #tpu.memory_space<hbm>>) target(%arg20 : memref<80x128xi32, #tpu.memory_space<vmem>>) offsets(%arg12 : memref<80xi32, #tpu.memory_space<vmem>>) semaphore(%arg28 : memref<!tpu.dma_semaphore, #tpu.memory_space<semaphore_mem>>)
    %scan3A = arith.constant 0 : i32
    %scan3A_33 = arith.constant 31 : i32
    %scan3A_34 = arith.addi %scan3A, %scan3A_33 : i32
    %scan3A_35 = arith.constant 1 : i32
    scf.for %scan3A_104 = %scan3A to %scan3A_34 step %scan3A_35  : i32 {
      %mul3A_105 = arith.constant 1 : i32
      %mul3A_106 = arith.muli %scan3A_104, %mul3A_105 : i32
      %add3A_107 = arith.constant 0 : i32
      %add3A_108 = arith.addi %add3A_107, %mul3A_106 : i32
      %mul3A_109 = arith.constant 4 : i32
      %mul3A_110 = arith.muli %add3A_108, %mul3A_109 : i32
      %add3A_111 = arith.constant 0 : i32
      %add3A_112 = arith.addi %mul3A_110, %add3A_111 : i32
      %add3A_113 = arith.constant 1 : i32
      %add3A_114 = arith.addi %add3A_112, %add3A_113 : i32
      %lt3A = arith.constant 125 : i32
      %lt3A_115 = arith.cmpi slt, %add3A_114, %lt3A : i32
      %convert_element_type3A_116 = arith.extui %lt3A_115 : i1 to i32
      %cond3A_117 = arith.constant 0 : i32
      %cond3A_118 = arith.cmpi ne, %convert_element_type3A_116, %cond3A_117 : i32
      scf.if %cond3A_118 {
        %dma_wait3A_315 = arith.constant 0 : i32
        %dma_wait3A_316 = tpu.memref_slice %arg4[%dma_wait3A_315] : memref<320000xi32, #tpu.memory_space<hbm>> -> memref<80xi32, #tpu.memory_space<hbm>>
        %dma_wait3A_317 = arith.constant 0 : i32
        %dma_wait3A_318 = tpu.memref_slice %arg4[%dma_wait3A_317] : memref<320000xi32, #tpu.memory_space<hbm>> -> memref<80xi32, #tpu.memory_space<hbm>>
        tpu.wait_dma2 semaphore(%arg25 : memref<!tpu.dma_semaphore, #tpu.memory_space<semaphore_mem>>) src(%dma_wait3A_318 : memref<80xi32, #tpu.memory_space<hbm>>) dst(%arg9 : memref<80xi32, #tpu.memory_space<vmem>>)
        %dma_wait3A_319 = arith.constant 0 : i32
        %dma_wait3A_320 = tpu.memref_slice %arg5[%dma_wait3A_319] : memref<320000xi32, #tpu.memory_space<hbm>> -> memref<80xi32, #tpu.memory_space<hbm>>
        %dma_wait3A_321 = arith.constant 0 : i32
        %dma_wait3A_322 = tpu.memref_slice %arg5[%dma_wait3A_321] : memref<320000xi32, #tpu.memory_space<hbm>> -> memref<80xi32, #tpu.memory_space<hbm>>
        tpu.wait_dma2 semaphore(%arg25 : memref<!tpu.dma_semaphore, #tpu.memory_space<semaphore_mem>>) src(%dma_wait3A_322 : memref<80xi32, #tpu.memory_space<hbm>>) dst(%arg13 : memref<80xi32, #tpu.memory_space<vmem>>)
      } else {
      }
      %add3A_119 = arith.constant 1 : i32
      %add3A_120 = arith.addi %add3A_112, %add3A_119 : i32
      %lt3A_121 = arith.constant 125 : i32
      %lt3A_122 = arith.cmpi slt, %add3A_120, %lt3A_121 : i32
      %ge3A = arith.constant 3 : i32
      %ge3A_123 = arith.cmpi sge, %add3A_112, %ge3A : i32
      %and3A_124 = arith.andi %lt3A_122, %ge3A_123 : i1
      %convert_element_type3A_125 = arith.extui %and3A_124 : i1 to i32
      %cond3A_126 = arith.constant 0 : i32
      %cond3A_127 = arith.cmpi ne, %convert_element_type3A_125, %cond3A_126 : i32
      scf.if %cond3A_127 {
        %dma_wait3A_315 = arith.constant 0 : i32
        %dma_wait3A_316 = arith.constant 0 : i32
        %dma_wait3A_317 = tpu.memref_slice %arg6[%dma_wait3A_315, %dma_wait3A_316] : memref<320000x128xf32, #tpu.memory_space<hbm>> -> memref<80x128xf32, #tpu.memory_space<hbm>>
        %dma_wait3A_318 = arith.constant 0 : i32
        %dma_wait3A_319 = arith.constant 0 : i32
        %dma_wait3A_320 = tpu.memref_slice %arg6[%dma_wait3A_318, %dma_wait3A_319] : memref<320000x128xf32, #tpu.memory_space<hbm>> -> memref<80x128xf32, #tpu.memory_space<hbm>>
        tpu.wait_dma2 semaphore(%arg33 : memref<!tpu.dma_semaphore, #tpu.memory_space<semaphore_mem>>) src(%arg17 : memref<80x128xf32, #tpu.memory_space<vmem>>) dst(%dma_wait3A_320 : memref<80x128xf32, #tpu.memory_space<hbm>>)
        %dma_wait3A_321 = arith.constant 0 : i32
        %dma_wait3A_322 = arith.constant 0 : i32
        %dma_wait3A_323 = tpu.memref_slice %arg7[%dma_wait3A_321, %dma_wait3A_322] : memref<320000x128xi32, #tpu.memory_space<hbm>> -> memref<80x128xi32, #tpu.memory_space<hbm>>
        %dma_wait3A_324 = arith.constant 0 : i32
        %dma_wait3A_325 = arith.constant 0 : i32
        %dma_wait3A_326 = tpu.memref_slice %arg7[%dma_wait3A_324, %dma_wait3A_325] : memref<320000x128xi32, #tpu.memory_space<hbm>> -> memref<80x128xi32, #tpu.memory_space<hbm>>
        tpu.wait_dma2 semaphore(%arg33 : memref<!tpu.dma_semaphore, #tpu.memory_space<semaphore_mem>>) src(%arg21 : memref<80x128xi32, #tpu.memory_space<vmem>>) dst(%dma_wait3A_326 : memref<80x128xi32, #tpu.memory_space<hbm>>)
      } else {
      }
      %add3A_128 = arith.constant 1 : i32
      %add3A_129 = arith.addi %add3A_112, %add3A_128 : i32
      %lt3A_130 = arith.constant 125 : i32
      %lt3A_131 = arith.cmpi slt, %add3A_129, %lt3A_130 : i32
      %convert_element_type3A_132 = arith.extui %lt3A_131 : i1 to i32
      %cond3A_133 = arith.constant 0 : i32
      %cond3A_134 = arith.cmpi ne, %convert_element_type3A_132, %cond3A_133 : i32
      scf.if %cond3A_134 {
        %dma_start3A_315 = arith.constant 0 : i32
        %dma_start3A_316 = arith.constant 0 : i32
        %dma_start3A_317 = tpu.memref_slice %arg2[%dma_start3A_315, %dma_start3A_316] : memref<10000x128xf32, #tpu.memory_space<hbm>> -> memref<10000x128xf32, #tpu.memory_space<hbm>>
        tpu.enqueue_indirect_dma source(%dma_start3A_317 : memref<10000x128xf32, #tpu.memory_space<hbm>>) target(%arg17 : memref<80x128xf32, #tpu.memory_space<vmem>>) offsets(%arg9 : memref<80xi32, #tpu.memory_space<vmem>>) semaphore(%arg29 : memref<!tpu.dma_semaphore, #tpu.memory_space<semaphore_mem>>)
        %dma_start3A_318 = arith.constant 0 : i32
        %dma_start3A_319 = arith.constant 0 : i32
        %dma_start3A_320 = tpu.memref_slice %arg3[%dma_start3A_318, %dma_start3A_319] : memref<10000x128xi32, #tpu.memory_space<hbm>> -> memref<10000x128xi32, #tpu.memory_space<hbm>>
        tpu.enqueue_indirect_dma source(%dma_start3A_320 : memref<10000x128xi32, #tpu.memory_space<hbm>>) target(%arg21 : memref<80x128xi32, #tpu.memory_space<vmem>>) offsets(%arg13 : memref<80xi32, #tpu.memory_space<vmem>>) semaphore(%arg29 : memref<!tpu.dma_semaphore, #tpu.memory_space<semaphore_mem>>)
      } else {
      }
      %dma_wait3A_135 = arith.constant 0 : i32
      %dma_wait3A_136 = arith.constant 0 : i32
      %dma_wait3A_137 = tpu.memref_slice %arg2[%dma_wait3A_135, %dma_wait3A_136] : memref<10000x128xf32, #tpu.memory_space<hbm>> -> memref<10000x128xf32, #tpu.memory_space<hbm>>
      tpu.wait_indirect_dma semaphore(%arg28 : memref<!tpu.dma_semaphore, #tpu.memory_space<semaphore_mem>>) src(%dma_wait3A_137 : memref<10000x128xf32, #tpu.memory_space<hbm>>) dst(%arg16 : memref<80x128xf32, #tpu.memory_space<vmem>>)
      %dma_wait3A_138 = arith.constant 0 : i32
      %dma_wait3A_139 = arith.constant 0 : i32
      %dma_wait3A_140 = tpu.memref_slice %arg3[%dma_wait3A_138, %dma_wait3A_139] : memref<10000x128xi32, #tpu.memory_space<hbm>> -> memref<10000x128xi32, #tpu.memory_space<hbm>>
      tpu.wait_indirect_dma semaphore(%arg28 : memref<!tpu.dma_semaphore, #tpu.memory_space<semaphore_mem>>) src(%dma_wait3A_140 : memref<10000x128xi32, #tpu.memory_space<hbm>>) dst(%arg20 : memref<80x128xi32, #tpu.memory_space<vmem>>)
      %mul3A_141 = arith.constant 80 : i32
      %mul3A_142 = arith.muli %add3A_112, %mul3A_141 : i32
      %add3A_143 = arith.addi %mul3A_2, %mul3A_142 : i32
      %dma_start3A_144 = arith.constant 0 : i32
      %dma_start3A_145 = tpu.memref_slice %arg6[%add3A_143, %dma_start3A_144] : memref<320000x128xf32, #tpu.memory_space<hbm>> -> memref<80x128xf32, #tpu.memory_space<hbm>>
      %dma_start3A_146 = arith.constant 0 : i32
      %dma_start3A_147 = tpu.memref_slice %arg6[%add3A_143, %dma_start3A_146] : memref<320000x128xf32, #tpu.memory_space<hbm>> -> memref<80x128xf32, #tpu.memory_space<hbm>>
      tpu.enqueue_dma source(%arg16 : memref<80x128xf32, #tpu.memory_space<vmem>>) target(%dma_start3A_147 : memref<80x128xf32, #tpu.memory_space<hbm>>) target_semaphore(%arg32 : memref<!tpu.dma_semaphore, #tpu.memory_space<semaphore_mem>>)
      %dma_start3A_148 = arith.constant 0 : i32
      %dma_start3A_149 = tpu.memref_slice %arg7[%add3A_143, %dma_start3A_148] : memref<320000x128xi32, #tpu.memory_space<hbm>> -> memref<80x128xi32, #tpu.memory_space<hbm>>
      %dma_start3A_150 = arith.constant 0 : i32
      %dma_start3A_151 = tpu.memref_slice %arg7[%add3A_143, %dma_start3A_150] : memref<320000x128xi32, #tpu.memory_space<hbm>> -> memref<80x128xi32, #tpu.memory_space<hbm>>
      tpu.enqueue_dma source(%arg20 : memref<80x128xi32, #tpu.memory_space<vmem>>) target(%dma_start3A_151 : memref<80x128xi32, #tpu.memory_space<hbm>>) target_semaphore(%arg32 : memref<!tpu.dma_semaphore, #tpu.memory_space<semaphore_mem>>)
      %add3A_152 = arith.constant 3 : i32
      %add3A_153 = arith.addi %add3A_112, %add3A_152 : i32
      %lt3A_154 = arith.constant 125 : i32
      %lt3A_155 = arith.cmpi slt, %add3A_153, %lt3A_154 : i32
      %convert_element_type3A_156 = arith.extui %lt3A_155 : i1 to i32
      %cond3A_157 = arith.constant 0 : i32
      %cond3A_158 = arith.cmpi ne, %convert_element_type3A_156, %cond3A_157 : i32
      scf.if %cond3A_158 {
        %add3A_315 = arith.constant 3 : i32
        %add3A_316 = arith.addi %add3A_112, %add3A_315 : i32
        %mul3A_317 = arith.constant 80 : i32
        %mul3A_318 = arith.muli %add3A_316, %mul3A_317 : i32
        %add3A_319 = arith.addi %mul3A_2, %mul3A_318 : i32
        %dma_start3A_320 = tpu.memref_slice %arg4[%add3A_319] : memref<320000xi32, #tpu.memory_space<hbm>> -> memref<80xi32, #tpu.memory_space<hbm>>
        %dma_start3A_321 = tpu.memref_slice %arg4[%add3A_319] : memref<320000xi32, #tpu.memory_space<hbm>> -> memref<80xi32, #tpu.memory_space<hbm>>
        tpu.enqueue_dma source(%dma_start3A_321 : memref<80xi32, #tpu.memory_space<hbm>>) target(%arg11 : memref<80xi32, #tpu.memory_space<vmem>>) target_semaphore(%arg27 : memref<!tpu.dma_semaphore, #tpu.memory_space<semaphore_mem>>)
        %dma_start3A_322 = tpu.memref_slice %arg5[%add3A_319] : memref<320000xi32, #tpu.memory_space<hbm>> -> memref<80xi32, #tpu.memory_space<hbm>>
        %dma_start3A_323 = tpu.memref_slice %arg5[%add3A_319] : memref<320000xi32, #tpu.memory_space<hbm>> -> memref<80xi32, #tpu.memory_space<hbm>>
        tpu.enqueue_dma source(%dma_start3A_323 : memref<80xi32, #tpu.memory_space<hbm>>) target(%arg15 : memref<80xi32, #tpu.memory_space<vmem>>) target_semaphore(%arg27 : memref<!tpu.dma_semaphore, #tpu.memory_space<semaphore_mem>>)
      } else {
      }
      %mul3A_159 = arith.constant 4 : i32
      %mul3A_160 = arith.muli %add3A_108, %mul3A_159 : i32
      %add3A_161 = arith.constant 1 : i32
      %add3A_162 = arith.addi %mul3A_160, %add3A_161 : i32
      %add3A_163 = arith.constant 1 : i32
      %add3A_164 = arith.addi %add3A_162, %add3A_163 : i32
      %lt3A_165 = arith.constant 125 : i32
      %lt3A_166 = arith.cmpi slt, %add3A_164, %lt3A_165 : i32
      %convert_element_type3A_167 = arith.extui %lt3A_166 : i1 to i32
      %cond3A_168 = arith.constant 0 : i32
      %cond3A_169 = arith.cmpi ne, %convert_element_type3A_167, %cond3A_168 : i32
      scf.if %cond3A_169 {
        %dma_wait3A_315 = arith.constant 0 : i32
        %dma_wait3A_316 = tpu.memref_slice %arg4[%dma_wait3A_315] : memref<320000xi32, #tpu.memory_space<hbm>> -> memref<80xi32, #tpu.memory_space<hbm>>
        %dma_wait3A_317 = arith.constant 0 : i32
        %dma_wait3A_318 = tpu.memref_slice %arg4[%dma_wait3A_317] : memref<320000xi32, #tpu.memory_space<hbm>> -> memref<80xi32, #tpu.memory_space<hbm>>
        tpu.wait_dma2 semaphore(%arg26 : memref<!tpu.dma_semaphore, #tpu.memory_space<semaphore_mem>>) src(%dma_wait3A_318 : memref<80xi32, #tpu.memory_space<hbm>>) dst(%arg10 : memref<80xi32, #tpu.memory_space<vmem>>)
        %dma_wait3A_319 = arith.constant 0 : i32
        %dma_wait3A_320 = tpu.memref_slice %arg5[%dma_wait3A_319] : memref<320000xi32, #tpu.memory_space<hbm>> -> memref<80xi32, #tpu.memory_space<hbm>>
        %dma_wait3A_321 = arith.constant 0 : i32
        %dma_wait3A_322 = tpu.memref_slice %arg5[%dma_wait3A_321] : memref<320000xi32, #tpu.memory_space<hbm>> -> memref<80xi32, #tpu.memory_space<hbm>>
        tpu.wait_dma2 semaphore(%arg26 : memref<!tpu.dma_semaphore, #tpu.memory_space<semaphore_mem>>) src(%dma_wait3A_322 : memref<80xi32, #tpu.memory_space<hbm>>) dst(%arg14 : memref<80xi32, #tpu.memory_space<vmem>>)
      } else {
      }
      %add3A_170 = arith.constant 1 : i32
      %add3A_171 = arith.addi %add3A_162, %add3A_170 : i32
      %lt3A_172 = arith.constant 125 : i32
      %lt3A_173 = arith.cmpi slt, %add3A_171, %lt3A_172 : i32
      %ge3A_174 = arith.constant 3 : i32
      %ge3A_175 = arith.cmpi sge, %add3A_162, %ge3A_174 : i32
      %and3A_176 = arith.andi %lt3A_173, %ge3A_175 : i1
      %convert_element_type3A_177 = arith.extui %and3A_176 : i1 to i32
      %cond3A_178 = arith.constant 0 : i32
      %cond3A_179 = arith.cmpi ne, %convert_element_type3A_177, %cond3A_178 : i32
      scf.if %cond3A_179 {
        %dma_wait3A_315 = arith.constant 0 : i32
        %dma_wait3A_316 = arith.constant 0 : i32
        %dma_wait3A_317 = tpu.memref_slice %arg6[%dma_wait3A_315, %dma_wait3A_316] : memref<320000x128xf32, #tpu.memory_space<hbm>> -> memref<80x128xf32, #tpu.memory_space<hbm>>
        %dma_wait3A_318 = arith.constant 0 : i32
        %dma_wait3A_319 = arith.constant 0 : i32
        %dma_wait3A_320 = tpu.memref_slice %arg6[%dma_wait3A_318, %dma_wait3A_319] : memref<320000x128xf32, #tpu.memory_space<hbm>> -> memref<80x128xf32, #tpu.memory_space<hbm>>
        tpu.wait_dma2 semaphore(%arg34 : memref<!tpu.dma_semaphore, #tpu.memory_space<semaphore_mem>>) src(%arg18 : memref<80x128xf32, #tpu.memory_space<vmem>>) dst(%dma_wait3A_320 : memref<80x128xf32, #tpu.memory_space<hbm>>)
        %dma_wait3A_321 = arith.constant 0 : i32
        %dma_wait3A_322 = arith.constant 0 : i32
        %dma_wait3A_323 = tpu.memref_slice %arg7[%dma_wait3A_321, %dma_wait3A_322] : memref<320000x128xi32, #tpu.memory_space<hbm>> -> memref<80x128xi32, #tpu.memory_space<hbm>>
        %dma_wait3A_324 = arith.constant 0 : i32
        %dma_wait3A_325 = arith.constant 0 : i32
        %dma_wait3A_326 = tpu.memref_slice %arg7[%dma_wait3A_324, %dma_wait3A_325] : memref<320000x128xi32, #tpu.memory_space<hbm>> -> memref<80x128xi32, #tpu.memory_space<hbm>>
        tpu.wait_dma2 semaphore(%arg34 : memref<!tpu.dma_semaphore, #tpu.memory_space<semaphore_mem>>) src(%arg22 : memref<80x128xi32, #tpu.memory_space<vmem>>) dst(%dma_wait3A_326 : memref<80x128xi32, #tpu.memory_space<hbm>>)
      } else {
      }
      %add3A_180 = arith.constant 1 : i32
      %add3A_181 = arith.addi %add3A_162, %add3A_180 : i32
      %lt3A_182 = arith.constant 125 : i32
      %lt3A_183 = arith.cmpi slt, %add3A_181, %lt3A_182 : i32
      %convert_element_type3A_184 = arith.extui %lt3A_183 : i1 to i32
      %cond3A_185 = arith.constant 0 : i32
      %cond3A_186 = arith.cmpi ne, %convert_element_type3A_184, %cond3A_185 : i32
      scf.if %cond3A_186 {
        %dma_start3A_315 = arith.constant 0 : i32
        %dma_start3A_316 = arith.constant 0 : i32
        %dma_start3A_317 = tpu.memref_slice %arg2[%dma_start3A_315, %dma_start3A_316] : memref<10000x128xf32, #tpu.memory_space<hbm>> -> memref<10000x128xf32, #tpu.memory_space<hbm>>
        tpu.enqueue_indirect_dma source(%dma_start3A_317 : memref<10000x128xf32, #tpu.memory_space<hbm>>) target(%arg18 : memref<80x128xf32, #tpu.memory_space<vmem>>) offsets(%arg10 : memref<80xi32, #tpu.memory_space<vmem>>) semaphore(%arg30 : memref<!tpu.dma_semaphore, #tpu.memory_space<semaphore_mem>>)
        %dma_start3A_318 = arith.constant 0 : i32
        %dma_start3A_319 = arith.constant 0 : i32
        %dma_start3A_320 = tpu.memref_slice %arg3[%dma_start3A_318, %dma_start3A_319] : memref<10000x128xi32, #tpu.memory_space<hbm>> -> memref<10000x128xi32, #tpu.memory_space<hbm>>
        tpu.enqueue_indirect_dma source(%dma_start3A_320 : memref<10000x128xi32, #tpu.memory_space<hbm>>) target(%arg22 : memref<80x128xi32, #tpu.memory_space<vmem>>) offsets(%arg14 : memref<80xi32, #tpu.memory_space<vmem>>) semaphore(%arg30 : memref<!tpu.dma_semaphore, #tpu.memory_space<semaphore_mem>>)
      } else {
      }
      %dma_wait3A_187 = arith.constant 0 : i32
      %dma_wait3A_188 = arith.constant 0 : i32
      %dma_wait3A_189 = tpu.memref_slice %arg2[%dma_wait3A_187, %dma_wait3A_188] : memref<10000x128xf32, #tpu.memory_space<hbm>> -> memref<10000x128xf32, #tpu.memory_space<hbm>>
      tpu.wait_indirect_dma semaphore(%arg29 : memref<!tpu.dma_semaphore, #tpu.memory_space<semaphore_mem>>) src(%dma_wait3A_189 : memref<10000x128xf32, #tpu.memory_space<hbm>>) dst(%arg17 : memref<80x128xf32, #tpu.memory_space<vmem>>)
      %dma_wait3A_190 = arith.constant 0 : i32
      %dma_wait3A_191 = arith.constant 0 : i32
      %dma_wait3A_192 = tpu.memref_slice %arg3[%dma_wait3A_190, %dma_wait3A_191] : memref<10000x128xi32, #tpu.memory_space<hbm>> -> memref<10000x128xi32, #tpu.memory_space<hbm>>
      tpu.wait_indirect_dma semaphore(%arg29 : memref<!tpu.dma_semaphore, #tpu.memory_space<semaphore_mem>>) src(%dma_wait3A_192 : memref<10000x128xi32, #tpu.memory_space<hbm>>) dst(%arg21 : memref<80x128xi32, #tpu.memory_space<vmem>>)
      %mul3A_193 = arith.constant 80 : i32
      %mul3A_194 = arith.muli %add3A_162, %mul3A_193 : i32
      %add3A_195 = arith.addi %mul3A_2, %mul3A_194 : i32
      %dma_start3A_196 = arith.constant 0 : i32
      %dma_start3A_197 = tpu.memref_slice %arg6[%add3A_195, %dma_start3A_196] : memref<320000x128xf32, #tpu.memory_space<hbm>> -> memref<80x128xf32, #tpu.memory_space<hbm>>
      %dma_start3A_198 = arith.constant 0 : i32
      %dma_start3A_199 = tpu.memref_slice %arg6[%add3A_195, %dma_start3A_198] : memref<320000x128xf32, #tpu.memory_space<hbm>> -> memref<80x128xf32, #tpu.memory_space<hbm>>
      tpu.enqueue_dma source(%arg17 : memref<80x128xf32, #tpu.memory_space<vmem>>) target(%dma_start3A_199 : memref<80x128xf32, #tpu.memory_space<hbm>>) target_semaphore(%arg33 : memref<!tpu.dma_semaphore, #tpu.memory_space<semaphore_mem>>)
      %dma_start3A_200 = arith.constant 0 : i32
      %dma_start3A_201 = tpu.memref_slice %arg7[%add3A_195, %dma_start3A_200] : memref<320000x128xi32, #tpu.memory_space<hbm>> -> memref<80x128xi32, #tpu.memory_space<hbm>>
      %dma_start3A_202 = arith.constant 0 : i32
      %dma_start3A_203 = tpu.memref_slice %arg7[%add3A_195, %dma_start3A_202] : memref<320000x128xi32, #tpu.memory_space<hbm>> -> memref<80x128xi32, #tpu.memory_space<hbm>>
      tpu.enqueue_dma source(%arg21 : memref<80x128xi32, #tpu.memory_space<vmem>>) target(%dma_start3A_203 : memref<80x128xi32, #tpu.memory_space<hbm>>) target_semaphore(%arg33 : memref<!tpu.dma_semaphore, #tpu.memory_space<semaphore_mem>>)
      %add3A_204 = arith.constant 3 : i32
      %add3A_205 = arith.addi %add3A_162, %add3A_204 : i32
      %lt3A_206 = arith.constant 125 : i32
      %lt3A_207 = arith.cmpi slt, %add3A_205, %lt3A_206 : i32
      %convert_element_type3A_208 = arith.extui %lt3A_207 : i1 to i32
      %cond3A_209 = arith.constant 0 : i32
      %cond3A_210 = arith.cmpi ne, %convert_element_type3A_208, %cond3A_209 : i32
      scf.if %cond3A_210 {
        %add3A_315 = arith.constant 3 : i32
        %add3A_316 = arith.addi %add3A_162, %add3A_315 : i32
        %mul3A_317 = arith.constant 80 : i32
        %mul3A_318 = arith.muli %add3A_316, %mul3A_317 : i32
        %add3A_319 = arith.addi %mul3A_2, %mul3A_318 : i32
        %dma_start3A_320 = tpu.memref_slice %arg4[%add3A_319] : memref<320000xi32, #tpu.memory_space<hbm>> -> memref<80xi32, #tpu.memory_space<hbm>>
        %dma_start3A_321 = tpu.memref_slice %arg4[%add3A_319] : memref<320000xi32, #tpu.memory_space<hbm>> -> memref<80xi32, #tpu.memory_space<hbm>>
        tpu.enqueue_dma source(%dma_start3A_321 : memref<80xi32, #tpu.memory_space<hbm>>) target(%arg8 : memref<80xi32, #tpu.memory_space<vmem>>) target_semaphore(%arg24 : memref<!tpu.dma_semaphore, #tpu.memory_space<semaphore_mem>>)
        %dma_start3A_322 = tpu.memref_slice %arg5[%add3A_319] : memref<320000xi32, #tpu.memory_space<hbm>> -> memref<80xi32, #tpu.memory_space<hbm>>
        %dma_start3A_323 = tpu.memref_slice %arg5[%add3A_319] : memref<320000xi32, #tpu.memory_space<hbm>> -> memref<80xi32, #tpu.memory_space<hbm>>
        tpu.enqueue_dma source(%dma_start3A_323 : memref<80xi32, #tpu.memory_space<hbm>>) target(%arg12 : memref<80xi32, #tpu.memory_space<vmem>>) target_semaphore(%arg24 : memref<!tpu.dma_semaphore, #tpu.memory_space<semaphore_mem>>)
      } else {
      }
      %mul3A_211 = arith.constant 4 : i32
      %mul3A_212 = arith.muli %add3A_108, %mul3A_211 : i32
      %add3A_213 = arith.constant 2 : i32
      %add3A_214 = arith.addi %mul3A_212, %add3A_213 : i32
      %add3A_215 = arith.constant 1 : i32
      %add3A_216 = arith.addi %add3A_214, %add3A_215 : i32
      %lt3A_217 = arith.constant 125 : i32
      %lt3A_218 = arith.cmpi slt, %add3A_216, %lt3A_217 : i32
      %convert_element_type3A_219 = arith.extui %lt3A_218 : i1 to i32
      %cond3A_220 = arith.constant 0 : i32
      %cond3A_221 = arith.cmpi ne, %convert_element_type3A_219, %cond3A_220 : i32
      scf.if %cond3A_221 {
        %dma_wait3A_315 = arith.constant 0 : i32
        %dma_wait3A_316 = tpu.memref_slice %arg4[%dma_wait3A_315] : memref<320000xi32, #tpu.memory_space<hbm>> -> memref<80xi32, #tpu.memory_space<hbm>>
        %dma_wait3A_317 = arith.constant 0 : i32
        %dma_wait3A_318 = tpu.memref_slice %arg4[%dma_wait3A_317] : memref<320000xi32, #tpu.memory_space<hbm>> -> memref<80xi32, #tpu.memory_space<hbm>>
        tpu.wait_dma2 semaphore(%arg27 : memref<!tpu.dma_semaphore, #tpu.memory_space<semaphore_mem>>) src(%dma_wait3A_318 : memref<80xi32, #tpu.memory_space<hbm>>) dst(%arg11 : memref<80xi32, #tpu.memory_space<vmem>>)
        %dma_wait3A_319 = arith.constant 0 : i32
        %dma_wait3A_320 = tpu.memref_slice %arg5[%dma_wait3A_319] : memref<320000xi32, #tpu.memory_space<hbm>> -> memref<80xi32, #tpu.memory_space<hbm>>
        %dma_wait3A_321 = arith.constant 0 : i32
        %dma_wait3A_322 = tpu.memref_slice %arg5[%dma_wait3A_321] : memref<320000xi32, #tpu.memory_space<hbm>> -> memref<80xi32, #tpu.memory_space<hbm>>
        tpu.wait_dma2 semaphore(%arg27 : memref<!tpu.dma_semaphore, #tpu.memory_space<semaphore_mem>>) src(%dma_wait3A_322 : memref<80xi32, #tpu.memory_space<hbm>>) dst(%arg15 : memref<80xi32, #tpu.memory_space<vmem>>)
      } else {
      }
      %add3A_222 = arith.constant 1 : i32
      %add3A_223 = arith.addi %add3A_214, %add3A_222 : i32
      %lt3A_224 = arith.constant 125 : i32
      %lt3A_225 = arith.cmpi slt, %add3A_223, %lt3A_224 : i32
      %ge3A_226 = arith.constant 3 : i32
      %ge3A_227 = arith.cmpi sge, %add3A_214, %ge3A_226 : i32
      %and3A_228 = arith.andi %lt3A_225, %ge3A_227 : i1
      %convert_element_type3A_229 = arith.extui %and3A_228 : i1 to i32
      %cond3A_230 = arith.constant 0 : i32
      %cond3A_231 = arith.cmpi ne, %convert_element_type3A_229, %cond3A_230 : i32
      scf.if %cond3A_231 {
        %dma_wait3A_315 = arith.constant 0 : i32
        %dma_wait3A_316 = arith.constant 0 : i32
        %dma_wait3A_317 = tpu.memref_slice %arg6[%dma_wait3A_315, %dma_wait3A_316] : memref<320000x128xf32, #tpu.memory_space<hbm>> -> memref<80x128xf32, #tpu.memory_space<hbm>>
        %dma_wait3A_318 = arith.constant 0 : i32
        %dma_wait3A_319 = arith.constant 0 : i32
        %dma_wait3A_320 = tpu.memref_slice %arg6[%dma_wait3A_318, %dma_wait3A_319] : memref<320000x128xf32, #tpu.memory_space<hbm>> -> memref<80x128xf32, #tpu.memory_space<hbm>>
        tpu.wait_dma2 semaphore(%arg35 : memref<!tpu.dma_semaphore, #tpu.memory_space<semaphore_mem>>) src(%arg19 : memref<80x128xf32, #tpu.memory_space<vmem>>) dst(%dma_wait3A_320 : memref<80x128xf32, #tpu.memory_space<hbm>>)
        %dma_wait3A_321 = arith.constant 0 : i32
        %dma_wait3A_322 = arith.constant 0 : i32
        %dma_wait3A_323 = tpu.memref_slice %arg7[%dma_wait3A_321, %dma_wait3A_322] : memref<320000x128xi32, #tpu.memory_space<hbm>> -> memref<80x128xi32, #tpu.memory_space<hbm>>
        %dma_wait3A_324 = arith.constant 0 : i32
        %dma_wait3A_325 = arith.constant 0 : i32
        %dma_wait3A_326 = tpu.memref_slice %arg7[%dma_wait3A_324, %dma_wait3A_325] : memref<320000x128xi32, #tpu.memory_space<hbm>> -> memref<80x128xi32, #tpu.memory_space<hbm>>
        tpu.wait_dma2 semaphore(%arg35 : memref<!tpu.dma_semaphore, #tpu.memory_space<semaphore_mem>>) src(%arg23 : memref<80x128xi32, #tpu.memory_space<vmem>>) dst(%dma_wait3A_326 : memref<80x128xi32, #tpu.memory_space<hbm>>)
      } else {
      }
      %add3A_232 = arith.constant 1 : i32
      %add3A_233 = arith.addi %add3A_214, %add3A_232 : i32
      %lt3A_234 = arith.constant 125 : i32
      %lt3A_235 = arith.cmpi slt, %add3A_233, %lt3A_234 : i32
      %convert_element_type3A_236 = arith.extui %lt3A_235 : i1 to i32
      %cond3A_237 = arith.constant 0 : i32
      %cond3A_238 = arith.cmpi ne, %convert_element_type3A_236, %cond3A_237 : i32
      scf.if %cond3A_238 {
        %dma_start3A_315 = arith.constant 0 : i32
        %dma_start3A_316 = arith.constant 0 : i32
        %dma_start3A_317 = tpu.memref_slice %arg2[%dma_start3A_315, %dma_start3A_316] : memref<10000x128xf32, #tpu.memory_space<hbm>> -> memref<10000x128xf32, #tpu.memory_space<hbm>>
        tpu.enqueue_indirect_dma source(%dma_start3A_317 : memref<10000x128xf32, #tpu.memory_space<hbm>>) target(%arg19 : memref<80x128xf32, #tpu.memory_space<vmem>>) offsets(%arg11 : memref<80xi32, #tpu.memory_space<vmem>>) semaphore(%arg31 : memref<!tpu.dma_semaphore, #tpu.memory_space<semaphore_mem>>)
        %dma_start3A_318 = arith.constant 0 : i32
        %dma_start3A_319 = arith.constant 0 : i32
        %dma_start3A_320 = tpu.memref_slice %arg3[%dma_start3A_318, %dma_start3A_319] : memref<10000x128xi32, #tpu.memory_space<hbm>> -> memref<10000x128xi32, #tpu.memory_space<hbm>>
        tpu.enqueue_indirect_dma source(%dma_start3A_320 : memref<10000x128xi32, #tpu.memory_space<hbm>>) target(%arg23 : memref<80x128xi32, #tpu.memory_space<vmem>>) offsets(%arg15 : memref<80xi32, #tpu.memory_space<vmem>>) semaphore(%arg31 : memref<!tpu.dma_semaphore, #tpu.memory_space<semaphore_mem>>)
      } else {
      }
      %dma_wait3A_239 = arith.constant 0 : i32
      %dma_wait3A_240 = arith.constant 0 : i32
      %dma_wait3A_241 = tpu.memref_slice %arg2[%dma_wait3A_239, %dma_wait3A_240] : memref<10000x128xf32, #tpu.memory_space<hbm>> -> memref<10000x128xf32, #tpu.memory_space<hbm>>
      tpu.wait_indirect_dma semaphore(%arg30 : memref<!tpu.dma_semaphore, #tpu.memory_space<semaphore_mem>>) src(%dma_wait3A_241 : memref<10000x128xf32, #tpu.memory_space<hbm>>) dst(%arg18 : memref<80x128xf32, #tpu.memory_space<vmem>>)
      %dma_wait3A_242 = arith.constant 0 : i32
      %dma_wait3A_243 = arith.constant 0 : i32
      %dma_wait3A_244 = tpu.memref_slice %arg3[%dma_wait3A_242, %dma_wait3A_243] : memref<10000x128xi32, #tpu.memory_space<hbm>> -> memref<10000x128xi32, #tpu.memory_space<hbm>>
      tpu.wait_indirect_dma semaphore(%arg30 : memref<!tpu.dma_semaphore, #tpu.memory_space<semaphore_mem>>) src(%dma_wait3A_244 : memref<10000x128xi32, #tpu.memory_space<hbm>>) dst(%arg22 : memref<80x128xi32, #tpu.memory_space<vmem>>)
      %mul3A_245 = arith.constant 80 : i32
      %mul3A_246 = arith.muli %add3A_214, %mul3A_245 : i32
      %add3A_247 = arith.addi %mul3A_2, %mul3A_246 : i32
      %dma_start3A_248 = arith.constant 0 : i32
      %dma_start3A_249 = tpu.memref_slice %arg6[%add3A_247, %dma_start3A_248] : memref<320000x128xf32, #tpu.memory_space<hbm>> -> memref<80x128xf32, #tpu.memory_space<hbm>>
      %dma_start3A_250 = arith.constant 0 : i32
      %dma_start3A_251 = tpu.memref_slice %arg6[%add3A_247, %dma_start3A_250] : memref<320000x128xf32, #tpu.memory_space<hbm>> -> memref<80x128xf32, #tpu.memory_space<hbm>>
      tpu.enqueue_dma source(%arg18 : memref<80x128xf32, #tpu.memory_space<vmem>>) target(%dma_start3A_251 : memref<80x128xf32, #tpu.memory_space<hbm>>) target_semaphore(%arg34 : memref<!tpu.dma_semaphore, #tpu.memory_space<semaphore_mem>>)
      %dma_start3A_252 = arith.constant 0 : i32
      %dma_start3A_253 = tpu.memref_slice %arg7[%add3A_247, %dma_start3A_252] : memref<320000x128xi32, #tpu.memory_space<hbm>> -> memref<80x128xi32, #tpu.memory_space<hbm>>
      %dma_start3A_254 = arith.constant 0 : i32
      %dma_start3A_255 = tpu.memref_slice %arg7[%add3A_247, %dma_start3A_254] : memref<320000x128xi32, #tpu.memory_space<hbm>> -> memref<80x128xi32, #tpu.memory_space<hbm>>
      tpu.enqueue_dma source(%arg22 : memref<80x128xi32, #tpu.memory_space<vmem>>) target(%dma_start3A_255 : memref<80x128xi32, #tpu.memory_space<hbm>>) target_semaphore(%arg34 : memref<!tpu.dma_semaphore, #tpu.memory_space<semaphore_mem>>)
      %add3A_256 = arith.constant 3 : i32
      %add3A_257 = arith.addi %add3A_214, %add3A_256 : i32
      %lt3A_258 = arith.constant 125 : i32
      %lt3A_259 = arith.cmpi slt, %add3A_257, %lt3A_258 : i32
      %convert_element_type3A_260 = arith.extui %lt3A_259 : i1 to i32
      %cond3A_261 = arith.constant 0 : i32
      %cond3A_262 = arith.cmpi ne, %convert_element_type3A_260, %cond3A_261 : i32
      scf.if %cond3A_262 {
        %add3A_315 = arith.constant 3 : i32
        %add3A_316 = arith.addi %add3A_214, %add3A_315 : i32
        %mul3A_317 = arith.constant 80 : i32
        %mul3A_318 = arith.muli %add3A_316, %mul3A_317 : i32
        %add3A_319 = arith.addi %mul3A_2, %mul3A_318 : i32
        %dma_start3A_320 = tpu.memref_slice %arg4[%add3A_319] : memref<320000xi32, #tpu.memory_space<hbm>> -> memref<80xi32, #tpu.memory_space<hbm>>
        %dma_start3A_321 = tpu.memref_slice %arg4[%add3A_319] : memref<320000xi32, #tpu.memory_space<hbm>> -> memref<80xi32, #tpu.memory_space<hbm>>
        tpu.enqueue_dma source(%dma_start3A_321 : memref<80xi32, #tpu.memory_space<hbm>>) target(%arg9 : memref<80xi32, #tpu.memory_space<vmem>>) target_semaphore(%arg25 : memref<!tpu.dma_semaphore, #tpu.memory_space<semaphore_mem>>)
        %dma_start3A_322 = tpu.memref_slice %arg5[%add3A_319] : memref<320000xi32, #tpu.memory_space<hbm>> -> memref<80xi32, #tpu.memory_space<hbm>>
        %dma_start3A_323 = tpu.memref_slice %arg5[%add3A_319] : memref<320000xi32, #tpu.memory_space<hbm>> -> memref<80xi32, #tpu.memory_space<hbm>>
        tpu.enqueue_dma source(%dma_start3A_323 : memref<80xi32, #tpu.memory_space<hbm>>) target(%arg13 : memref<80xi32, #tpu.memory_space<vmem>>) target_semaphore(%arg25 : memref<!tpu.dma_semaphore, #tpu.memory_space<semaphore_mem>>)
      } else {
      }
      %mul3A_263 = arith.constant 4 : i32
      %mul3A_264 = arith.muli %add3A_108, %mul3A_263 : i32
      %add3A_265 = arith.constant 3 : i32
      %add3A_266 = arith.addi %mul3A_264, %add3A_265 : i32
      %add3A_267 = arith.constant 1 : i32
      %add3A_268 = arith.addi %add3A_266, %add3A_267 : i32
      %lt3A_269 = arith.constant 125 : i32
      %lt3A_270 = arith.cmpi slt, %add3A_268, %lt3A_269 : i32
      %convert_element_type3A_271 = arith.extui %lt3A_270 : i1 to i32
      %cond3A_272 = arith.constant 0 : i32
      %cond3A_273 = arith.cmpi ne, %convert_element_type3A_271, %cond3A_272 : i32
      scf.if %cond3A_273 {
        %dma_wait3A_315 = arith.constant 0 : i32
        %dma_wait3A_316 = tpu.memref_slice %arg4[%dma_wait3A_315] : memref<320000xi32, #tpu.memory_space<hbm>> -> memref<80xi32, #tpu.memory_space<hbm>>
        %dma_wait3A_317 = arith.constant 0 : i32
        %dma_wait3A_318 = tpu.memref_slice %arg4[%dma_wait3A_317] : memref<320000xi32, #tpu.memory_space<hbm>> -> memref<80xi32, #tpu.memory_space<hbm>>
        tpu.wait_dma2 semaphore(%arg24 : memref<!tpu.dma_semaphore, #tpu.memory_space<semaphore_mem>>) src(%dma_wait3A_318 : memref<80xi32, #tpu.memory_space<hbm>>) dst(%arg8 : memref<80xi32, #tpu.memory_space<vmem>>)
        %dma_wait3A_319 = arith.constant 0 : i32
        %dma_wait3A_320 = tpu.memref_slice %arg5[%dma_wait3A_319] : memref<320000xi32, #tpu.memory_space<hbm>> -> memref<80xi32, #tpu.memory_space<hbm>>
        %dma_wait3A_321 = arith.constant 0 : i32
        %dma_wait3A_322 = tpu.memref_slice %arg5[%dma_wait3A_321] : memref<320000xi32, #tpu.memory_space<hbm>> -> memref<80xi32, #tpu.memory_space<hbm>>
        tpu.wait_dma2 semaphore(%arg24 : memref<!tpu.dma_semaphore, #tpu.memory_space<semaphore_mem>>) src(%dma_wait3A_322 : memref<80xi32, #tpu.memory_space<hbm>>) dst(%arg12 : memref<80xi32, #tpu.memory_space<vmem>>)
      } else {
      }
      %add3A_274 = arith.constant 1 : i32
      %add3A_275 = arith.addi %add3A_266, %add3A_274 : i32
      %lt3A_276 = arith.constant 125 : i32
      %lt3A_277 = arith.cmpi slt, %add3A_275, %lt3A_276 : i32
      %ge3A_278 = arith.constant 3 : i32
      %ge3A_279 = arith.cmpi sge, %add3A_266, %ge3A_278 : i32
      %and3A_280 = arith.andi %lt3A_277, %ge3A_279 : i1
      %convert_element_type3A_281 = arith.extui %and3A_280 : i1 to i32
      %cond3A_282 = arith.constant 0 : i32
      %cond3A_283 = arith.cmpi ne, %convert_element_type3A_281, %cond3A_282 : i32
      scf.if %cond3A_283 {
        %dma_wait3A_315 = arith.constant 0 : i32
        %dma_wait3A_316 = arith.constant 0 : i32
        %dma_wait3A_317 = tpu.memref_slice %arg6[%dma_wait3A_315, %dma_wait3A_316] : memref<320000x128xf32, #tpu.memory_space<hbm>> -> memref<80x128xf32, #tpu.memory_space<hbm>>
        %dma_wait3A_318 = arith.constant 0 : i32
        %dma_wait3A_319 = arith.constant 0 : i32
        %dma_wait3A_320 = tpu.memref_slice %arg6[%dma_wait3A_318, %dma_wait3A_319] : memref<320000x128xf32, #tpu.memory_space<hbm>> -> memref<80x128xf32, #tpu.memory_space<hbm>>
        tpu.wait_dma2 semaphore(%arg32 : memref<!tpu.dma_semaphore, #tpu.memory_space<semaphore_mem>>) src(%arg16 : memref<80x128xf32, #tpu.memory_space<vmem>>) dst(%dma_wait3A_320 : memref<80x128xf32, #tpu.memory_space<hbm>>)
        %dma_wait3A_321 = arith.constant 0 : i32
        %dma_wait3A_322 = arith.constant 0 : i32
        %dma_wait3A_323 = tpu.memref_slice %arg7[%dma_wait3A_321, %dma_wait3A_322] : memref<320000x128xi32, #tpu.memory_space<hbm>> -> memref<80x128xi32, #tpu.memory_space<hbm>>
        %dma_wait3A_324 = arith.constant 0 : i32
        %dma_wait3A_325 = arith.constant 0 : i32
        %dma_wait3A_326 = tpu.memref_slice %arg7[%dma_wait3A_324, %dma_wait3A_325] : memref<320000x128xi32, #tpu.memory_space<hbm>> -> memref<80x128xi32, #tpu.memory_space<hbm>>
        tpu.wait_dma2 semaphore(%arg32 : memref<!tpu.dma_semaphore, #tpu.memory_space<semaphore_mem>>) src(%arg20 : memref<80x128xi32, #tpu.memory_space<vmem>>) dst(%dma_wait3A_326 : memref<80x128xi32, #tpu.memory_space<hbm>>)
      } else {
      }
      %add3A_284 = arith.constant 1 : i32
      %add3A_285 = arith.addi %add3A_266, %add3A_284 : i32
      %lt3A_286 = arith.constant 125 : i32
      %lt3A_287 = arith.cmpi slt, %add3A_285, %lt3A_286 : i32
      %convert_element_type3A_288 = arith.extui %lt3A_287 : i1 to i32
      %cond3A_289 = arith.constant 0 : i32
      %cond3A_290 = arith.cmpi ne, %convert_element_type3A_288, %cond3A_289 : i32
      scf.if %cond3A_290 {
        %dma_start3A_315 = arith.constant 0 : i32
        %dma_start3A_316 = arith.constant 0 : i32
        %dma_start3A_317 = tpu.memref_slice %arg2[%dma_start3A_315, %dma_start3A_316] : memref<10000x128xf32, #tpu.memory_space<hbm>> -> memref<10000x128xf32, #tpu.memory_space<hbm>>
        tpu.enqueue_indirect_dma source(%dma_start3A_317 : memref<10000x128xf32, #tpu.memory_space<hbm>>) target(%arg16 : memref<80x128xf32, #tpu.memory_space<vmem>>) offsets(%arg8 : memref<80xi32, #tpu.memory_space<vmem>>) semaphore(%arg28 : memref<!tpu.dma_semaphore, #tpu.memory_space<semaphore_mem>>)
        %dma_start3A_318 = arith.constant 0 : i32
        %dma_start3A_319 = arith.constant 0 : i32
        %dma_start3A_320 = tpu.memref_slice %arg3[%dma_start3A_318, %dma_start3A_319] : memref<10000x128xi32, #tpu.memory_space<hbm>> -> memref<10000x128xi32, #tpu.memory_space<hbm>>
        tpu.enqueue_indirect_dma source(%dma_start3A_320 : memref<10000x128xi32, #tpu.memory_space<hbm>>) target(%arg20 : memref<80x128xi32, #tpu.memory_space<vmem>>) offsets(%arg12 : memref<80xi32, #tpu.memory_space<vmem>>) semaphore(%arg28 : memref<!tpu.dma_semaphore, #tpu.memory_space<semaphore_mem>>)
      } else {
      }
      %dma_wait3A_291 = arith.constant 0 : i32
      %dma_wait3A_292 = arith.constant 0 : i32
      %dma_wait3A_293 = tpu.memref_slice %arg2[%dma_wait3A_291, %dma_wait3A_292] : memref<10000x128xf32, #tpu.memory_space<hbm>> -> memref<10000x128xf32, #tpu.memory_space<hbm>>
      tpu.wait_indirect_dma semaphore(%arg31 : memref<!tpu.dma_semaphore, #tpu.memory_space<semaphore_mem>>) src(%dma_wait3A_293 : memref<10000x128xf32, #tpu.memory_space<hbm>>) dst(%arg19 : memref<80x128xf32, #tpu.memory_space<vmem>>)
      %dma_wait3A_294 = arith.constant 0 : i32
      %dma_wait3A_295 = arith.constant 0 : i32
      %dma_wait3A_296 = tpu.memref_slice %arg3[%dma_wait3A_294, %dma_wait3A_295] : memref<10000x128xi32, #tpu.memory_space<hbm>> -> memref<10000x128xi32, #tpu.memory_space<hbm>>
      tpu.wait_indirect_dma semaphore(%arg31 : memref<!tpu.dma_semaphore, #tpu.memory_space<semaphore_mem>>) src(%dma_wait3A_296 : memref<10000x128xi32, #tpu.memory_space<hbm>>) dst(%arg23 : memref<80x128xi32, #tpu.memory_space<vmem>>)
      %mul3A_297 = arith.constant 80 : i32
      %mul3A_298 = arith.muli %add3A_266, %mul3A_297 : i32
      %add3A_299 = arith.addi %mul3A_2, %mul3A_298 : i32
      %dma_start3A_300 = arith.constant 0 : i32
      %dma_start3A_301 = tpu.memref_slice %arg6[%add3A_299, %dma_start3A_300] : memref<320000x128xf32, #tpu.memory_space<hbm>> -> memref<80x128xf32, #tpu.memory_space<hbm>>
      %dma_start3A_302 = arith.constant 0 : i32
      %dma_start3A_303 = tpu.memref_slice %arg6[%add3A_299, %dma_start3A_302] : memref<320000x128xf32, #tpu.memory_space<hbm>> -> memref<80x128xf32, #tpu.memory_space<hbm>>
      tpu.enqueue_dma source(%arg19 : memref<80x128xf32, #tpu.memory_space<vmem>>) target(%dma_start3A_303 : memref<80x128xf32, #tpu.memory_space<hbm>>) target_semaphore(%arg35 : memref<!tpu.dma_semaphore, #tpu.memory_space<semaphore_mem>>)
      %dma_start3A_304 = arith.constant 0 : i32
      %dma_start3A_305 = tpu.memref_slice %arg7[%add3A_299, %dma_start3A_304] : memref<320000x128xi32, #tpu.memory_space<hbm>> -> memref<80x128xi32, #tpu.memory_space<hbm>>
      %dma_start3A_306 = arith.constant 0 : i32
      %dma_start3A_307 = tpu.memref_slice %arg7[%add3A_299, %dma_start3A_306] : memref<320000x128xi32, #tpu.memory_space<hbm>> -> memref<80x128xi32, #tpu.memory_space<hbm>>
      tpu.enqueue_dma source(%arg23 : memref<80x128xi32, #tpu.memory_space<vmem>>) target(%dma_start3A_307 : memref<80x128xi32, #tpu.memory_space<hbm>>) target_semaphore(%arg35 : memref<!tpu.dma_semaphore, #tpu.memory_space<semaphore_mem>>)
      %add3A_308 = arith.constant 3 : i32
      %add3A_309 = arith.addi %add3A_266, %add3A_308 : i32
      %lt3A_310 = arith.constant 125 : i32
      %lt3A_311 = arith.cmpi slt, %add3A_309, %lt3A_310 : i32
      %convert_element_type3A_312 = arith.extui %lt3A_311 : i1 to i32
      %cond3A_313 = arith.constant 0 : i32
      %cond3A_314 = arith.cmpi ne, %convert_element_type3A_312, %cond3A_313 : i32
      scf.if %cond3A_314 {
        %add3A_315 = arith.constant 3 : i32
        %add3A_316 = arith.addi %add3A_266, %add3A_315 : i32
        %mul3A_317 = arith.constant 80 : i32
        %mul3A_318 = arith.muli %add3A_316, %mul3A_317 : i32
        %add3A_319 = arith.addi %mul3A_2, %mul3A_318 : i32
        %dma_start3A_320 = tpu.memref_slice %arg4[%add3A_319] : memref<320000xi32, #tpu.memory_space<hbm>> -> memref<80xi32, #tpu.memory_space<hbm>>
        %dma_start3A_321 = tpu.memref_slice %arg4[%add3A_319] : memref<320000xi32, #tpu.memory_space<hbm>> -> memref<80xi32, #tpu.memory_space<hbm>>
        tpu.enqueue_dma source(%dma_start3A_321 : memref<80xi32, #tpu.memory_space<hbm>>) target(%arg10 : memref<80xi32, #tpu.memory_space<vmem>>) target_semaphore(%arg26 : memref<!tpu.dma_semaphore, #tpu.memory_space<semaphore_mem>>)
        %dma_start3A_322 = tpu.memref_slice %arg5[%add3A_319] : memref<320000xi32, #tpu.memory_space<hbm>> -> memref<80xi32, #tpu.memory_space<hbm>>
        %dma_start3A_323 = tpu.memref_slice %arg5[%add3A_319] : memref<320000xi32, #tpu.memory_space<hbm>> -> memref<80xi32, #tpu.memory_space<hbm>>
        tpu.enqueue_dma source(%dma_start3A_323 : memref<80xi32, #tpu.memory_space<hbm>>) target(%arg14 : memref<80xi32, #tpu.memory_space<vmem>>) target_semaphore(%arg26 : memref<!tpu.dma_semaphore, #tpu.memory_space<semaphore_mem>>)
      } else {
      }
    }
    %scan3A_36 = arith.constant 31 : i32
    %and3A = arith.constant false
    %and3A_37 = arith.constant true
    %and3A_38 = arith.andi %and3A, %and3A_37 : i1
    %convert_element_type3A = arith.extui %and3A_38 : i1 to i32
    %cond3A = arith.constant 0 : i32
    %cond3A_39 = arith.cmpi ne, %convert_element_type3A, %cond3A : i32
    scf.if %cond3A_39 {
      %dma_wait3A_104 = arith.constant 0 : i32
      %dma_wait3A_105 = arith.constant 0 : i32
      %dma_wait3A_106 = tpu.memref_slice %arg6[%dma_wait3A_104, %dma_wait3A_105] : memref<320000x128xf32, #tpu.memory_space<hbm>> -> memref<80x128xf32, #tpu.memory_space<hbm>>
      %dma_wait3A_107 = arith.constant 0 : i32
      %dma_wait3A_108 = arith.constant 0 : i32
      %dma_wait3A_109 = tpu.memref_slice %arg6[%dma_wait3A_107, %dma_wait3A_108] : memref<320000x128xf32, #tpu.memory_space<hbm>> -> memref<80x128xf32, #tpu.memory_space<hbm>>
      tpu.wait_dma2 semaphore(%arg33 : memref<!tpu.dma_semaphore, #tpu.memory_space<semaphore_mem>>) src(%arg17 : memref<80x128xf32, #tpu.memory_space<vmem>>) dst(%dma_wait3A_109 : memref<80x128xf32, #tpu.memory_space<hbm>>)
      %dma_wait3A_110 = arith.constant 0 : i32
      %dma_wait3A_111 = arith.constant 0 : i32
      %dma_wait3A_112 = tpu.memref_slice %arg7[%dma_wait3A_110, %dma_wait3A_111] : memref<320000x128xi32, #tpu.memory_space<hbm>> -> memref<80x128xi32, #tpu.memory_space<hbm>>
      %dma_wait3A_113 = arith.constant 0 : i32
      %dma_wait3A_114 = arith.constant 0 : i32
      %dma_wait3A_115 = tpu.memref_slice %arg7[%dma_wait3A_113, %dma_wait3A_114] : memref<320000x128xi32, #tpu.memory_space<hbm>> -> memref<80x128xi32, #tpu.memory_space<hbm>>
      tpu.wait_dma2 semaphore(%arg33 : memref<!tpu.dma_semaphore, #tpu.memory_space<semaphore_mem>>) src(%arg21 : memref<80x128xi32, #tpu.memory_space<vmem>>) dst(%dma_wait3A_115 : memref<80x128xi32, #tpu.memory_space<hbm>>)
    } else {
    }
    %dma_wait3A_40 = arith.constant 0 : i32
    %dma_wait3A_41 = arith.constant 0 : i32
    %dma_wait3A_42 = tpu.memref_slice %arg2[%dma_wait3A_40, %dma_wait3A_41] : memref<10000x128xf32, #tpu.memory_space<hbm>> -> memref<10000x128xf32, #tpu.memory_space<hbm>>
    tpu.wait_indirect_dma semaphore(%arg28 : memref<!tpu.dma_semaphore, #tpu.memory_space<semaphore_mem>>) src(%dma_wait3A_42 : memref<10000x128xf32, #tpu.memory_space<hbm>>) dst(%arg16 : memref<80x128xf32, #tpu.memory_space<vmem>>)
    %dma_wait3A_43 = arith.constant 0 : i32
    %dma_wait3A_44 = arith.constant 0 : i32
    %dma_wait3A_45 = tpu.memref_slice %arg3[%dma_wait3A_43, %dma_wait3A_44] : memref<10000x128xi32, #tpu.memory_space<hbm>> -> memref<10000x128xi32, #tpu.memory_space<hbm>>
    tpu.wait_indirect_dma semaphore(%arg28 : memref<!tpu.dma_semaphore, #tpu.memory_space<semaphore_mem>>) src(%dma_wait3A_45 : memref<10000x128xi32, #tpu.memory_space<hbm>>) dst(%arg20 : memref<80x128xi32, #tpu.memory_space<vmem>>)
    %add3A_46 = arith.constant 9920 : i32
    %add3A_47 = arith.addi %mul3A_2, %add3A_46 : i32
    %dma_start3A_48 = arith.constant 0 : i32
    %dma_start3A_49 = tpu.memref_slice %arg6[%add3A_47, %dma_start3A_48] : memref<320000x128xf32, #tpu.memory_space<hbm>> -> memref<80x128xf32, #tpu.memory_space<hbm>>
    %dma_start3A_50 = arith.constant 0 : i32
    %dma_start3A_51 = tpu.memref_slice %arg6[%add3A_47, %dma_start3A_50] : memref<320000x128xf32, #tpu.memory_space<hbm>> -> memref<80x128xf32, #tpu.memory_space<hbm>>
    tpu.enqueue_dma source(%arg16 : memref<80x128xf32, #tpu.memory_space<vmem>>) target(%dma_start3A_51 : memref<80x128xf32, #tpu.memory_space<hbm>>) target_semaphore(%arg32 : memref<!tpu.dma_semaphore, #tpu.memory_space<semaphore_mem>>)
    %dma_start3A_52 = arith.constant 0 : i32
    %dma_start3A_53 = tpu.memref_slice %arg7[%add3A_47, %dma_start3A_52] : memref<320000x128xi32, #tpu.memory_space<hbm>> -> memref<80x128xi32, #tpu.memory_space<hbm>>
    %dma_start3A_54 = arith.constant 0 : i32
    %dma_start3A_55 = tpu.memref_slice %arg7[%add3A_47, %dma_start3A_54] : memref<320000x128xi32, #tpu.memory_space<hbm>> -> memref<80x128xi32, #tpu.memory_space<hbm>>
    tpu.enqueue_dma source(%arg20 : memref<80x128xi32, #tpu.memory_space<vmem>>) target(%dma_start3A_55 : memref<80x128xi32, #tpu.memory_space<hbm>>) target_semaphore(%arg32 : memref<!tpu.dma_semaphore, #tpu.memory_space<semaphore_mem>>)
    %dma_wait3A_56 = arith.constant 0 : i32
    %dma_wait3A_57 = arith.constant 0 : i32
    %dma_wait3A_58 = tpu.memref_slice %arg6[%dma_wait3A_56, %dma_wait3A_57] : memref<320000x128xf32, #tpu.memory_space<hbm>> -> memref<80x128xf32, #tpu.memory_space<hbm>>
    %dma_wait3A_59 = arith.constant 0 : i32
    %dma_wait3A_60 = arith.constant 0 : i32
    %dma_wait3A_61 = tpu.memref_slice %arg6[%dma_wait3A_59, %dma_wait3A_60] : memref<320000x128xf32, #tpu.memory_space<hbm>> -> memref<80x128xf32, #tpu.memory_space<hbm>>
    tpu.wait_dma2 semaphore(%arg33 : memref<!tpu.dma_semaphore, #tpu.memory_space<semaphore_mem>>) src(%arg17 : memref<80x128xf32, #tpu.memory_space<vmem>>) dst(%dma_wait3A_61 : memref<80x128xf32, #tpu.memory_space<hbm>>)
    %dma_wait3A_62 = arith.constant 0 : i32
    %dma_wait3A_63 = arith.constant 0 : i32
    %dma_wait3A_64 = tpu.memref_slice %arg7[%dma_wait3A_62, %dma_wait3A_63] : memref<320000x128xi32, #tpu.memory_space<hbm>> -> memref<80x128xi32, #tpu.memory_space<hbm>>
    %dma_wait3A_65 = arith.constant 0 : i32
    %dma_wait3A_66 = arith.constant 0 : i32
    %dma_wait3A_67 = tpu.memref_slice %arg7[%dma_wait3A_65, %dma_wait3A_66] : memref<320000x128xi32, #tpu.memory_space<hbm>> -> memref<80x128xi32, #tpu.memory_space<hbm>>
    tpu.wait_dma2 semaphore(%arg33 : memref<!tpu.dma_semaphore, #tpu.memory_space<semaphore_mem>>) src(%arg21 : memref<80x128xi32, #tpu.memory_space<vmem>>) dst(%dma_wait3A_67 : memref<80x128xi32, #tpu.memory_space<hbm>>)
    %dma_wait3A_68 = arith.constant 0 : i32
    %dma_wait3A_69 = arith.constant 0 : i32
    %dma_wait3A_70 = tpu.memref_slice %arg6[%dma_wait3A_68, %dma_wait3A_69] : memref<320000x128xf32, #tpu.memory_space<hbm>> -> memref<80x128xf32, #tpu.memory_space<hbm>>
    %dma_wait3A_71 = arith.constant 0 : i32
    %dma_wait3A_72 = arith.constant 0 : i32
    %dma_wait3A_73 = tpu.memref_slice %arg6[%dma_wait3A_71, %dma_wait3A_72] : memref<320000x128xf32, #tpu.memory_space<hbm>> -> memref<80x128xf32, #tpu.memory_space<hbm>>
    tpu.wait_dma2 semaphore(%arg34 : memref<!tpu.dma_semaphore, #tpu.memory_space<semaphore_mem>>) src(%arg18 : memref<80x128xf32, #tpu.memory_space<vmem>>) dst(%dma_wait3A_73 : memref<80x128xf32, #tpu.memory_space<hbm>>)
    %dma_wait3A_74 = arith.constant 0 : i32
    %dma_wait3A_75 = arith.constant 0 : i32
    %dma_wait3A_76 = tpu.memref_slice %arg7[%dma_wait3A_74, %dma_wait3A_75] : memref<320000x128xi32, #tpu.memory_space<hbm>> -> memref<80x128xi32, #tpu.memory_space<hbm>>
    %dma_wait3A_77 = arith.constant 0 : i32
    %dma_wait3A_78 = arith.constant 0 : i32
    %dma_wait3A_79 = tpu.memref_slice %arg7[%dma_wait3A_77, %dma_wait3A_78] : memref<320000x128xi32, #tpu.memory_space<hbm>> -> memref<80x128xi32, #tpu.memory_space<hbm>>
    tpu.wait_dma2 semaphore(%arg34 : memref<!tpu.dma_semaphore, #tpu.memory_space<semaphore_mem>>) src(%arg22 : memref<80x128xi32, #tpu.memory_space<vmem>>) dst(%dma_wait3A_79 : memref<80x128xi32, #tpu.memory_space<hbm>>)
    %dma_wait3A_80 = arith.constant 0 : i32
    %dma_wait3A_81 = arith.constant 0 : i32
    %dma_wait3A_82 = tpu.memref_slice %arg6[%dma_wait3A_80, %dma_wait3A_81] : memref<320000x128xf32, #tpu.memory_space<hbm>> -> memref<80x128xf32, #tpu.memory_space<hbm>>
    %dma_wait3A_83 = arith.constant 0 : i32
    %dma_wait3A_84 = arith.constant 0 : i32
    %dma_wait3A_85 = tpu.memref_slice %arg6[%dma_wait3A_83, %dma_wait3A_84] : memref<320000x128xf32, #tpu.memory_space<hbm>> -> memref<80x128xf32, #tpu.memory_space<hbm>>
    tpu.wait_dma2 semaphore(%arg35 : memref<!tpu.dma_semaphore, #tpu.memory_space<semaphore_mem>>) src(%arg19 : memref<80x128xf32, #tpu.memory_space<vmem>>) dst(%dma_wait3A_85 : memref<80x128xf32, #tpu.memory_space<hbm>>)
    %dma_wait3A_86 = arith.constant 0 : i32
    %dma_wait3A_87 = arith.constant 0 : i32
    %dma_wait3A_88 = tpu.memref_slice %arg7[%dma_wait3A_86, %dma_wait3A_87] : memref<320000x128xi32, #tpu.memory_space<hbm>> -> memref<80x128xi32, #tpu.memory_space<hbm>>
    %dma_wait3A_89 = arith.constant 0 : i32
    %dma_wait3A_90 = arith.constant 0 : i32
    %dma_wait3A_91 = tpu.memref_slice %arg7[%dma_wait3A_89, %dma_wait3A_90] : memref<320000x128xi32, #tpu.memory_space<hbm>> -> memref<80x128xi32, #tpu.memory_space<hbm>>
    tpu.wait_dma2 semaphore(%arg35 : memref<!tpu.dma_semaphore, #tpu.memory_space<semaphore_mem>>) src(%arg23 : memref<80x128xi32, #tpu.memory_space<vmem>>) dst(%dma_wait3A_91 : memref<80x128xi32, #tpu.memory_space<hbm>>)
    %dma_wait3A_92 = arith.constant 0 : i32
    %dma_wait3A_93 = arith.constant 0 : i32
    %dma_wait3A_94 = tpu.memref_slice %arg6[%dma_wait3A_92, %dma_wait3A_93] : memref<320000x128xf32, #tpu.memory_space<hbm>> -> memref<80x128xf32, #tpu.memory_space<hbm>>
    %dma_wait3A_95 = arith.constant 0 : i32
    %dma_wait3A_96 = arith.constant 0 : i32
    %dma_wait3A_97 = tpu.memref_slice %arg6[%dma_wait3A_95, %dma_wait3A_96] : memref<320000x128xf32, #tpu.memory_space<hbm>> -> memref<80x128xf32, #tpu.memory_space<hbm>>
    tpu.wait_dma2 semaphore(%arg32 : memref<!tpu.dma_semaphore, #tpu.memory_space<semaphore_mem>>) src(%arg16 : memref<80x128xf32, #tpu.memory_space<vmem>>) dst(%dma_wait3A_97 : memref<80x128xf32, #tpu.memory_space<hbm>>)
    %dma_wait3A_98 = arith.constant 0 : i32
    %dma_wait3A_99 = arith.constant 0 : i32
    %dma_wait3A_100 = tpu.memref_slice %arg7[%dma_wait3A_98, %dma_wait3A_99] : memref<320000x128xi32, #tpu.memory_space<hbm>> -> memref<80x128xi32, #tpu.memory_space<hbm>>
    %dma_wait3A_101 = arith.constant 0 : i32
    %dma_wait3A_102 = arith.constant 0 : i32
    %dma_wait3A_103 = tpu.memref_slice %arg7[%dma_wait3A_101, %dma_wait3A_102] : memref<320000x128xi32, #tpu.memory_space<hbm>> -> memref<80x128xi32, #tpu.memory_space<hbm>>
    tpu.wait_dma2 semaphore(%arg32 : memref<!tpu.dma_semaphore, #tpu.memory_space<semaphore_mem>>) src(%arg20 : memref<80x128xi32, #tpu.memory_space<vmem>>) dst(%dma_wait3A_103 : memref<80x128xi32, #tpu.memory_space<hbm>>)
    return
  }
}

#map = affine_map<(d0, d1) -> (0, 0)>
#map1 = affine_map<(d0, d1) -> (0)>
#map2 = affine_map<(d0, d1) -> (0, 0, 0)>
module attributes {stable_mosaic.version = 14 : i64} {
  func.func @_sc_scatter_body(%arg0: i32, %arg1: i32, %arg2: memref<320000x128xf32, #tpu.memory_space<hbm>>, %arg3: memref<320000x128xf32, #tpu.memory_space<hbm>>, %arg4: memref<320000xi32, #tpu.memory_space<hbm>>, %arg5: memref<2x10240x128xf32, #tpu.memory_space<hbm>>, %arg6: memref<2x1280x128xf32, #tpu.memory_space<hbm>>, %arg7: memref<64xi32, #tpu.memory_space<vmem>>, %arg8: memref<64x128xf32, #tpu.memory_space<vmem>>, %arg9: memref<64x128xf32, #tpu.memory_space<vmem>>, %arg10: memref<64xi32, #tpu.memory_space<vmem>>, %arg11: memref<64x128xf32, #tpu.memory_space<vmem>>, %arg12: memref<64x128xf32, #tpu.memory_space<vmem>>, %arg13: memref<16xi32, #tpu.memory_space<vmem>>, %arg14: memref<64xi32, #tpu.memory_space<vmem>>, %arg15: memref<16xi32, #tpu.memory_space<vmem>>, %arg16: memref<16x128xf32, #tpu.memory_space<vmem>>, %arg17: memref<10240x128xf32, #tpu.memory_space<vmem_shared>>, %arg18: memref<1280x128xf32, #tpu.memory_space<vmem_shared>>, %arg19: memref<!tpu.dma_semaphore, #tpu.memory_space<semaphore_mem>>, %arg20: memref<!tpu.dma_semaphore, #tpu.memory_space<semaphore_mem>>, %arg21: memref<!tpu.dma_semaphore, #tpu.memory_space<semaphore_mem>>, %arg22: memref<!tpu.dma_semaphore, #tpu.memory_space<semaphore_mem>>, %arg23: memref<!tpu.dma_semaphore, #tpu.memory_space<semaphore_mem>>) attributes {dimension_semantics = [#tpu.dimension_semantics<core_parallel>, #tpu.dimension_semantics<subcore_parallel>], iteration_bounds = array<i64: 2, 16>, scalar_prefetch = 0 : i64, scratch_operands = 17 : i64, tpu.core_type = #tpu.core_type<sc_vector_subcore>, window_params = [{transform_indices = #map}, {transform_indices = #map}, {transform_indices = #map1}, {transform_indices = #map2}, {transform_indices = #map2}]} {
    %mul3A = arith.constant 16 : i32
    %mul3A_0 = arith.muli %arg0, %mul3A : i32
    %add3A = arith.addi %mul3A_0, %arg1 : i32
    %mul3A_1 = arith.constant 10000 : i32
    %mul3A_2 = arith.muli %add3A, %mul3A_1 : i32
    %broadcast_in_dim3A = arith.constant 0.000000e+00 : f32
    %broadcast_in_dim3A_3 = vector.broadcast %broadcast_in_dim3A : f32 to vector<16xf32>
    %scan3A = arith.constant 0 : i32
    %scan3A_4 = arith.constant 16 : i32
    %scan3A_5 = arith.addi %scan3A, %scan3A_4 : i32
    %scan3A_6 = arith.constant 1 : i32
    scf.for %scan3A_702 = %scan3A to %scan3A_5 step %scan3A_6  : i32 {
      %mul3A_703 = arith.constant 1 : i32
      %mul3A_704 = arith.muli %scan3A_702, %mul3A_703 : i32
      %add3A_705 = arith.constant 0 : i32
      %add3A_706 = arith.addi %add3A_705, %mul3A_704 : i32
      %swap3A_707 = arith.index_cast %add3A_706 : i32 to index
      %swap3A_708 = arith.constant 0 : index
      %swap3A_709 = tpu.vector_load %arg16[%swap3A_707, %swap3A_708] {strides = array<i32>} : memref<16x128xf32, #tpu.memory_space<vmem>>, vector<16xf32>,
      tpu.vector_store %arg16[%swap3A_707, %swap3A_708], %broadcast_in_dim3A_3 {strides = array<i32>} : memref<16x128xf32, #tpu.memory_space<vmem>>, vector<16xf32>,
      %swap3A_710 = arith.index_cast %add3A_706 : i32 to index
      %swap3A_711 = arith.constant 16 : index
      %swap3A_712 = tpu.vector_load %arg16[%swap3A_710, %swap3A_711] {strides = array<i32>} : memref<16x128xf32, #tpu.memory_space<vmem>>, vector<16xf32>,
      tpu.vector_store %arg16[%swap3A_710, %swap3A_711], %broadcast_in_dim3A_3 {strides = array<i32>} : memref<16x128xf32, #tpu.memory_space<vmem>>, vector<16xf32>,
      %swap3A_713 = arith.index_cast %add3A_706 : i32 to index
      %swap3A_714 = arith.constant 32 : index
      %swap3A_715 = tpu.vector_load %arg16[%swap3A_713, %swap3A_714] {strides = array<i32>} : memref<16x128xf32, #tpu.memory_space<vmem>>, vector<16xf32>,
      tpu.vector_store %arg16[%swap3A_713, %swap3A_714], %broadcast_in_dim3A_3 {strides = array<i32>} : memref<16x128xf32, #tpu.memory_space<vmem>>, vector<16xf32>,
      %swap3A_716 = arith.index_cast %add3A_706 : i32 to index
      %swap3A_717 = arith.constant 48 : index
      %swap3A_718 = tpu.vector_load %arg16[%swap3A_716, %swap3A_717] {strides = array<i32>} : memref<16x128xf32, #tpu.memory_space<vmem>>, vector<16xf32>,
      tpu.vector_store %arg16[%swap3A_716, %swap3A_717], %broadcast_in_dim3A_3 {strides = array<i32>} : memref<16x128xf32, #tpu.memory_space<vmem>>, vector<16xf32>,
      %swap3A_719 = arith.index_cast %add3A_706 : i32 to index
      %swap3A_720 = arith.constant 64 : index
      %swap3A_721 = tpu.vector_load %arg16[%swap3A_719, %swap3A_720] {strides = array<i32>} : memref<16x128xf32, #tpu.memory_space<vmem>>, vector<16xf32>,
      tpu.vector_store %arg16[%swap3A_719, %swap3A_720], %broadcast_in_dim3A_3 {strides = array<i32>} : memref<16x128xf32, #tpu.memory_space<vmem>>, vector<16xf32>,
      %swap3A_722 = arith.index_cast %add3A_706 : i32 to index
      %swap3A_723 = arith.constant 80 : index
      %swap3A_724 = tpu.vector_load %arg16[%swap3A_722, %swap3A_723] {strides = array<i32>} : memref<16x128xf32, #tpu.memory_space<vmem>>, vector<16xf32>,
      tpu.vector_store %arg16[%swap3A_722, %swap3A_723], %broadcast_in_dim3A_3 {strides = array<i32>} : memref<16x128xf32, #tpu.memory_space<vmem>>, vector<16xf32>,
      %swap3A_725 = arith.index_cast %add3A_706 : i32 to index
      %swap3A_726 = arith.constant 96 : index
      %swap3A_727 = tpu.vector_load %arg16[%swap3A_725, %swap3A_726] {strides = array<i32>} : memref<16x128xf32, #tpu.memory_space<vmem>>, vector<16xf32>,
      tpu.vector_store %arg16[%swap3A_725, %swap3A_726], %broadcast_in_dim3A_3 {strides = array<i32>} : memref<16x128xf32, #tpu.memory_space<vmem>>, vector<16xf32>,
      %swap3A_728 = arith.index_cast %add3A_706 : i32 to index
      %swap3A_729 = arith.constant 112 : index
      %swap3A_730 = tpu.vector_load %arg16[%swap3A_728, %swap3A_729] {strides = array<i32>} : memref<16x128xf32, #tpu.memory_space<vmem>>, vector<16xf32>,
      tpu.vector_store %arg16[%swap3A_728, %swap3A_729], %broadcast_in_dim3A_3 {strides = array<i32>} : memref<16x128xf32, #tpu.memory_space<vmem>>, vector<16xf32>,
    }
    %scan3A_7 = arith.constant 16 : i32
    %mul3A_8 = arith.constant 640 : i32
    %mul3A_9 = arith.muli %arg1, %mul3A_8 : i32
    %add3A_10 = arith.constant 0 : i32
    %add3A_11 = arith.addi %mul3A_9, %add3A_10 : i32
    %mul3A_12 = arith.constant 640 : i32
    %mul3A_13 = arith.muli %arg1, %mul3A_12 : i32
    %add3A_14 = arith.constant 16 : i32
    %add3A_15 = arith.addi %mul3A_13, %add3A_14 : i32
    %mul3A_16 = arith.constant 640 : i32
    %mul3A_17 = arith.muli %arg1, %mul3A_16 : i32
    %add3A_18 = arith.constant 32 : i32
    %add3A_19 = arith.addi %mul3A_17, %add3A_18 : i32
    %mul3A_20 = arith.constant 640 : i32
    %mul3A_21 = arith.muli %arg1, %mul3A_20 : i32
    %add3A_22 = arith.constant 48 : i32
    %add3A_23 = arith.addi %mul3A_21, %add3A_22 : i32
    %mul3A_24 = arith.constant 640 : i32
    %mul3A_25 = arith.muli %arg1, %mul3A_24 : i32
    %add3A_26 = arith.constant 64 : i32
    %add3A_27 = arith.addi %mul3A_25, %add3A_26 : i32
    %mul3A_28 = arith.constant 640 : i32
    %mul3A_29 = arith.muli %arg1, %mul3A_28 : i32
    %add3A_30 = arith.constant 80 : i32
    %add3A_31 = arith.addi %mul3A_29, %add3A_30 : i32
    %mul3A_32 = arith.constant 640 : i32
    %mul3A_33 = arith.muli %arg1, %mul3A_32 : i32
    %add3A_34 = arith.constant 96 : i32
    %add3A_35 = arith.addi %mul3A_33, %add3A_34 : i32
    %mul3A_36 = arith.constant 640 : i32
    %mul3A_37 = arith.muli %arg1, %mul3A_36 : i32
    %add3A_38 = arith.constant 112 : i32
    %add3A_39 = arith.addi %mul3A_37, %add3A_38 : i32
    %mul3A_40 = arith.constant 640 : i32
    %mul3A_41 = arith.muli %arg1, %mul3A_40 : i32
    %add3A_42 = arith.constant 128 : i32
    %add3A_43 = arith.addi %mul3A_41, %add3A_42 : i32
    %mul3A_44 = arith.constant 640 : i32
    %mul3A_45 = arith.muli %arg1, %mul3A_44 : i32
    %add3A_46 = arith.constant 144 : i32
    %add3A_47 = arith.addi %mul3A_45, %add3A_46 : i32
    %mul3A_48 = arith.constant 640 : i32
    %mul3A_49 = arith.muli %arg1, %mul3A_48 : i32
    %add3A_50 = arith.constant 160 : i32
    %add3A_51 = arith.addi %mul3A_49, %add3A_50 : i32
    %mul3A_52 = arith.constant 640 : i32
    %mul3A_53 = arith.muli %arg1, %mul3A_52 : i32
    %add3A_54 = arith.constant 176 : i32
    %add3A_55 = arith.addi %mul3A_53, %add3A_54 : i32
    %mul3A_56 = arith.constant 640 : i32
    %mul3A_57 = arith.muli %arg1, %mul3A_56 : i32
    %add3A_58 = arith.constant 192 : i32
    %add3A_59 = arith.addi %mul3A_57, %add3A_58 : i32
    %mul3A_60 = arith.constant 640 : i32
    %mul3A_61 = arith.muli %arg1, %mul3A_60 : i32
    %add3A_62 = arith.constant 208 : i32
    %add3A_63 = arith.addi %mul3A_61, %add3A_62 : i32
    %mul3A_64 = arith.constant 640 : i32
    %mul3A_65 = arith.muli %arg1, %mul3A_64 : i32
    %add3A_66 = arith.constant 224 : i32
    %add3A_67 = arith.addi %mul3A_65, %add3A_66 : i32
    %mul3A_68 = arith.constant 640 : i32
    %mul3A_69 = arith.muli %arg1, %mul3A_68 : i32
    %add3A_70 = arith.constant 240 : i32
    %add3A_71 = arith.addi %mul3A_69, %add3A_70 : i32
    %mul3A_72 = arith.constant 640 : i32
    %mul3A_73 = arith.muli %arg1, %mul3A_72 : i32
    %add3A_74 = arith.constant 256 : i32
    %add3A_75 = arith.addi %mul3A_73, %add3A_74 : i32
    %mul3A_76 = arith.constant 640 : i32
    %mul3A_77 = arith.muli %arg1, %mul3A_76 : i32
    %add3A_78 = arith.constant 272 : i32
    %add3A_79 = arith.addi %mul3A_77, %add3A_78 : i32
    %mul3A_80 = arith.constant 640 : i32
    %mul3A_81 = arith.muli %arg1, %mul3A_80 : i32
    %add3A_82 = arith.constant 288 : i32
    %add3A_83 = arith.addi %mul3A_81, %add3A_82 : i32
    %mul3A_84 = arith.constant 640 : i32
    %mul3A_85 = arith.muli %arg1, %mul3A_84 : i32
    %add3A_86 = arith.constant 304 : i32
    %add3A_87 = arith.addi %mul3A_85, %add3A_86 : i32
    %mul3A_88 = arith.constant 640 : i32
    %mul3A_89 = arith.muli %arg1, %mul3A_88 : i32
    %add3A_90 = arith.constant 320 : i32
    %add3A_91 = arith.addi %mul3A_89, %add3A_90 : i32
    %mul3A_92 = arith.constant 640 : i32
    %mul3A_93 = arith.muli %arg1, %mul3A_92 : i32
    %add3A_94 = arith.constant 336 : i32
    %add3A_95 = arith.addi %mul3A_93, %add3A_94 : i32
    %mul3A_96 = arith.constant 640 : i32
    %mul3A_97 = arith.muli %arg1, %mul3A_96 : i32
    %add3A_98 = arith.constant 352 : i32
    %add3A_99 = arith.addi %mul3A_97, %add3A_98 : i32
    %mul3A_100 = arith.constant 640 : i32
    %mul3A_101 = arith.muli %arg1, %mul3A_100 : i32
    %add3A_102 = arith.constant 368 : i32
    %add3A_103 = arith.addi %mul3A_101, %add3A_102 : i32
    %mul3A_104 = arith.constant 640 : i32
    %mul3A_105 = arith.muli %arg1, %mul3A_104 : i32
    %add3A_106 = arith.constant 384 : i32
    %add3A_107 = arith.addi %mul3A_105, %add3A_106 : i32
    %mul3A_108 = arith.constant 640 : i32
    %mul3A_109 = arith.muli %arg1, %mul3A_108 : i32
    %add3A_110 = arith.constant 400 : i32
    %add3A_111 = arith.addi %mul3A_109, %add3A_110 : i32
    %mul3A_112 = arith.constant 640 : i32
    %mul3A_113 = arith.muli %arg1, %mul3A_112 : i32
    %add3A_114 = arith.constant 416 : i32
    %add3A_115 = arith.addi %mul3A_113, %add3A_114 : i32
    %mul3A_116 = arith.constant 640 : i32
    %mul3A_117 = arith.muli %arg1, %mul3A_116 : i32
    %add3A_118 = arith.constant 432 : i32
    %add3A_119 = arith.addi %mul3A_117, %add3A_118 : i32
    %mul3A_120 = arith.constant 640 : i32
    %mul3A_121 = arith.muli %arg1, %mul3A_120 : i32
    %add3A_122 = arith.constant 448 : i32
    %add3A_123 = arith.addi %mul3A_121, %add3A_122 : i32
    %mul3A_124 = arith.constant 640 : i32
    %mul3A_125 = arith.muli %arg1, %mul3A_124 : i32
    %add3A_126 = arith.constant 464 : i32
    %add3A_127 = arith.addi %mul3A_125, %add3A_126 : i32
    %mul3A_128 = arith.constant 640 : i32
    %mul3A_129 = arith.muli %arg1, %mul3A_128 : i32
    %add3A_130 = arith.constant 480 : i32
    %add3A_131 = arith.addi %mul3A_129, %add3A_130 : i32
    %mul3A_132 = arith.constant 640 : i32
    %mul3A_133 = arith.muli %arg1, %mul3A_132 : i32
    %add3A_134 = arith.constant 496 : i32
    %add3A_135 = arith.addi %mul3A_133, %add3A_134 : i32
    %mul3A_136 = arith.constant 640 : i32
    %mul3A_137 = arith.muli %arg1, %mul3A_136 : i32
    %add3A_138 = arith.constant 512 : i32
    %add3A_139 = arith.addi %mul3A_137, %add3A_138 : i32
    %mul3A_140 = arith.constant 640 : i32
    %mul3A_141 = arith.muli %arg1, %mul3A_140 : i32
    %add3A_142 = arith.constant 528 : i32
    %add3A_143 = arith.addi %mul3A_141, %add3A_142 : i32
    %mul3A_144 = arith.constant 640 : i32
    %mul3A_145 = arith.muli %arg1, %mul3A_144 : i32
    %add3A_146 = arith.constant 544 : i32
    %add3A_147 = arith.addi %mul3A_145, %add3A_146 : i32
    %mul3A_148 = arith.constant 640 : i32
    %mul3A_149 = arith.muli %arg1, %mul3A_148 : i32
    %add3A_150 = arith.constant 560 : i32
    %add3A_151 = arith.addi %mul3A_149, %add3A_150 : i32
    %mul3A_152 = arith.constant 640 : i32
    %mul3A_153 = arith.muli %arg1, %mul3A_152 : i32
    %add3A_154 = arith.constant 576 : i32
    %add3A_155 = arith.addi %mul3A_153, %add3A_154 : i32
    %mul3A_156 = arith.constant 640 : i32
    %mul3A_157 = arith.muli %arg1, %mul3A_156 : i32
    %add3A_158 = arith.constant 592 : i32
    %add3A_159 = arith.addi %mul3A_157, %add3A_158 : i32
    %mul3A_160 = arith.constant 640 : i32
    %mul3A_161 = arith.muli %arg1, %mul3A_160 : i32
    %add3A_162 = arith.constant 608 : i32
    %add3A_163 = arith.addi %mul3A_161, %add3A_162 : i32
    %mul3A_164 = arith.constant 640 : i32
    %mul3A_165 = arith.muli %arg1, %mul3A_164 : i32
    %add3A_166 = arith.constant 624 : i32
    %add3A_167 = arith.addi %mul3A_165, %add3A_166 : i32
    %mul3A_168 = arith.constant 80 : i32
    %mul3A_169 = arith.muli %arg1, %mul3A_168 : i32
    %add3A_170 = arith.constant 0 : i32
    %add3A_171 = arith.addi %mul3A_169, %add3A_170 : i32
    %mul3A_172 = arith.constant 80 : i32
    %mul3A_173 = arith.muli %arg1, %mul3A_172 : i32
    %add3A_174 = arith.constant 16 : i32
    %add3A_175 = arith.addi %mul3A_173, %add3A_174 : i32
    %mul3A_176 = arith.constant 80 : i32
    %mul3A_177 = arith.muli %arg1, %mul3A_176 : i32
    %add3A_178 = arith.constant 32 : i32
    %add3A_179 = arith.addi %mul3A_177, %add3A_178 : i32
    %mul3A_180 = arith.constant 80 : i32
    %mul3A_181 = arith.muli %arg1, %mul3A_180 : i32
    %add3A_182 = arith.constant 48 : i32
    %add3A_183 = arith.addi %mul3A_181, %add3A_182 : i32
    %mul3A_184 = arith.constant 80 : i32
    %mul3A_185 = arith.muli %arg1, %mul3A_184 : i32
    %add3A_186 = arith.constant 64 : i32
    %add3A_187 = arith.addi %mul3A_185, %add3A_186 : i32
    %dma_start3A = arith.constant 0 : i32
    %dma_start3A_188 = tpu.memref_slice %arg17[%add3A_11, %dma_start3A] : memref<10240x128xf32, #tpu.memory_space<vmem_shared>> -> memref<16x128xf32, #tpu.memory_space<vmem_shared>>
    %dma_start3A_189 = arith.constant 0 : i32
    %dma_start3A_190 = tpu.memref_slice %arg17[%add3A_11, %dma_start3A_189] : memref<10240x128xf32, #tpu.memory_space<vmem_shared>> -> memref<16x128xf32, #tpu.memory_space<vmem_shared>>
    tpu.enqueue_dma source(%arg16 : memref<16x128xf32, #tpu.memory_space<vmem>>) target(%dma_start3A_190 : memref<16x128xf32, #tpu.memory_space<vmem_shared>>) target_semaphore(%arg23 : memref<!tpu.dma_semaphore, #tpu.memory_space<semaphore_mem>>)
    %dma_start3A_191 = arith.constant 0 : i32
    %dma_start3A_192 = tpu.memref_slice %arg17[%add3A_15, %dma_start3A_191] : memref<10240x128xf32, #tpu.memory_space<vmem_shared>> -> memref<16x128xf32, #tpu.memory_space<vmem_shared>>
    %dma_start3A_193 = arith.constant 0 : i32
    %dma_start3A_194 = tpu.memref_slice %arg17[%add3A_15, %dma_start3A_193] : memref<10240x128xf32, #tpu.memory_space<vmem_shared>> -> memref<16x128xf32, #tpu.memory_space<vmem_shared>>
    tpu.enqueue_dma source(%arg16 : memref<16x128xf32, #tpu.memory_space<vmem>>) target(%dma_start3A_194 : memref<16x128xf32, #tpu.memory_space<vmem_shared>>) target_semaphore(%arg23 : memref<!tpu.dma_semaphore, #tpu.memory_space<semaphore_mem>>)
    %dma_start3A_195 = arith.constant 0 : i32
    %dma_start3A_196 = tpu.memref_slice %arg17[%add3A_19, %dma_start3A_195] : memref<10240x128xf32, #tpu.memory_space<vmem_shared>> -> memref<16x128xf32, #tpu.memory_space<vmem_shared>>
    %dma_start3A_197 = arith.constant 0 : i32
    %dma_start3A_198 = tpu.memref_slice %arg17[%add3A_19, %dma_start3A_197] : memref<10240x128xf32, #tpu.memory_space<vmem_shared>> -> memref<16x128xf32, #tpu.memory_space<vmem_shared>>
    tpu.enqueue_dma source(%arg16 : memref<16x128xf32, #tpu.memory_space<vmem>>) target(%dma_start3A_198 : memref<16x128xf32, #tpu.memory_space<vmem_shared>>) target_semaphore(%arg23 : memref<!tpu.dma_semaphore, #tpu.memory_space<semaphore_mem>>)
    %dma_start3A_199 = arith.constant 0 : i32
    %dma_start3A_200 = tpu.memref_slice %arg17[%add3A_23, %dma_start3A_199] : memref<10240x128xf32, #tpu.memory_space<vmem_shared>> -> memref<16x128xf32, #tpu.memory_space<vmem_shared>>
    %dma_start3A_201 = arith.constant 0 : i32
    %dma_start3A_202 = tpu.memref_slice %arg17[%add3A_23, %dma_start3A_201] : memref<10240x128xf32, #tpu.memory_space<vmem_shared>> -> memref<16x128xf32, #tpu.memory_space<vmem_shared>>
    tpu.enqueue_dma source(%arg16 : memref<16x128xf32, #tpu.memory_space<vmem>>) target(%dma_start3A_202 : memref<16x128xf32, #tpu.memory_space<vmem_shared>>) target_semaphore(%arg23 : memref<!tpu.dma_semaphore, #tpu.memory_space<semaphore_mem>>)
    %dma_start3A_203 = arith.constant 0 : i32
    %dma_start3A_204 = tpu.memref_slice %arg17[%add3A_27, %dma_start3A_203] : memref<10240x128xf32, #tpu.memory_space<vmem_shared>> -> memref<16x128xf32, #tpu.memory_space<vmem_shared>>
    %dma_start3A_205 = arith.constant 0 : i32
    %dma_start3A_206 = tpu.memref_slice %arg17[%add3A_27, %dma_start3A_205] : memref<10240x128xf32, #tpu.memory_space<vmem_shared>> -> memref<16x128xf32, #tpu.memory_space<vmem_shared>>
    tpu.enqueue_dma source(%arg16 : memref<16x128xf32, #tpu.memory_space<vmem>>) target(%dma_start3A_206 : memref<16x128xf32, #tpu.memory_space<vmem_shared>>) target_semaphore(%arg23 : memref<!tpu.dma_semaphore, #tpu.memory_space<semaphore_mem>>)
    %dma_start3A_207 = arith.constant 0 : i32
    %dma_start3A_208 = tpu.memref_slice %arg17[%add3A_31, %dma_start3A_207] : memref<10240x128xf32, #tpu.memory_space<vmem_shared>> -> memref<16x128xf32, #tpu.memory_space<vmem_shared>>
    %dma_start3A_209 = arith.constant 0 : i32
    %dma_start3A_210 = tpu.memref_slice %arg17[%add3A_31, %dma_start3A_209] : memref<10240x128xf32, #tpu.memory_space<vmem_shared>> -> memref<16x128xf32, #tpu.memory_space<vmem_shared>>
    tpu.enqueue_dma source(%arg16 : memref<16x128xf32, #tpu.memory_space<vmem>>) target(%dma_start3A_210 : memref<16x128xf32, #tpu.memory_space<vmem_shared>>) target_semaphore(%arg23 : memref<!tpu.dma_semaphore, #tpu.memory_space<semaphore_mem>>)
    %dma_start3A_211 = arith.constant 0 : i32
    %dma_start3A_212 = tpu.memref_slice %arg17[%add3A_35, %dma_start3A_211] : memref<10240x128xf32, #tpu.memory_space<vmem_shared>> -> memref<16x128xf32, #tpu.memory_space<vmem_shared>>
    %dma_start3A_213 = arith.constant 0 : i32
    %dma_start3A_214 = tpu.memref_slice %arg17[%add3A_35, %dma_start3A_213] : memref<10240x128xf32, #tpu.memory_space<vmem_shared>> -> memref<16x128xf32, #tpu.memory_space<vmem_shared>>
    tpu.enqueue_dma source(%arg16 : memref<16x128xf32, #tpu.memory_space<vmem>>) target(%dma_start3A_214 : memref<16x128xf32, #tpu.memory_space<vmem_shared>>) target_semaphore(%arg23 : memref<!tpu.dma_semaphore, #tpu.memory_space<semaphore_mem>>)
    %dma_start3A_215 = arith.constant 0 : i32
    %dma_start3A_216 = tpu.memref_slice %arg17[%add3A_39, %dma_start3A_215] : memref<10240x128xf32, #tpu.memory_space<vmem_shared>> -> memref<16x128xf32, #tpu.memory_space<vmem_shared>>
    %dma_start3A_217 = arith.constant 0 : i32
    %dma_start3A_218 = tpu.memref_slice %arg17[%add3A_39, %dma_start3A_217] : memref<10240x128xf32, #tpu.memory_space<vmem_shared>> -> memref<16x128xf32, #tpu.memory_space<vmem_shared>>
    tpu.enqueue_dma source(%arg16 : memref<16x128xf32, #tpu.memory_space<vmem>>) target(%dma_start3A_218 : memref<16x128xf32, #tpu.memory_space<vmem_shared>>) target_semaphore(%arg23 : memref<!tpu.dma_semaphore, #tpu.memory_space<semaphore_mem>>)
    %dma_start3A_219 = arith.constant 0 : i32
    %dma_start3A_220 = tpu.memref_slice %arg17[%add3A_43, %dma_start3A_219] : memref<10240x128xf32, #tpu.memory_space<vmem_shared>> -> memref<16x128xf32, #tpu.memory_space<vmem_shared>>
    %dma_start3A_221 = arith.constant 0 : i32
    %dma_start3A_222 = tpu.memref_slice %arg17[%add3A_43, %dma_start3A_221] : memref<10240x128xf32, #tpu.memory_space<vmem_shared>> -> memref<16x128xf32, #tpu.memory_space<vmem_shared>>
    tpu.enqueue_dma source(%arg16 : memref<16x128xf32, #tpu.memory_space<vmem>>) target(%dma_start3A_222 : memref<16x128xf32, #tpu.memory_space<vmem_shared>>) target_semaphore(%arg23 : memref<!tpu.dma_semaphore, #tpu.memory_space<semaphore_mem>>)
    %dma_start3A_223 = arith.constant 0 : i32
    %dma_start3A_224 = tpu.memref_slice %arg17[%add3A_47, %dma_start3A_223] : memref<10240x128xf32, #tpu.memory_space<vmem_shared>> -> memref<16x128xf32, #tpu.memory_space<vmem_shared>>
    %dma_start3A_225 = arith.constant 0 : i32
    %dma_start3A_226 = tpu.memref_slice %arg17[%add3A_47, %dma_start3A_225] : memref<10240x128xf32, #tpu.memory_space<vmem_shared>> -> memref<16x128xf32, #tpu.memory_space<vmem_shared>>
    tpu.enqueue_dma source(%arg16 : memref<16x128xf32, #tpu.memory_space<vmem>>) target(%dma_start3A_226 : memref<16x128xf32, #tpu.memory_space<vmem_shared>>) target_semaphore(%arg23 : memref<!tpu.dma_semaphore, #tpu.memory_space<semaphore_mem>>)
    %dma_start3A_227 = arith.constant 0 : i32
    %dma_start3A_228 = tpu.memref_slice %arg17[%add3A_51, %dma_start3A_227] : memref<10240x128xf32, #tpu.memory_space<vmem_shared>> -> memref<16x128xf32, #tpu.memory_space<vmem_shared>>
    %dma_start3A_229 = arith.constant 0 : i32
    %dma_start3A_230 = tpu.memref_slice %arg17[%add3A_51, %dma_start3A_229] : memref<10240x128xf32, #tpu.memory_space<vmem_shared>> -> memref<16x128xf32, #tpu.memory_space<vmem_shared>>
    tpu.enqueue_dma source(%arg16 : memref<16x128xf32, #tpu.memory_space<vmem>>) target(%dma_start3A_230 : memref<16x128xf32, #tpu.memory_space<vmem_shared>>) target_semaphore(%arg23 : memref<!tpu.dma_semaphore, #tpu.memory_space<semaphore_mem>>)
    %dma_start3A_231 = arith.constant 0 : i32
    %dma_start3A_232 = tpu.memref_slice %arg17[%add3A_55, %dma_start3A_231] : memref<10240x128xf32, #tpu.memory_space<vmem_shared>> -> memref<16x128xf32, #tpu.memory_space<vmem_shared>>
    %dma_start3A_233 = arith.constant 0 : i32
    %dma_start3A_234 = tpu.memref_slice %arg17[%add3A_55, %dma_start3A_233] : memref<10240x128xf32, #tpu.memory_space<vmem_shared>> -> memref<16x128xf32, #tpu.memory_space<vmem_shared>>
    tpu.enqueue_dma source(%arg16 : memref<16x128xf32, #tpu.memory_space<vmem>>) target(%dma_start3A_234 : memref<16x128xf32, #tpu.memory_space<vmem_shared>>) target_semaphore(%arg23 : memref<!tpu.dma_semaphore, #tpu.memory_space<semaphore_mem>>)
    %dma_start3A_235 = arith.constant 0 : i32
    %dma_start3A_236 = tpu.memref_slice %arg17[%add3A_59, %dma_start3A_235] : memref<10240x128xf32, #tpu.memory_space<vmem_shared>> -> memref<16x128xf32, #tpu.memory_space<vmem_shared>>
    %dma_start3A_237 = arith.constant 0 : i32
    %dma_start3A_238 = tpu.memref_slice %arg17[%add3A_59, %dma_start3A_237] : memref<10240x128xf32, #tpu.memory_space<vmem_shared>> -> memref<16x128xf32, #tpu.memory_space<vmem_shared>>
    tpu.enqueue_dma source(%arg16 : memref<16x128xf32, #tpu.memory_space<vmem>>) target(%dma_start3A_238 : memref<16x128xf32, #tpu.memory_space<vmem_shared>>) target_semaphore(%arg23 : memref<!tpu.dma_semaphore, #tpu.memory_space<semaphore_mem>>)
    %dma_start3A_239 = arith.constant 0 : i32
    %dma_start3A_240 = tpu.memref_slice %arg17[%add3A_63, %dma_start3A_239] : memref<10240x128xf32, #tpu.memory_space<vmem_shared>> -> memref<16x128xf32, #tpu.memory_space<vmem_shared>>
    %dma_start3A_241 = arith.constant 0 : i32
    %dma_start3A_242 = tpu.memref_slice %arg17[%add3A_63, %dma_start3A_241] : memref<10240x128xf32, #tpu.memory_space<vmem_shared>> -> memref<16x128xf32, #tpu.memory_space<vmem_shared>>
    tpu.enqueue_dma source(%arg16 : memref<16x128xf32, #tpu.memory_space<vmem>>) target(%dma_start3A_242 : memref<16x128xf32, #tpu.memory_space<vmem_shared>>) target_semaphore(%arg23 : memref<!tpu.dma_semaphore, #tpu.memory_space<semaphore_mem>>)
    %dma_start3A_243 = arith.constant 0 : i32
    %dma_start3A_244 = tpu.memref_slice %arg17[%add3A_67, %dma_start3A_243] : memref<10240x128xf32, #tpu.memory_space<vmem_shared>> -> memref<16x128xf32, #tpu.memory_space<vmem_shared>>
    %dma_start3A_245 = arith.constant 0 : i32
    %dma_start3A_246 = tpu.memref_slice %arg17[%add3A_67, %dma_start3A_245] : memref<10240x128xf32, #tpu.memory_space<vmem_shared>> -> memref<16x128xf32, #tpu.memory_space<vmem_shared>>
    tpu.enqueue_dma source(%arg16 : memref<16x128xf32, #tpu.memory_space<vmem>>) target(%dma_start3A_246 : memref<16x128xf32, #tpu.memory_space<vmem_shared>>) target_semaphore(%arg23 : memref<!tpu.dma_semaphore, #tpu.memory_space<semaphore_mem>>)
    %dma_wait3A = arith.constant 0 : i32
    %dma_wait3A_247 = tpu.memref_slice %arg17[%add3A_11, %dma_wait3A] : memref<10240x128xf32, #tpu.memory_space<vmem_shared>> -> memref<16x128xf32, #tpu.memory_space<vmem_shared>>
    %dma_wait3A_248 = arith.constant 0 : i32
    %dma_wait3A_249 = tpu.memref_slice %arg17[%add3A_11, %dma_wait3A_248] : memref<10240x128xf32, #tpu.memory_space<vmem_shared>> -> memref<16x128xf32, #tpu.memory_space<vmem_shared>>
    tpu.wait_dma2 semaphore(%arg23 : memref<!tpu.dma_semaphore, #tpu.memory_space<semaphore_mem>>) src(%arg16 : memref<16x128xf32, #tpu.memory_space<vmem>>) dst(%dma_wait3A_249 : memref<16x128xf32, #tpu.memory_space<vmem_shared>>)
    %dma_wait3A_250 = arith.constant 0 : i32
    %dma_wait3A_251 = tpu.memref_slice %arg17[%add3A_15, %dma_wait3A_250] : memref<10240x128xf32, #tpu.memory_space<vmem_shared>> -> memref<16x128xf32, #tpu.memory_space<vmem_shared>>
    %dma_wait3A_252 = arith.constant 0 : i32
    %dma_wait3A_253 = tpu.memref_slice %arg17[%add3A_15, %dma_wait3A_252] : memref<10240x128xf32, #tpu.memory_space<vmem_shared>> -> memref<16x128xf32, #tpu.memory_space<vmem_shared>>
    tpu.wait_dma2 semaphore(%arg23 : memref<!tpu.dma_semaphore, #tpu.memory_space<semaphore_mem>>) src(%arg16 : memref<16x128xf32, #tpu.memory_space<vmem>>) dst(%dma_wait3A_253 : memref<16x128xf32, #tpu.memory_space<vmem_shared>>)
    %dma_wait3A_254 = arith.constant 0 : i32
    %dma_wait3A_255 = tpu.memref_slice %arg17[%add3A_19, %dma_wait3A_254] : memref<10240x128xf32, #tpu.memory_space<vmem_shared>> -> memref<16x128xf32, #tpu.memory_space<vmem_shared>>
    %dma_wait3A_256 = arith.constant 0 : i32
    %dma_wait3A_257 = tpu.memref_slice %arg17[%add3A_19, %dma_wait3A_256] : memref<10240x128xf32, #tpu.memory_space<vmem_shared>> -> memref<16x128xf32, #tpu.memory_space<vmem_shared>>
    tpu.wait_dma2 semaphore(%arg23 : memref<!tpu.dma_semaphore, #tpu.memory_space<semaphore_mem>>) src(%arg16 : memref<16x128xf32, #tpu.memory_space<vmem>>) dst(%dma_wait3A_257 : memref<16x128xf32, #tpu.memory_space<vmem_shared>>)
    %dma_wait3A_258 = arith.constant 0 : i32
    %dma_wait3A_259 = tpu.memref_slice %arg17[%add3A_23, %dma_wait3A_258] : memref<10240x128xf32, #tpu.memory_space<vmem_shared>> -> memref<16x128xf32, #tpu.memory_space<vmem_shared>>
    %dma_wait3A_260 = arith.constant 0 : i32
    %dma_wait3A_261 = tpu.memref_slice %arg17[%add3A_23, %dma_wait3A_260] : memref<10240x128xf32, #tpu.memory_space<vmem_shared>> -> memref<16x128xf32, #tpu.memory_space<vmem_shared>>
    tpu.wait_dma2 semaphore(%arg23 : memref<!tpu.dma_semaphore, #tpu.memory_space<semaphore_mem>>) src(%arg16 : memref<16x128xf32, #tpu.memory_space<vmem>>) dst(%dma_wait3A_261 : memref<16x128xf32, #tpu.memory_space<vmem_shared>>)
    %dma_wait3A_262 = arith.constant 0 : i32
    %dma_wait3A_263 = tpu.memref_slice %arg17[%add3A_27, %dma_wait3A_262] : memref<10240x128xf32, #tpu.memory_space<vmem_shared>> -> memref<16x128xf32, #tpu.memory_space<vmem_shared>>
    %dma_wait3A_264 = arith.constant 0 : i32
    %dma_wait3A_265 = tpu.memref_slice %arg17[%add3A_27, %dma_wait3A_264] : memref<10240x128xf32, #tpu.memory_space<vmem_shared>> -> memref<16x128xf32, #tpu.memory_space<vmem_shared>>
    tpu.wait_dma2 semaphore(%arg23 : memref<!tpu.dma_semaphore, #tpu.memory_space<semaphore_mem>>) src(%arg16 : memref<16x128xf32, #tpu.memory_space<vmem>>) dst(%dma_wait3A_265 : memref<16x128xf32, #tpu.memory_space<vmem_shared>>)
    %dma_wait3A_266 = arith.constant 0 : i32
    %dma_wait3A_267 = tpu.memref_slice %arg17[%add3A_31, %dma_wait3A_266] : memref<10240x128xf32, #tpu.memory_space<vmem_shared>> -> memref<16x128xf32, #tpu.memory_space<vmem_shared>>
    %dma_wait3A_268 = arith.constant 0 : i32
    %dma_wait3A_269 = tpu.memref_slice %arg17[%add3A_31, %dma_wait3A_268] : memref<10240x128xf32, #tpu.memory_space<vmem_shared>> -> memref<16x128xf32, #tpu.memory_space<vmem_shared>>
    tpu.wait_dma2 semaphore(%arg23 : memref<!tpu.dma_semaphore, #tpu.memory_space<semaphore_mem>>) src(%arg16 : memref<16x128xf32, #tpu.memory_space<vmem>>) dst(%dma_wait3A_269 : memref<16x128xf32, #tpu.memory_space<vmem_shared>>)
    %dma_wait3A_270 = arith.constant 0 : i32
    %dma_wait3A_271 = tpu.memref_slice %arg17[%add3A_35, %dma_wait3A_270] : memref<10240x128xf32, #tpu.memory_space<vmem_shared>> -> memref<16x128xf32, #tpu.memory_space<vmem_shared>>
    %dma_wait3A_272 = arith.constant 0 : i32
    %dma_wait3A_273 = tpu.memref_slice %arg17[%add3A_35, %dma_wait3A_272] : memref<10240x128xf32, #tpu.memory_space<vmem_shared>> -> memref<16x128xf32, #tpu.memory_space<vmem_shared>>
    tpu.wait_dma2 semaphore(%arg23 : memref<!tpu.dma_semaphore, #tpu.memory_space<semaphore_mem>>) src(%arg16 : memref<16x128xf32, #tpu.memory_space<vmem>>) dst(%dma_wait3A_273 : memref<16x128xf32, #tpu.memory_space<vmem_shared>>)
    %dma_wait3A_274 = arith.constant 0 : i32
    %dma_wait3A_275 = tpu.memref_slice %arg17[%add3A_39, %dma_wait3A_274] : memref<10240x128xf32, #tpu.memory_space<vmem_shared>> -> memref<16x128xf32, #tpu.memory_space<vmem_shared>>
    %dma_wait3A_276 = arith.constant 0 : i32
    %dma_wait3A_277 = tpu.memref_slice %arg17[%add3A_39, %dma_wait3A_276] : memref<10240x128xf32, #tpu.memory_space<vmem_shared>> -> memref<16x128xf32, #tpu.memory_space<vmem_shared>>
    tpu.wait_dma2 semaphore(%arg23 : memref<!tpu.dma_semaphore, #tpu.memory_space<semaphore_mem>>) src(%arg16 : memref<16x128xf32, #tpu.memory_space<vmem>>) dst(%dma_wait3A_277 : memref<16x128xf32, #tpu.memory_space<vmem_shared>>)
    %dma_wait3A_278 = arith.constant 0 : i32
    %dma_wait3A_279 = tpu.memref_slice %arg17[%add3A_43, %dma_wait3A_278] : memref<10240x128xf32, #tpu.memory_space<vmem_shared>> -> memref<16x128xf32, #tpu.memory_space<vmem_shared>>
    %dma_wait3A_280 = arith.constant 0 : i32
    %dma_wait3A_281 = tpu.memref_slice %arg17[%add3A_43, %dma_wait3A_280] : memref<10240x128xf32, #tpu.memory_space<vmem_shared>> -> memref<16x128xf32, #tpu.memory_space<vmem_shared>>
    tpu.wait_dma2 semaphore(%arg23 : memref<!tpu.dma_semaphore, #tpu.memory_space<semaphore_mem>>) src(%arg16 : memref<16x128xf32, #tpu.memory_space<vmem>>) dst(%dma_wait3A_281 : memref<16x128xf32, #tpu.memory_space<vmem_shared>>)
    %dma_wait3A_282 = arith.constant 0 : i32
    %dma_wait3A_283 = tpu.memref_slice %arg17[%add3A_47, %dma_wait3A_282] : memref<10240x128xf32, #tpu.memory_space<vmem_shared>> -> memref<16x128xf32, #tpu.memory_space<vmem_shared>>
    %dma_wait3A_284 = arith.constant 0 : i32
    %dma_wait3A_285 = tpu.memref_slice %arg17[%add3A_47, %dma_wait3A_284] : memref<10240x128xf32, #tpu.memory_space<vmem_shared>> -> memref<16x128xf32, #tpu.memory_space<vmem_shared>>
    tpu.wait_dma2 semaphore(%arg23 : memref<!tpu.dma_semaphore, #tpu.memory_space<semaphore_mem>>) src(%arg16 : memref<16x128xf32, #tpu.memory_space<vmem>>) dst(%dma_wait3A_285 : memref<16x128xf32, #tpu.memory_space<vmem_shared>>)
    %dma_wait3A_286 = arith.constant 0 : i32
    %dma_wait3A_287 = tpu.memref_slice %arg17[%add3A_51, %dma_wait3A_286] : memref<10240x128xf32, #tpu.memory_space<vmem_shared>> -> memref<16x128xf32, #tpu.memory_space<vmem_shared>>
    %dma_wait3A_288 = arith.constant 0 : i32
    %dma_wait3A_289 = tpu.memref_slice %arg17[%add3A_51, %dma_wait3A_288] : memref<10240x128xf32, #tpu.memory_space<vmem_shared>> -> memref<16x128xf32, #tpu.memory_space<vmem_shared>>
    tpu.wait_dma2 semaphore(%arg23 : memref<!tpu.dma_semaphore, #tpu.memory_space<semaphore_mem>>) src(%arg16 : memref<16x128xf32, #tpu.memory_space<vmem>>) dst(%dma_wait3A_289 : memref<16x128xf32, #tpu.memory_space<vmem_shared>>)
    %dma_wait3A_290 = arith.constant 0 : i32
    %dma_wait3A_291 = tpu.memref_slice %arg17[%add3A_55, %dma_wait3A_290] : memref<10240x128xf32, #tpu.memory_space<vmem_shared>> -> memref<16x128xf32, #tpu.memory_space<vmem_shared>>
    %dma_wait3A_292 = arith.constant 0 : i32
    %dma_wait3A_293 = tpu.memref_slice %arg17[%add3A_55, %dma_wait3A_292] : memref<10240x128xf32, #tpu.memory_space<vmem_shared>> -> memref<16x128xf32, #tpu.memory_space<vmem_shared>>
    tpu.wait_dma2 semaphore(%arg23 : memref<!tpu.dma_semaphore, #tpu.memory_space<semaphore_mem>>) src(%arg16 : memref<16x128xf32, #tpu.memory_space<vmem>>) dst(%dma_wait3A_293 : memref<16x128xf32, #tpu.memory_space<vmem_shared>>)
    %dma_wait3A_294 = arith.constant 0 : i32
    %dma_wait3A_295 = tpu.memref_slice %arg17[%add3A_59, %dma_wait3A_294] : memref<10240x128xf32, #tpu.memory_space<vmem_shared>> -> memref<16x128xf32, #tpu.memory_space<vmem_shared>>
    %dma_wait3A_296 = arith.constant 0 : i32
    %dma_wait3A_297 = tpu.memref_slice %arg17[%add3A_59, %dma_wait3A_296] : memref<10240x128xf32, #tpu.memory_space<vmem_shared>> -> memref<16x128xf32, #tpu.memory_space<vmem_shared>>
    tpu.wait_dma2 semaphore(%arg23 : memref<!tpu.dma_semaphore, #tpu.memory_space<semaphore_mem>>) src(%arg16 : memref<16x128xf32, #tpu.memory_space<vmem>>) dst(%dma_wait3A_297 : memref<16x128xf32, #tpu.memory_space<vmem_shared>>)
    %dma_wait3A_298 = arith.constant 0 : i32
    %dma_wait3A_299 = tpu.memref_slice %arg17[%add3A_63, %dma_wait3A_298] : memref<10240x128xf32, #tpu.memory_space<vmem_shared>> -> memref<16x128xf32, #tpu.memory_space<vmem_shared>>
    %dma_wait3A_300 = arith.constant 0 : i32
    %dma_wait3A_301 = tpu.memref_slice %arg17[%add3A_63, %dma_wait3A_300] : memref<10240x128xf32, #tpu.memory_space<vmem_shared>> -> memref<16x128xf32, #tpu.memory_space<vmem_shared>>
    tpu.wait_dma2 semaphore(%arg23 : memref<!tpu.dma_semaphore, #tpu.memory_space<semaphore_mem>>) src(%arg16 : memref<16x128xf32, #tpu.memory_space<vmem>>) dst(%dma_wait3A_301 : memref<16x128xf32, #tpu.memory_space<vmem_shared>>)
    %dma_wait3A_302 = arith.constant 0 : i32
    %dma_wait3A_303 = tpu.memref_slice %arg17[%add3A_67, %dma_wait3A_302] : memref<10240x128xf32, #tpu.memory_space<vmem_shared>> -> memref<16x128xf32, #tpu.memory_space<vmem_shared>>
    %dma_wait3A_304 = arith.constant 0 : i32
    %dma_wait3A_305 = tpu.memref_slice %arg17[%add3A_67, %dma_wait3A_304] : memref<10240x128xf32, #tpu.memory_space<vmem_shared>> -> memref<16x128xf32, #tpu.memory_space<vmem_shared>>
    tpu.wait_dma2 semaphore(%arg23 : memref<!tpu.dma_semaphore, #tpu.memory_space<semaphore_mem>>) src(%arg16 : memref<16x128xf32, #tpu.memory_space<vmem>>) dst(%dma_wait3A_305 : memref<16x128xf32, #tpu.memory_space<vmem_shared>>)
    %dma_start3A_306 = arith.constant 0 : i32
    %dma_start3A_307 = tpu.memref_slice %arg17[%add3A_71, %dma_start3A_306] : memref<10240x128xf32, #tpu.memory_space<vmem_shared>> -> memref<16x128xf32, #tpu.memory_space<vmem_shared>>
    %dma_start3A_308 = arith.constant 0 : i32
    %dma_start3A_309 = tpu.memref_slice %arg17[%add3A_71, %dma_start3A_308] : memref<10240x128xf32, #tpu.memory_space<vmem_shared>> -> memref<16x128xf32, #tpu.memory_space<vmem_shared>>
    tpu.enqueue_dma source(%arg16 : memref<16x128xf32, #tpu.memory_space<vmem>>) target(%dma_start3A_309 : memref<16x128xf32, #tpu.memory_space<vmem_shared>>) target_semaphore(%arg23 : memref<!tpu.dma_semaphore, #tpu.memory_space<semaphore_mem>>)
    %dma_start3A_310 = arith.constant 0 : i32
    %dma_start3A_311 = tpu.memref_slice %arg17[%add3A_75, %dma_start3A_310] : memref<10240x128xf32, #tpu.memory_space<vmem_shared>> -> memref<16x128xf32, #tpu.memory_space<vmem_shared>>
    %dma_start3A_312 = arith.constant 0 : i32
    %dma_start3A_313 = tpu.memref_slice %arg17[%add3A_75, %dma_start3A_312] : memref<10240x128xf32, #tpu.memory_space<vmem_shared>> -> memref<16x128xf32, #tpu.memory_space<vmem_shared>>
    tpu.enqueue_dma source(%arg16 : memref<16x128xf32, #tpu.memory_space<vmem>>) target(%dma_start3A_313 : memref<16x128xf32, #tpu.memory_space<vmem_shared>>) target_semaphore(%arg23 : memref<!tpu.dma_semaphore, #tpu.memory_space<semaphore_mem>>)
    %dma_start3A_314 = arith.constant 0 : i32
    %dma_start3A_315 = tpu.memref_slice %arg17[%add3A_79, %dma_start3A_314] : memref<10240x128xf32, #tpu.memory_space<vmem_shared>> -> memref<16x128xf32, #tpu.memory_space<vmem_shared>>
    %dma_start3A_316 = arith.constant 0 : i32
    %dma_start3A_317 = tpu.memref_slice %arg17[%add3A_79, %dma_start3A_316] : memref<10240x128xf32, #tpu.memory_space<vmem_shared>> -> memref<16x128xf32, #tpu.memory_space<vmem_shared>>
    tpu.enqueue_dma source(%arg16 : memref<16x128xf32, #tpu.memory_space<vmem>>) target(%dma_start3A_317 : memref<16x128xf32, #tpu.memory_space<vmem_shared>>) target_semaphore(%arg23 : memref<!tpu.dma_semaphore, #tpu.memory_space<semaphore_mem>>)
    %dma_start3A_318 = arith.constant 0 : i32
    %dma_start3A_319 = tpu.memref_slice %arg17[%add3A_83, %dma_start3A_318] : memref<10240x128xf32, #tpu.memory_space<vmem_shared>> -> memref<16x128xf32, #tpu.memory_space<vmem_shared>>
    %dma_start3A_320 = arith.constant 0 : i32
    %dma_start3A_321 = tpu.memref_slice %arg17[%add3A_83, %dma_start3A_320] : memref<10240x128xf32, #tpu.memory_space<vmem_shared>> -> memref<16x128xf32, #tpu.memory_space<vmem_shared>>
    tpu.enqueue_dma source(%arg16 : memref<16x128xf32, #tpu.memory_space<vmem>>) target(%dma_start3A_321 : memref<16x128xf32, #tpu.memory_space<vmem_shared>>) target_semaphore(%arg23 : memref<!tpu.dma_semaphore, #tpu.memory_space<semaphore_mem>>)
    %dma_start3A_322 = arith.constant 0 : i32
    %dma_start3A_323 = tpu.memref_slice %arg17[%add3A_87, %dma_start3A_322] : memref<10240x128xf32, #tpu.memory_space<vmem_shared>> -> memref<16x128xf32, #tpu.memory_space<vmem_shared>>
    %dma_start3A_324 = arith.constant 0 : i32
    %dma_start3A_325 = tpu.memref_slice %arg17[%add3A_87, %dma_start3A_324] : memref<10240x128xf32, #tpu.memory_space<vmem_shared>> -> memref<16x128xf32, #tpu.memory_space<vmem_shared>>
    tpu.enqueue_dma source(%arg16 : memref<16x128xf32, #tpu.memory_space<vmem>>) target(%dma_start3A_325 : memref<16x128xf32, #tpu.memory_space<vmem_shared>>) target_semaphore(%arg23 : memref<!tpu.dma_semaphore, #tpu.memory_space<semaphore_mem>>)
    %dma_start3A_326 = arith.constant 0 : i32
    %dma_start3A_327 = tpu.memref_slice %arg17[%add3A_91, %dma_start3A_326] : memref<10240x128xf32, #tpu.memory_space<vmem_shared>> -> memref<16x128xf32, #tpu.memory_space<vmem_shared>>
    %dma_start3A_328 = arith.constant 0 : i32
    %dma_start3A_329 = tpu.memref_slice %arg17[%add3A_91, %dma_start3A_328] : memref<10240x128xf32, #tpu.memory_space<vmem_shared>> -> memref<16x128xf32, #tpu.memory_space<vmem_shared>>
    tpu.enqueue_dma source(%arg16 : memref<16x128xf32, #tpu.memory_space<vmem>>) target(%dma_start3A_329 : memref<16x128xf32, #tpu.memory_space<vmem_shared>>) target_semaphore(%arg23 : memref<!tpu.dma_semaphore, #tpu.memory_space<semaphore_mem>>)
    %dma_start3A_330 = arith.constant 0 : i32
    %dma_start3A_331 = tpu.memref_slice %arg17[%add3A_95, %dma_start3A_330] : memref<10240x128xf32, #tpu.memory_space<vmem_shared>> -> memref<16x128xf32, #tpu.memory_space<vmem_shared>>
    %dma_start3A_332 = arith.constant 0 : i32
    %dma_start3A_333 = tpu.memref_slice %arg17[%add3A_95, %dma_start3A_332] : memref<10240x128xf32, #tpu.memory_space<vmem_shared>> -> memref<16x128xf32, #tpu.memory_space<vmem_shared>>
    tpu.enqueue_dma source(%arg16 : memref<16x128xf32, #tpu.memory_space<vmem>>) target(%dma_start3A_333 : memref<16x128xf32, #tpu.memory_space<vmem_shared>>) target_semaphore(%arg23 : memref<!tpu.dma_semaphore, #tpu.memory_space<semaphore_mem>>)
    %dma_start3A_334 = arith.constant 0 : i32
    %dma_start3A_335 = tpu.memref_slice %arg17[%add3A_99, %dma_start3A_334] : memref<10240x128xf32, #tpu.memory_space<vmem_shared>> -> memref<16x128xf32, #tpu.memory_space<vmem_shared>>
    %dma_start3A_336 = arith.constant 0 : i32
    %dma_start3A_337 = tpu.memref_slice %arg17[%add3A_99, %dma_start3A_336] : memref<10240x128xf32, #tpu.memory_space<vmem_shared>> -> memref<16x128xf32, #tpu.memory_space<vmem_shared>>
    tpu.enqueue_dma source(%arg16 : memref<16x128xf32, #tpu.memory_space<vmem>>) target(%dma_start3A_337 : memref<16x128xf32, #tpu.memory_space<vmem_shared>>) target_semaphore(%arg23 : memref<!tpu.dma_semaphore, #tpu.memory_space<semaphore_mem>>)
    %dma_start3A_338 = arith.constant 0 : i32
    %dma_start3A_339 = tpu.memref_slice %arg17[%add3A_103, %dma_start3A_338] : memref<10240x128xf32, #tpu.memory_space<vmem_shared>> -> memref<16x128xf32, #tpu.memory_space<vmem_shared>>
    %dma_start3A_340 = arith.constant 0 : i32
    %dma_start3A_341 = tpu.memref_slice %arg17[%add3A_103, %dma_start3A_340] : memref<10240x128xf32, #tpu.memory_space<vmem_shared>> -> memref<16x128xf32, #tpu.memory_space<vmem_shared>>
    tpu.enqueue_dma source(%arg16 : memref<16x128xf32, #tpu.memory_space<vmem>>) target(%dma_start3A_341 : memref<16x128xf32, #tpu.memory_space<vmem_shared>>) target_semaphore(%arg23 : memref<!tpu.dma_semaphore, #tpu.memory_space<semaphore_mem>>)
    %dma_start3A_342 = arith.constant 0 : i32
    %dma_start3A_343 = tpu.memref_slice %arg17[%add3A_107, %dma_start3A_342] : memref<10240x128xf32, #tpu.memory_space<vmem_shared>> -> memref<16x128xf32, #tpu.memory_space<vmem_shared>>
    %dma_start3A_344 = arith.constant 0 : i32
    %dma_start3A_345 = tpu.memref_slice %arg17[%add3A_107, %dma_start3A_344] : memref<10240x128xf32, #tpu.memory_space<vmem_shared>> -> memref<16x128xf32, #tpu.memory_space<vmem_shared>>
    tpu.enqueue_dma source(%arg16 : memref<16x128xf32, #tpu.memory_space<vmem>>) target(%dma_start3A_345 : memref<16x128xf32, #tpu.memory_space<vmem_shared>>) target_semaphore(%arg23 : memref<!tpu.dma_semaphore, #tpu.memory_space<semaphore_mem>>)
    %dma_start3A_346 = arith.constant 0 : i32
    %dma_start3A_347 = tpu.memref_slice %arg17[%add3A_111, %dma_start3A_346] : memref<10240x128xf32, #tpu.memory_space<vmem_shared>> -> memref<16x128xf32, #tpu.memory_space<vmem_shared>>
    %dma_start3A_348 = arith.constant 0 : i32
    %dma_start3A_349 = tpu.memref_slice %arg17[%add3A_111, %dma_start3A_348] : memref<10240x128xf32, #tpu.memory_space<vmem_shared>> -> memref<16x128xf32, #tpu.memory_space<vmem_shared>>
    tpu.enqueue_dma source(%arg16 : memref<16x128xf32, #tpu.memory_space<vmem>>) target(%dma_start3A_349 : memref<16x128xf32, #tpu.memory_space<vmem_shared>>) target_semaphore(%arg23 : memref<!tpu.dma_semaphore, #tpu.memory_space<semaphore_mem>>)
    %dma_start3A_350 = arith.constant 0 : i32
    %dma_start3A_351 = tpu.memref_slice %arg17[%add3A_115, %dma_start3A_350] : memref<10240x128xf32, #tpu.memory_space<vmem_shared>> -> memref<16x128xf32, #tpu.memory_space<vmem_shared>>
    %dma_start3A_352 = arith.constant 0 : i32
    %dma_start3A_353 = tpu.memref_slice %arg17[%add3A_115, %dma_start3A_352] : memref<10240x128xf32, #tpu.memory_space<vmem_shared>> -> memref<16x128xf32, #tpu.memory_space<vmem_shared>>
    tpu.enqueue_dma source(%arg16 : memref<16x128xf32, #tpu.memory_space<vmem>>) target(%dma_start3A_353 : memref<16x128xf32, #tpu.memory_space<vmem_shared>>) target_semaphore(%arg23 : memref<!tpu.dma_semaphore, #tpu.memory_space<semaphore_mem>>)
    %dma_start3A_354 = arith.constant 0 : i32
    %dma_start3A_355 = tpu.memref_slice %arg17[%add3A_119, %dma_start3A_354] : memref<10240x128xf32, #tpu.memory_space<vmem_shared>> -> memref<16x128xf32, #tpu.memory_space<vmem_shared>>
    %dma_start3A_356 = arith.constant 0 : i32
    %dma_start3A_357 = tpu.memref_slice %arg17[%add3A_119, %dma_start3A_356] : memref<10240x128xf32, #tpu.memory_space<vmem_shared>> -> memref<16x128xf32, #tpu.memory_space<vmem_shared>>
    tpu.enqueue_dma source(%arg16 : memref<16x128xf32, #tpu.memory_space<vmem>>) target(%dma_start3A_357 : memref<16x128xf32, #tpu.memory_space<vmem_shared>>) target_semaphore(%arg23 : memref<!tpu.dma_semaphore, #tpu.memory_space<semaphore_mem>>)
    %dma_start3A_358 = arith.constant 0 : i32
    %dma_start3A_359 = tpu.memref_slice %arg17[%add3A_123, %dma_start3A_358] : memref<10240x128xf32, #tpu.memory_space<vmem_shared>> -> memref<16x128xf32, #tpu.memory_space<vmem_shared>>
    %dma_start3A_360 = arith.constant 0 : i32
    %dma_start3A_361 = tpu.memref_slice %arg17[%add3A_123, %dma_start3A_360] : memref<10240x128xf32, #tpu.memory_space<vmem_shared>> -> memref<16x128xf32, #tpu.memory_space<vmem_shared>>
    tpu.enqueue_dma source(%arg16 : memref<16x128xf32, #tpu.memory_space<vmem>>) target(%dma_start3A_361 : memref<16x128xf32, #tpu.memory_space<vmem_shared>>) target_semaphore(%arg23 : memref<!tpu.dma_semaphore, #tpu.memory_space<semaphore_mem>>)
    %dma_start3A_362 = arith.constant 0 : i32
    %dma_start3A_363 = tpu.memref_slice %arg17[%add3A_127, %dma_start3A_362] : memref<10240x128xf32, #tpu.memory_space<vmem_shared>> -> memref<16x128xf32, #tpu.memory_space<vmem_shared>>
    %dma_start3A_364 = arith.constant 0 : i32
    %dma_start3A_365 = tpu.memref_slice %arg17[%add3A_127, %dma_start3A_364] : memref<10240x128xf32, #tpu.memory_space<vmem_shared>> -> memref<16x128xf32, #tpu.memory_space<vmem_shared>>
    tpu.enqueue_dma source(%arg16 : memref<16x128xf32, #tpu.memory_space<vmem>>) target(%dma_start3A_365 : memref<16x128xf32, #tpu.memory_space<vmem_shared>>) target_semaphore(%arg23 : memref<!tpu.dma_semaphore, #tpu.memory_space<semaphore_mem>>)
    %dma_wait3A_366 = arith.constant 0 : i32
    %dma_wait3A_367 = tpu.memref_slice %arg17[%add3A_71, %dma_wait3A_366] : memref<10240x128xf32, #tpu.memory_space<vmem_shared>> -> memref<16x128xf32, #tpu.memory_space<vmem_shared>>
    %dma_wait3A_368 = arith.constant 0 : i32
    %dma_wait3A_369 = tpu.memref_slice %arg17[%add3A_71, %dma_wait3A_368] : memref<10240x128xf32, #tpu.memory_space<vmem_shared>> -> memref<16x128xf32, #tpu.memory_space<vmem_shared>>
    tpu.wait_dma2 semaphore(%arg23 : memref<!tpu.dma_semaphore, #tpu.memory_space<semaphore_mem>>) src(%arg16 : memref<16x128xf32, #tpu.memory_space<vmem>>) dst(%dma_wait3A_369 : memref<16x128xf32, #tpu.memory_space<vmem_shared>>)
    %dma_wait3A_370 = arith.constant 0 : i32
    %dma_wait3A_371 = tpu.memref_slice %arg17[%add3A_75, %dma_wait3A_370] : memref<10240x128xf32, #tpu.memory_space<vmem_shared>> -> memref<16x128xf32, #tpu.memory_space<vmem_shared>>
    %dma_wait3A_372 = arith.constant 0 : i32
    %dma_wait3A_373 = tpu.memref_slice %arg17[%add3A_75, %dma_wait3A_372] : memref<10240x128xf32, #tpu.memory_space<vmem_shared>> -> memref<16x128xf32, #tpu.memory_space<vmem_shared>>
    tpu.wait_dma2 semaphore(%arg23 : memref<!tpu.dma_semaphore, #tpu.memory_space<semaphore_mem>>) src(%arg16 : memref<16x128xf32, #tpu.memory_space<vmem>>) dst(%dma_wait3A_373 : memref<16x128xf32, #tpu.memory_space<vmem_shared>>)
    %dma_wait3A_374 = arith.constant 0 : i32
    %dma_wait3A_375 = tpu.memref_slice %arg17[%add3A_79, %dma_wait3A_374] : memref<10240x128xf32, #tpu.memory_space<vmem_shared>> -> memref<16x128xf32, #tpu.memory_space<vmem_shared>>
    %dma_wait3A_376 = arith.constant 0 : i32
    %dma_wait3A_377 = tpu.memref_slice %arg17[%add3A_79, %dma_wait3A_376] : memref<10240x128xf32, #tpu.memory_space<vmem_shared>> -> memref<16x128xf32, #tpu.memory_space<vmem_shared>>
    tpu.wait_dma2 semaphore(%arg23 : memref<!tpu.dma_semaphore, #tpu.memory_space<semaphore_mem>>) src(%arg16 : memref<16x128xf32, #tpu.memory_space<vmem>>) dst(%dma_wait3A_377 : memref<16x128xf32, #tpu.memory_space<vmem_shared>>)
    %dma_wait3A_378 = arith.constant 0 : i32
    %dma_wait3A_379 = tpu.memref_slice %arg17[%add3A_83, %dma_wait3A_378] : memref<10240x128xf32, #tpu.memory_space<vmem_shared>> -> memref<16x128xf32, #tpu.memory_space<vmem_shared>>
    %dma_wait3A_380 = arith.constant 0 : i32
    %dma_wait3A_381 = tpu.memref_slice %arg17[%add3A_83, %dma_wait3A_380] : memref<10240x128xf32, #tpu.memory_space<vmem_shared>> -> memref<16x128xf32, #tpu.memory_space<vmem_shared>>
    tpu.wait_dma2 semaphore(%arg23 : memref<!tpu.dma_semaphore, #tpu.memory_space<semaphore_mem>>) src(%arg16 : memref<16x128xf32, #tpu.memory_space<vmem>>) dst(%dma_wait3A_381 : memref<16x128xf32, #tpu.memory_space<vmem_shared>>)
    %dma_wait3A_382 = arith.constant 0 : i32
    %dma_wait3A_383 = tpu.memref_slice %arg17[%add3A_87, %dma_wait3A_382] : memref<10240x128xf32, #tpu.memory_space<vmem_shared>> -> memref<16x128xf32, #tpu.memory_space<vmem_shared>>
    %dma_wait3A_384 = arith.constant 0 : i32
    %dma_wait3A_385 = tpu.memref_slice %arg17[%add3A_87, %dma_wait3A_384] : memref<10240x128xf32, #tpu.memory_space<vmem_shared>> -> memref<16x128xf32, #tpu.memory_space<vmem_shared>>
    tpu.wait_dma2 semaphore(%arg23 : memref<!tpu.dma_semaphore, #tpu.memory_space<semaphore_mem>>) src(%arg16 : memref<16x128xf32, #tpu.memory_space<vmem>>) dst(%dma_wait3A_385 : memref<16x128xf32, #tpu.memory_space<vmem_shared>>)
    %dma_wait3A_386 = arith.constant 0 : i32
    %dma_wait3A_387 = tpu.memref_slice %arg17[%add3A_91, %dma_wait3A_386] : memref<10240x128xf32, #tpu.memory_space<vmem_shared>> -> memref<16x128xf32, #tpu.memory_space<vmem_shared>>
    %dma_wait3A_388 = arith.constant 0 : i32
    %dma_wait3A_389 = tpu.memref_slice %arg17[%add3A_91, %dma_wait3A_388] : memref<10240x128xf32, #tpu.memory_space<vmem_shared>> -> memref<16x128xf32, #tpu.memory_space<vmem_shared>>
    tpu.wait_dma2 semaphore(%arg23 : memref<!tpu.dma_semaphore, #tpu.memory_space<semaphore_mem>>) src(%arg16 : memref<16x128xf32, #tpu.memory_space<vmem>>) dst(%dma_wait3A_389 : memref<16x128xf32, #tpu.memory_space<vmem_shared>>)
    %dma_wait3A_390 = arith.constant 0 : i32
    %dma_wait3A_391 = tpu.memref_slice %arg17[%add3A_95, %dma_wait3A_390] : memref<10240x128xf32, #tpu.memory_space<vmem_shared>> -> memref<16x128xf32, #tpu.memory_space<vmem_shared>>
    %dma_wait3A_392 = arith.constant 0 : i32
    %dma_wait3A_393 = tpu.memref_slice %arg17[%add3A_95, %dma_wait3A_392] : memref<10240x128xf32, #tpu.memory_space<vmem_shared>> -> memref<16x128xf32, #tpu.memory_space<vmem_shared>>
    tpu.wait_dma2 semaphore(%arg23 : memref<!tpu.dma_semaphore, #tpu.memory_space<semaphore_mem>>) src(%arg16 : memref<16x128xf32, #tpu.memory_space<vmem>>) dst(%dma_wait3A_393 : memref<16x128xf32, #tpu.memory_space<vmem_shared>>)
    %dma_wait3A_394 = arith.constant 0 : i32
    %dma_wait3A_395 = tpu.memref_slice %arg17[%add3A_99, %dma_wait3A_394] : memref<10240x128xf32, #tpu.memory_space<vmem_shared>> -> memref<16x128xf32, #tpu.memory_space<vmem_shared>>
    %dma_wait3A_396 = arith.constant 0 : i32
    %dma_wait3A_397 = tpu.memref_slice %arg17[%add3A_99, %dma_wait3A_396] : memref<10240x128xf32, #tpu.memory_space<vmem_shared>> -> memref<16x128xf32, #tpu.memory_space<vmem_shared>>
    tpu.wait_dma2 semaphore(%arg23 : memref<!tpu.dma_semaphore, #tpu.memory_space<semaphore_mem>>) src(%arg16 : memref<16x128xf32, #tpu.memory_space<vmem>>) dst(%dma_wait3A_397 : memref<16x128xf32, #tpu.memory_space<vmem_shared>>)
    %dma_wait3A_398 = arith.constant 0 : i32
    %dma_wait3A_399 = tpu.memref_slice %arg17[%add3A_103, %dma_wait3A_398] : memref<10240x128xf32, #tpu.memory_space<vmem_shared>> -> memref<16x128xf32, #tpu.memory_space<vmem_shared>>
    %dma_wait3A_400 = arith.constant 0 : i32
    %dma_wait3A_401 = tpu.memref_slice %arg17[%add3A_103, %dma_wait3A_400] : memref<10240x128xf32, #tpu.memory_space<vmem_shared>> -> memref<16x128xf32, #tpu.memory_space<vmem_shared>>
    tpu.wait_dma2 semaphore(%arg23 : memref<!tpu.dma_semaphore, #tpu.memory_space<semaphore_mem>>) src(%arg16 : memref<16x128xf32, #tpu.memory_space<vmem>>) dst(%dma_wait3A_401 : memref<16x128xf32, #tpu.memory_space<vmem_shared>>)
    %dma_wait3A_402 = arith.constant 0 : i32
    %dma_wait3A_403 = tpu.memref_slice %arg17[%add3A_107, %dma_wait3A_402] : memref<10240x128xf32, #tpu.memory_space<vmem_shared>> -> memref<16x128xf32, #tpu.memory_space<vmem_shared>>
    %dma_wait3A_404 = arith.constant 0 : i32
    %dma_wait3A_405 = tpu.memref_slice %arg17[%add3A_107, %dma_wait3A_404] : memref<10240x128xf32, #tpu.memory_space<vmem_shared>> -> memref<16x128xf32, #tpu.memory_space<vmem_shared>>
    tpu.wait_dma2 semaphore(%arg23 : memref<!tpu.dma_semaphore, #tpu.memory_space<semaphore_mem>>) src(%arg16 : memref<16x128xf32, #tpu.memory_space<vmem>>) dst(%dma_wait3A_405 : memref<16x128xf32, #tpu.memory_space<vmem_shared>>)
    %dma_wait3A_406 = arith.constant 0 : i32
    %dma_wait3A_407 = tpu.memref_slice %arg17[%add3A_111, %dma_wait3A_406] : memref<10240x128xf32, #tpu.memory_space<vmem_shared>> -> memref<16x128xf32, #tpu.memory_space<vmem_shared>>
    %dma_wait3A_408 = arith.constant 0 : i32
    %dma_wait3A_409 = tpu.memref_slice %arg17[%add3A_111, %dma_wait3A_408] : memref<10240x128xf32, #tpu.memory_space<vmem_shared>> -> memref<16x128xf32, #tpu.memory_space<vmem_shared>>
    tpu.wait_dma2 semaphore(%arg23 : memref<!tpu.dma_semaphore, #tpu.memory_space<semaphore_mem>>) src(%arg16 : memref<16x128xf32, #tpu.memory_space<vmem>>) dst(%dma_wait3A_409 : memref<16x128xf32, #tpu.memory_space<vmem_shared>>)
    %dma_wait3A_410 = arith.constant 0 : i32
    %dma_wait3A_411 = tpu.memref_slice %arg17[%add3A_115, %dma_wait3A_410] : memref<10240x128xf32, #tpu.memory_space<vmem_shared>> -> memref<16x128xf32, #tpu.memory_space<vmem_shared>>
    %dma_wait3A_412 = arith.constant 0 : i32
    %dma_wait3A_413 = tpu.memref_slice %arg17[%add3A_115, %dma_wait3A_412] : memref<10240x128xf32, #tpu.memory_space<vmem_shared>> -> memref<16x128xf32, #tpu.memory_space<vmem_shared>>
    tpu.wait_dma2 semaphore(%arg23 : memref<!tpu.dma_semaphore, #tpu.memory_space<semaphore_mem>>) src(%arg16 : memref<16x128xf32, #tpu.memory_space<vmem>>) dst(%dma_wait3A_413 : memref<16x128xf32, #tpu.memory_space<vmem_shared>>)
    %dma_wait3A_414 = arith.constant 0 : i32
    %dma_wait3A_415 = tpu.memref_slice %arg17[%add3A_119, %dma_wait3A_414] : memref<10240x128xf32, #tpu.memory_space<vmem_shared>> -> memref<16x128xf32, #tpu.memory_space<vmem_shared>>
    %dma_wait3A_416 = arith.constant 0 : i32
    %dma_wait3A_417 = tpu.memref_slice %arg17[%add3A_119, %dma_wait3A_416] : memref<10240x128xf32, #tpu.memory_space<vmem_shared>> -> memref<16x128xf32, #tpu.memory_space<vmem_shared>>
    tpu.wait_dma2 semaphore(%arg23 : memref<!tpu.dma_semaphore, #tpu.memory_space<semaphore_mem>>) src(%arg16 : memref<16x128xf32, #tpu.memory_space<vmem>>) dst(%dma_wait3A_417 : memref<16x128xf32, #tpu.memory_space<vmem_shared>>)
    %dma_wait3A_418 = arith.constant 0 : i32
    %dma_wait3A_419 = tpu.memref_slice %arg17[%add3A_123, %dma_wait3A_418] : memref<10240x128xf32, #tpu.memory_space<vmem_shared>> -> memref<16x128xf32, #tpu.memory_space<vmem_shared>>
    %dma_wait3A_420 = arith.constant 0 : i32
    %dma_wait3A_421 = tpu.memref_slice %arg17[%add3A_123, %dma_wait3A_420] : memref<10240x128xf32, #tpu.memory_space<vmem_shared>> -> memref<16x128xf32, #tpu.memory_space<vmem_shared>>
    tpu.wait_dma2 semaphore(%arg23 : memref<!tpu.dma_semaphore, #tpu.memory_space<semaphore_mem>>) src(%arg16 : memref<16x128xf32, #tpu.memory_space<vmem>>) dst(%dma_wait3A_421 : memref<16x128xf32, #tpu.memory_space<vmem_shared>>)
    %dma_wait3A_422 = arith.constant 0 : i32
    %dma_wait3A_423 = tpu.memref_slice %arg17[%add3A_127, %dma_wait3A_422] : memref<10240x128xf32, #tpu.memory_space<vmem_shared>> -> memref<16x128xf32, #tpu.memory_space<vmem_shared>>
    %dma_wait3A_424 = arith.constant 0 : i32
    %dma_wait3A_425 = tpu.memref_slice %arg17[%add3A_127, %dma_wait3A_424] : memref<10240x128xf32, #tpu.memory_space<vmem_shared>> -> memref<16x128xf32, #tpu.memory_space<vmem_shared>>
    tpu.wait_dma2 semaphore(%arg23 : memref<!tpu.dma_semaphore, #tpu.memory_space<semaphore_mem>>) src(%arg16 : memref<16x128xf32, #tpu.memory_space<vmem>>) dst(%dma_wait3A_425 : memref<16x128xf32, #tpu.memory_space<vmem_shared>>)
    %dma_start3A_426 = arith.constant 0 : i32
    %dma_start3A_427 = tpu.memref_slice %arg17[%add3A_131, %dma_start3A_426] : memref<10240x128xf32, #tpu.memory_space<vmem_shared>> -> memref<16x128xf32, #tpu.memory_space<vmem_shared>>
    %dma_start3A_428 = arith.constant 0 : i32
    %dma_start3A_429 = tpu.memref_slice %arg17[%add3A_131, %dma_start3A_428] : memref<10240x128xf32, #tpu.memory_space<vmem_shared>> -> memref<16x128xf32, #tpu.memory_space<vmem_shared>>
    tpu.enqueue_dma source(%arg16 : memref<16x128xf32, #tpu.memory_space<vmem>>) target(%dma_start3A_429 : memref<16x128xf32, #tpu.memory_space<vmem_shared>>) target_semaphore(%arg23 : memref<!tpu.dma_semaphore, #tpu.memory_space<semaphore_mem>>)
    %dma_start3A_430 = arith.constant 0 : i32
    %dma_start3A_431 = tpu.memref_slice %arg17[%add3A_135, %dma_start3A_430] : memref<10240x128xf32, #tpu.memory_space<vmem_shared>> -> memref<16x128xf32, #tpu.memory_space<vmem_shared>>
    %dma_start3A_432 = arith.constant 0 : i32
    %dma_start3A_433 = tpu.memref_slice %arg17[%add3A_135, %dma_start3A_432] : memref<10240x128xf32, #tpu.memory_space<vmem_shared>> -> memref<16x128xf32, #tpu.memory_space<vmem_shared>>
    tpu.enqueue_dma source(%arg16 : memref<16x128xf32, #tpu.memory_space<vmem>>) target(%dma_start3A_433 : memref<16x128xf32, #tpu.memory_space<vmem_shared>>) target_semaphore(%arg23 : memref<!tpu.dma_semaphore, #tpu.memory_space<semaphore_mem>>)
    %dma_start3A_434 = arith.constant 0 : i32
    %dma_start3A_435 = tpu.memref_slice %arg17[%add3A_139, %dma_start3A_434] : memref<10240x128xf32, #tpu.memory_space<vmem_shared>> -> memref<16x128xf32, #tpu.memory_space<vmem_shared>>
    %dma_start3A_436 = arith.constant 0 : i32
    %dma_start3A_437 = tpu.memref_slice %arg17[%add3A_139, %dma_start3A_436] : memref<10240x128xf32, #tpu.memory_space<vmem_shared>> -> memref<16x128xf32, #tpu.memory_space<vmem_shared>>
    tpu.enqueue_dma source(%arg16 : memref<16x128xf32, #tpu.memory_space<vmem>>) target(%dma_start3A_437 : memref<16x128xf32, #tpu.memory_space<vmem_shared>>) target_semaphore(%arg23 : memref<!tpu.dma_semaphore, #tpu.memory_space<semaphore_mem>>)
    %dma_start3A_438 = arith.constant 0 : i32
    %dma_start3A_439 = tpu.memref_slice %arg17[%add3A_143, %dma_start3A_438] : memref<10240x128xf32, #tpu.memory_space<vmem_shared>> -> memref<16x128xf32, #tpu.memory_space<vmem_shared>>
    %dma_start3A_440 = arith.constant 0 : i32
    %dma_start3A_441 = tpu.memref_slice %arg17[%add3A_143, %dma_start3A_440] : memref<10240x128xf32, #tpu.memory_space<vmem_shared>> -> memref<16x128xf32, #tpu.memory_space<vmem_shared>>
    tpu.enqueue_dma source(%arg16 : memref<16x128xf32, #tpu.memory_space<vmem>>) target(%dma_start3A_441 : memref<16x128xf32, #tpu.memory_space<vmem_shared>>) target_semaphore(%arg23 : memref<!tpu.dma_semaphore, #tpu.memory_space<semaphore_mem>>)
    %dma_start3A_442 = arith.constant 0 : i32
    %dma_start3A_443 = tpu.memref_slice %arg17[%add3A_147, %dma_start3A_442] : memref<10240x128xf32, #tpu.memory_space<vmem_shared>> -> memref<16x128xf32, #tpu.memory_space<vmem_shared>>
    %dma_start3A_444 = arith.constant 0 : i32
    %dma_start3A_445 = tpu.memref_slice %arg17[%add3A_147, %dma_start3A_444] : memref<10240x128xf32, #tpu.memory_space<vmem_shared>> -> memref<16x128xf32, #tpu.memory_space<vmem_shared>>
    tpu.enqueue_dma source(%arg16 : memref<16x128xf32, #tpu.memory_space<vmem>>) target(%dma_start3A_445 : memref<16x128xf32, #tpu.memory_space<vmem_shared>>) target_semaphore(%arg23 : memref<!tpu.dma_semaphore, #tpu.memory_space<semaphore_mem>>)
    %dma_start3A_446 = arith.constant 0 : i32
    %dma_start3A_447 = tpu.memref_slice %arg17[%add3A_151, %dma_start3A_446] : memref<10240x128xf32, #tpu.memory_space<vmem_shared>> -> memref<16x128xf32, #tpu.memory_space<vmem_shared>>
    %dma_start3A_448 = arith.constant 0 : i32
    %dma_start3A_449 = tpu.memref_slice %arg17[%add3A_151, %dma_start3A_448] : memref<10240x128xf32, #tpu.memory_space<vmem_shared>> -> memref<16x128xf32, #tpu.memory_space<vmem_shared>>
    tpu.enqueue_dma source(%arg16 : memref<16x128xf32, #tpu.memory_space<vmem>>) target(%dma_start3A_449 : memref<16x128xf32, #tpu.memory_space<vmem_shared>>) target_semaphore(%arg23 : memref<!tpu.dma_semaphore, #tpu.memory_space<semaphore_mem>>)
    %dma_start3A_450 = arith.constant 0 : i32
    %dma_start3A_451 = tpu.memref_slice %arg17[%add3A_155, %dma_start3A_450] : memref<10240x128xf32, #tpu.memory_space<vmem_shared>> -> memref<16x128xf32, #tpu.memory_space<vmem_shared>>
    %dma_start3A_452 = arith.constant 0 : i32
    %dma_start3A_453 = tpu.memref_slice %arg17[%add3A_155, %dma_start3A_452] : memref<10240x128xf32, #tpu.memory_space<vmem_shared>> -> memref<16x128xf32, #tpu.memory_space<vmem_shared>>
    tpu.enqueue_dma source(%arg16 : memref<16x128xf32, #tpu.memory_space<vmem>>) target(%dma_start3A_453 : memref<16x128xf32, #tpu.memory_space<vmem_shared>>) target_semaphore(%arg23 : memref<!tpu.dma_semaphore, #tpu.memory_space<semaphore_mem>>)
    %dma_start3A_454 = arith.constant 0 : i32
    %dma_start3A_455 = tpu.memref_slice %arg17[%add3A_159, %dma_start3A_454] : memref<10240x128xf32, #tpu.memory_space<vmem_shared>> -> memref<16x128xf32, #tpu.memory_space<vmem_shared>>
    %dma_start3A_456 = arith.constant 0 : i32
    %dma_start3A_457 = tpu.memref_slice %arg17[%add3A_159, %dma_start3A_456] : memref<10240x128xf32, #tpu.memory_space<vmem_shared>> -> memref<16x128xf32, #tpu.memory_space<vmem_shared>>
    tpu.enqueue_dma source(%arg16 : memref<16x128xf32, #tpu.memory_space<vmem>>) target(%dma_start3A_457 : memref<16x128xf32, #tpu.memory_space<vmem_shared>>) target_semaphore(%arg23 : memref<!tpu.dma_semaphore, #tpu.memory_space<semaphore_mem>>)
    %dma_start3A_458 = arith.constant 0 : i32
    %dma_start3A_459 = tpu.memref_slice %arg17[%add3A_163, %dma_start3A_458] : memref<10240x128xf32, #tpu.memory_space<vmem_shared>> -> memref<16x128xf32, #tpu.memory_space<vmem_shared>>
    %dma_start3A_460 = arith.constant 0 : i32
    %dma_start3A_461 = tpu.memref_slice %arg17[%add3A_163, %dma_start3A_460] : memref<10240x128xf32, #tpu.memory_space<vmem_shared>> -> memref<16x128xf32, #tpu.memory_space<vmem_shared>>
    tpu.enqueue_dma source(%arg16 : memref<16x128xf32, #tpu.memory_space<vmem>>) target(%dma_start3A_461 : memref<16x128xf32, #tpu.memory_space<vmem_shared>>) target_semaphore(%arg23 : memref<!tpu.dma_semaphore, #tpu.memory_space<semaphore_mem>>)
    %dma_start3A_462 = arith.constant 0 : i32
    %dma_start3A_463 = tpu.memref_slice %arg17[%add3A_167, %dma_start3A_462] : memref<10240x128xf32, #tpu.memory_space<vmem_shared>> -> memref<16x128xf32, #tpu.memory_space<vmem_shared>>
    %dma_start3A_464 = arith.constant 0 : i32
    %dma_start3A_465 = tpu.memref_slice %arg17[%add3A_167, %dma_start3A_464] : memref<10240x128xf32, #tpu.memory_space<vmem_shared>> -> memref<16x128xf32, #tpu.memory_space<vmem_shared>>
    tpu.enqueue_dma source(%arg16 : memref<16x128xf32, #tpu.memory_space<vmem>>) target(%dma_start3A_465 : memref<16x128xf32, #tpu.memory_space<vmem_shared>>) target_semaphore(%arg23 : memref<!tpu.dma_semaphore, #tpu.memory_space<semaphore_mem>>)
    %dma_start3A_466 = arith.constant 0 : i32
    %dma_start3A_467 = tpu.memref_slice %arg18[%add3A_171, %dma_start3A_466] : memref<1280x128xf32, #tpu.memory_space<vmem_shared>> -> memref<16x128xf32, #tpu.memory_space<vmem_shared>>
    %dma_start3A_468 = arith.constant 0 : i32
    %dma_start3A_469 = tpu.memref_slice %arg18[%add3A_171, %dma_start3A_468] : memref<1280x128xf32, #tpu.memory_space<vmem_shared>> -> memref<16x128xf32, #tpu.memory_space<vmem_shared>>
    tpu.enqueue_dma source(%arg16 : memref<16x128xf32, #tpu.memory_space<vmem>>) target(%dma_start3A_469 : memref<16x128xf32, #tpu.memory_space<vmem_shared>>) target_semaphore(%arg23 : memref<!tpu.dma_semaphore, #tpu.memory_space<semaphore_mem>>)
    %dma_start3A_470 = arith.constant 0 : i32
    %dma_start3A_471 = tpu.memref_slice %arg18[%add3A_175, %dma_start3A_470] : memref<1280x128xf32, #tpu.memory_space<vmem_shared>> -> memref<16x128xf32, #tpu.memory_space<vmem_shared>>
    %dma_start3A_472 = arith.constant 0 : i32
    %dma_start3A_473 = tpu.memref_slice %arg18[%add3A_175, %dma_start3A_472] : memref<1280x128xf32, #tpu.memory_space<vmem_shared>> -> memref<16x128xf32, #tpu.memory_space<vmem_shared>>
    tpu.enqueue_dma source(%arg16 : memref<16x128xf32, #tpu.memory_space<vmem>>) target(%dma_start3A_473 : memref<16x128xf32, #tpu.memory_space<vmem_shared>>) target_semaphore(%arg23 : memref<!tpu.dma_semaphore, #tpu.memory_space<semaphore_mem>>)
    %dma_start3A_474 = arith.constant 0 : i32
    %dma_start3A_475 = tpu.memref_slice %arg18[%add3A_179, %dma_start3A_474] : memref<1280x128xf32, #tpu.memory_space<vmem_shared>> -> memref<16x128xf32, #tpu.memory_space<vmem_shared>>
    %dma_start3A_476 = arith.constant 0 : i32
    %dma_start3A_477 = tpu.memref_slice %arg18[%add3A_179, %dma_start3A_476] : memref<1280x128xf32, #tpu.memory_space<vmem_shared>> -> memref<16x128xf32, #tpu.memory_space<vmem_shared>>
    tpu.enqueue_dma source(%arg16 : memref<16x128xf32, #tpu.memory_space<vmem>>) target(%dma_start3A_477 : memref<16x128xf32, #tpu.memory_space<vmem_shared>>) target_semaphore(%arg23 : memref<!tpu.dma_semaphore, #tpu.memory_space<semaphore_mem>>)
    %dma_start3A_478 = arith.constant 0 : i32
    %dma_start3A_479 = tpu.memref_slice %arg18[%add3A_183, %dma_start3A_478] : memref<1280x128xf32, #tpu.memory_space<vmem_shared>> -> memref<16x128xf32, #tpu.memory_space<vmem_shared>>
    %dma_start3A_480 = arith.constant 0 : i32
    %dma_start3A_481 = tpu.memref_slice %arg18[%add3A_183, %dma_start3A_480] : memref<1280x128xf32, #tpu.memory_space<vmem_shared>> -> memref<16x128xf32, #tpu.memory_space<vmem_shared>>
    tpu.enqueue_dma source(%arg16 : memref<16x128xf32, #tpu.memory_space<vmem>>) target(%dma_start3A_481 : memref<16x128xf32, #tpu.memory_space<vmem_shared>>) target_semaphore(%arg23 : memref<!tpu.dma_semaphore, #tpu.memory_space<semaphore_mem>>)
    %dma_start3A_482 = arith.constant 0 : i32
    %dma_start3A_483 = tpu.memref_slice %arg18[%add3A_187, %dma_start3A_482] : memref<1280x128xf32, #tpu.memory_space<vmem_shared>> -> memref<16x128xf32, #tpu.memory_space<vmem_shared>>
    %dma_start3A_484 = arith.constant 0 : i32
    %dma_start3A_485 = tpu.memref_slice %arg18[%add3A_187, %dma_start3A_484] : memref<1280x128xf32, #tpu.memory_space<vmem_shared>> -> memref<16x128xf32, #tpu.memory_space<vmem_shared>>
    tpu.enqueue_dma source(%arg16 : memref<16x128xf32, #tpu.memory_space<vmem>>) target(%dma_start3A_485 : memref<16x128xf32, #tpu.memory_space<vmem_shared>>) target_semaphore(%arg23 : memref<!tpu.dma_semaphore, #tpu.memory_space<semaphore_mem>>)
    %dma_wait3A_486 = arith.constant 0 : i32
    %dma_wait3A_487 = tpu.memref_slice %arg17[%add3A_131, %dma_wait3A_486] : memref<10240x128xf32, #tpu.memory_space<vmem_shared>> -> memref<16x128xf32, #tpu.memory_space<vmem_shared>>
    %dma_wait3A_488 = arith.constant 0 : i32
    %dma_wait3A_489 = tpu.memref_slice %arg17[%add3A_131, %dma_wait3A_488] : memref<10240x128xf32, #tpu.memory_space<vmem_shared>> -> memref<16x128xf32, #tpu.memory_space<vmem_shared>>
    tpu.wait_dma2 semaphore(%arg23 : memref<!tpu.dma_semaphore, #tpu.memory_space<semaphore_mem>>) src(%arg16 : memref<16x128xf32, #tpu.memory_space<vmem>>) dst(%dma_wait3A_489 : memref<16x128xf32, #tpu.memory_space<vmem_shared>>)
    %dma_wait3A_490 = arith.constant 0 : i32
    %dma_wait3A_491 = tpu.memref_slice %arg17[%add3A_135, %dma_wait3A_490] : memref<10240x128xf32, #tpu.memory_space<vmem_shared>> -> memref<16x128xf32, #tpu.memory_space<vmem_shared>>
    %dma_wait3A_492 = arith.constant 0 : i32
    %dma_wait3A_493 = tpu.memref_slice %arg17[%add3A_135, %dma_wait3A_492] : memref<10240x128xf32, #tpu.memory_space<vmem_shared>> -> memref<16x128xf32, #tpu.memory_space<vmem_shared>>
    tpu.wait_dma2 semaphore(%arg23 : memref<!tpu.dma_semaphore, #tpu.memory_space<semaphore_mem>>) src(%arg16 : memref<16x128xf32, #tpu.memory_space<vmem>>) dst(%dma_wait3A_493 : memref<16x128xf32, #tpu.memory_space<vmem_shared>>)
    %dma_wait3A_494 = arith.constant 0 : i32
    %dma_wait3A_495 = tpu.memref_slice %arg17[%add3A_139, %dma_wait3A_494] : memref<10240x128xf32, #tpu.memory_space<vmem_shared>> -> memref<16x128xf32, #tpu.memory_space<vmem_shared>>
    %dma_wait3A_496 = arith.constant 0 : i32
    %dma_wait3A_497 = tpu.memref_slice %arg17[%add3A_139, %dma_wait3A_496] : memref<10240x128xf32, #tpu.memory_space<vmem_shared>> -> memref<16x128xf32, #tpu.memory_space<vmem_shared>>
    tpu.wait_dma2 semaphore(%arg23 : memref<!tpu.dma_semaphore, #tpu.memory_space<semaphore_mem>>) src(%arg16 : memref<16x128xf32, #tpu.memory_space<vmem>>) dst(%dma_wait3A_497 : memref<16x128xf32, #tpu.memory_space<vmem_shared>>)
    %dma_wait3A_498 = arith.constant 0 : i32
    %dma_wait3A_499 = tpu.memref_slice %arg17[%add3A_143, %dma_wait3A_498] : memref<10240x128xf32, #tpu.memory_space<vmem_shared>> -> memref<16x128xf32, #tpu.memory_space<vmem_shared>>
    %dma_wait3A_500 = arith.constant 0 : i32
    %dma_wait3A_501 = tpu.memref_slice %arg17[%add3A_143, %dma_wait3A_500] : memref<10240x128xf32, #tpu.memory_space<vmem_shared>> -> memref<16x128xf32, #tpu.memory_space<vmem_shared>>
    tpu.wait_dma2 semaphore(%arg23 : memref<!tpu.dma_semaphore, #tpu.memory_space<semaphore_mem>>) src(%arg16 : memref<16x128xf32, #tpu.memory_space<vmem>>) dst(%dma_wait3A_501 : memref<16x128xf32, #tpu.memory_space<vmem_shared>>)
    %dma_wait3A_502 = arith.constant 0 : i32
    %dma_wait3A_503 = tpu.memref_slice %arg17[%add3A_147, %dma_wait3A_502] : memref<10240x128xf32, #tpu.memory_space<vmem_shared>> -> memref<16x128xf32, #tpu.memory_space<vmem_shared>>
    %dma_wait3A_504 = arith.constant 0 : i32
    %dma_wait3A_505 = tpu.memref_slice %arg17[%add3A_147, %dma_wait3A_504] : memref<10240x128xf32, #tpu.memory_space<vmem_shared>> -> memref<16x128xf32, #tpu.memory_space<vmem_shared>>
    tpu.wait_dma2 semaphore(%arg23 : memref<!tpu.dma_semaphore, #tpu.memory_space<semaphore_mem>>) src(%arg16 : memref<16x128xf32, #tpu.memory_space<vmem>>) dst(%dma_wait3A_505 : memref<16x128xf32, #tpu.memory_space<vmem_shared>>)
    %dma_wait3A_506 = arith.constant 0 : i32
    %dma_wait3A_507 = tpu.memref_slice %arg17[%add3A_151, %dma_wait3A_506] : memref<10240x128xf32, #tpu.memory_space<vmem_shared>> -> memref<16x128xf32, #tpu.memory_space<vmem_shared>>
    %dma_wait3A_508 = arith.constant 0 : i32
    %dma_wait3A_509 = tpu.memref_slice %arg17[%add3A_151, %dma_wait3A_508] : memref<10240x128xf32, #tpu.memory_space<vmem_shared>> -> memref<16x128xf32, #tpu.memory_space<vmem_shared>>
    tpu.wait_dma2 semaphore(%arg23 : memref<!tpu.dma_semaphore, #tpu.memory_space<semaphore_mem>>) src(%arg16 : memref<16x128xf32, #tpu.memory_space<vmem>>) dst(%dma_wait3A_509 : memref<16x128xf32, #tpu.memory_space<vmem_shared>>)
    %dma_wait3A_510 = arith.constant 0 : i32
    %dma_wait3A_511 = tpu.memref_slice %arg17[%add3A_155, %dma_wait3A_510] : memref<10240x128xf32, #tpu.memory_space<vmem_shared>> -> memref<16x128xf32, #tpu.memory_space<vmem_shared>>
    %dma_wait3A_512 = arith.constant 0 : i32
    %dma_wait3A_513 = tpu.memref_slice %arg17[%add3A_155, %dma_wait3A_512] : memref<10240x128xf32, #tpu.memory_space<vmem_shared>> -> memref<16x128xf32, #tpu.memory_space<vmem_shared>>
    tpu.wait_dma2 semaphore(%arg23 : memref<!tpu.dma_semaphore, #tpu.memory_space<semaphore_mem>>) src(%arg16 : memref<16x128xf32, #tpu.memory_space<vmem>>) dst(%dma_wait3A_513 : memref<16x128xf32, #tpu.memory_space<vmem_shared>>)
    %dma_wait3A_514 = arith.constant 0 : i32
    %dma_wait3A_515 = tpu.memref_slice %arg17[%add3A_159, %dma_wait3A_514] : memref<10240x128xf32, #tpu.memory_space<vmem_shared>> -> memref<16x128xf32, #tpu.memory_space<vmem_shared>>
    %dma_wait3A_516 = arith.constant 0 : i32
    %dma_wait3A_517 = tpu.memref_slice %arg17[%add3A_159, %dma_wait3A_516] : memref<10240x128xf32, #tpu.memory_space<vmem_shared>> -> memref<16x128xf32, #tpu.memory_space<vmem_shared>>
    tpu.wait_dma2 semaphore(%arg23 : memref<!tpu.dma_semaphore, #tpu.memory_space<semaphore_mem>>) src(%arg16 : memref<16x128xf32, #tpu.memory_space<vmem>>) dst(%dma_wait3A_517 : memref<16x128xf32, #tpu.memory_space<vmem_shared>>)
    %dma_wait3A_518 = arith.constant 0 : i32
    %dma_wait3A_519 = tpu.memref_slice %arg17[%add3A_163, %dma_wait3A_518] : memref<10240x128xf32, #tpu.memory_space<vmem_shared>> -> memref<16x128xf32, #tpu.memory_space<vmem_shared>>
    %dma_wait3A_520 = arith.constant 0 : i32
    %dma_wait3A_521 = tpu.memref_slice %arg17[%add3A_163, %dma_wait3A_520] : memref<10240x128xf32, #tpu.memory_space<vmem_shared>> -> memref<16x128xf32, #tpu.memory_space<vmem_shared>>
    tpu.wait_dma2 semaphore(%arg23 : memref<!tpu.dma_semaphore, #tpu.memory_space<semaphore_mem>>) src(%arg16 : memref<16x128xf32, #tpu.memory_space<vmem>>) dst(%dma_wait3A_521 : memref<16x128xf32, #tpu.memory_space<vmem_shared>>)
    %dma_wait3A_522 = arith.constant 0 : i32
    %dma_wait3A_523 = tpu.memref_slice %arg17[%add3A_167, %dma_wait3A_522] : memref<10240x128xf32, #tpu.memory_space<vmem_shared>> -> memref<16x128xf32, #tpu.memory_space<vmem_shared>>
    %dma_wait3A_524 = arith.constant 0 : i32
    %dma_wait3A_525 = tpu.memref_slice %arg17[%add3A_167, %dma_wait3A_524] : memref<10240x128xf32, #tpu.memory_space<vmem_shared>> -> memref<16x128xf32, #tpu.memory_space<vmem_shared>>
    tpu.wait_dma2 semaphore(%arg23 : memref<!tpu.dma_semaphore, #tpu.memory_space<semaphore_mem>>) src(%arg16 : memref<16x128xf32, #tpu.memory_space<vmem>>) dst(%dma_wait3A_525 : memref<16x128xf32, #tpu.memory_space<vmem_shared>>)
    %dma_wait3A_526 = arith.constant 0 : i32
    %dma_wait3A_527 = tpu.memref_slice %arg18[%add3A_171, %dma_wait3A_526] : memref<1280x128xf32, #tpu.memory_space<vmem_shared>> -> memref<16x128xf32, #tpu.memory_space<vmem_shared>>
    %dma_wait3A_528 = arith.constant 0 : i32
    %dma_wait3A_529 = tpu.memref_slice %arg18[%add3A_171, %dma_wait3A_528] : memref<1280x128xf32, #tpu.memory_space<vmem_shared>> -> memref<16x128xf32, #tpu.memory_space<vmem_shared>>
    tpu.wait_dma2 semaphore(%arg23 : memref<!tpu.dma_semaphore, #tpu.memory_space<semaphore_mem>>) src(%arg16 : memref<16x128xf32, #tpu.memory_space<vmem>>) dst(%dma_wait3A_529 : memref<16x128xf32, #tpu.memory_space<vmem_shared>>)
    %dma_wait3A_530 = arith.constant 0 : i32
    %dma_wait3A_531 = tpu.memref_slice %arg18[%add3A_175, %dma_wait3A_530] : memref<1280x128xf32, #tpu.memory_space<vmem_shared>> -> memref<16x128xf32, #tpu.memory_space<vmem_shared>>
    %dma_wait3A_532 = arith.constant 0 : i32
    %dma_wait3A_533 = tpu.memref_slice %arg18[%add3A_175, %dma_wait3A_532] : memref<1280x128xf32, #tpu.memory_space<vmem_shared>> -> memref<16x128xf32, #tpu.memory_space<vmem_shared>>
    tpu.wait_dma2 semaphore(%arg23 : memref<!tpu.dma_semaphore, #tpu.memory_space<semaphore_mem>>) src(%arg16 : memref<16x128xf32, #tpu.memory_space<vmem>>) dst(%dma_wait3A_533 : memref<16x128xf32, #tpu.memory_space<vmem_shared>>)
    %dma_wait3A_534 = arith.constant 0 : i32
    %dma_wait3A_535 = tpu.memref_slice %arg18[%add3A_179, %dma_wait3A_534] : memref<1280x128xf32, #tpu.memory_space<vmem_shared>> -> memref<16x128xf32, #tpu.memory_space<vmem_shared>>
    %dma_wait3A_536 = arith.constant 0 : i32
    %dma_wait3A_537 = tpu.memref_slice %arg18[%add3A_179, %dma_wait3A_536] : memref<1280x128xf32, #tpu.memory_space<vmem_shared>> -> memref<16x128xf32, #tpu.memory_space<vmem_shared>>
    tpu.wait_dma2 semaphore(%arg23 : memref<!tpu.dma_semaphore, #tpu.memory_space<semaphore_mem>>) src(%arg16 : memref<16x128xf32, #tpu.memory_space<vmem>>) dst(%dma_wait3A_537 : memref<16x128xf32, #tpu.memory_space<vmem_shared>>)
    %dma_wait3A_538 = arith.constant 0 : i32
    %dma_wait3A_539 = tpu.memref_slice %arg18[%add3A_183, %dma_wait3A_538] : memref<1280x128xf32, #tpu.memory_space<vmem_shared>> -> memref<16x128xf32, #tpu.memory_space<vmem_shared>>
    %dma_wait3A_540 = arith.constant 0 : i32
    %dma_wait3A_541 = tpu.memref_slice %arg18[%add3A_183, %dma_wait3A_540] : memref<1280x128xf32, #tpu.memory_space<vmem_shared>> -> memref<16x128xf32, #tpu.memory_space<vmem_shared>>
    tpu.wait_dma2 semaphore(%arg23 : memref<!tpu.dma_semaphore, #tpu.memory_space<semaphore_mem>>) src(%arg16 : memref<16x128xf32, #tpu.memory_space<vmem>>) dst(%dma_wait3A_541 : memref<16x128xf32, #tpu.memory_space<vmem_shared>>)
    %dma_wait3A_542 = arith.constant 0 : i32
    %dma_wait3A_543 = tpu.memref_slice %arg18[%add3A_187, %dma_wait3A_542] : memref<1280x128xf32, #tpu.memory_space<vmem_shared>> -> memref<16x128xf32, #tpu.memory_space<vmem_shared>>
    %dma_wait3A_544 = arith.constant 0 : i32
    %dma_wait3A_545 = tpu.memref_slice %arg18[%add3A_187, %dma_wait3A_544] : memref<1280x128xf32, #tpu.memory_space<vmem_shared>> -> memref<16x128xf32, #tpu.memory_space<vmem_shared>>
    tpu.wait_dma2 semaphore(%arg23 : memref<!tpu.dma_semaphore, #tpu.memory_space<semaphore_mem>>) src(%arg16 : memref<16x128xf32, #tpu.memory_space<vmem>>) dst(%dma_wait3A_545 : memref<16x128xf32, #tpu.memory_space<vmem_shared>>)
    %barrier3A = arith.constant 0 : index
    tpu.barrier barrier_id(%barrier3A)
    %add3A_546 = arith.constant 0 : i32
    %add3A_547 = arith.addi %mul3A_2, %add3A_546 : i32
    %dma_start3A_548 = tpu.memref_slice %arg4[%add3A_547] : memref<320000xi32, #tpu.memory_space<hbm>> -> memref<64xi32, #tpu.memory_space<hbm>>
    %dma_start3A_549 = tpu.memref_slice %arg4[%add3A_547] : memref<320000xi32, #tpu.memory_space<hbm>> -> memref<64xi32, #tpu.memory_space<hbm>>
    tpu.enqueue_dma source(%dma_start3A_549 : memref<64xi32, #tpu.memory_space<hbm>>) target(%arg7 : memref<64xi32, #tpu.memory_space<vmem>>) target_semaphore(%arg19 : memref<!tpu.dma_semaphore, #tpu.memory_space<semaphore_mem>>)
    %dma_start3A_550 = arith.constant 0 : i32
    %dma_start3A_551 = tpu.memref_slice %arg2[%add3A_547, %dma_start3A_550] : memref<320000x128xf32, #tpu.memory_space<hbm>> -> memref<64x128xf32, #tpu.memory_space<hbm>>
    %dma_start3A_552 = arith.constant 0 : i32
    %dma_start3A_553 = tpu.memref_slice %arg2[%add3A_547, %dma_start3A_552] : memref<320000x128xf32, #tpu.memory_space<hbm>> -> memref<64x128xf32, #tpu.memory_space<hbm>>
    tpu.enqueue_dma source(%dma_start3A_553 : memref<64x128xf32, #tpu.memory_space<hbm>>) target(%arg8 : memref<64x128xf32, #tpu.memory_space<vmem>>) target_semaphore(%arg21 : memref<!tpu.dma_semaphore, #tpu.memory_space<semaphore_mem>>)
    %dma_start3A_554 = arith.constant 0 : i32
    %dma_start3A_555 = tpu.memref_slice %arg3[%add3A_547, %dma_start3A_554] : memref<320000x128xf32, #tpu.memory_space<hbm>> -> memref<64x128xf32, #tpu.memory_space<hbm>>
    %dma_start3A_556 = arith.constant 0 : i32
    %dma_start3A_557 = tpu.memref_slice %arg3[%add3A_547, %dma_start3A_556] : memref<320000x128xf32, #tpu.memory_space<hbm>> -> memref<64x128xf32, #tpu.memory_space<hbm>>
    tpu.enqueue_dma source(%dma_start3A_557 : memref<64x128xf32, #tpu.memory_space<hbm>>) target(%arg9 : memref<64x128xf32, #tpu.memory_space<vmem>>) target_semaphore(%arg21 : memref<!tpu.dma_semaphore, #tpu.memory_space<semaphore_mem>>)
    %add3A_558 = arith.constant 64 : i32
    %add3A_559 = arith.addi %mul3A_2, %add3A_558 : i32
    %dma_start3A_560 = tpu.memref_slice %arg4[%add3A_559] : memref<320000xi32, #tpu.memory_space<hbm>> -> memref<64xi32, #tpu.memory_space<hbm>>
    %dma_start3A_561 = tpu.memref_slice %arg4[%add3A_559] : memref<320000xi32, #tpu.memory_space<hbm>> -> memref<64xi32, #tpu.memory_space<hbm>>
    tpu.enqueue_dma source(%dma_start3A_561 : memref<64xi32, #tpu.memory_space<hbm>>) target(%arg10 : memref<64xi32, #tpu.memory_space<vmem>>) target_semaphore(%arg20 : memref<!tpu.dma_semaphore, #tpu.memory_space<semaphore_mem>>)
    %dma_start3A_562 = arith.constant 0 : i32
    %dma_start3A_563 = tpu.memref_slice %arg2[%add3A_559, %dma_start3A_562] : memref<320000x128xf32, #tpu.memory_space<hbm>> -> memref<64x128xf32, #tpu.memory_space<hbm>>
    %dma_start3A_564 = arith.constant 0 : i32
    %dma_start3A_565 = tpu.memref_slice %arg2[%add3A_559, %dma_start3A_564] : memref<320000x128xf32, #tpu.memory_space<hbm>> -> memref<64x128xf32, #tpu.memory_space<hbm>>
    tpu.enqueue_dma source(%dma_start3A_565 : memref<64x128xf32, #tpu.memory_space<hbm>>) target(%arg11 : memref<64x128xf32, #tpu.memory_space<vmem>>) target_semaphore(%arg22 : memref<!tpu.dma_semaphore, #tpu.memory_space<semaphore_mem>>)
    %dma_start3A_566 = arith.constant 0 : i32
    %dma_start3A_567 = tpu.memref_slice %arg3[%add3A_559, %dma_start3A_566] : memref<320000x128xf32, #tpu.memory_space<hbm>> -> memref<64x128xf32, #tpu.memory_space<hbm>>
    %dma_start3A_568 = arith.constant 0 : i32
    %dma_start3A_569 = tpu.memref_slice %arg3[%add3A_559, %dma_start3A_568] : memref<320000x128xf32, #tpu.memory_space<hbm>> -> memref<64x128xf32, #tpu.memory_space<hbm>>
    tpu.enqueue_dma source(%dma_start3A_569 : memref<64x128xf32, #tpu.memory_space<hbm>>) target(%arg12 : memref<64x128xf32, #tpu.memory_space<vmem>>) target_semaphore(%arg22 : memref<!tpu.dma_semaphore, #tpu.memory_space<semaphore_mem>>)
    %scan3A_570 = arith.constant 0 : i32
    %scan3A_571 = arith.constant 78 : i32
    %scan3A_572 = arith.addi %scan3A_570, %scan3A_571 : i32
    %scan3A_573 = arith.constant 1 : i32
    scf.for %scan3A_702 = %scan3A_570 to %scan3A_572 step %scan3A_573  : i32 {
      %mul3A_703 = arith.constant 1 : i32
      %mul3A_704 = arith.muli %scan3A_702, %mul3A_703 : i32
      %add3A_705 = arith.constant 0 : i32
      %add3A_706 = arith.addi %add3A_705, %mul3A_704 : i32
      %mul3A_707 = arith.constant 2 : i32
      %mul3A_708 = arith.muli %add3A_706, %mul3A_707 : i32
      %add3A_709 = arith.constant 0 : i32
      %add3A_710 = arith.addi %mul3A_708, %add3A_709 : i32
      %dma_wait3A_711 = arith.constant 0 : i32
      %dma_wait3A_712 = tpu.memref_slice %arg4[%dma_wait3A_711] : memref<320000xi32, #tpu.memory_space<hbm>> -> memref<64xi32, #tpu.memory_space<hbm>>
      %dma_wait3A_713 = arith.constant 0 : i32
      %dma_wait3A_714 = tpu.memref_slice %arg4[%dma_wait3A_713] : memref<320000xi32, #tpu.memory_space<hbm>> -> memref<64xi32, #tpu.memory_space<hbm>>
      tpu.wait_dma2 semaphore(%arg19 : memref<!tpu.dma_semaphore, #tpu.memory_space<semaphore_mem>>) src(%dma_wait3A_714 : memref<64xi32, #tpu.memory_space<hbm>>) dst(%arg7 : memref<64xi32, #tpu.memory_space<vmem>>)
      %dma_wait3A_715 = arith.constant 0 : i32
      %dma_wait3A_716 = arith.constant 0 : i32
      %dma_wait3A_717 = tpu.memref_slice %arg2[%dma_wait3A_715, %dma_wait3A_716] : memref<320000x128xf32, #tpu.memory_space<hbm>> -> memref<64x128xf32, #tpu.memory_space<hbm>>
      %dma_wait3A_718 = arith.constant 0 : i32
      %dma_wait3A_719 = arith.constant 0 : i32
      %dma_wait3A_720 = tpu.memref_slice %arg2[%dma_wait3A_718, %dma_wait3A_719] : memref<320000x128xf32, #tpu.memory_space<hbm>> -> memref<64x128xf32, #tpu.memory_space<hbm>>
      tpu.wait_dma2 semaphore(%arg21 : memref<!tpu.dma_semaphore, #tpu.memory_space<semaphore_mem>>) src(%dma_wait3A_720 : memref<64x128xf32, #tpu.memory_space<hbm>>) dst(%arg8 : memref<64x128xf32, #tpu.memory_space<vmem>>)
      %dma_wait3A_721 = arith.constant 0 : i32
      %dma_wait3A_722 = arith.constant 0 : i32
      %dma_wait3A_723 = tpu.memref_slice %arg3[%dma_wait3A_721, %dma_wait3A_722] : memref<320000x128xf32, #tpu.memory_space<hbm>> -> memref<64x128xf32, #tpu.memory_space<hbm>>
      %dma_wait3A_724 = arith.constant 0 : i32
      %dma_wait3A_725 = arith.constant 0 : i32
      %dma_wait3A_726 = tpu.memref_slice %arg3[%dma_wait3A_724, %dma_wait3A_725] : memref<320000x128xf32, #tpu.memory_space<hbm>> -> memref<64x128xf32, #tpu.memory_space<hbm>>
      tpu.wait_dma2 semaphore(%arg21 : memref<!tpu.dma_semaphore, #tpu.memory_space<semaphore_mem>>) src(%dma_wait3A_726 : memref<64x128xf32, #tpu.memory_space<hbm>>) dst(%arg9 : memref<64x128xf32, #tpu.memory_space<vmem>>)
      %scan3A_727 = arith.constant 0 : i32
      %scan3A_728 = arith.constant 4 : i32
      %scan3A_729 = arith.addi %scan3A_727, %scan3A_728 : i32
      %scan3A_730 = arith.constant 1 : i32
      scf.for %scan3A_768 = %scan3A_727 to %scan3A_729 step %scan3A_730  : i32 {
        %mul3A_769 = arith.constant 1 : i32
        %mul3A_770 = arith.muli %scan3A_768, %mul3A_769 : i32
        %add3A_771 = arith.constant 0 : i32
        %add3A_772 = arith.addi %add3A_771, %mul3A_770 : i32
        %mul3A_773 = arith.constant 16 : i32
        %mul3A_774 = arith.muli %add3A_772, %mul3A_773 : i32
        %get3A_775 = arith.index_cast %mul3A_774 : i32 to index
        %get3A_776 = tpu.vector_load %arg7[%get3A_775] {strides = array<i32>} : memref<64xi32, #tpu.memory_space<vmem>>, vector<16xi32>,
        %shift_right_logical3A_777 = arith.constant 3 : i32
        %shift_right_logical3A_778 = vector.broadcast %shift_right_logical3A_777 : i32 to vector<16xi32>
        %shift_right_logical3A_779 = arith.shrui %get3A_776, %shift_right_logical3A_778 : vector<16xi32>
        %mul3A_780 = arith.constant 16 : i32
        %mul3A_781 = arith.muli %add3A_772, %mul3A_780 : i32
        %swap3A_782 = arith.index_cast %mul3A_781 : i32 to index
        %swap3A_783 = tpu.vector_load %arg14[%swap3A_782] {strides = array<i32>} : memref<64xi32, #tpu.memory_space<vmem>>, vector<16xi32>,
        tpu.vector_store %arg14[%swap3A_782], %shift_right_logical3A_779 {strides = array<i32>} : memref<64xi32, #tpu.memory_space<vmem>>, vector<16xi32>,
      }
      %scan3A_731 = arith.constant 4 : i32
      "tpu.region"() ({
        %run_scoped3A = tpu.sem_alloc : memref<!tpu.dma_semaphore, #tpu.memory_space<semaphore_mem>>
        %dma_start3A_768 = arith.constant 0 : i32
        %dma_start3A_769 = arith.constant 0 : i32
        %dma_start3A_770 = tpu.memref_slice %arg17[%dma_start3A_768, %dma_start3A_769] : memref<10240x128xf32, #tpu.memory_space<vmem_shared>> -> memref<10240x128xf32, #tpu.memory_space<vmem_shared>>
        tpu.enqueue_indirect_dma source(%arg8 : memref<64x128xf32, #tpu.memory_space<vmem>>) target(%dma_start3A_770 : memref<10240x128xf32, #tpu.memory_space<vmem_shared>>) offsets(%arg7 : memref<64xi32, #tpu.memory_space<vmem>>) semaphore(%run_scoped3A : memref<!tpu.dma_semaphore, #tpu.memory_space<semaphore_mem>>) {add = true}
        %dma_wait3A_771 = arith.constant 0 : i32
        %dma_wait3A_772 = arith.constant 0 : i32
        %dma_wait3A_773 = tpu.memref_slice %arg17[%dma_wait3A_771, %dma_wait3A_772] : memref<10240x128xf32, #tpu.memory_space<vmem_shared>> -> memref<10240x128xf32, #tpu.memory_space<vmem_shared>>
        tpu.wait_indirect_dma semaphore(%run_scoped3A : memref<!tpu.dma_semaphore, #tpu.memory_space<semaphore_mem>>) src(%arg8 : memref<64x128xf32, #tpu.memory_space<vmem>>) dst(%dma_wait3A_773 : memref<10240x128xf32, #tpu.memory_space<vmem_shared>>)
        tpu.yield
      }) : () -> ()
      "tpu.region"() ({
        %run_scoped3A = tpu.sem_alloc : memref<!tpu.dma_semaphore, #tpu.memory_space<semaphore_mem>>
        %dma_start3A_768 = arith.constant 0 : i32
        %dma_start3A_769 = arith.constant 0 : i32
        %dma_start3A_770 = tpu.memref_slice %arg18[%dma_start3A_768, %dma_start3A_769] : memref<1280x128xf32, #tpu.memory_space<vmem_shared>> -> memref<1280x128xf32, #tpu.memory_space<vmem_shared>>
        tpu.enqueue_indirect_dma source(%arg9 : memref<64x128xf32, #tpu.memory_space<vmem>>) target(%dma_start3A_770 : memref<1280x128xf32, #tpu.memory_space<vmem_shared>>) offsets(%arg14 : memref<64xi32, #tpu.memory_space<vmem>>) semaphore(%run_scoped3A : memref<!tpu.dma_semaphore, #tpu.memory_space<semaphore_mem>>) {add = true}
        %dma_wait3A_771 = arith.constant 0 : i32
        %dma_wait3A_772 = arith.constant 0 : i32
        %dma_wait3A_773 = tpu.memref_slice %arg18[%dma_wait3A_771, %dma_wait3A_772] : memref<1280x128xf32, #tpu.memory_space<vmem_shared>> -> memref<1280x128xf32, #tpu.memory_space<vmem_shared>>
        tpu.wait_indirect_dma semaphore(%run_scoped3A : memref<!tpu.dma_semaphore, #tpu.memory_space<semaphore_mem>>) src(%arg9 : memref<64x128xf32, #tpu.memory_space<vmem>>) dst(%dma_wait3A_773 : memref<1280x128xf32, #tpu.memory_space<vmem_shared>>)
        tpu.yield
      }) : () -> ()
      %add3A_732 = arith.constant 2 : i32
      %add3A_733 = arith.addi %add3A_710, %add3A_732 : i32
      %lt3A = arith.constant 156 : i32
      %lt3A_734 = arith.cmpi slt, %add3A_733, %lt3A : i32
      %convert_element_type3A = arith.extui %lt3A_734 : i1 to i32
      %cond3A = arith.constant 0 : i32
      %cond3A_735 = arith.cmpi ne, %convert_element_type3A, %cond3A : i32
      scf.if %cond3A_735 {
        %add3A_768 = arith.constant 2 : i32
        %add3A_769 = arith.addi %add3A_710, %add3A_768 : i32
        %mul3A_770 = arith.constant 64 : i32
        %mul3A_771 = arith.muli %add3A_769, %mul3A_770 : i32
        %add3A_772 = arith.addi %mul3A_2, %mul3A_771 : i32
        %dma_start3A_773 = tpu.memref_slice %arg4[%add3A_772] : memref<320000xi32, #tpu.memory_space<hbm>> -> memref<64xi32, #tpu.memory_space<hbm>>
        %dma_start3A_774 = tpu.memref_slice %arg4[%add3A_772] : memref<320000xi32, #tpu.memory_space<hbm>> -> memref<64xi32, #tpu.memory_space<hbm>>
        tpu.enqueue_dma source(%dma_start3A_774 : memref<64xi32, #tpu.memory_space<hbm>>) target(%arg7 : memref<64xi32, #tpu.memory_space<vmem>>) target_semaphore(%arg19 : memref<!tpu.dma_semaphore, #tpu.memory_space<semaphore_mem>>)
        %dma_start3A_775 = arith.constant 0 : i32
        %dma_start3A_776 = tpu.memref_slice %arg2[%add3A_772, %dma_start3A_775] : memref<320000x128xf32, #tpu.memory_space<hbm>> -> memref<64x128xf32, #tpu.memory_space<hbm>>
        %dma_start3A_777 = arith.constant 0 : i32
        %dma_start3A_778 = tpu.memref_slice %arg2[%add3A_772, %dma_start3A_777] : memref<320000x128xf32, #tpu.memory_space<hbm>> -> memref<64x128xf32, #tpu.memory_space<hbm>>
        tpu.enqueue_dma source(%dma_start3A_778 : memref<64x128xf32, #tpu.memory_space<hbm>>) target(%arg8 : memref<64x128xf32, #tpu.memory_space<vmem>>) target_semaphore(%arg21 : memref<!tpu.dma_semaphore, #tpu.memory_space<semaphore_mem>>)
        %dma_start3A_779 = arith.constant 0 : i32
        %dma_start3A_780 = tpu.memref_slice %arg3[%add3A_772, %dma_start3A_779] : memref<320000x128xf32, #tpu.memory_space<hbm>> -> memref<64x128xf32, #tpu.memory_space<hbm>>
        %dma_start3A_781 = arith.constant 0 : i32
        %dma_start3A_782 = tpu.memref_slice %arg3[%add3A_772, %dma_start3A_781] : memref<320000x128xf32, #tpu.memory_space<hbm>> -> memref<64x128xf32, #tpu.memory_space<hbm>>
        tpu.enqueue_dma source(%dma_start3A_782 : memref<64x128xf32, #tpu.memory_space<hbm>>) target(%arg9 : memref<64x128xf32, #tpu.memory_space<vmem>>) target_semaphore(%arg21 : memref<!tpu.dma_semaphore, #tpu.memory_space<semaphore_mem>>)
      } else {
      }
      %mul3A_736 = arith.constant 2 : i32
      %mul3A_737 = arith.muli %add3A_706, %mul3A_736 : i32
      %add3A_738 = arith.constant 1 : i32
      %add3A_739 = arith.addi %mul3A_737, %add3A_738 : i32
      %dma_wait3A_740 = arith.constant 0 : i32
      %dma_wait3A_741 = tpu.memref_slice %arg4[%dma_wait3A_740] : memref<320000xi32, #tpu.memory_space<hbm>> -> memref<64xi32, #tpu.memory_space<hbm>>
      %dma_wait3A_742 = arith.constant 0 : i32
      %dma_wait3A_743 = tpu.memref_slice %arg4[%dma_wait3A_742] : memref<320000xi32, #tpu.memory_space<hbm>> -> memref<64xi32, #tpu.memory_space<hbm>>
      tpu.wait_dma2 semaphore(%arg20 : memref<!tpu.dma_semaphore, #tpu.memory_space<semaphore_mem>>) src(%dma_wait3A_743 : memref<64xi32, #tpu.memory_space<hbm>>) dst(%arg10 : memref<64xi32, #tpu.memory_space<vmem>>)
      %dma_wait3A_744 = arith.constant 0 : i32
      %dma_wait3A_745 = arith.constant 0 : i32
      %dma_wait3A_746 = tpu.memref_slice %arg2[%dma_wait3A_744, %dma_wait3A_745] : memref<320000x128xf32, #tpu.memory_space<hbm>> -> memref<64x128xf32, #tpu.memory_space<hbm>>
      %dma_wait3A_747 = arith.constant 0 : i32
      %dma_wait3A_748 = arith.constant 0 : i32
      %dma_wait3A_749 = tpu.memref_slice %arg2[%dma_wait3A_747, %dma_wait3A_748] : memref<320000x128xf32, #tpu.memory_space<hbm>> -> memref<64x128xf32, #tpu.memory_space<hbm>>
      tpu.wait_dma2 semaphore(%arg22 : memref<!tpu.dma_semaphore, #tpu.memory_space<semaphore_mem>>) src(%dma_wait3A_749 : memref<64x128xf32, #tpu.memory_space<hbm>>) dst(%arg11 : memref<64x128xf32, #tpu.memory_space<vmem>>)
      %dma_wait3A_750 = arith.constant 0 : i32
      %dma_wait3A_751 = arith.constant 0 : i32
      %dma_wait3A_752 = tpu.memref_slice %arg3[%dma_wait3A_750, %dma_wait3A_751] : memref<320000x128xf32, #tpu.memory_space<hbm>> -> memref<64x128xf32, #tpu.memory_space<hbm>>
      %dma_wait3A_753 = arith.constant 0 : i32
      %dma_wait3A_754 = arith.constant 0 : i32
      %dma_wait3A_755 = tpu.memref_slice %arg3[%dma_wait3A_753, %dma_wait3A_754] : memref<320000x128xf32, #tpu.memory_space<hbm>> -> memref<64x128xf32, #tpu.memory_space<hbm>>
      tpu.wait_dma2 semaphore(%arg22 : memref<!tpu.dma_semaphore, #tpu.memory_space<semaphore_mem>>) src(%dma_wait3A_755 : memref<64x128xf32, #tpu.memory_space<hbm>>) dst(%arg12 : memref<64x128xf32, #tpu.memory_space<vmem>>)
      %scan3A_756 = arith.constant 0 : i32
      %scan3A_757 = arith.constant 4 : i32
      %scan3A_758 = arith.addi %scan3A_756, %scan3A_757 : i32
      %scan3A_759 = arith.constant 1 : i32
      scf.for %scan3A_768 = %scan3A_756 to %scan3A_758 step %scan3A_759  : i32 {
        %mul3A_769 = arith.constant 1 : i32
        %mul3A_770 = arith.muli %scan3A_768, %mul3A_769 : i32
        %add3A_771 = arith.constant 0 : i32
        %add3A_772 = arith.addi %add3A_771, %mul3A_770 : i32
        %mul3A_773 = arith.constant 16 : i32
        %mul3A_774 = arith.muli %add3A_772, %mul3A_773 : i32
        %get3A_775 = arith.index_cast %mul3A_774 : i32 to index
        %get3A_776 = tpu.vector_load %arg10[%get3A_775] {strides = array<i32>} : memref<64xi32, #tpu.memory_space<vmem>>, vector<16xi32>,
        %shift_right_logical3A_777 = arith.constant 3 : i32
        %shift_right_logical3A_778 = vector.broadcast %shift_right_logical3A_777 : i32 to vector<16xi32>
        %shift_right_logical3A_779 = arith.shrui %get3A_776, %shift_right_logical3A_778 : vector<16xi32>
        %mul3A_780 = arith.constant 16 : i32
        %mul3A_781 = arith.muli %add3A_772, %mul3A_780 : i32
        %swap3A_782 = arith.index_cast %mul3A_781 : i32 to index
        %swap3A_783 = tpu.vector_load %arg14[%swap3A_782] {strides = array<i32>} : memref<64xi32, #tpu.memory_space<vmem>>, vector<16xi32>,
        tpu.vector_store %arg14[%swap3A_782], %shift_right_logical3A_779 {strides = array<i32>} : memref<64xi32, #tpu.memory_space<vmem>>, vector<16xi32>,
      }
      %scan3A_760 = arith.constant 4 : i32
      "tpu.region"() ({
        %run_scoped3A = tpu.sem_alloc : memref<!tpu.dma_semaphore, #tpu.memory_space<semaphore_mem>>
        %dma_start3A_768 = arith.constant 0 : i32
        %dma_start3A_769 = arith.constant 0 : i32
        %dma_start3A_770 = tpu.memref_slice %arg17[%dma_start3A_768, %dma_start3A_769] : memref<10240x128xf32, #tpu.memory_space<vmem_shared>> -> memref<10240x128xf32, #tpu.memory_space<vmem_shared>>
        tpu.enqueue_indirect_dma source(%arg11 : memref<64x128xf32, #tpu.memory_space<vmem>>) target(%dma_start3A_770 : memref<10240x128xf32, #tpu.memory_space<vmem_shared>>) offsets(%arg10 : memref<64xi32, #tpu.memory_space<vmem>>) semaphore(%run_scoped3A : memref<!tpu.dma_semaphore, #tpu.memory_space<semaphore_mem>>) {add = true}
        %dma_wait3A_771 = arith.constant 0 : i32
        %dma_wait3A_772 = arith.constant 0 : i32
        %dma_wait3A_773 = tpu.memref_slice %arg17[%dma_wait3A_771, %dma_wait3A_772] : memref<10240x128xf32, #tpu.memory_space<vmem_shared>> -> memref<10240x128xf32, #tpu.memory_space<vmem_shared>>
        tpu.wait_indirect_dma semaphore(%run_scoped3A : memref<!tpu.dma_semaphore, #tpu.memory_space<semaphore_mem>>) src(%arg11 : memref<64x128xf32, #tpu.memory_space<vmem>>) dst(%dma_wait3A_773 : memref<10240x128xf32, #tpu.memory_space<vmem_shared>>)
        tpu.yield
      }) : () -> ()
      "tpu.region"() ({
        %run_scoped3A = tpu.sem_alloc : memref<!tpu.dma_semaphore, #tpu.memory_space<semaphore_mem>>
        %dma_start3A_768 = arith.constant 0 : i32
        %dma_start3A_769 = arith.constant 0 : i32
        %dma_start3A_770 = tpu.memref_slice %arg18[%dma_start3A_768, %dma_start3A_769] : memref<1280x128xf32, #tpu.memory_space<vmem_shared>> -> memref<1280x128xf32, #tpu.memory_space<vmem_shared>>
        tpu.enqueue_indirect_dma source(%arg12 : memref<64x128xf32, #tpu.memory_space<vmem>>) target(%dma_start3A_770 : memref<1280x128xf32, #tpu.memory_space<vmem_shared>>) offsets(%arg14 : memref<64xi32, #tpu.memory_space<vmem>>) semaphore(%run_scoped3A : memref<!tpu.dma_semaphore, #tpu.memory_space<semaphore_mem>>) {add = true}
        %dma_wait3A_771 = arith.constant 0 : i32
        %dma_wait3A_772 = arith.constant 0 : i32
        %dma_wait3A_773 = tpu.memref_slice %arg18[%dma_wait3A_771, %dma_wait3A_772] : memref<1280x128xf32, #tpu.memory_space<vmem_shared>> -> memref<1280x128xf32, #tpu.memory_space<vmem_shared>>
        tpu.wait_indirect_dma semaphore(%run_scoped3A : memref<!tpu.dma_semaphore, #tpu.memory_space<semaphore_mem>>) src(%arg12 : memref<64x128xf32, #tpu.memory_space<vmem>>) dst(%dma_wait3A_773 : memref<1280x128xf32, #tpu.memory_space<vmem_shared>>)
        tpu.yield
      }) : () -> ()
      %add3A_761 = arith.constant 2 : i32
      %add3A_762 = arith.addi %add3A_739, %add3A_761 : i32
      %lt3A_763 = arith.constant 156 : i32
      %lt3A_764 = arith.cmpi slt, %add3A_762, %lt3A_763 : i32
      %convert_element_type3A_765 = arith.extui %lt3A_764 : i1 to i32
      %cond3A_766 = arith.constant 0 : i32
      %cond3A_767 = arith.cmpi ne, %convert_element_type3A_765, %cond3A_766 : i32
      scf.if %cond3A_767 {
        %add3A_768 = arith.constant 2 : i32
        %add3A_769 = arith.addi %add3A_739, %add3A_768 : i32
        %mul3A_770 = arith.constant 64 : i32
        %mul3A_771 = arith.muli %add3A_769, %mul3A_770 : i32
        %add3A_772 = arith.addi %mul3A_2, %mul3A_771 : i32
        %dma_start3A_773 = tpu.memref_slice %arg4[%add3A_772] : memref<320000xi32, #tpu.memory_space<hbm>> -> memref<64xi32, #tpu.memory_space<hbm>>
        %dma_start3A_774 = tpu.memref_slice %arg4[%add3A_772] : memref<320000xi32, #tpu.memory_space<hbm>> -> memref<64xi32, #tpu.memory_space<hbm>>
        tpu.enqueue_dma source(%dma_start3A_774 : memref<64xi32, #tpu.memory_space<hbm>>) target(%arg10 : memref<64xi32, #tpu.memory_space<vmem>>) target_semaphore(%arg20 : memref<!tpu.dma_semaphore, #tpu.memory_space<semaphore_mem>>)
        %dma_start3A_775 = arith.constant 0 : i32
        %dma_start3A_776 = tpu.memref_slice %arg2[%add3A_772, %dma_start3A_775] : memref<320000x128xf32, #tpu.memory_space<hbm>> -> memref<64x128xf32, #tpu.memory_space<hbm>>
        %dma_start3A_777 = arith.constant 0 : i32
        %dma_start3A_778 = tpu.memref_slice %arg2[%add3A_772, %dma_start3A_777] : memref<320000x128xf32, #tpu.memory_space<hbm>> -> memref<64x128xf32, #tpu.memory_space<hbm>>
        tpu.enqueue_dma source(%dma_start3A_778 : memref<64x128xf32, #tpu.memory_space<hbm>>) target(%arg11 : memref<64x128xf32, #tpu.memory_space<vmem>>) target_semaphore(%arg22 : memref<!tpu.dma_semaphore, #tpu.memory_space<semaphore_mem>>)
        %dma_start3A_779 = arith.constant 0 : i32
        %dma_start3A_780 = tpu.memref_slice %arg3[%add3A_772, %dma_start3A_779] : memref<320000x128xf32, #tpu.memory_space<hbm>> -> memref<64x128xf32, #tpu.memory_space<hbm>>
        %dma_start3A_781 = arith.constant 0 : i32
        %dma_start3A_782 = tpu.memref_slice %arg3[%add3A_772, %dma_start3A_781] : memref<320000x128xf32, #tpu.memory_space<hbm>> -> memref<64x128xf32, #tpu.memory_space<hbm>>
        tpu.enqueue_dma source(%dma_start3A_782 : memref<64x128xf32, #tpu.memory_space<hbm>>) target(%arg12 : memref<64x128xf32, #tpu.memory_space<vmem>>) target_semaphore(%arg22 : memref<!tpu.dma_semaphore, #tpu.memory_space<semaphore_mem>>)
      } else {
      }
    }
    %scan3A_574 = arith.constant 78 : i32
    %add3A_575 = arith.constant 9984 : i32
    %add3A_576 = arith.addi %mul3A_2, %add3A_575 : i32
    "tpu.region"() ({
      %run_scoped3A = tpu.sem_alloc : memref<!tpu.dma_semaphore, #tpu.memory_space<semaphore_mem>>
      %dma_start3A_702 = tpu.memref_slice %arg4[%add3A_576] : memref<320000xi32, #tpu.memory_space<hbm>> -> memref<16xi32, #tpu.memory_space<hbm>>
      %dma_start3A_703 = tpu.memref_slice %arg4[%add3A_576] : memref<320000xi32, #tpu.memory_space<hbm>> -> memref<16xi32, #tpu.memory_space<hbm>>
      tpu.enqueue_dma source(%dma_start3A_703 : memref<16xi32, #tpu.memory_space<hbm>>) target(%arg13 : memref<16xi32, #tpu.memory_space<vmem>>) target_semaphore(%run_scoped3A : memref<!tpu.dma_semaphore, #tpu.memory_space<semaphore_mem>>)
      %dma_wait3A_704 = tpu.memref_slice %arg4[%add3A_576] : memref<320000xi32, #tpu.memory_space<hbm>> -> memref<16xi32, #tpu.memory_space<hbm>>
      %dma_wait3A_705 = tpu.memref_slice %arg4[%add3A_576] : memref<320000xi32, #tpu.memory_space<hbm>> -> memref<16xi32, #tpu.memory_space<hbm>>
      tpu.wait_dma2 semaphore(%run_scoped3A : memref<!tpu.dma_semaphore, #tpu.memory_space<semaphore_mem>>) src(%dma_wait3A_705 : memref<16xi32, #tpu.memory_space<hbm>>) dst(%arg13 : memref<16xi32, #tpu.memory_space<vmem>>)
      tpu.yield
    }) : () -> ()
    "tpu.region"() ({
      %run_scoped3A = tpu.sem_alloc : memref<!tpu.dma_semaphore, #tpu.memory_space<semaphore_mem>>
      %dma_start3A_702 = arith.constant 0 : i32
      %dma_start3A_703 = arith.constant 0 : i32
      %dma_start3A_704 = tpu.memref_slice %arg8[%dma_start3A_702, %dma_start3A_703] : memref<64x128xf32, #tpu.memory_space<vmem>> -> memref<16x128xf32, #tpu.memory_space<vmem>>
      %dma_start3A_705 = arith.constant 0 : i32
      %dma_start3A_706 = tpu.memref_slice %arg2[%add3A_576, %dma_start3A_705] : memref<320000x128xf32, #tpu.memory_space<hbm>> -> memref<16x128xf32, #tpu.memory_space<hbm>>
      %dma_start3A_707 = arith.constant 0 : i32
      %dma_start3A_708 = arith.constant 0 : i32
      %dma_start3A_709 = tpu.memref_slice %arg8[%dma_start3A_707, %dma_start3A_708] : memref<64x128xf32, #tpu.memory_space<vmem>> -> memref<16x128xf32, #tpu.memory_space<vmem>>
      %dma_start3A_710 = arith.constant 0 : i32
      %dma_start3A_711 = tpu.memref_slice %arg2[%add3A_576, %dma_start3A_710] : memref<320000x128xf32, #tpu.memory_space<hbm>> -> memref<16x128xf32, #tpu.memory_space<hbm>>
      tpu.enqueue_dma source(%dma_start3A_711 : memref<16x128xf32, #tpu.memory_space<hbm>>) target(%dma_start3A_709 : memref<16x128xf32, #tpu.memory_space<vmem>>) target_semaphore(%run_scoped3A : memref<!tpu.dma_semaphore, #tpu.memory_space<semaphore_mem>>)
      %dma_wait3A_712 = arith.constant 0 : i32
      %dma_wait3A_713 = arith.constant 0 : i32
      %dma_wait3A_714 = tpu.memref_slice %arg8[%dma_wait3A_712, %dma_wait3A_713] : memref<64x128xf32, #tpu.memory_space<vmem>> -> memref<16x128xf32, #tpu.memory_space<vmem>>
      %dma_wait3A_715 = arith.constant 0 : i32
      %dma_wait3A_716 = tpu.memref_slice %arg2[%add3A_576, %dma_wait3A_715] : memref<320000x128xf32, #tpu.memory_space<hbm>> -> memref<16x128xf32, #tpu.memory_space<hbm>>
      %dma_wait3A_717 = arith.constant 0 : i32
      %dma_wait3A_718 = arith.constant 0 : i32
      %dma_wait3A_719 = tpu.memref_slice %arg8[%dma_wait3A_717, %dma_wait3A_718] : memref<64x128xf32, #tpu.memory_space<vmem>> -> memref<16x128xf32, #tpu.memory_space<vmem>>
      %dma_wait3A_720 = arith.constant 0 : i32
      %dma_wait3A_721 = tpu.memref_slice %arg2[%add3A_576, %dma_wait3A_720] : memref<320000x128xf32, #tpu.memory_space<hbm>> -> memref<16x128xf32, #tpu.memory_space<hbm>>
      tpu.wait_dma2 semaphore(%run_scoped3A : memref<!tpu.dma_semaphore, #tpu.memory_space<semaphore_mem>>) src(%dma_wait3A_721 : memref<16x128xf32, #tpu.memory_space<hbm>>) dst(%dma_wait3A_719 : memref<16x128xf32, #tpu.memory_space<vmem>>)
      tpu.yield
    }) : () -> ()
    "tpu.region"() ({
      %run_scoped3A = tpu.sem_alloc : memref<!tpu.dma_semaphore, #tpu.memory_space<semaphore_mem>>
      %dma_start3A_702 = arith.constant 0 : i32
      %dma_start3A_703 = arith.constant 0 : i32
      %dma_start3A_704 = tpu.memref_slice %arg9[%dma_start3A_702, %dma_start3A_703] : memref<64x128xf32, #tpu.memory_space<vmem>> -> memref<16x128xf32, #tpu.memory_space<vmem>>
      %dma_start3A_705 = arith.constant 0 : i32
      %dma_start3A_706 = tpu.memref_slice %arg3[%add3A_576, %dma_start3A_705] : memref<320000x128xf32, #tpu.memory_space<hbm>> -> memref<16x128xf32, #tpu.memory_space<hbm>>
      %dma_start3A_707 = arith.constant 0 : i32
      %dma_start3A_708 = arith.constant 0 : i32
      %dma_start3A_709 = tpu.memref_slice %arg9[%dma_start3A_707, %dma_start3A_708] : memref<64x128xf32, #tpu.memory_space<vmem>> -> memref<16x128xf32, #tpu.memory_space<vmem>>
      %dma_start3A_710 = arith.constant 0 : i32
      %dma_start3A_711 = tpu.memref_slice %arg3[%add3A_576, %dma_start3A_710] : memref<320000x128xf32, #tpu.memory_space<hbm>> -> memref<16x128xf32, #tpu.memory_space<hbm>>
      tpu.enqueue_dma source(%dma_start3A_711 : memref<16x128xf32, #tpu.memory_space<hbm>>) target(%dma_start3A_709 : memref<16x128xf32, #tpu.memory_space<vmem>>) target_semaphore(%run_scoped3A : memref<!tpu.dma_semaphore, #tpu.memory_space<semaphore_mem>>)
      %dma_wait3A_712 = arith.constant 0 : i32
      %dma_wait3A_713 = arith.constant 0 : i32
      %dma_wait3A_714 = tpu.memref_slice %arg9[%dma_wait3A_712, %dma_wait3A_713] : memref<64x128xf32, #tpu.memory_space<vmem>> -> memref<16x128xf32, #tpu.memory_space<vmem>>
      %dma_wait3A_715 = arith.constant 0 : i32
      %dma_wait3A_716 = tpu.memref_slice %arg3[%add3A_576, %dma_wait3A_715] : memref<320000x128xf32, #tpu.memory_space<hbm>> -> memref<16x128xf32, #tpu.memory_space<hbm>>
      %dma_wait3A_717 = arith.constant 0 : i32
      %dma_wait3A_718 = arith.constant 0 : i32
      %dma_wait3A_719 = tpu.memref_slice %arg9[%dma_wait3A_717, %dma_wait3A_718] : memref<64x128xf32, #tpu.memory_space<vmem>> -> memref<16x128xf32, #tpu.memory_space<vmem>>
      %dma_wait3A_720 = arith.constant 0 : i32
      %dma_wait3A_721 = tpu.memref_slice %arg3[%add3A_576, %dma_wait3A_720] : memref<320000x128xf32, #tpu.memory_space<hbm>> -> memref<16x128xf32, #tpu.memory_space<hbm>>
      tpu.wait_dma2 semaphore(%run_scoped3A : memref<!tpu.dma_semaphore, #tpu.memory_space<semaphore_mem>>) src(%dma_wait3A_721 : memref<16x128xf32, #tpu.memory_space<hbm>>) dst(%dma_wait3A_719 : memref<16x128xf32, #tpu.memory_space<vmem>>)
      tpu.yield
    }) : () -> ()
    %get3A = arith.constant 0 : index
    %get3A_577 = tpu.vector_load %arg13[%get3A] {strides = array<i32>} : memref<16xi32, #tpu.memory_space<vmem>>, vector<16xi32>,
    %shift_right_logical3A = arith.constant 3 : i32
    %shift_right_logical3A_578 = vector.broadcast %shift_right_logical3A : i32 to vector<16xi32>
    %shift_right_logical3A_579 = arith.shrui %get3A_577, %shift_right_logical3A_578 : vector<16xi32>
    %swap3A = arith.constant 0 : index
    %swap3A_580 = tpu.vector_load %arg15[%swap3A] {strides = array<i32>} : memref<16xi32, #tpu.memory_space<vmem>>, vector<16xi32>,
    tpu.vector_store %arg15[%swap3A], %shift_right_logical3A_579 {strides = array<i32>} : memref<16xi32, #tpu.memory_space<vmem>>, vector<16xi32>,
    "tpu.region"() ({
      %run_scoped3A = tpu.sem_alloc : memref<!tpu.dma_semaphore, #tpu.memory_space<semaphore_mem>>
      %dma_start3A_702 = arith.constant 0 : i32
      %dma_start3A_703 = arith.constant 0 : i32
      %dma_start3A_704 = tpu.memref_slice %arg8[%dma_start3A_702, %dma_start3A_703] : memref<64x128xf32, #tpu.memory_space<vmem>> -> memref<16x128xf32, #tpu.memory_space<vmem>>
      %dma_start3A_705 = arith.constant 0 : i32
      %dma_start3A_706 = arith.constant 0 : i32
      %dma_start3A_707 = tpu.memref_slice %arg17[%dma_start3A_705, %dma_start3A_706] : memref<10240x128xf32, #tpu.memory_space<vmem_shared>> -> memref<10240x128xf32, #tpu.memory_space<vmem_shared>>
      tpu.enqueue_indirect_dma source(%dma_start3A_704 : memref<16x128xf32, #tpu.memory_space<vmem>>) target(%dma_start3A_707 : memref<10240x128xf32, #tpu.memory_space<vmem_shared>>) offsets(%arg13 : memref<16xi32, #tpu.memory_space<vmem>>) semaphore(%run_scoped3A : memref<!tpu.dma_semaphore, #tpu.memory_space<semaphore_mem>>) {add = true}
      %dma_wait3A_708 = arith.constant 0 : i32
      %dma_wait3A_709 = arith.constant 0 : i32
      %dma_wait3A_710 = tpu.memref_slice %arg8[%dma_wait3A_708, %dma_wait3A_709] : memref<64x128xf32, #tpu.memory_space<vmem>> -> memref<16x128xf32, #tpu.memory_space<vmem>>
      %dma_wait3A_711 = arith.constant 0 : i32
      %dma_wait3A_712 = arith.constant 0 : i32
      %dma_wait3A_713 = tpu.memref_slice %arg17[%dma_wait3A_711, %dma_wait3A_712] : memref<10240x128xf32, #tpu.memory_space<vmem_shared>> -> memref<10240x128xf32, #tpu.memory_space<vmem_shared>>
      tpu.wait_indirect_dma semaphore(%run_scoped3A : memref<!tpu.dma_semaphore, #tpu.memory_space<semaphore_mem>>) src(%dma_wait3A_710 : memref<16x128xf32, #tpu.memory_space<vmem>>) dst(%dma_wait3A_713 : memref<10240x128xf32, #tpu.memory_space<vmem_shared>>)
      tpu.yield
    }) : () -> ()
    "tpu.region"() ({
      %run_scoped3A = tpu.sem_alloc : memref<!tpu.dma_semaphore, #tpu.memory_space<semaphore_mem>>
      %dma_start3A_702 = arith.constant 0 : i32
      %dma_start3A_703 = arith.constant 0 : i32
      %dma_start3A_704 = tpu.memref_slice %arg9[%dma_start3A_702, %dma_start3A_703] : memref<64x128xf32, #tpu.memory_space<vmem>> -> memref<16x128xf32, #tpu.memory_space<vmem>>
      %dma_start3A_705 = arith.constant 0 : i32
      %dma_start3A_706 = arith.constant 0 : i32
      %dma_start3A_707 = tpu.memref_slice %arg18[%dma_start3A_705, %dma_start3A_706] : memref<1280x128xf32, #tpu.memory_space<vmem_shared>> -> memref<1280x128xf32, #tpu.memory_space<vmem_shared>>
      tpu.enqueue_indirect_dma source(%dma_start3A_704 : memref<16x128xf32, #tpu.memory_space<vmem>>) target(%dma_start3A_707 : memref<1280x128xf32, #tpu.memory_space<vmem_shared>>) offsets(%arg15 : memref<16xi32, #tpu.memory_space<vmem>>) semaphore(%run_scoped3A : memref<!tpu.dma_semaphore, #tpu.memory_space<semaphore_mem>>) {add = true}
      %dma_wait3A_708 = arith.constant 0 : i32
      %dma_wait3A_709 = arith.constant 0 : i32
      %dma_wait3A_710 = tpu.memref_slice %arg9[%dma_wait3A_708, %dma_wait3A_709] : memref<64x128xf32, #tpu.memory_space<vmem>> -> memref<16x128xf32, #tpu.memory_space<vmem>>
      %dma_wait3A_711 = arith.constant 0 : i32
      %dma_wait3A_712 = arith.constant 0 : i32
      %dma_wait3A_713 = tpu.memref_slice %arg18[%dma_wait3A_711, %dma_wait3A_712] : memref<1280x128xf32, #tpu.memory_space<vmem_shared>> -> memref<1280x128xf32, #tpu.memory_space<vmem_shared>>
      tpu.wait_indirect_dma semaphore(%run_scoped3A : memref<!tpu.dma_semaphore, #tpu.memory_space<semaphore_mem>>) src(%dma_wait3A_710 : memref<16x128xf32, #tpu.memory_space<vmem>>) dst(%dma_wait3A_713 : memref<1280x128xf32, #tpu.memory_space<vmem_shared>>)
      tpu.yield
    }) : () -> ()
    %barrier3A_581 = arith.constant 0 : index
    tpu.barrier barrier_id(%barrier3A_581)
    %mul3A_582 = arith.constant 640 : i32
    %mul3A_583 = arith.muli %arg1, %mul3A_582 : i32
    %add3A_584 = arith.constant 0 : i32
    %add3A_585 = arith.addi %mul3A_583, %add3A_584 : i32
    "tpu.region"() ({
      %run_scoped3A = tpu.sem_alloc : memref<!tpu.dma_semaphore, #tpu.memory_space<semaphore_mem>>
      %dma_start3A_702 = arith.constant 0 : i32
      %dma_start3A_703 = tpu.memref_slice %arg17[%add3A_585, %dma_start3A_702] : memref<10240x128xf32, #tpu.memory_space<vmem_shared>> -> memref<64x128xf32, #tpu.memory_space<vmem_shared>>
      %dma_start3A_704 = arith.constant 0 : i32
      %dma_start3A_705 = tpu.memref_slice %arg17[%add3A_585, %dma_start3A_704] : memref<10240x128xf32, #tpu.memory_space<vmem_shared>> -> memref<64x128xf32, #tpu.memory_space<vmem_shared>>
      tpu.enqueue_dma source(%dma_start3A_705 : memref<64x128xf32, #tpu.memory_space<vmem_shared>>) target(%arg8 : memref<64x128xf32, #tpu.memory_space<vmem>>) target_semaphore(%run_scoped3A : memref<!tpu.dma_semaphore, #tpu.memory_space<semaphore_mem>>)
      %dma_wait3A_706 = arith.constant 0 : i32
      %dma_wait3A_707 = tpu.memref_slice %arg17[%add3A_585, %dma_wait3A_706] : memref<10240x128xf32, #tpu.memory_space<vmem_shared>> -> memref<64x128xf32, #tpu.memory_space<vmem_shared>>
      %dma_wait3A_708 = arith.constant 0 : i32
      %dma_wait3A_709 = tpu.memref_slice %arg17[%add3A_585, %dma_wait3A_708] : memref<10240x128xf32, #tpu.memory_space<vmem_shared>> -> memref<64x128xf32, #tpu.memory_space<vmem_shared>>
      tpu.wait_dma2 semaphore(%run_scoped3A : memref<!tpu.dma_semaphore, #tpu.memory_space<semaphore_mem>>) src(%dma_wait3A_709 : memref<64x128xf32, #tpu.memory_space<vmem_shared>>) dst(%arg8 : memref<64x128xf32, #tpu.memory_space<vmem>>)
      tpu.yield
    }) : () -> ()
    %mul3A_586 = arith.constant 640 : i32
    %mul3A_587 = arith.muli %arg1, %mul3A_586 : i32
    %add3A_588 = arith.constant 0 : i32
    %add3A_589 = arith.addi %mul3A_587, %add3A_588 : i32
    "tpu.region"() ({
      %run_scoped3A = tpu.sem_alloc : memref<!tpu.dma_semaphore, #tpu.memory_space<semaphore_mem>>
      %dma_start3A_702 = arith.constant 0 : i32
      %dma_start3A_703 = tpu.memref_slice %arg5[%arg0, %add3A_589, %dma_start3A_702] : memref<2x10240x128xf32, #tpu.memory_space<hbm>> -> memref<1x64x128xf32, #tpu.memory_space<hbm>>
      %dma_start3A_704 = tpu.memref_squeeze %dma_start3A_703 : memref<1x64x128xf32, #tpu.memory_space<hbm>> -> memref<64x128xf32, #tpu.memory_space<hbm>>
      %dma_start3A_705 = arith.constant 0 : i32
      %dma_start3A_706 = tpu.memref_slice %arg5[%arg0, %add3A_589, %dma_start3A_705] : memref<2x10240x128xf32, #tpu.memory_space<hbm>> -> memref<1x64x128xf32, #tpu.memory_space<hbm>>
      %dma_start3A_707 = tpu.memref_squeeze %dma_start3A_706 : memref<1x64x128xf32, #tpu.memory_space<hbm>> -> memref<64x128xf32, #tpu.memory_space<hbm>>
      tpu.enqueue_dma source(%arg8 : memref<64x128xf32, #tpu.memory_space<vmem>>) target(%dma_start3A_707 : memref<64x128xf32, #tpu.memory_space<hbm>>) target_semaphore(%run_scoped3A : memref<!tpu.dma_semaphore, #tpu.memory_space<semaphore_mem>>)
      %dma_wait3A_708 = arith.constant 0 : i32
      %dma_wait3A_709 = tpu.memref_slice %arg5[%arg0, %add3A_589, %dma_wait3A_708] : memref<2x10240x128xf32, #tpu.memory_space<hbm>> -> memref<1x64x128xf32, #tpu.memory_space<hbm>>
      %dma_wait3A_710 = tpu.memref_squeeze %dma_wait3A_709 : memref<1x64x128xf32, #tpu.memory_space<hbm>> -> memref<64x128xf32, #tpu.memory_space<hbm>>
      %dma_wait3A_711 = arith.constant 0 : i32
      %dma_wait3A_712 = tpu.memref_slice %arg5[%arg0, %add3A_589, %dma_wait3A_711] : memref<2x10240x128xf32, #tpu.memory_space<hbm>> -> memref<1x64x128xf32, #tpu.memory_space<hbm>>
      %dma_wait3A_713 = tpu.memref_squeeze %dma_wait3A_712 : memref<1x64x128xf32, #tpu.memory_space<hbm>> -> memref<64x128xf32, #tpu.memory_space<hbm>>
      tpu.wait_dma2 semaphore(%run_scoped3A : memref<!tpu.dma_semaphore, #tpu.memory_space<semaphore_mem>>) src(%arg8 : memref<64x128xf32, #tpu.memory_space<vmem>>) dst(%dma_wait3A_713 : memref<64x128xf32, #tpu.memory_space<hbm>>)
      tpu.yield
    }) : () -> ()
    %mul3A_590 = arith.constant 640 : i32
    %mul3A_591 = arith.muli %arg1, %mul3A_590 : i32
    %add3A_592 = arith.constant 64 : i32
    %add3A_593 = arith.addi %mul3A_591, %add3A_592 : i32
    "tpu.region"() ({
      %run_scoped3A = tpu.sem_alloc : memref<!tpu.dma_semaphore, #tpu.memory_space<semaphore_mem>>
      %dma_start3A_702 = arith.constant 0 : i32
      %dma_start3A_703 = tpu.memref_slice %arg17[%add3A_593, %dma_start3A_702] : memref<10240x128xf32, #tpu.memory_space<vmem_shared>> -> memref<64x128xf32, #tpu.memory_space<vmem_shared>>
      %dma_start3A_704 = arith.constant 0 : i32
      %dma_start3A_705 = tpu.memref_slice %arg17[%add3A_593, %dma_start3A_704] : memref<10240x128xf32, #tpu.memory_space<vmem_shared>> -> memref<64x128xf32, #tpu.memory_space<vmem_shared>>
      tpu.enqueue_dma source(%dma_start3A_705 : memref<64x128xf32, #tpu.memory_space<vmem_shared>>) target(%arg8 : memref<64x128xf32, #tpu.memory_space<vmem>>) target_semaphore(%run_scoped3A : memref<!tpu.dma_semaphore, #tpu.memory_space<semaphore_mem>>)
      %dma_wait3A_706 = arith.constant 0 : i32
      %dma_wait3A_707 = tpu.memref_slice %arg17[%add3A_593, %dma_wait3A_706] : memref<10240x128xf32, #tpu.memory_space<vmem_shared>> -> memref<64x128xf32, #tpu.memory_space<vmem_shared>>
      %dma_wait3A_708 = arith.constant 0 : i32
      %dma_wait3A_709 = tpu.memref_slice %arg17[%add3A_593, %dma_wait3A_708] : memref<10240x128xf32, #tpu.memory_space<vmem_shared>> -> memref<64x128xf32, #tpu.memory_space<vmem_shared>>
      tpu.wait_dma2 semaphore(%run_scoped3A : memref<!tpu.dma_semaphore, #tpu.memory_space<semaphore_mem>>) src(%dma_wait3A_709 : memref<64x128xf32, #tpu.memory_space<vmem_shared>>) dst(%arg8 : memref<64x128xf32, #tpu.memory_space<vmem>>)
      tpu.yield
    }) : () -> ()
    %mul3A_594 = arith.constant 640 : i32
    %mul3A_595 = arith.muli %arg1, %mul3A_594 : i32
    %add3A_596 = arith.constant 64 : i32
    %add3A_597 = arith.addi %mul3A_595, %add3A_596 : i32
    "tpu.region"() ({
      %run_scoped3A = tpu.sem_alloc : memref<!tpu.dma_semaphore, #tpu.memory_space<semaphore_mem>>
      %dma_start3A_702 = arith.constant 0 : i32
      %dma_start3A_703 = tpu.memref_slice %arg5[%arg0, %add3A_597, %dma_start3A_702] : memref<2x10240x128xf32, #tpu.memory_space<hbm>> -> memref<1x64x128xf32, #tpu.memory_space<hbm>>
      %dma_start3A_704 = tpu.memref_squeeze %dma_start3A_703 : memref<1x64x128xf32, #tpu.memory_space<hbm>> -> memref<64x128xf32, #tpu.memory_space<hbm>>
      %dma_start3A_705 = arith.constant 0 : i32
      %dma_start3A_706 = tpu.memref_slice %arg5[%arg0, %add3A_597, %dma_start3A_705] : memref<2x10240x128xf32, #tpu.memory_space<hbm>> -> memref<1x64x128xf32, #tpu.memory_space<hbm>>
      %dma_start3A_707 = tpu.memref_squeeze %dma_start3A_706 : memref<1x64x128xf32, #tpu.memory_space<hbm>> -> memref<64x128xf32, #tpu.memory_space<hbm>>
      tpu.enqueue_dma source(%arg8 : memref<64x128xf32, #tpu.memory_space<vmem>>) target(%dma_start3A_707 : memref<64x128xf32, #tpu.memory_space<hbm>>) target_semaphore(%run_scoped3A : memref<!tpu.dma_semaphore, #tpu.memory_space<semaphore_mem>>)
      %dma_wait3A_708 = arith.constant 0 : i32
      %dma_wait3A_709 = tpu.memref_slice %arg5[%arg0, %add3A_597, %dma_wait3A_708] : memref<2x10240x128xf32, #tpu.memory_space<hbm>> -> memref<1x64x128xf32, #tpu.memory_space<hbm>>
      %dma_wait3A_710 = tpu.memref_squeeze %dma_wait3A_709 : memref<1x64x128xf32, #tpu.memory_space<hbm>> -> memref<64x128xf32, #tpu.memory_space<hbm>>
      %dma_wait3A_711 = arith.constant 0 : i32
      %dma_wait3A_712 = tpu.memref_slice %arg5[%arg0, %add3A_597, %dma_wait3A_711] : memref<2x10240x128xf32, #tpu.memory_space<hbm>> -> memref<1x64x128xf32, #tpu.memory_space<hbm>>
      %dma_wait3A_713 = tpu.memref_squeeze %dma_wait3A_712 : memref<1x64x128xf32, #tpu.memory_space<hbm>> -> memref<64x128xf32, #tpu.memory_space<hbm>>
      tpu.wait_dma2 semaphore(%run_scoped3A : memref<!tpu.dma_semaphore, #tpu.memory_space<semaphore_mem>>) src(%arg8 : memref<64x128xf32, #tpu.memory_space<vmem>>) dst(%dma_wait3A_713 : memref<64x128xf32, #tpu.memory_space<hbm>>)
      tpu.yield
    }) : () -> ()
    %mul3A_598 = arith.constant 640 : i32
    %mul3A_599 = arith.muli %arg1, %mul3A_598 : i32
    %add3A_600 = arith.constant 128 : i32
    %add3A_601 = arith.addi %mul3A_599, %add3A_600 : i32
    "tpu.region"() ({
      %run_scoped3A = tpu.sem_alloc : memref<!tpu.dma_semaphore, #tpu.memory_space<semaphore_mem>>
      %dma_start3A_702 = arith.constant 0 : i32
      %dma_start3A_703 = tpu.memref_slice %arg17[%add3A_601, %dma_start3A_702] : memref<10240x128xf32, #tpu.memory_space<vmem_shared>> -> memref<64x128xf32, #tpu.memory_space<vmem_shared>>
      %dma_start3A_704 = arith.constant 0 : i32
      %dma_start3A_705 = tpu.memref_slice %arg17[%add3A_601, %dma_start3A_704] : memref<10240x128xf32, #tpu.memory_space<vmem_shared>> -> memref<64x128xf32, #tpu.memory_space<vmem_shared>>
      tpu.enqueue_dma source(%dma_start3A_705 : memref<64x128xf32, #tpu.memory_space<vmem_shared>>) target(%arg8 : memref<64x128xf32, #tpu.memory_space<vmem>>) target_semaphore(%run_scoped3A : memref<!tpu.dma_semaphore, #tpu.memory_space<semaphore_mem>>)
      %dma_wait3A_706 = arith.constant 0 : i32
      %dma_wait3A_707 = tpu.memref_slice %arg17[%add3A_601, %dma_wait3A_706] : memref<10240x128xf32, #tpu.memory_space<vmem_shared>> -> memref<64x128xf32, #tpu.memory_space<vmem_shared>>
      %dma_wait3A_708 = arith.constant 0 : i32
      %dma_wait3A_709 = tpu.memref_slice %arg17[%add3A_601, %dma_wait3A_708] : memref<10240x128xf32, #tpu.memory_space<vmem_shared>> -> memref<64x128xf32, #tpu.memory_space<vmem_shared>>
      tpu.wait_dma2 semaphore(%run_scoped3A : memref<!tpu.dma_semaphore, #tpu.memory_space<semaphore_mem>>) src(%dma_wait3A_709 : memref<64x128xf32, #tpu.memory_space<vmem_shared>>) dst(%arg8 : memref<64x128xf32, #tpu.memory_space<vmem>>)
      tpu.yield
    }) : () -> ()
    %mul3A_602 = arith.constant 640 : i32
    %mul3A_603 = arith.muli %arg1, %mul3A_602 : i32
    %add3A_604 = arith.constant 128 : i32
    %add3A_605 = arith.addi %mul3A_603, %add3A_604 : i32
    "tpu.region"() ({
      %run_scoped3A = tpu.sem_alloc : memref<!tpu.dma_semaphore, #tpu.memory_space<semaphore_mem>>
      %dma_start3A_702 = arith.constant 0 : i32
      %dma_start3A_703 = tpu.memref_slice %arg5[%arg0, %add3A_605, %dma_start3A_702] : memref<2x10240x128xf32, #tpu.memory_space<hbm>> -> memref<1x64x128xf32, #tpu.memory_space<hbm>>
      %dma_start3A_704 = tpu.memref_squeeze %dma_start3A_703 : memref<1x64x128xf32, #tpu.memory_space<hbm>> -> memref<64x128xf32, #tpu.memory_space<hbm>>
      %dma_start3A_705 = arith.constant 0 : i32
      %dma_start3A_706 = tpu.memref_slice %arg5[%arg0, %add3A_605, %dma_start3A_705] : memref<2x10240x128xf32, #tpu.memory_space<hbm>> -> memref<1x64x128xf32, #tpu.memory_space<hbm>>
      %dma_start3A_707 = tpu.memref_squeeze %dma_start3A_706 : memref<1x64x128xf32, #tpu.memory_space<hbm>> -> memref<64x128xf32, #tpu.memory_space<hbm>>
      tpu.enqueue_dma source(%arg8 : memref<64x128xf32, #tpu.memory_space<vmem>>) target(%dma_start3A_707 : memref<64x128xf32, #tpu.memory_space<hbm>>) target_semaphore(%run_scoped3A : memref<!tpu.dma_semaphore, #tpu.memory_space<semaphore_mem>>)
      %dma_wait3A_708 = arith.constant 0 : i32
      %dma_wait3A_709 = tpu.memref_slice %arg5[%arg0, %add3A_605, %dma_wait3A_708] : memref<2x10240x128xf32, #tpu.memory_space<hbm>> -> memref<1x64x128xf32, #tpu.memory_space<hbm>>
      %dma_wait3A_710 = tpu.memref_squeeze %dma_wait3A_709 : memref<1x64x128xf32, #tpu.memory_space<hbm>> -> memref<64x128xf32, #tpu.memory_space<hbm>>
      %dma_wait3A_711 = arith.constant 0 : i32
      %dma_wait3A_712 = tpu.memref_slice %arg5[%arg0, %add3A_605, %dma_wait3A_711] : memref<2x10240x128xf32, #tpu.memory_space<hbm>> -> memref<1x64x128xf32, #tpu.memory_space<hbm>>
      %dma_wait3A_713 = tpu.memref_squeeze %dma_wait3A_712 : memref<1x64x128xf32, #tpu.memory_space<hbm>> -> memref<64x128xf32, #tpu.memory_space<hbm>>
      tpu.wait_dma2 semaphore(%run_scoped3A : memref<!tpu.dma_semaphore, #tpu.memory_space<semaphore_mem>>) src(%arg8 : memref<64x128xf32, #tpu.memory_space<vmem>>) dst(%dma_wait3A_713 : memref<64x128xf32, #tpu.memory_space<hbm>>)
      tpu.yield
    }) : () -> ()
    %mul3A_606 = arith.constant 640 : i32
    %mul3A_607 = arith.muli %arg1, %mul3A_606 : i32
    %add3A_608 = arith.constant 192 : i32
    %add3A_609 = arith.addi %mul3A_607, %add3A_608 : i32
    "tpu.region"() ({
      %run_scoped3A = tpu.sem_alloc : memref<!tpu.dma_semaphore, #tpu.memory_space<semaphore_mem>>
      %dma_start3A_702 = arith.constant 0 : i32
      %dma_start3A_703 = tpu.memref_slice %arg17[%add3A_609, %dma_start3A_702] : memref<10240x128xf32, #tpu.memory_space<vmem_shared>> -> memref<64x128xf32, #tpu.memory_space<vmem_shared>>
      %dma_start3A_704 = arith.constant 0 : i32
      %dma_start3A_705 = tpu.memref_slice %arg17[%add3A_609, %dma_start3A_704] : memref<10240x128xf32, #tpu.memory_space<vmem_shared>> -> memref<64x128xf32, #tpu.memory_space<vmem_shared>>
      tpu.enqueue_dma source(%dma_start3A_705 : memref<64x128xf32, #tpu.memory_space<vmem_shared>>) target(%arg8 : memref<64x128xf32, #tpu.memory_space<vmem>>) target_semaphore(%run_scoped3A : memref<!tpu.dma_semaphore, #tpu.memory_space<semaphore_mem>>)
      %dma_wait3A_706 = arith.constant 0 : i32
      %dma_wait3A_707 = tpu.memref_slice %arg17[%add3A_609, %dma_wait3A_706] : memref<10240x128xf32, #tpu.memory_space<vmem_shared>> -> memref<64x128xf32, #tpu.memory_space<vmem_shared>>
      %dma_wait3A_708 = arith.constant 0 : i32
      %dma_wait3A_709 = tpu.memref_slice %arg17[%add3A_609, %dma_wait3A_708] : memref<10240x128xf32, #tpu.memory_space<vmem_shared>> -> memref<64x128xf32, #tpu.memory_space<vmem_shared>>
      tpu.wait_dma2 semaphore(%run_scoped3A : memref<!tpu.dma_semaphore, #tpu.memory_space<semaphore_mem>>) src(%dma_wait3A_709 : memref<64x128xf32, #tpu.memory_space<vmem_shared>>) dst(%arg8 : memref<64x128xf32, #tpu.memory_space<vmem>>)
      tpu.yield
    }) : () -> ()
    %mul3A_610 = arith.constant 640 : i32
    %mul3A_611 = arith.muli %arg1, %mul3A_610 : i32
    %add3A_612 = arith.constant 192 : i32
    %add3A_613 = arith.addi %mul3A_611, %add3A_612 : i32
    "tpu.region"() ({
      %run_scoped3A = tpu.sem_alloc : memref<!tpu.dma_semaphore, #tpu.memory_space<semaphore_mem>>
      %dma_start3A_702 = arith.constant 0 : i32
      %dma_start3A_703 = tpu.memref_slice %arg5[%arg0, %add3A_613, %dma_start3A_702] : memref<2x10240x128xf32, #tpu.memory_space<hbm>> -> memref<1x64x128xf32, #tpu.memory_space<hbm>>
      %dma_start3A_704 = tpu.memref_squeeze %dma_start3A_703 : memref<1x64x128xf32, #tpu.memory_space<hbm>> -> memref<64x128xf32, #tpu.memory_space<hbm>>
      %dma_start3A_705 = arith.constant 0 : i32
      %dma_start3A_706 = tpu.memref_slice %arg5[%arg0, %add3A_613, %dma_start3A_705] : memref<2x10240x128xf32, #tpu.memory_space<hbm>> -> memref<1x64x128xf32, #tpu.memory_space<hbm>>
      %dma_start3A_707 = tpu.memref_squeeze %dma_start3A_706 : memref<1x64x128xf32, #tpu.memory_space<hbm>> -> memref<64x128xf32, #tpu.memory_space<hbm>>
      tpu.enqueue_dma source(%arg8 : memref<64x128xf32, #tpu.memory_space<vmem>>) target(%dma_start3A_707 : memref<64x128xf32, #tpu.memory_space<hbm>>) target_semaphore(%run_scoped3A : memref<!tpu.dma_semaphore, #tpu.memory_space<semaphore_mem>>)
      %dma_wait3A_708 = arith.constant 0 : i32
      %dma_wait3A_709 = tpu.memref_slice %arg5[%arg0, %add3A_613, %dma_wait3A_708] : memref<2x10240x128xf32, #tpu.memory_space<hbm>> -> memref<1x64x128xf32, #tpu.memory_space<hbm>>
      %dma_wait3A_710 = tpu.memref_squeeze %dma_wait3A_709 : memref<1x64x128xf32, #tpu.memory_space<hbm>> -> memref<64x128xf32, #tpu.memory_space<hbm>>
      %dma_wait3A_711 = arith.constant 0 : i32
      %dma_wait3A_712 = tpu.memref_slice %arg5[%arg0, %add3A_613, %dma_wait3A_711] : memref<2x10240x128xf32, #tpu.memory_space<hbm>> -> memref<1x64x128xf32, #tpu.memory_space<hbm>>
      %dma_wait3A_713 = tpu.memref_squeeze %dma_wait3A_712 : memref<1x64x128xf32, #tpu.memory_space<hbm>> -> memref<64x128xf32, #tpu.memory_space<hbm>>
      tpu.wait_dma2 semaphore(%run_scoped3A : memref<!tpu.dma_semaphore, #tpu.memory_space<semaphore_mem>>) src(%arg8 : memref<64x128xf32, #tpu.memory_space<vmem>>) dst(%dma_wait3A_713 : memref<64x128xf32, #tpu.memory_space<hbm>>)
      tpu.yield
    }) : () -> ()
    %mul3A_614 = arith.constant 640 : i32
    %mul3A_615 = arith.muli %arg1, %mul3A_614 : i32
    %add3A_616 = arith.constant 256 : i32
    %add3A_617 = arith.addi %mul3A_615, %add3A_616 : i32
    "tpu.region"() ({
      %run_scoped3A = tpu.sem_alloc : memref<!tpu.dma_semaphore, #tpu.memory_space<semaphore_mem>>
      %dma_start3A_702 = arith.constant 0 : i32
      %dma_start3A_703 = tpu.memref_slice %arg17[%add3A_617, %dma_start3A_702] : memref<10240x128xf32, #tpu.memory_space<vmem_shared>> -> memref<64x128xf32, #tpu.memory_space<vmem_shared>>
      %dma_start3A_704 = arith.constant 0 : i32
      %dma_start3A_705 = tpu.memref_slice %arg17[%add3A_617, %dma_start3A_704] : memref<10240x128xf32, #tpu.memory_space<vmem_shared>> -> memref<64x128xf32, #tpu.memory_space<vmem_shared>>
      tpu.enqueue_dma source(%dma_start3A_705 : memref<64x128xf32, #tpu.memory_space<vmem_shared>>) target(%arg8 : memref<64x128xf32, #tpu.memory_space<vmem>>) target_semaphore(%run_scoped3A : memref<!tpu.dma_semaphore, #tpu.memory_space<semaphore_mem>>)
      %dma_wait3A_706 = arith.constant 0 : i32
      %dma_wait3A_707 = tpu.memref_slice %arg17[%add3A_617, %dma_wait3A_706] : memref<10240x128xf32, #tpu.memory_space<vmem_shared>> -> memref<64x128xf32, #tpu.memory_space<vmem_shared>>
      %dma_wait3A_708 = arith.constant 0 : i32
      %dma_wait3A_709 = tpu.memref_slice %arg17[%add3A_617, %dma_wait3A_708] : memref<10240x128xf32, #tpu.memory_space<vmem_shared>> -> memref<64x128xf32, #tpu.memory_space<vmem_shared>>
      tpu.wait_dma2 semaphore(%run_scoped3A : memref<!tpu.dma_semaphore, #tpu.memory_space<semaphore_mem>>) src(%dma_wait3A_709 : memref<64x128xf32, #tpu.memory_space<vmem_shared>>) dst(%arg8 : memref<64x128xf32, #tpu.memory_space<vmem>>)
      tpu.yield
    }) : () -> ()
    %mul3A_618 = arith.constant 640 : i32
    %mul3A_619 = arith.muli %arg1, %mul3A_618 : i32
    %add3A_620 = arith.constant 256 : i32
    %add3A_621 = arith.addi %mul3A_619, %add3A_620 : i32
    "tpu.region"() ({
      %run_scoped3A = tpu.sem_alloc : memref<!tpu.dma_semaphore, #tpu.memory_space<semaphore_mem>>
      %dma_start3A_702 = arith.constant 0 : i32
      %dma_start3A_703 = tpu.memref_slice %arg5[%arg0, %add3A_621, %dma_start3A_702] : memref<2x10240x128xf32, #tpu.memory_space<hbm>> -> memref<1x64x128xf32, #tpu.memory_space<hbm>>
      %dma_start3A_704 = tpu.memref_squeeze %dma_start3A_703 : memref<1x64x128xf32, #tpu.memory_space<hbm>> -> memref<64x128xf32, #tpu.memory_space<hbm>>
      %dma_start3A_705 = arith.constant 0 : i32
      %dma_start3A_706 = tpu.memref_slice %arg5[%arg0, %add3A_621, %dma_start3A_705] : memref<2x10240x128xf32, #tpu.memory_space<hbm>> -> memref<1x64x128xf32, #tpu.memory_space<hbm>>
      %dma_start3A_707 = tpu.memref_squeeze %dma_start3A_706 : memref<1x64x128xf32, #tpu.memory_space<hbm>> -> memref<64x128xf32, #tpu.memory_space<hbm>>
      tpu.enqueue_dma source(%arg8 : memref<64x128xf32, #tpu.memory_space<vmem>>) target(%dma_start3A_707 : memref<64x128xf32, #tpu.memory_space<hbm>>) target_semaphore(%run_scoped3A : memref<!tpu.dma_semaphore, #tpu.memory_space<semaphore_mem>>)
      %dma_wait3A_708 = arith.constant 0 : i32
      %dma_wait3A_709 = tpu.memref_slice %arg5[%arg0, %add3A_621, %dma_wait3A_708] : memref<2x10240x128xf32, #tpu.memory_space<hbm>> -> memref<1x64x128xf32, #tpu.memory_space<hbm>>
      %dma_wait3A_710 = tpu.memref_squeeze %dma_wait3A_709 : memref<1x64x128xf32, #tpu.memory_space<hbm>> -> memref<64x128xf32, #tpu.memory_space<hbm>>
      %dma_wait3A_711 = arith.constant 0 : i32
      %dma_wait3A_712 = tpu.memref_slice %arg5[%arg0, %add3A_621, %dma_wait3A_711] : memref<2x10240x128xf32, #tpu.memory_space<hbm>> -> memref<1x64x128xf32, #tpu.memory_space<hbm>>
      %dma_wait3A_713 = tpu.memref_squeeze %dma_wait3A_712 : memref<1x64x128xf32, #tpu.memory_space<hbm>> -> memref<64x128xf32, #tpu.memory_space<hbm>>
      tpu.wait_dma2 semaphore(%run_scoped3A : memref<!tpu.dma_semaphore, #tpu.memory_space<semaphore_mem>>) src(%arg8 : memref<64x128xf32, #tpu.memory_space<vmem>>) dst(%dma_wait3A_713 : memref<64x128xf32, #tpu.memory_space<hbm>>)
      tpu.yield
    }) : () -> ()
    %mul3A_622 = arith.constant 640 : i32
    %mul3A_623 = arith.muli %arg1, %mul3A_622 : i32
    %add3A_624 = arith.constant 320 : i32
    %add3A_625 = arith.addi %mul3A_623, %add3A_624 : i32
    "tpu.region"() ({
      %run_scoped3A = tpu.sem_alloc : memref<!tpu.dma_semaphore, #tpu.memory_space<semaphore_mem>>
      %dma_start3A_702 = arith.constant 0 : i32
      %dma_start3A_703 = tpu.memref_slice %arg17[%add3A_625, %dma_start3A_702] : memref<10240x128xf32, #tpu.memory_space<vmem_shared>> -> memref<64x128xf32, #tpu.memory_space<vmem_shared>>
      %dma_start3A_704 = arith.constant 0 : i32
      %dma_start3A_705 = tpu.memref_slice %arg17[%add3A_625, %dma_start3A_704] : memref<10240x128xf32, #tpu.memory_space<vmem_shared>> -> memref<64x128xf32, #tpu.memory_space<vmem_shared>>
      tpu.enqueue_dma source(%dma_start3A_705 : memref<64x128xf32, #tpu.memory_space<vmem_shared>>) target(%arg8 : memref<64x128xf32, #tpu.memory_space<vmem>>) target_semaphore(%run_scoped3A : memref<!tpu.dma_semaphore, #tpu.memory_space<semaphore_mem>>)
      %dma_wait3A_706 = arith.constant 0 : i32
      %dma_wait3A_707 = tpu.memref_slice %arg17[%add3A_625, %dma_wait3A_706] : memref<10240x128xf32, #tpu.memory_space<vmem_shared>> -> memref<64x128xf32, #tpu.memory_space<vmem_shared>>
      %dma_wait3A_708 = arith.constant 0 : i32
      %dma_wait3A_709 = tpu.memref_slice %arg17[%add3A_625, %dma_wait3A_708] : memref<10240x128xf32, #tpu.memory_space<vmem_shared>> -> memref<64x128xf32, #tpu.memory_space<vmem_shared>>
      tpu.wait_dma2 semaphore(%run_scoped3A : memref<!tpu.dma_semaphore, #tpu.memory_space<semaphore_mem>>) src(%dma_wait3A_709 : memref<64x128xf32, #tpu.memory_space<vmem_shared>>) dst(%arg8 : memref<64x128xf32, #tpu.memory_space<vmem>>)
      tpu.yield
    }) : () -> ()
    %mul3A_626 = arith.constant 640 : i32
    %mul3A_627 = arith.muli %arg1, %mul3A_626 : i32
    %add3A_628 = arith.constant 320 : i32
    %add3A_629 = arith.addi %mul3A_627, %add3A_628 : i32
    "tpu.region"() ({
      %run_scoped3A = tpu.sem_alloc : memref<!tpu.dma_semaphore, #tpu.memory_space<semaphore_mem>>
      %dma_start3A_702 = arith.constant 0 : i32
      %dma_start3A_703 = tpu.memref_slice %arg5[%arg0, %add3A_629, %dma_start3A_702] : memref<2x10240x128xf32, #tpu.memory_space<hbm>> -> memref<1x64x128xf32, #tpu.memory_space<hbm>>
      %dma_start3A_704 = tpu.memref_squeeze %dma_start3A_703 : memref<1x64x128xf32, #tpu.memory_space<hbm>> -> memref<64x128xf32, #tpu.memory_space<hbm>>
      %dma_start3A_705 = arith.constant 0 : i32
      %dma_start3A_706 = tpu.memref_slice %arg5[%arg0, %add3A_629, %dma_start3A_705] : memref<2x10240x128xf32, #tpu.memory_space<hbm>> -> memref<1x64x128xf32, #tpu.memory_space<hbm>>
      %dma_start3A_707 = tpu.memref_squeeze %dma_start3A_706 : memref<1x64x128xf32, #tpu.memory_space<hbm>> -> memref<64x128xf32, #tpu.memory_space<hbm>>
      tpu.enqueue_dma source(%arg8 : memref<64x128xf32, #tpu.memory_space<vmem>>) target(%dma_start3A_707 : memref<64x128xf32, #tpu.memory_space<hbm>>) target_semaphore(%run_scoped3A : memref<!tpu.dma_semaphore, #tpu.memory_space<semaphore_mem>>)
      %dma_wait3A_708 = arith.constant 0 : i32
      %dma_wait3A_709 = tpu.memref_slice %arg5[%arg0, %add3A_629, %dma_wait3A_708] : memref<2x10240x128xf32, #tpu.memory_space<hbm>> -> memref<1x64x128xf32, #tpu.memory_space<hbm>>
      %dma_wait3A_710 = tpu.memref_squeeze %dma_wait3A_709 : memref<1x64x128xf32, #tpu.memory_space<hbm>> -> memref<64x128xf32, #tpu.memory_space<hbm>>
      %dma_wait3A_711 = arith.constant 0 : i32
      %dma_wait3A_712 = tpu.memref_slice %arg5[%arg0, %add3A_629, %dma_wait3A_711] : memref<2x10240x128xf32, #tpu.memory_space<hbm>> -> memref<1x64x128xf32, #tpu.memory_space<hbm>>
      %dma_wait3A_713 = tpu.memref_squeeze %dma_wait3A_712 : memref<1x64x128xf32, #tpu.memory_space<hbm>> -> memref<64x128xf32, #tpu.memory_space<hbm>>
      tpu.wait_dma2 semaphore(%run_scoped3A : memref<!tpu.dma_semaphore, #tpu.memory_space<semaphore_mem>>) src(%arg8 : memref<64x128xf32, #tpu.memory_space<vmem>>) dst(%dma_wait3A_713 : memref<64x128xf32, #tpu.memory_space<hbm>>)
      tpu.yield
    }) : () -> ()
    %mul3A_630 = arith.constant 640 : i32
    %mul3A_631 = arith.muli %arg1, %mul3A_630 : i32
    %add3A_632 = arith.constant 384 : i32
    %add3A_633 = arith.addi %mul3A_631, %add3A_632 : i32
    "tpu.region"() ({
      %run_scoped3A = tpu.sem_alloc : memref<!tpu.dma_semaphore, #tpu.memory_space<semaphore_mem>>
      %dma_start3A_702 = arith.constant 0 : i32
      %dma_start3A_703 = tpu.memref_slice %arg17[%add3A_633, %dma_start3A_702] : memref<10240x128xf32, #tpu.memory_space<vmem_shared>> -> memref<64x128xf32, #tpu.memory_space<vmem_shared>>
      %dma_start3A_704 = arith.constant 0 : i32
      %dma_start3A_705 = tpu.memref_slice %arg17[%add3A_633, %dma_start3A_704] : memref<10240x128xf32, #tpu.memory_space<vmem_shared>> -> memref<64x128xf32, #tpu.memory_space<vmem_shared>>
      tpu.enqueue_dma source(%dma_start3A_705 : memref<64x128xf32, #tpu.memory_space<vmem_shared>>) target(%arg8 : memref<64x128xf32, #tpu.memory_space<vmem>>) target_semaphore(%run_scoped3A : memref<!tpu.dma_semaphore, #tpu.memory_space<semaphore_mem>>)
      %dma_wait3A_706 = arith.constant 0 : i32
      %dma_wait3A_707 = tpu.memref_slice %arg17[%add3A_633, %dma_wait3A_706] : memref<10240x128xf32, #tpu.memory_space<vmem_shared>> -> memref<64x128xf32, #tpu.memory_space<vmem_shared>>
      %dma_wait3A_708 = arith.constant 0 : i32
      %dma_wait3A_709 = tpu.memref_slice %arg17[%add3A_633, %dma_wait3A_708] : memref<10240x128xf32, #tpu.memory_space<vmem_shared>> -> memref<64x128xf32, #tpu.memory_space<vmem_shared>>
      tpu.wait_dma2 semaphore(%run_scoped3A : memref<!tpu.dma_semaphore, #tpu.memory_space<semaphore_mem>>) src(%dma_wait3A_709 : memref<64x128xf32, #tpu.memory_space<vmem_shared>>) dst(%arg8 : memref<64x128xf32, #tpu.memory_space<vmem>>)
      tpu.yield
    }) : () -> ()
    %mul3A_634 = arith.constant 640 : i32
    %mul3A_635 = arith.muli %arg1, %mul3A_634 : i32
    %add3A_636 = arith.constant 384 : i32
    %add3A_637 = arith.addi %mul3A_635, %add3A_636 : i32
    "tpu.region"() ({
      %run_scoped3A = tpu.sem_alloc : memref<!tpu.dma_semaphore, #tpu.memory_space<semaphore_mem>>
      %dma_start3A_702 = arith.constant 0 : i32
      %dma_start3A_703 = tpu.memref_slice %arg5[%arg0, %add3A_637, %dma_start3A_702] : memref<2x10240x128xf32, #tpu.memory_space<hbm>> -> memref<1x64x128xf32, #tpu.memory_space<hbm>>
      %dma_start3A_704 = tpu.memref_squeeze %dma_start3A_703 : memref<1x64x128xf32, #tpu.memory_space<hbm>> -> memref<64x128xf32, #tpu.memory_space<hbm>>
      %dma_start3A_705 = arith.constant 0 : i32
      %dma_start3A_706 = tpu.memref_slice %arg5[%arg0, %add3A_637, %dma_start3A_705] : memref<2x10240x128xf32, #tpu.memory_space<hbm>> -> memref<1x64x128xf32, #tpu.memory_space<hbm>>
      %dma_start3A_707 = tpu.memref_squeeze %dma_start3A_706 : memref<1x64x128xf32, #tpu.memory_space<hbm>> -> memref<64x128xf32, #tpu.memory_space<hbm>>
      tpu.enqueue_dma source(%arg8 : memref<64x128xf32, #tpu.memory_space<vmem>>) target(%dma_start3A_707 : memref<64x128xf32, #tpu.memory_space<hbm>>) target_semaphore(%run_scoped3A : memref<!tpu.dma_semaphore, #tpu.memory_space<semaphore_mem>>)
      %dma_wait3A_708 = arith.constant 0 : i32
      %dma_wait3A_709 = tpu.memref_slice %arg5[%arg0, %add3A_637, %dma_wait3A_708] : memref<2x10240x128xf32, #tpu.memory_space<hbm>> -> memref<1x64x128xf32, #tpu.memory_space<hbm>>
      %dma_wait3A_710 = tpu.memref_squeeze %dma_wait3A_709 : memref<1x64x128xf32, #tpu.memory_space<hbm>> -> memref<64x128xf32, #tpu.memory_space<hbm>>
      %dma_wait3A_711 = arith.constant 0 : i32
      %dma_wait3A_712 = tpu.memref_slice %arg5[%arg0, %add3A_637, %dma_wait3A_711] : memref<2x10240x128xf32, #tpu.memory_space<hbm>> -> memref<1x64x128xf32, #tpu.memory_space<hbm>>
      %dma_wait3A_713 = tpu.memref_squeeze %dma_wait3A_712 : memref<1x64x128xf32, #tpu.memory_space<hbm>> -> memref<64x128xf32, #tpu.memory_space<hbm>>
      tpu.wait_dma2 semaphore(%run_scoped3A : memref<!tpu.dma_semaphore, #tpu.memory_space<semaphore_mem>>) src(%arg8 : memref<64x128xf32, #tpu.memory_space<vmem>>) dst(%dma_wait3A_713 : memref<64x128xf32, #tpu.memory_space<hbm>>)
      tpu.yield
    }) : () -> ()
    %mul3A_638 = arith.constant 640 : i32
    %mul3A_639 = arith.muli %arg1, %mul3A_638 : i32
    %add3A_640 = arith.constant 448 : i32
    %add3A_641 = arith.addi %mul3A_639, %add3A_640 : i32
    "tpu.region"() ({
      %run_scoped3A = tpu.sem_alloc : memref<!tpu.dma_semaphore, #tpu.memory_space<semaphore_mem>>
      %dma_start3A_702 = arith.constant 0 : i32
      %dma_start3A_703 = tpu.memref_slice %arg17[%add3A_641, %dma_start3A_702] : memref<10240x128xf32, #tpu.memory_space<vmem_shared>> -> memref<64x128xf32, #tpu.memory_space<vmem_shared>>
      %dma_start3A_704 = arith.constant 0 : i32
      %dma_start3A_705 = tpu.memref_slice %arg17[%add3A_641, %dma_start3A_704] : memref<10240x128xf32, #tpu.memory_space<vmem_shared>> -> memref<64x128xf32, #tpu.memory_space<vmem_shared>>
      tpu.enqueue_dma source(%dma_start3A_705 : memref<64x128xf32, #tpu.memory_space<vmem_shared>>) target(%arg8 : memref<64x128xf32, #tpu.memory_space<vmem>>) target_semaphore(%run_scoped3A : memref<!tpu.dma_semaphore, #tpu.memory_space<semaphore_mem>>)
      %dma_wait3A_706 = arith.constant 0 : i32
      %dma_wait3A_707 = tpu.memref_slice %arg17[%add3A_641, %dma_wait3A_706] : memref<10240x128xf32, #tpu.memory_space<vmem_shared>> -> memref<64x128xf32, #tpu.memory_space<vmem_shared>>
      %dma_wait3A_708 = arith.constant 0 : i32
      %dma_wait3A_709 = tpu.memref_slice %arg17[%add3A_641, %dma_wait3A_708] : memref<10240x128xf32, #tpu.memory_space<vmem_shared>> -> memref<64x128xf32, #tpu.memory_space<vmem_shared>>
      tpu.wait_dma2 semaphore(%run_scoped3A : memref<!tpu.dma_semaphore, #tpu.memory_space<semaphore_mem>>) src(%dma_wait3A_709 : memref<64x128xf32, #tpu.memory_space<vmem_shared>>) dst(%arg8 : memref<64x128xf32, #tpu.memory_space<vmem>>)
      tpu.yield
    }) : () -> ()
    %mul3A_642 = arith.constant 640 : i32
    %mul3A_643 = arith.muli %arg1, %mul3A_642 : i32
    %add3A_644 = arith.constant 448 : i32
    %add3A_645 = arith.addi %mul3A_643, %add3A_644 : i32
    "tpu.region"() ({
      %run_scoped3A = tpu.sem_alloc : memref<!tpu.dma_semaphore, #tpu.memory_space<semaphore_mem>>
      %dma_start3A_702 = arith.constant 0 : i32
      %dma_start3A_703 = tpu.memref_slice %arg5[%arg0, %add3A_645, %dma_start3A_702] : memref<2x10240x128xf32, #tpu.memory_space<hbm>> -> memref<1x64x128xf32, #tpu.memory_space<hbm>>
      %dma_start3A_704 = tpu.memref_squeeze %dma_start3A_703 : memref<1x64x128xf32, #tpu.memory_space<hbm>> -> memref<64x128xf32, #tpu.memory_space<hbm>>
      %dma_start3A_705 = arith.constant 0 : i32
      %dma_start3A_706 = tpu.memref_slice %arg5[%arg0, %add3A_645, %dma_start3A_705] : memref<2x10240x128xf32, #tpu.memory_space<hbm>> -> memref<1x64x128xf32, #tpu.memory_space<hbm>>
      %dma_start3A_707 = tpu.memref_squeeze %dma_start3A_706 : memref<1x64x128xf32, #tpu.memory_space<hbm>> -> memref<64x128xf32, #tpu.memory_space<hbm>>
      tpu.enqueue_dma source(%arg8 : memref<64x128xf32, #tpu.memory_space<vmem>>) target(%dma_start3A_707 : memref<64x128xf32, #tpu.memory_space<hbm>>) target_semaphore(%run_scoped3A : memref<!tpu.dma_semaphore, #tpu.memory_space<semaphore_mem>>)
      %dma_wait3A_708 = arith.constant 0 : i32
      %dma_wait3A_709 = tpu.memref_slice %arg5[%arg0, %add3A_645, %dma_wait3A_708] : memref<2x10240x128xf32, #tpu.memory_space<hbm>> -> memref<1x64x128xf32, #tpu.memory_space<hbm>>
      %dma_wait3A_710 = tpu.memref_squeeze %dma_wait3A_709 : memref<1x64x128xf32, #tpu.memory_space<hbm>> -> memref<64x128xf32, #tpu.memory_space<hbm>>
      %dma_wait3A_711 = arith.constant 0 : i32
      %dma_wait3A_712 = tpu.memref_slice %arg5[%arg0, %add3A_645, %dma_wait3A_711] : memref<2x10240x128xf32, #tpu.memory_space<hbm>> -> memref<1x64x128xf32, #tpu.memory_space<hbm>>
      %dma_wait3A_713 = tpu.memref_squeeze %dma_wait3A_712 : memref<1x64x128xf32, #tpu.memory_space<hbm>> -> memref<64x128xf32, #tpu.memory_space<hbm>>
      tpu.wait_dma2 semaphore(%run_scoped3A : memref<!tpu.dma_semaphore, #tpu.memory_space<semaphore_mem>>) src(%arg8 : memref<64x128xf32, #tpu.memory_space<vmem>>) dst(%dma_wait3A_713 : memref<64x128xf32, #tpu.memory_space<hbm>>)
      tpu.yield
    }) : () -> ()
    %mul3A_646 = arith.constant 640 : i32
    %mul3A_647 = arith.muli %arg1, %mul3A_646 : i32
    %add3A_648 = arith.constant 512 : i32
    %add3A_649 = arith.addi %mul3A_647, %add3A_648 : i32
    "tpu.region"() ({
      %run_scoped3A = tpu.sem_alloc : memref<!tpu.dma_semaphore, #tpu.memory_space<semaphore_mem>>
      %dma_start3A_702 = arith.constant 0 : i32
      %dma_start3A_703 = tpu.memref_slice %arg17[%add3A_649, %dma_start3A_702] : memref<10240x128xf32, #tpu.memory_space<vmem_shared>> -> memref<64x128xf32, #tpu.memory_space<vmem_shared>>
      %dma_start3A_704 = arith.constant 0 : i32
      %dma_start3A_705 = tpu.memref_slice %arg17[%add3A_649, %dma_start3A_704] : memref<10240x128xf32, #tpu.memory_space<vmem_shared>> -> memref<64x128xf32, #tpu.memory_space<vmem_shared>>
      tpu.enqueue_dma source(%dma_start3A_705 : memref<64x128xf32, #tpu.memory_space<vmem_shared>>) target(%arg8 : memref<64x128xf32, #tpu.memory_space<vmem>>) target_semaphore(%run_scoped3A : memref<!tpu.dma_semaphore, #tpu.memory_space<semaphore_mem>>)
      %dma_wait3A_706 = arith.constant 0 : i32
      %dma_wait3A_707 = tpu.memref_slice %arg17[%add3A_649, %dma_wait3A_706] : memref<10240x128xf32, #tpu.memory_space<vmem_shared>> -> memref<64x128xf32, #tpu.memory_space<vmem_shared>>
      %dma_wait3A_708 = arith.constant 0 : i32
      %dma_wait3A_709 = tpu.memref_slice %arg17[%add3A_649, %dma_wait3A_708] : memref<10240x128xf32, #tpu.memory_space<vmem_shared>> -> memref<64x128xf32, #tpu.memory_space<vmem_shared>>
      tpu.wait_dma2 semaphore(%run_scoped3A : memref<!tpu.dma_semaphore, #tpu.memory_space<semaphore_mem>>) src(%dma_wait3A_709 : memref<64x128xf32, #tpu.memory_space<vmem_shared>>) dst(%arg8 : memref<64x128xf32, #tpu.memory_space<vmem>>)
      tpu.yield
    }) : () -> ()
    %mul3A_650 = arith.constant 640 : i32
    %mul3A_651 = arith.muli %arg1, %mul3A_650 : i32
    %add3A_652 = arith.constant 512 : i32
    %add3A_653 = arith.addi %mul3A_651, %add3A_652 : i32
    "tpu.region"() ({
      %run_scoped3A = tpu.sem_alloc : memref<!tpu.dma_semaphore, #tpu.memory_space<semaphore_mem>>
      %dma_start3A_702 = arith.constant 0 : i32
      %dma_start3A_703 = tpu.memref_slice %arg5[%arg0, %add3A_653, %dma_start3A_702] : memref<2x10240x128xf32, #tpu.memory_space<hbm>> -> memref<1x64x128xf32, #tpu.memory_space<hbm>>
      %dma_start3A_704 = tpu.memref_squeeze %dma_start3A_703 : memref<1x64x128xf32, #tpu.memory_space<hbm>> -> memref<64x128xf32, #tpu.memory_space<hbm>>
      %dma_start3A_705 = arith.constant 0 : i32
      %dma_start3A_706 = tpu.memref_slice %arg5[%arg0, %add3A_653, %dma_start3A_705] : memref<2x10240x128xf32, #tpu.memory_space<hbm>> -> memref<1x64x128xf32, #tpu.memory_space<hbm>>
      %dma_start3A_707 = tpu.memref_squeeze %dma_start3A_706 : memref<1x64x128xf32, #tpu.memory_space<hbm>> -> memref<64x128xf32, #tpu.memory_space<hbm>>
      tpu.enqueue_dma source(%arg8 : memref<64x128xf32, #tpu.memory_space<vmem>>) target(%dma_start3A_707 : memref<64x128xf32, #tpu.memory_space<hbm>>) target_semaphore(%run_scoped3A : memref<!tpu.dma_semaphore, #tpu.memory_space<semaphore_mem>>)
      %dma_wait3A_708 = arith.constant 0 : i32
      %dma_wait3A_709 = tpu.memref_slice %arg5[%arg0, %add3A_653, %dma_wait3A_708] : memref<2x10240x128xf32, #tpu.memory_space<hbm>> -> memref<1x64x128xf32, #tpu.memory_space<hbm>>
      %dma_wait3A_710 = tpu.memref_squeeze %dma_wait3A_709 : memref<1x64x128xf32, #tpu.memory_space<hbm>> -> memref<64x128xf32, #tpu.memory_space<hbm>>
      %dma_wait3A_711 = arith.constant 0 : i32
      %dma_wait3A_712 = tpu.memref_slice %arg5[%arg0, %add3A_653, %dma_wait3A_711] : memref<2x10240x128xf32, #tpu.memory_space<hbm>> -> memref<1x64x128xf32, #tpu.memory_space<hbm>>
      %dma_wait3A_713 = tpu.memref_squeeze %dma_wait3A_712 : memref<1x64x128xf32, #tpu.memory_space<hbm>> -> memref<64x128xf32, #tpu.memory_space<hbm>>
      tpu.wait_dma2 semaphore(%run_scoped3A : memref<!tpu.dma_semaphore, #tpu.memory_space<semaphore_mem>>) src(%arg8 : memref<64x128xf32, #tpu.memory_space<vmem>>) dst(%dma_wait3A_713 : memref<64x128xf32, #tpu.memory_space<hbm>>)
      tpu.yield
    }) : () -> ()
    %mul3A_654 = arith.constant 640 : i32
    %mul3A_655 = arith.muli %arg1, %mul3A_654 : i32
    %add3A_656 = arith.constant 576 : i32
    %add3A_657 = arith.addi %mul3A_655, %add3A_656 : i32
    "tpu.region"() ({
      %run_scoped3A = tpu.sem_alloc : memref<!tpu.dma_semaphore, #tpu.memory_space<semaphore_mem>>
      %dma_start3A_702 = arith.constant 0 : i32
      %dma_start3A_703 = tpu.memref_slice %arg17[%add3A_657, %dma_start3A_702] : memref<10240x128xf32, #tpu.memory_space<vmem_shared>> -> memref<64x128xf32, #tpu.memory_space<vmem_shared>>
      %dma_start3A_704 = arith.constant 0 : i32
      %dma_start3A_705 = tpu.memref_slice %arg17[%add3A_657, %dma_start3A_704] : memref<10240x128xf32, #tpu.memory_space<vmem_shared>> -> memref<64x128xf32, #tpu.memory_space<vmem_shared>>
      tpu.enqueue_dma source(%dma_start3A_705 : memref<64x128xf32, #tpu.memory_space<vmem_shared>>) target(%arg8 : memref<64x128xf32, #tpu.memory_space<vmem>>) target_semaphore(%run_scoped3A : memref<!tpu.dma_semaphore, #tpu.memory_space<semaphore_mem>>)
      %dma_wait3A_706 = arith.constant 0 : i32
      %dma_wait3A_707 = tpu.memref_slice %arg17[%add3A_657, %dma_wait3A_706] : memref<10240x128xf32, #tpu.memory_space<vmem_shared>> -> memref<64x128xf32, #tpu.memory_space<vmem_shared>>
      %dma_wait3A_708 = arith.constant 0 : i32
      %dma_wait3A_709 = tpu.memref_slice %arg17[%add3A_657, %dma_wait3A_708] : memref<10240x128xf32, #tpu.memory_space<vmem_shared>> -> memref<64x128xf32, #tpu.memory_space<vmem_shared>>
      tpu.wait_dma2 semaphore(%run_scoped3A : memref<!tpu.dma_semaphore, #tpu.memory_space<semaphore_mem>>) src(%dma_wait3A_709 : memref<64x128xf32, #tpu.memory_space<vmem_shared>>) dst(%arg8 : memref<64x128xf32, #tpu.memory_space<vmem>>)
      tpu.yield
    }) : () -> ()
    %mul3A_658 = arith.constant 640 : i32
    %mul3A_659 = arith.muli %arg1, %mul3A_658 : i32
    %add3A_660 = arith.constant 576 : i32
    %add3A_661 = arith.addi %mul3A_659, %add3A_660 : i32
    "tpu.region"() ({
      %run_scoped3A = tpu.sem_alloc : memref<!tpu.dma_semaphore, #tpu.memory_space<semaphore_mem>>
      %dma_start3A_702 = arith.constant 0 : i32
      %dma_start3A_703 = tpu.memref_slice %arg5[%arg0, %add3A_661, %dma_start3A_702] : memref<2x10240x128xf32, #tpu.memory_space<hbm>> -> memref<1x64x128xf32, #tpu.memory_space<hbm>>
      %dma_start3A_704 = tpu.memref_squeeze %dma_start3A_703 : memref<1x64x128xf32, #tpu.memory_space<hbm>> -> memref<64x128xf32, #tpu.memory_space<hbm>>
      %dma_start3A_705 = arith.constant 0 : i32
      %dma_start3A_706 = tpu.memref_slice %arg5[%arg0, %add3A_661, %dma_start3A_705] : memref<2x10240x128xf32, #tpu.memory_space<hbm>> -> memref<1x64x128xf32, #tpu.memory_space<hbm>>
      %dma_start3A_707 = tpu.memref_squeeze %dma_start3A_706 : memref<1x64x128xf32, #tpu.memory_space<hbm>> -> memref<64x128xf32, #tpu.memory_space<hbm>>
      tpu.enqueue_dma source(%arg8 : memref<64x128xf32, #tpu.memory_space<vmem>>) target(%dma_start3A_707 : memref<64x128xf32, #tpu.memory_space<hbm>>) target_semaphore(%run_scoped3A : memref<!tpu.dma_semaphore, #tpu.memory_space<semaphore_mem>>)
      %dma_wait3A_708 = arith.constant 0 : i32
      %dma_wait3A_709 = tpu.memref_slice %arg5[%arg0, %add3A_661, %dma_wait3A_708] : memref<2x10240x128xf32, #tpu.memory_space<hbm>> -> memref<1x64x128xf32, #tpu.memory_space<hbm>>
      %dma_wait3A_710 = tpu.memref_squeeze %dma_wait3A_709 : memref<1x64x128xf32, #tpu.memory_space<hbm>> -> memref<64x128xf32, #tpu.memory_space<hbm>>
      %dma_wait3A_711 = arith.constant 0 : i32
      %dma_wait3A_712 = tpu.memref_slice %arg5[%arg0, %add3A_661, %dma_wait3A_711] : memref<2x10240x128xf32, #tpu.memory_space<hbm>> -> memref<1x64x128xf32, #tpu.memory_space<hbm>>
      %dma_wait3A_713 = tpu.memref_squeeze %dma_wait3A_712 : memref<1x64x128xf32, #tpu.memory_space<hbm>> -> memref<64x128xf32, #tpu.memory_space<hbm>>
      tpu.wait_dma2 semaphore(%run_scoped3A : memref<!tpu.dma_semaphore, #tpu.memory_space<semaphore_mem>>) src(%arg8 : memref<64x128xf32, #tpu.memory_space<vmem>>) dst(%dma_wait3A_713 : memref<64x128xf32, #tpu.memory_space<hbm>>)
      tpu.yield
    }) : () -> ()
    %mul3A_662 = arith.constant 80 : i32
    %mul3A_663 = arith.muli %arg1, %mul3A_662 : i32
    %add3A_664 = arith.constant 0 : i32
    %add3A_665 = arith.addi %mul3A_663, %add3A_664 : i32
    "tpu.region"() ({
      %run_scoped3A = tpu.sem_alloc : memref<!tpu.dma_semaphore, #tpu.memory_space<semaphore_mem>>
      %dma_start3A_702 = arith.constant 0 : i32
      %dma_start3A_703 = arith.constant 0 : i32
      %dma_start3A_704 = tpu.memref_slice %arg8[%dma_start3A_702, %dma_start3A_703] : memref<64x128xf32, #tpu.memory_space<vmem>> -> memref<16x128xf32, #tpu.memory_space<vmem>>
      %dma_start3A_705 = arith.constant 0 : i32
      %dma_start3A_706 = tpu.memref_slice %arg18[%add3A_665, %dma_start3A_705] : memref<1280x128xf32, #tpu.memory_space<vmem_shared>> -> memref<16x128xf32, #tpu.memory_space<vmem_shared>>
      %dma_start3A_707 = arith.constant 0 : i32
      %dma_start3A_708 = arith.constant 0 : i32
      %dma_start3A_709 = tpu.memref_slice %arg8[%dma_start3A_707, %dma_start3A_708] : memref<64x128xf32, #tpu.memory_space<vmem>> -> memref<16x128xf32, #tpu.memory_space<vmem>>
      %dma_start3A_710 = arith.constant 0 : i32
      %dma_start3A_711 = tpu.memref_slice %arg18[%add3A_665, %dma_start3A_710] : memref<1280x128xf32, #tpu.memory_space<vmem_shared>> -> memref<16x128xf32, #tpu.memory_space<vmem_shared>>
      tpu.enqueue_dma source(%dma_start3A_711 : memref<16x128xf32, #tpu.memory_space<vmem_shared>>) target(%dma_start3A_709 : memref<16x128xf32, #tpu.memory_space<vmem>>) target_semaphore(%run_scoped3A : memref<!tpu.dma_semaphore, #tpu.memory_space<semaphore_mem>>)
      %dma_wait3A_712 = arith.constant 0 : i32
      %dma_wait3A_713 = arith.constant 0 : i32
      %dma_wait3A_714 = tpu.memref_slice %arg8[%dma_wait3A_712, %dma_wait3A_713] : memref<64x128xf32, #tpu.memory_space<vmem>> -> memref<16x128xf32, #tpu.memory_space<vmem>>
      %dma_wait3A_715 = arith.constant 0 : i32
      %dma_wait3A_716 = tpu.memref_slice %arg18[%add3A_665, %dma_wait3A_715] : memref<1280x128xf32, #tpu.memory_space<vmem_shared>> -> memref<16x128xf32, #tpu.memory_space<vmem_shared>>
      %dma_wait3A_717 = arith.constant 0 : i32
      %dma_wait3A_718 = arith.constant 0 : i32
      %dma_wait3A_719 = tpu.memref_slice %arg8[%dma_wait3A_717, %dma_wait3A_718] : memref<64x128xf32, #tpu.memory_space<vmem>> -> memref<16x128xf32, #tpu.memory_space<vmem>>
      %dma_wait3A_720 = arith.constant 0 : i32
      %dma_wait3A_721 = tpu.memref_slice %arg18[%add3A_665, %dma_wait3A_720] : memref<1280x128xf32, #tpu.memory_space<vmem_shared>> -> memref<16x128xf32, #tpu.memory_space<vmem_shared>>
      tpu.wait_dma2 semaphore(%run_scoped3A : memref<!tpu.dma_semaphore, #tpu.memory_space<semaphore_mem>>) src(%dma_wait3A_721 : memref<16x128xf32, #tpu.memory_space<vmem_shared>>) dst(%dma_wait3A_719 : memref<16x128xf32, #tpu.memory_space<vmem>>)
      tpu.yield
    }) : () -> ()
    %mul3A_666 = arith.constant 80 : i32
    %mul3A_667 = arith.muli %arg1, %mul3A_666 : i32
    %add3A_668 = arith.constant 0 : i32
    %add3A_669 = arith.addi %mul3A_667, %add3A_668 : i32
    "tpu.region"() ({
      %run_scoped3A = tpu.sem_alloc : memref<!tpu.dma_semaphore, #tpu.memory_space<semaphore_mem>>
      %dma_start3A_702 = arith.constant 0 : i32
      %dma_start3A_703 = arith.constant 0 : i32
      %dma_start3A_704 = tpu.memref_slice %arg8[%dma_start3A_702, %dma_start3A_703] : memref<64x128xf32, #tpu.memory_space<vmem>> -> memref<16x128xf32, #tpu.memory_space<vmem>>
      %dma_start3A_705 = arith.constant 0 : i32
      %dma_start3A_706 = tpu.memref_slice %arg6[%arg0, %add3A_669, %dma_start3A_705] : memref<2x1280x128xf32, #tpu.memory_space<hbm>> -> memref<1x16x128xf32, #tpu.memory_space<hbm>>
      %dma_start3A_707 = tpu.memref_squeeze %dma_start3A_706 : memref<1x16x128xf32, #tpu.memory_space<hbm>> -> memref<16x128xf32, #tpu.memory_space<hbm>>
      %dma_start3A_708 = arith.constant 0 : i32
      %dma_start3A_709 = tpu.memref_slice %arg6[%arg0, %add3A_669, %dma_start3A_708] : memref<2x1280x128xf32, #tpu.memory_space<hbm>> -> memref<1x16x128xf32, #tpu.memory_space<hbm>>
      %dma_start3A_710 = tpu.memref_squeeze %dma_start3A_709 : memref<1x16x128xf32, #tpu.memory_space<hbm>> -> memref<16x128xf32, #tpu.memory_space<hbm>>
      %dma_start3A_711 = arith.constant 0 : i32
      %dma_start3A_712 = arith.constant 0 : i32
      %dma_start3A_713 = tpu.memref_slice %arg8[%dma_start3A_711, %dma_start3A_712] : memref<64x128xf32, #tpu.memory_space<vmem>> -> memref<16x128xf32, #tpu.memory_space<vmem>>
      tpu.enqueue_dma source(%dma_start3A_713 : memref<16x128xf32, #tpu.memory_space<vmem>>) target(%dma_start3A_710 : memref<16x128xf32, #tpu.memory_space<hbm>>) target_semaphore(%run_scoped3A : memref<!tpu.dma_semaphore, #tpu.memory_space<semaphore_mem>>)
      %dma_wait3A_714 = arith.constant 0 : i32
      %dma_wait3A_715 = arith.constant 0 : i32
      %dma_wait3A_716 = tpu.memref_slice %arg8[%dma_wait3A_714, %dma_wait3A_715] : memref<64x128xf32, #tpu.memory_space<vmem>> -> memref<16x128xf32, #tpu.memory_space<vmem>>
      %dma_wait3A_717 = arith.constant 0 : i32
      %dma_wait3A_718 = tpu.memref_slice %arg6[%arg0, %add3A_669, %dma_wait3A_717] : memref<2x1280x128xf32, #tpu.memory_space<hbm>> -> memref<1x16x128xf32, #tpu.memory_space<hbm>>
      %dma_wait3A_719 = tpu.memref_squeeze %dma_wait3A_718 : memref<1x16x128xf32, #tpu.memory_space<hbm>> -> memref<16x128xf32, #tpu.memory_space<hbm>>
      %dma_wait3A_720 = arith.constant 0 : i32
      %dma_wait3A_721 = tpu.memref_slice %arg6[%arg0, %add3A_669, %dma_wait3A_720] : memref<2x1280x128xf32, #tpu.memory_space<hbm>> -> memref<1x16x128xf32, #tpu.memory_space<hbm>>
      %dma_wait3A_722 = tpu.memref_squeeze %dma_wait3A_721 : memref<1x16x128xf32, #tpu.memory_space<hbm>> -> memref<16x128xf32, #tpu.memory_space<hbm>>
      %dma_wait3A_723 = arith.constant 0 : i32
      %dma_wait3A_724 = arith.constant 0 : i32
      %dma_wait3A_725 = tpu.memref_slice %arg8[%dma_wait3A_723, %dma_wait3A_724] : memref<64x128xf32, #tpu.memory_space<vmem>> -> memref<16x128xf32, #tpu.memory_space<vmem>>
      tpu.wait_dma2 semaphore(%run_scoped3A : memref<!tpu.dma_semaphore, #tpu.memory_space<semaphore_mem>>) src(%dma_wait3A_725 : memref<16x128xf32, #tpu.memory_space<vmem>>) dst(%dma_wait3A_722 : memref<16x128xf32, #tpu.memory_space<hbm>>)
      tpu.yield
    }) : () -> ()
    %mul3A_670 = arith.constant 80 : i32
    %mul3A_671 = arith.muli %arg1, %mul3A_670 : i32
    %add3A_672 = arith.constant 16 : i32
    %add3A_673 = arith.addi %mul3A_671, %add3A_672 : i32
    "tpu.region"() ({
      %run_scoped3A = tpu.sem_alloc : memref<!tpu.dma_semaphore, #tpu.memory_space<semaphore_mem>>
      %dma_start3A_702 = arith.constant 0 : i32
      %dma_start3A_703 = arith.constant 0 : i32
      %dma_start3A_704 = tpu.memref_slice %arg8[%dma_start3A_702, %dma_start3A_703] : memref<64x128xf32, #tpu.memory_space<vmem>> -> memref<16x128xf32, #tpu.memory_space<vmem>>
      %dma_start3A_705 = arith.constant 0 : i32
      %dma_start3A_706 = tpu.memref_slice %arg18[%add3A_673, %dma_start3A_705] : memref<1280x128xf32, #tpu.memory_space<vmem_shared>> -> memref<16x128xf32, #tpu.memory_space<vmem_shared>>
      %dma_start3A_707 = arith.constant 0 : i32
      %dma_start3A_708 = arith.constant 0 : i32
      %dma_start3A_709 = tpu.memref_slice %arg8[%dma_start3A_707, %dma_start3A_708] : memref<64x128xf32, #tpu.memory_space<vmem>> -> memref<16x128xf32, #tpu.memory_space<vmem>>
      %dma_start3A_710 = arith.constant 0 : i32
      %dma_start3A_711 = tpu.memref_slice %arg18[%add3A_673, %dma_start3A_710] : memref<1280x128xf32, #tpu.memory_space<vmem_shared>> -> memref<16x128xf32, #tpu.memory_space<vmem_shared>>
      tpu.enqueue_dma source(%dma_start3A_711 : memref<16x128xf32, #tpu.memory_space<vmem_shared>>) target(%dma_start3A_709 : memref<16x128xf32, #tpu.memory_space<vmem>>) target_semaphore(%run_scoped3A : memref<!tpu.dma_semaphore, #tpu.memory_space<semaphore_mem>>)
      %dma_wait3A_712 = arith.constant 0 : i32
      %dma_wait3A_713 = arith.constant 0 : i32
      %dma_wait3A_714 = tpu.memref_slice %arg8[%dma_wait3A_712, %dma_wait3A_713] : memref<64x128xf32, #tpu.memory_space<vmem>> -> memref<16x128xf32, #tpu.memory_space<vmem>>
      %dma_wait3A_715 = arith.constant 0 : i32
      %dma_wait3A_716 = tpu.memref_slice %arg18[%add3A_673, %dma_wait3A_715] : memref<1280x128xf32, #tpu.memory_space<vmem_shared>> -> memref<16x128xf32, #tpu.memory_space<vmem_shared>>
      %dma_wait3A_717 = arith.constant 0 : i32
      %dma_wait3A_718 = arith.constant 0 : i32
      %dma_wait3A_719 = tpu.memref_slice %arg8[%dma_wait3A_717, %dma_wait3A_718] : memref<64x128xf32, #tpu.memory_space<vmem>> -> memref<16x128xf32, #tpu.memory_space<vmem>>
      %dma_wait3A_720 = arith.constant 0 : i32
      %dma_wait3A_721 = tpu.memref_slice %arg18[%add3A_673, %dma_wait3A_720] : memref<1280x128xf32, #tpu.memory_space<vmem_shared>> -> memref<16x128xf32, #tpu.memory_space<vmem_shared>>
      tpu.wait_dma2 semaphore(%run_scoped3A : memref<!tpu.dma_semaphore, #tpu.memory_space<semaphore_mem>>) src(%dma_wait3A_721 : memref<16x128xf32, #tpu.memory_space<vmem_shared>>) dst(%dma_wait3A_719 : memref<16x128xf32, #tpu.memory_space<vmem>>)
      tpu.yield
    }) : () -> ()
    %mul3A_674 = arith.constant 80 : i32
    %mul3A_675 = arith.muli %arg1, %mul3A_674 : i32
    %add3A_676 = arith.constant 16 : i32
    %add3A_677 = arith.addi %mul3A_675, %add3A_676 : i32
    "tpu.region"() ({
      %run_scoped3A = tpu.sem_alloc : memref<!tpu.dma_semaphore, #tpu.memory_space<semaphore_mem>>
      %dma_start3A_702 = arith.constant 0 : i32
      %dma_start3A_703 = arith.constant 0 : i32
      %dma_start3A_704 = tpu.memref_slice %arg8[%dma_start3A_702, %dma_start3A_703] : memref<64x128xf32, #tpu.memory_space<vmem>> -> memref<16x128xf32, #tpu.memory_space<vmem>>
      %dma_start3A_705 = arith.constant 0 : i32
      %dma_start3A_706 = tpu.memref_slice %arg6[%arg0, %add3A_677, %dma_start3A_705] : memref<2x1280x128xf32, #tpu.memory_space<hbm>> -> memref<1x16x128xf32, #tpu.memory_space<hbm>>
      %dma_start3A_707 = tpu.memref_squeeze %dma_start3A_706 : memref<1x16x128xf32, #tpu.memory_space<hbm>> -> memref<16x128xf32, #tpu.memory_space<hbm>>
      %dma_start3A_708 = arith.constant 0 : i32
      %dma_start3A_709 = tpu.memref_slice %arg6[%arg0, %add3A_677, %dma_start3A_708] : memref<2x1280x128xf32, #tpu.memory_space<hbm>> -> memref<1x16x128xf32, #tpu.memory_space<hbm>>
      %dma_start3A_710 = tpu.memref_squeeze %dma_start3A_709 : memref<1x16x128xf32, #tpu.memory_space<hbm>> -> memref<16x128xf32, #tpu.memory_space<hbm>>
      %dma_start3A_711 = arith.constant 0 : i32
      %dma_start3A_712 = arith.constant 0 : i32
      %dma_start3A_713 = tpu.memref_slice %arg8[%dma_start3A_711, %dma_start3A_712] : memref<64x128xf32, #tpu.memory_space<vmem>> -> memref<16x128xf32, #tpu.memory_space<vmem>>
      tpu.enqueue_dma source(%dma_start3A_713 : memref<16x128xf32, #tpu.memory_space<vmem>>) target(%dma_start3A_710 : memref<16x128xf32, #tpu.memory_space<hbm>>) target_semaphore(%run_scoped3A : memref<!tpu.dma_semaphore, #tpu.memory_space<semaphore_mem>>)
      %dma_wait3A_714 = arith.constant 0 : i32
      %dma_wait3A_715 = arith.constant 0 : i32
      %dma_wait3A_716 = tpu.memref_slice %arg8[%dma_wait3A_714, %dma_wait3A_715] : memref<64x128xf32, #tpu.memory_space<vmem>> -> memref<16x128xf32, #tpu.memory_space<vmem>>
      %dma_wait3A_717 = arith.constant 0 : i32
      %dma_wait3A_718 = tpu.memref_slice %arg6[%arg0, %add3A_677, %dma_wait3A_717] : memref<2x1280x128xf32, #tpu.memory_space<hbm>> -> memref<1x16x128xf32, #tpu.memory_space<hbm>>
      %dma_wait3A_719 = tpu.memref_squeeze %dma_wait3A_718 : memref<1x16x128xf32, #tpu.memory_space<hbm>> -> memref<16x128xf32, #tpu.memory_space<hbm>>
      %dma_wait3A_720 = arith.constant 0 : i32
      %dma_wait3A_721 = tpu.memref_slice %arg6[%arg0, %add3A_677, %dma_wait3A_720] : memref<2x1280x128xf32, #tpu.memory_space<hbm>> -> memref<1x16x128xf32, #tpu.memory_space<hbm>>
      %dma_wait3A_722 = tpu.memref_squeeze %dma_wait3A_721 : memref<1x16x128xf32, #tpu.memory_space<hbm>> -> memref<16x128xf32, #tpu.memory_space<hbm>>
      %dma_wait3A_723 = arith.constant 0 : i32
      %dma_wait3A_724 = arith.constant 0 : i32
      %dma_wait3A_725 = tpu.memref_slice %arg8[%dma_wait3A_723, %dma_wait3A_724] : memref<64x128xf32, #tpu.memory_space<vmem>> -> memref<16x128xf32, #tpu.memory_space<vmem>>
      tpu.wait_dma2 semaphore(%run_scoped3A : memref<!tpu.dma_semaphore, #tpu.memory_space<semaphore_mem>>) src(%dma_wait3A_725 : memref<16x128xf32, #tpu.memory_space<vmem>>) dst(%dma_wait3A_722 : memref<16x128xf32, #tpu.memory_space<hbm>>)
      tpu.yield
    }) : () -> ()
    %mul3A_678 = arith.constant 80 : i32
    %mul3A_679 = arith.muli %arg1, %mul3A_678 : i32
    %add3A_680 = arith.constant 32 : i32
    %add3A_681 = arith.addi %mul3A_679, %add3A_680 : i32
    "tpu.region"() ({
      %run_scoped3A = tpu.sem_alloc : memref<!tpu.dma_semaphore, #tpu.memory_space<semaphore_mem>>
      %dma_start3A_702 = arith.constant 0 : i32
      %dma_start3A_703 = arith.constant 0 : i32
      %dma_start3A_704 = tpu.memref_slice %arg8[%dma_start3A_702, %dma_start3A_703] : memref<64x128xf32, #tpu.memory_space<vmem>> -> memref<16x128xf32, #tpu.memory_space<vmem>>
      %dma_start3A_705 = arith.constant 0 : i32
      %dma_start3A_706 = tpu.memref_slice %arg18[%add3A_681, %dma_start3A_705] : memref<1280x128xf32, #tpu.memory_space<vmem_shared>> -> memref<16x128xf32, #tpu.memory_space<vmem_shared>>
      %dma_start3A_707 = arith.constant 0 : i32
      %dma_start3A_708 = arith.constant 0 : i32
      %dma_start3A_709 = tpu.memref_slice %arg8[%dma_start3A_707, %dma_start3A_708] : memref<64x128xf32, #tpu.memory_space<vmem>> -> memref<16x128xf32, #tpu.memory_space<vmem>>
      %dma_start3A_710 = arith.constant 0 : i32
      %dma_start3A_711 = tpu.memref_slice %arg18[%add3A_681, %dma_start3A_710] : memref<1280x128xf32, #tpu.memory_space<vmem_shared>> -> memref<16x128xf32, #tpu.memory_space<vmem_shared>>
      tpu.enqueue_dma source(%dma_start3A_711 : memref<16x128xf32, #tpu.memory_space<vmem_shared>>) target(%dma_start3A_709 : memref<16x128xf32, #tpu.memory_space<vmem>>) target_semaphore(%run_scoped3A : memref<!tpu.dma_semaphore, #tpu.memory_space<semaphore_mem>>)
      %dma_wait3A_712 = arith.constant 0 : i32
      %dma_wait3A_713 = arith.constant 0 : i32
      %dma_wait3A_714 = tpu.memref_slice %arg8[%dma_wait3A_712, %dma_wait3A_713] : memref<64x128xf32, #tpu.memory_space<vmem>> -> memref<16x128xf32, #tpu.memory_space<vmem>>
      %dma_wait3A_715 = arith.constant 0 : i32
      %dma_wait3A_716 = tpu.memref_slice %arg18[%add3A_681, %dma_wait3A_715] : memref<1280x128xf32, #tpu.memory_space<vmem_shared>> -> memref<16x128xf32, #tpu.memory_space<vmem_shared>>
      %dma_wait3A_717 = arith.constant 0 : i32
      %dma_wait3A_718 = arith.constant 0 : i32
      %dma_wait3A_719 = tpu.memref_slice %arg8[%dma_wait3A_717, %dma_wait3A_718] : memref<64x128xf32, #tpu.memory_space<vmem>> -> memref<16x128xf32, #tpu.memory_space<vmem>>
      %dma_wait3A_720 = arith.constant 0 : i32
      %dma_wait3A_721 = tpu.memref_slice %arg18[%add3A_681, %dma_wait3A_720] : memref<1280x128xf32, #tpu.memory_space<vmem_shared>> -> memref<16x128xf32, #tpu.memory_space<vmem_shared>>
      tpu.wait_dma2 semaphore(%run_scoped3A : memref<!tpu.dma_semaphore, #tpu.memory_space<semaphore_mem>>) src(%dma_wait3A_721 : memref<16x128xf32, #tpu.memory_space<vmem_shared>>) dst(%dma_wait3A_719 : memref<16x128xf32, #tpu.memory_space<vmem>>)
      tpu.yield
    }) : () -> ()
    %mul3A_682 = arith.constant 80 : i32
    %mul3A_683 = arith.muli %arg1, %mul3A_682 : i32
    %add3A_684 = arith.constant 32 : i32
    %add3A_685 = arith.addi %mul3A_683, %add3A_684 : i32
    "tpu.region"() ({
      %run_scoped3A = tpu.sem_alloc : memref<!tpu.dma_semaphore, #tpu.memory_space<semaphore_mem>>
      %dma_start3A_702 = arith.constant 0 : i32
      %dma_start3A_703 = arith.constant 0 : i32
      %dma_start3A_704 = tpu.memref_slice %arg8[%dma_start3A_702, %dma_start3A_703] : memref<64x128xf32, #tpu.memory_space<vmem>> -> memref<16x128xf32, #tpu.memory_space<vmem>>
      %dma_start3A_705 = arith.constant 0 : i32
      %dma_start3A_706 = tpu.memref_slice %arg6[%arg0, %add3A_685, %dma_start3A_705] : memref<2x1280x128xf32, #tpu.memory_space<hbm>> -> memref<1x16x128xf32, #tpu.memory_space<hbm>>
      %dma_start3A_707 = tpu.memref_squeeze %dma_start3A_706 : memref<1x16x128xf32, #tpu.memory_space<hbm>> -> memref<16x128xf32, #tpu.memory_space<hbm>>
      %dma_start3A_708 = arith.constant 0 : i32
      %dma_start3A_709 = tpu.memref_slice %arg6[%arg0, %add3A_685, %dma_start3A_708] : memref<2x1280x128xf32, #tpu.memory_space<hbm>> -> memref<1x16x128xf32, #tpu.memory_space<hbm>>
      %dma_start3A_710 = tpu.memref_squeeze %dma_start3A_709 : memref<1x16x128xf32, #tpu.memory_space<hbm>> -> memref<16x128xf32, #tpu.memory_space<hbm>>
      %dma_start3A_711 = arith.constant 0 : i32
      %dma_start3A_712 = arith.constant 0 : i32
      %dma_start3A_713 = tpu.memref_slice %arg8[%dma_start3A_711, %dma_start3A_712] : memref<64x128xf32, #tpu.memory_space<vmem>> -> memref<16x128xf32, #tpu.memory_space<vmem>>
      tpu.enqueue_dma source(%dma_start3A_713 : memref<16x128xf32, #tpu.memory_space<vmem>>) target(%dma_start3A_710 : memref<16x128xf32, #tpu.memory_space<hbm>>) target_semaphore(%run_scoped3A : memref<!tpu.dma_semaphore, #tpu.memory_space<semaphore_mem>>)
      %dma_wait3A_714 = arith.constant 0 : i32
      %dma_wait3A_715 = arith.constant 0 : i32
      %dma_wait3A_716 = tpu.memref_slice %arg8[%dma_wait3A_714, %dma_wait3A_715] : memref<64x128xf32, #tpu.memory_space<vmem>> -> memref<16x128xf32, #tpu.memory_space<vmem>>
      %dma_wait3A_717 = arith.constant 0 : i32
      %dma_wait3A_718 = tpu.memref_slice %arg6[%arg0, %add3A_685, %dma_wait3A_717] : memref<2x1280x128xf32, #tpu.memory_space<hbm>> -> memref<1x16x128xf32, #tpu.memory_space<hbm>>
      %dma_wait3A_719 = tpu.memref_squeeze %dma_wait3A_718 : memref<1x16x128xf32, #tpu.memory_space<hbm>> -> memref<16x128xf32, #tpu.memory_space<hbm>>
      %dma_wait3A_720 = arith.constant 0 : i32
      %dma_wait3A_721 = tpu.memref_slice %arg6[%arg0, %add3A_685, %dma_wait3A_720] : memref<2x1280x128xf32, #tpu.memory_space<hbm>> -> memref<1x16x128xf32, #tpu.memory_space<hbm>>
      %dma_wait3A_722 = tpu.memref_squeeze %dma_wait3A_721 : memref<1x16x128xf32, #tpu.memory_space<hbm>> -> memref<16x128xf32, #tpu.memory_space<hbm>>
      %dma_wait3A_723 = arith.constant 0 : i32
      %dma_wait3A_724 = arith.constant 0 : i32
      %dma_wait3A_725 = tpu.memref_slice %arg8[%dma_wait3A_723, %dma_wait3A_724] : memref<64x128xf32, #tpu.memory_space<vmem>> -> memref<16x128xf32, #tpu.memory_space<vmem>>
      tpu.wait_dma2 semaphore(%run_scoped3A : memref<!tpu.dma_semaphore, #tpu.memory_space<semaphore_mem>>) src(%dma_wait3A_725 : memref<16x128xf32, #tpu.memory_space<vmem>>) dst(%dma_wait3A_722 : memref<16x128xf32, #tpu.memory_space<hbm>>)
      tpu.yield
    }) : () -> ()
    %mul3A_686 = arith.constant 80 : i32
    %mul3A_687 = arith.muli %arg1, %mul3A_686 : i32
    %add3A_688 = arith.constant 48 : i32
    %add3A_689 = arith.addi %mul3A_687, %add3A_688 : i32
    "tpu.region"() ({
      %run_scoped3A = tpu.sem_alloc : memref<!tpu.dma_semaphore, #tpu.memory_space<semaphore_mem>>
      %dma_start3A_702 = arith.constant 0 : i32
      %dma_start3A_703 = arith.constant 0 : i32
      %dma_start3A_704 = tpu.memref_slice %arg8[%dma_start3A_702, %dma_start3A_703] : memref<64x128xf32, #tpu.memory_space<vmem>> -> memref<16x128xf32, #tpu.memory_space<vmem>>
      %dma_start3A_705 = arith.constant 0 : i32
      %dma_start3A_706 = tpu.memref_slice %arg18[%add3A_689, %dma_start3A_705] : memref<1280x128xf32, #tpu.memory_space<vmem_shared>> -> memref<16x128xf32, #tpu.memory_space<vmem_shared>>
      %dma_start3A_707 = arith.constant 0 : i32
      %dma_start3A_708 = arith.constant 0 : i32
      %dma_start3A_709 = tpu.memref_slice %arg8[%dma_start3A_707, %dma_start3A_708] : memref<64x128xf32, #tpu.memory_space<vmem>> -> memref<16x128xf32, #tpu.memory_space<vmem>>
      %dma_start3A_710 = arith.constant 0 : i32
      %dma_start3A_711 = tpu.memref_slice %arg18[%add3A_689, %dma_start3A_710] : memref<1280x128xf32, #tpu.memory_space<vmem_shared>> -> memref<16x128xf32, #tpu.memory_space<vmem_shared>>
      tpu.enqueue_dma source(%dma_start3A_711 : memref<16x128xf32, #tpu.memory_space<vmem_shared>>) target(%dma_start3A_709 : memref<16x128xf32, #tpu.memory_space<vmem>>) target_semaphore(%run_scoped3A : memref<!tpu.dma_semaphore, #tpu.memory_space<semaphore_mem>>)
      %dma_wait3A_712 = arith.constant 0 : i32
      %dma_wait3A_713 = arith.constant 0 : i32
      %dma_wait3A_714 = tpu.memref_slice %arg8[%dma_wait3A_712, %dma_wait3A_713] : memref<64x128xf32, #tpu.memory_space<vmem>> -> memref<16x128xf32, #tpu.memory_space<vmem>>
      %dma_wait3A_715 = arith.constant 0 : i32
      %dma_wait3A_716 = tpu.memref_slice %arg18[%add3A_689, %dma_wait3A_715] : memref<1280x128xf32, #tpu.memory_space<vmem_shared>> -> memref<16x128xf32, #tpu.memory_space<vmem_shared>>
      %dma_wait3A_717 = arith.constant 0 : i32
      %dma_wait3A_718 = arith.constant 0 : i32
      %dma_wait3A_719 = tpu.memref_slice %arg8[%dma_wait3A_717, %dma_wait3A_718] : memref<64x128xf32, #tpu.memory_space<vmem>> -> memref<16x128xf32, #tpu.memory_space<vmem>>
      %dma_wait3A_720 = arith.constant 0 : i32
      %dma_wait3A_721 = tpu.memref_slice %arg18[%add3A_689, %dma_wait3A_720] : memref<1280x128xf32, #tpu.memory_space<vmem_shared>> -> memref<16x128xf32, #tpu.memory_space<vmem_shared>>
      tpu.wait_dma2 semaphore(%run_scoped3A : memref<!tpu.dma_semaphore, #tpu.memory_space<semaphore_mem>>) src(%dma_wait3A_721 : memref<16x128xf32, #tpu.memory_space<vmem_shared>>) dst(%dma_wait3A_719 : memref<16x128xf32, #tpu.memory_space<vmem>>)
      tpu.yield
    }) : () -> ()
    %mul3A_690 = arith.constant 80 : i32
    %mul3A_691 = arith.muli %arg1, %mul3A_690 : i32
    %add3A_692 = arith.constant 48 : i32
    %add3A_693 = arith.addi %mul3A_691, %add3A_692 : i32
    "tpu.region"() ({
      %run_scoped3A = tpu.sem_alloc : memref<!tpu.dma_semaphore, #tpu.memory_space<semaphore_mem>>
      %dma_start3A_702 = arith.constant 0 : i32
      %dma_start3A_703 = arith.constant 0 : i32
      %dma_start3A_704 = tpu.memref_slice %arg8[%dma_start3A_702, %dma_start3A_703] : memref<64x128xf32, #tpu.memory_space<vmem>> -> memref<16x128xf32, #tpu.memory_space<vmem>>
      %dma_start3A_705 = arith.constant 0 : i32
      %dma_start3A_706 = tpu.memref_slice %arg6[%arg0, %add3A_693, %dma_start3A_705] : memref<2x1280x128xf32, #tpu.memory_space<hbm>> -> memref<1x16x128xf32, #tpu.memory_space<hbm>>
      %dma_start3A_707 = tpu.memref_squeeze %dma_start3A_706 : memref<1x16x128xf32, #tpu.memory_space<hbm>> -> memref<16x128xf32, #tpu.memory_space<hbm>>
      %dma_start3A_708 = arith.constant 0 : i32
      %dma_start3A_709 = tpu.memref_slice %arg6[%arg0, %add3A_693, %dma_start3A_708] : memref<2x1280x128xf32, #tpu.memory_space<hbm>> -> memref<1x16x128xf32, #tpu.memory_space<hbm>>
      %dma_start3A_710 = tpu.memref_squeeze %dma_start3A_709 : memref<1x16x128xf32, #tpu.memory_space<hbm>> -> memref<16x128xf32, #tpu.memory_space<hbm>>
      %dma_start3A_711 = arith.constant 0 : i32
      %dma_start3A_712 = arith.constant 0 : i32
      %dma_start3A_713 = tpu.memref_slice %arg8[%dma_start3A_711, %dma_start3A_712] : memref<64x128xf32, #tpu.memory_space<vmem>> -> memref<16x128xf32, #tpu.memory_space<vmem>>
      tpu.enqueue_dma source(%dma_start3A_713 : memref<16x128xf32, #tpu.memory_space<vmem>>) target(%dma_start3A_710 : memref<16x128xf32, #tpu.memory_space<hbm>>) target_semaphore(%run_scoped3A : memref<!tpu.dma_semaphore, #tpu.memory_space<semaphore_mem>>)
      %dma_wait3A_714 = arith.constant 0 : i32
      %dma_wait3A_715 = arith.constant 0 : i32
      %dma_wait3A_716 = tpu.memref_slice %arg8[%dma_wait3A_714, %dma_wait3A_715] : memref<64x128xf32, #tpu.memory_space<vmem>> -> memref<16x128xf32, #tpu.memory_space<vmem>>
      %dma_wait3A_717 = arith.constant 0 : i32
      %dma_wait3A_718 = tpu.memref_slice %arg6[%arg0, %add3A_693, %dma_wait3A_717] : memref<2x1280x128xf32, #tpu.memory_space<hbm>> -> memref<1x16x128xf32, #tpu.memory_space<hbm>>
      %dma_wait3A_719 = tpu.memref_squeeze %dma_wait3A_718 : memref<1x16x128xf32, #tpu.memory_space<hbm>> -> memref<16x128xf32, #tpu.memory_space<hbm>>
      %dma_wait3A_720 = arith.constant 0 : i32
      %dma_wait3A_721 = tpu.memref_slice %arg6[%arg0, %add3A_693, %dma_wait3A_720] : memref<2x1280x128xf32, #tpu.memory_space<hbm>> -> memref<1x16x128xf32, #tpu.memory_space<hbm>>
      %dma_wait3A_722 = tpu.memref_squeeze %dma_wait3A_721 : memref<1x16x128xf32, #tpu.memory_space<hbm>> -> memref<16x128xf32, #tpu.memory_space<hbm>>
      %dma_wait3A_723 = arith.constant 0 : i32
      %dma_wait3A_724 = arith.constant 0 : i32
      %dma_wait3A_725 = tpu.memref_slice %arg8[%dma_wait3A_723, %dma_wait3A_724] : memref<64x128xf32, #tpu.memory_space<vmem>> -> memref<16x128xf32, #tpu.memory_space<vmem>>
      tpu.wait_dma2 semaphore(%run_scoped3A : memref<!tpu.dma_semaphore, #tpu.memory_space<semaphore_mem>>) src(%dma_wait3A_725 : memref<16x128xf32, #tpu.memory_space<vmem>>) dst(%dma_wait3A_722 : memref<16x128xf32, #tpu.memory_space<hbm>>)
      tpu.yield
    }) : () -> ()
    %mul3A_694 = arith.constant 80 : i32
    %mul3A_695 = arith.muli %arg1, %mul3A_694 : i32
    %add3A_696 = arith.constant 64 : i32
    %add3A_697 = arith.addi %mul3A_695, %add3A_696 : i32
    "tpu.region"() ({
      %run_scoped3A = tpu.sem_alloc : memref<!tpu.dma_semaphore, #tpu.memory_space<semaphore_mem>>
      %dma_start3A_702 = arith.constant 0 : i32
      %dma_start3A_703 = arith.constant 0 : i32
      %dma_start3A_704 = tpu.memref_slice %arg8[%dma_start3A_702, %dma_start3A_703] : memref<64x128xf32, #tpu.memory_space<vmem>> -> memref<16x128xf32, #tpu.memory_space<vmem>>
      %dma_start3A_705 = arith.constant 0 : i32
      %dma_start3A_706 = tpu.memref_slice %arg18[%add3A_697, %dma_start3A_705] : memref<1280x128xf32, #tpu.memory_space<vmem_shared>> -> memref<16x128xf32, #tpu.memory_space<vmem_shared>>
      %dma_start3A_707 = arith.constant 0 : i32
      %dma_start3A_708 = arith.constant 0 : i32
      %dma_start3A_709 = tpu.memref_slice %arg8[%dma_start3A_707, %dma_start3A_708] : memref<64x128xf32, #tpu.memory_space<vmem>> -> memref<16x128xf32, #tpu.memory_space<vmem>>
      %dma_start3A_710 = arith.constant 0 : i32
      %dma_start3A_711 = tpu.memref_slice %arg18[%add3A_697, %dma_start3A_710] : memref<1280x128xf32, #tpu.memory_space<vmem_shared>> -> memref<16x128xf32, #tpu.memory_space<vmem_shared>>
      tpu.enqueue_dma source(%dma_start3A_711 : memref<16x128xf32, #tpu.memory_space<vmem_shared>>) target(%dma_start3A_709 : memref<16x128xf32, #tpu.memory_space<vmem>>) target_semaphore(%run_scoped3A : memref<!tpu.dma_semaphore, #tpu.memory_space<semaphore_mem>>)
      %dma_wait3A_712 = arith.constant 0 : i32
      %dma_wait3A_713 = arith.constant 0 : i32
      %dma_wait3A_714 = tpu.memref_slice %arg8[%dma_wait3A_712, %dma_wait3A_713] : memref<64x128xf32, #tpu.memory_space<vmem>> -> memref<16x128xf32, #tpu.memory_space<vmem>>
      %dma_wait3A_715 = arith.constant 0 : i32
      %dma_wait3A_716 = tpu.memref_slice %arg18[%add3A_697, %dma_wait3A_715] : memref<1280x128xf32, #tpu.memory_space<vmem_shared>> -> memref<16x128xf32, #tpu.memory_space<vmem_shared>>
      %dma_wait3A_717 = arith.constant 0 : i32
      %dma_wait3A_718 = arith.constant 0 : i32
      %dma_wait3A_719 = tpu.memref_slice %arg8[%dma_wait3A_717, %dma_wait3A_718] : memref<64x128xf32, #tpu.memory_space<vmem>> -> memref<16x128xf32, #tpu.memory_space<vmem>>
      %dma_wait3A_720 = arith.constant 0 : i32
      %dma_wait3A_721 = tpu.memref_slice %arg18[%add3A_697, %dma_wait3A_720] : memref<1280x128xf32, #tpu.memory_space<vmem_shared>> -> memref<16x128xf32, #tpu.memory_space<vmem_shared>>
      tpu.wait_dma2 semaphore(%run_scoped3A : memref<!tpu.dma_semaphore, #tpu.memory_space<semaphore_mem>>) src(%dma_wait3A_721 : memref<16x128xf32, #tpu.memory_space<vmem_shared>>) dst(%dma_wait3A_719 : memref<16x128xf32, #tpu.memory_space<vmem>>)
      tpu.yield
    }) : () -> ()
    %mul3A_698 = arith.constant 80 : i32
    %mul3A_699 = arith.muli %arg1, %mul3A_698 : i32
    %add3A_700 = arith.constant 64 : i32
    %add3A_701 = arith.addi %mul3A_699, %add3A_700 : i32
    "tpu.region"() ({
      %run_scoped3A = tpu.sem_alloc : memref<!tpu.dma_semaphore, #tpu.memory_space<semaphore_mem>>
      %dma_start3A_702 = arith.constant 0 : i32
      %dma_start3A_703 = arith.constant 0 : i32
      %dma_start3A_704 = tpu.memref_slice %arg8[%dma_start3A_702, %dma_start3A_703] : memref<64x128xf32, #tpu.memory_space<vmem>> -> memref<16x128xf32, #tpu.memory_space<vmem>>
      %dma_start3A_705 = arith.constant 0 : i32
      %dma_start3A_706 = tpu.memref_slice %arg6[%arg0, %add3A_701, %dma_start3A_705] : memref<2x1280x128xf32, #tpu.memory_space<hbm>> -> memref<1x16x128xf32, #tpu.memory_space<hbm>>
      %dma_start3A_707 = tpu.memref_squeeze %dma_start3A_706 : memref<1x16x128xf32, #tpu.memory_space<hbm>> -> memref<16x128xf32, #tpu.memory_space<hbm>>
      %dma_start3A_708 = arith.constant 0 : i32
      %dma_start3A_709 = tpu.memref_slice %arg6[%arg0, %add3A_701, %dma_start3A_708] : memref<2x1280x128xf32, #tpu.memory_space<hbm>> -> memref<1x16x128xf32, #tpu.memory_space<hbm>>
      %dma_start3A_710 = tpu.memref_squeeze %dma_start3A_709 : memref<1x16x128xf32, #tpu.memory_space<hbm>> -> memref<16x128xf32, #tpu.memory_space<hbm>>
      %dma_start3A_711 = arith.constant 0 : i32
      %dma_start3A_712 = arith.constant 0 : i32
      %dma_start3A_713 = tpu.memref_slice %arg8[%dma_start3A_711, %dma_start3A_712] : memref<64x128xf32, #tpu.memory_space<vmem>> -> memref<16x128xf32, #tpu.memory_space<vmem>>
      tpu.enqueue_dma source(%dma_start3A_713 : memref<16x128xf32, #tpu.memory_space<vmem>>) target(%dma_start3A_710 : memref<16x128xf32, #tpu.memory_space<hbm>>) target_semaphore(%run_scoped3A : memref<!tpu.dma_semaphore, #tpu.memory_space<semaphore_mem>>)
      %dma_wait3A_714 = arith.constant 0 : i32
      %dma_wait3A_715 = arith.constant 0 : i32
      %dma_wait3A_716 = tpu.memref_slice %arg8[%dma_wait3A_714, %dma_wait3A_715] : memref<64x128xf32, #tpu.memory_space<vmem>> -> memref<16x128xf32, #tpu.memory_space<vmem>>
      %dma_wait3A_717 = arith.constant 0 : i32
      %dma_wait3A_718 = tpu.memref_slice %arg6[%arg0, %add3A_701, %dma_wait3A_717] : memref<2x1280x128xf32, #tpu.memory_space<hbm>> -> memref<1x16x128xf32, #tpu.memory_space<hbm>>
      %dma_wait3A_719 = tpu.memref_squeeze %dma_wait3A_718 : memref<1x16x128xf32, #tpu.memory_space<hbm>> -> memref<16x128xf32, #tpu.memory_space<hbm>>
      %dma_wait3A_720 = arith.constant 0 : i32
      %dma_wait3A_721 = tpu.memref_slice %arg6[%arg0, %add3A_701, %dma_wait3A_720] : memref<2x1280x128xf32, #tpu.memory_space<hbm>> -> memref<1x16x128xf32, #tpu.memory_space<hbm>>
      %dma_wait3A_722 = tpu.memref_squeeze %dma_wait3A_721 : memref<1x16x128xf32, #tpu.memory_space<hbm>> -> memref<16x128xf32, #tpu.memory_space<hbm>>
      %dma_wait3A_723 = arith.constant 0 : i32
      %dma_wait3A_724 = arith.constant 0 : i32
      %dma_wait3A_725 = tpu.memref_slice %arg8[%dma_wait3A_723, %dma_wait3A_724] : memref<64x128xf32, #tpu.memory_space<vmem>> -> memref<16x128xf32, #tpu.memory_space<vmem>>
      tpu.wait_dma2 semaphore(%run_scoped3A : memref<!tpu.dma_semaphore, #tpu.memory_space<semaphore_mem>>) src(%dma_wait3A_725 : memref<16x128xf32, #tpu.memory_space<vmem>>) dst(%dma_wait3A_722 : memref<16x128xf32, #tpu.memory_space<hbm>>)
      tpu.yield
    }) : () -> ()
    return
  }
}

module attributes {stable_mosaic.version = 14 : i64} {
  func.func @_proj_body(%arg0: i32, %arg1: memref<1000x128xf32, #tpu.memory_space<vmem>>, %arg2: memref<384x128xf32, #tpu.memory_space<vmem>>, %arg3: memref<1000x128xf32, #tpu.memory_space<vmem>>, %arg4: memref<1000x128xi32, #tpu.memory_space<vmem>>) attributes {dimension_semantics = [#tpu.dimension_semantics<arbitrary>], iteration_bounds = array<i64: 10>, scalar_prefetch = 0 : i64, scratch_operands = 0 : i64, tpu.core_type = #tpu.core_type<tc>, window_params = [{transform_indices = @transform_0, window_bounds = array<i64: 1000, 128>}, {pipeline_mode = #tpu.pipeline_mode<synchronous>, transform_indices = @transform_1, window_bounds = array<i64: 384, 128>}, {transform_indices = @transform_2, window_bounds = array<i64: 1000, 128>}, {transform_indices = @transform_3, window_bounds = array<i64: 1000, 128>}]} {
    %get3A = arith.constant 0 : index
    %get3A_0 = arith.constant 0 : index
    %get3A_1 = vector.load %arg1[%get3A, %get3A_0] : memref<1000x128xf32, #tpu.memory_space<vmem>>, vector<1000x128xf32>
    %get3A_2 = arith.constant 0 : index
    %get3A_3 = arith.constant 0 : index
    %get3A_4 = vector.load %arg2[%get3A_2, %get3A_3] : memref<384x128xf32, #tpu.memory_space<vmem>>, vector<384x128xf32>
    %dot_general3A = arith.constant dense<0.000000e+00> : vector<1000x384xf32>
    %dot_general3A_5 = tpu.matmul %get3A_1, %get3A_4, %dot_general3A {dimension_numbers = #tpu.dot_dimension_numbers<[1], [1], [0], [0], [0, 0, 1, 0], [], []>, transpose_lhs_hint = false} : vector<1000x128xf32>, vector<384x128xf32>, vector<1000x384xf32> -> vector<1000x384xf32>
    %slice3A = vector.extract_strided_slice %dot_general3A_5 {offsets = [0, 0], sizes = [1000, 128], strides = [1, 1]} : vector<1000x384xf32> to vector<1000x128xf32>
    %mul3A = arith.constant 2.500000e-01 : f32
    %mul3A_6 = vector.broadcast %mul3A : f32 to vector<1000x128xf32>
    %mul3A_7 = arith.mulf %slice3A, %mul3A_6 : vector<1000x128xf32>
    %iota3A = tpu.iota {dimensions = array<i32: 0>} : vector<128x128xi32>
    %iota3A_8 = tpu.iota {dimensions = array<i32: 1>} : vector<128x128xi32>
    %jit3A = arith.constant 64 : i32
    %eq3A = arith.constant 0 : i32
    %eq3A_9 = arith.cmpi eq, %jit3A, %eq3A : i32
    %jit3A_10 = arith.constant 1 : i32
    %select_n3A = arith.select %eq3A_9, %jit3A_10, %jit3A : i32
    %rem3A = vector.broadcast %select_n3A : i32 to vector<128x128xi32>
    %rem3A_11 = arith.remsi %iota3A_8, %rem3A : vector<128x128xi32>
    %ne3A = arith.constant 0 : i32
    %ne3A_12 = vector.broadcast %ne3A : i32 to vector<128x128xi32>
    %ne3A_13 = arith.cmpi ne, %rem3A_11, %ne3A_12 : vector<128x128xi32>
    %lt3A = arith.constant 0 : i32
    %lt3A_14 = vector.broadcast %lt3A : i32 to vector<128x128xi32>
    %lt3A_15 = arith.cmpi slt, %rem3A_11, %lt3A_14 : vector<128x128xi32>
    %lt3A_16 = arith.constant 0 : i32
    %lt3A_17 = arith.cmpi slt, %select_n3A, %lt3A_16 : i32
    %ne3A_18 = vector.broadcast %lt3A_17 : i1 to vector<128x128xi1>
    %ne3A_19 = vector.broadcast %ne3A_18 : vector<128x128xi1> to vector<128x128xi1>
    %ne3A_20 = arith.xori %lt3A_15, %ne3A_19 : vector<128x128xi1>
    %and3A = arith.andi %ne3A_20, %ne3A_13 : vector<128x128xi1>
    %add3A = vector.broadcast %select_n3A : i32 to vector<128x128xi32>
    %add3A_21 = arith.addi %rem3A_11, %add3A : vector<128x128xi32>
    %select_n3A_22 = arith.select %and3A, %add3A_21, %rem3A_11 : vector<128x128xi1>, vector<128x128xi32>
    %mul3A_23 = arith.constant 2 : i32
    %mul3A_24 = vector.broadcast %mul3A_23 : i32 to vector<128x128xi32>
    %mul3A_25 = arith.muli %mul3A_24, %select_n3A_22 : vector<128x128xi32>
    %jit3A_26 = arith.constant 64 : i32
    %div3A = vector.broadcast %jit3A_26 : i32 to vector<128x128xi32>
    %div3A_27 = arith.divsi %iota3A_8, %div3A : vector<128x128xi32>
    %sign3A = arith.constant 0 : i32
    %sign3A_28 = vector.broadcast %sign3A : i32 to vector<128x128xi32>
    %sign3A_29 = arith.cmpi sgt, %iota3A_8, %sign3A_28 : vector<128x128xi32>
    %sign3A_30 = arith.extui %sign3A_29 : vector<128x128xi1> to vector<128x128xi32>
    %sign3A_31 = arith.constant 0 : i32
    %sign3A_32 = vector.broadcast %sign3A_31 : i32 to vector<128x128xi32>
    %sign3A_33 = arith.cmpi slt, %iota3A_8, %sign3A_32 : vector<128x128xi32>
    %sign3A_34 = arith.extui %sign3A_33 : vector<128x128xi1> to vector<128x128xi32>
    %sign3A_35 = arith.subi %sign3A_30, %sign3A_34 : vector<128x128xi32>
    %sign3A_36 = arith.constant 0 : i32
    %sign3A_37 = arith.cmpi sgt, %jit3A_26, %sign3A_36 : i32
    %sign3A_38 = arith.extui %sign3A_37 : i1 to i32
    %sign3A_39 = arith.constant 0 : i32
    %sign3A_40 = arith.cmpi slt, %jit3A_26, %sign3A_39 : i32
    %sign3A_41 = arith.extui %sign3A_40 : i1 to i32
    %sign3A_42 = arith.subi %sign3A_38, %sign3A_41 : i32
    %ne3A_43 = vector.broadcast %sign3A_42 : i32 to vector<128x128xi32>
    %ne3A_44 = arith.cmpi ne, %sign3A_35, %ne3A_43 : vector<128x128xi32>
    %rem3A_45 = vector.broadcast %jit3A_26 : i32 to vector<128x128xi32>
    %rem3A_46 = arith.remsi %iota3A_8, %rem3A_45 : vector<128x128xi32>
    %ne3A_47 = arith.constant 0 : i32
    %ne3A_48 = vector.broadcast %ne3A_47 : i32 to vector<128x128xi32>
    %ne3A_49 = arith.cmpi ne, %rem3A_46, %ne3A_48 : vector<128x128xi32>
    %and3A_50 = arith.andi %ne3A_44, %ne3A_49 : vector<128x128xi1>
    %sub3A = arith.constant 1 : i32
    %sub3A_51 = vector.broadcast %sub3A : i32 to vector<128x128xi32>
    %sub3A_52 = arith.subi %div3A_27, %sub3A_51 : vector<128x128xi32>
    %select_n3A_53 = arith.select %and3A_50, %sub3A_52, %div3A_27 : vector<128x128xi1>, vector<128x128xi32>
    %add3A_54 = arith.addi %mul3A_25, %select_n3A_53 : vector<128x128xi32>
    %eq3A_55 = arith.cmpi eq, %iota3A, %add3A_54 : vector<128x128xi32>
    %convert_element_type3A = arith.extui %eq3A_55 : vector<128x128xi1> to vector<128x128xi32>
    %convert_element_type3A_56 = arith.sitofp %convert_element_type3A : vector<128x128xi32> to vector<128x128xf32>
    %dot_general3A_57 = arith.constant dense<0.000000e+00> : vector<1000x128xf32>
    %dot_general3A_58 = tpu.matmul %mul3A_7, %convert_element_type3A_56, %dot_general3A_57 {dimension_numbers = #tpu.dot_dimension_numbers<[1], [0], [0], [1], [0, 0, 1, 1], [], []>, transpose_lhs_hint = false} : vector<1000x128xf32>, vector<128x128xf32>, vector<1000x128xf32> -> vector<1000x128xf32>
    %swap3A = arith.constant 0 : index
    %swap3A_59 = arith.constant 0 : index
    %swap3A_60 = vector.load %arg3[%swap3A, %swap3A_59] : memref<1000x128xf32, #tpu.memory_space<vmem>>, vector<1000x128xf32>
    tpu.vector_store %arg3[%swap3A, %swap3A_59], %dot_general3A_58 {strides = array<i32>} : memref<1000x128xf32, #tpu.memory_space<vmem>>, vector<1000x128xf32>,
    %slice3A_61 = vector.extract_strided_slice %dot_general3A_5 {offsets = [0, 128], sizes = [1000, 256], strides = [1, 1]} : vector<1000x384xf32> to vector<1000x256xf32>
    %iota3A_62 = tpu.iota {dimensions = array<i32: 0>} : vector<256x128xi32>
    %iota3A_63 = tpu.iota {dimensions = array<i32: 1>} : vector<256x128xi32>
    %mul3A_64 = arith.constant 2 : i32
    %mul3A_65 = vector.broadcast %mul3A_64 : i32 to vector<256x128xi32>
    %mul3A_66 = arith.muli %mul3A_65, %iota3A_63 : vector<256x128xi32>
    %eq3A_67 = arith.cmpi eq, %iota3A_62, %mul3A_66 : vector<256x128xi32>
    %convert_element_type3A_68 = arith.extui %eq3A_67 : vector<256x128xi1> to vector<256x128xi32>
    %convert_element_type3A_69 = arith.sitofp %convert_element_type3A_68 : vector<256x128xi32> to vector<256x128xf32>
    %mul3A_70 = arith.constant 2 : i32
    %mul3A_71 = vector.broadcast %mul3A_70 : i32 to vector<256x128xi32>
    %mul3A_72 = arith.muli %mul3A_71, %iota3A_63 : vector<256x128xi32>
    %add3A_73 = arith.constant 1 : i32
    %add3A_74 = vector.broadcast %add3A_73 : i32 to vector<256x128xi32>
    %add3A_75 = arith.addi %mul3A_72, %add3A_74 : vector<256x128xi32>
    %eq3A_76 = arith.cmpi eq, %iota3A_62, %add3A_75 : vector<256x128xi32>
    %convert_element_type3A_77 = arith.extui %eq3A_76 : vector<256x128xi1> to vector<256x128xi32>
    %convert_element_type3A_78 = arith.sitofp %convert_element_type3A_77 : vector<256x128xi32> to vector<256x128xf32>
    %dot_general3A_79 = arith.constant dense<0.000000e+00> : vector<1000x128xf32>
    %dot_general3A_80 = tpu.matmul %slice3A_61, %convert_element_type3A_69, %dot_general3A_79 {dimension_numbers = #tpu.dot_dimension_numbers<[1], [0], [0], [1], [0, 0, 1, 1], [], []>, transpose_lhs_hint = false} : vector<1000x256xf32>, vector<256x128xf32>, vector<1000x128xf32> -> vector<1000x128xf32>
    %dot_general3A_81 = arith.constant dense<0.000000e+00> : vector<1000x128xf32>
    %dot_general3A_82 = tpu.matmul %slice3A_61, %convert_element_type3A_78, %dot_general3A_81 {dimension_numbers = #tpu.dot_dimension_numbers<[1], [0], [0], [1], [0, 0, 1, 1], [], []>, transpose_lhs_hint = false} : vector<1000x256xf32>, vector<256x128xf32>, vector<1000x128xf32> -> vector<1000x128xf32>
    %bitcast_convert_type3A = tpu.bitcast %dot_general3A_80 : vector<1000x128xf32> -> vector<1000x128xi32>
    %add3A_83 = arith.constant 32767 : i32
    %add3A_84 = vector.broadcast %add3A_83 : i32 to vector<1000x128xi32>
    %add3A_85 = arith.addi %bitcast_convert_type3A, %add3A_84 : vector<1000x128xi32>
    %shift_right_logical3A = arith.constant 16 : i32
    %shift_right_logical3A_86 = vector.broadcast %shift_right_logical3A : i32 to vector<1000x128xi32>
    %shift_right_logical3A_87 = arith.shrui %bitcast_convert_type3A, %shift_right_logical3A_86 : vector<1000x128xi32>
    %and3A_88 = arith.constant 1 : i32
    %and3A_89 = vector.broadcast %and3A_88 : i32 to vector<1000x128xi32>
    %and3A_90 = arith.andi %shift_right_logical3A_87, %and3A_89 : vector<1000x128xi32>
    %add3A_91 = arith.addi %add3A_85, %and3A_90 : vector<1000x128xi32>
    %shift_right_logical3A_92 = arith.constant 16 : i32
    %shift_right_logical3A_93 = vector.broadcast %shift_right_logical3A_92 : i32 to vector<1000x128xi32>
    %shift_right_logical3A_94 = arith.shrui %add3A_91, %shift_right_logical3A_93 : vector<1000x128xi32>
    %bitcast_convert_type3A_95 = tpu.bitcast %dot_general3A_82 : vector<1000x128xf32> -> vector<1000x128xi32>
    %add3A_96 = arith.constant 32767 : i32
    %add3A_97 = vector.broadcast %add3A_96 : i32 to vector<1000x128xi32>
    %add3A_98 = arith.addi %bitcast_convert_type3A_95, %add3A_97 : vector<1000x128xi32>
    %shift_right_logical3A_99 = arith.constant 16 : i32
    %shift_right_logical3A_100 = vector.broadcast %shift_right_logical3A_99 : i32 to vector<1000x128xi32>
    %shift_right_logical3A_101 = arith.shrui %bitcast_convert_type3A_95, %shift_right_logical3A_100 : vector<1000x128xi32>
    %and3A_102 = arith.constant 1 : i32
    %and3A_103 = vector.broadcast %and3A_102 : i32 to vector<1000x128xi32>
    %and3A_104 = arith.andi %shift_right_logical3A_101, %and3A_103 : vector<1000x128xi32>
    %add3A_105 = arith.addi %add3A_98, %and3A_104 : vector<1000x128xi32>
    %shift_right_logical3A_106 = arith.constant 16 : i32
    %shift_right_logical3A_107 = vector.broadcast %shift_right_logical3A_106 : i32 to vector<1000x128xi32>
    %shift_right_logical3A_108 = arith.shrui %add3A_105, %shift_right_logical3A_107 : vector<1000x128xi32>
    %shift_left3A = arith.constant 16 : i32
    %shift_left3A_109 = vector.broadcast %shift_left3A : i32 to vector<1000x128xi32>
    %shift_left3A_110 = arith.shli %shift_right_logical3A_108, %shift_left3A_109 : vector<1000x128xi32>
    %or3A = arith.ori %shift_right_logical3A_94, %shift_left3A_110 : vector<1000x128xi32>
    %swap3A_111 = arith.constant 0 : index
    %swap3A_112 = arith.constant 0 : index
    %swap3A_113 = vector.load %arg4[%swap3A_111, %swap3A_112] : memref<1000x128xi32, #tpu.memory_space<vmem>>, vector<1000x128xi32>
    tpu.vector_store %arg4[%swap3A_111, %swap3A_112], %or3A {strides = array<i32>} : memref<1000x128xi32, #tpu.memory_space<vmem>>, vector<1000x128xi32>,
    return
  }
  func.func @transform_0(%arg0: i32) -> (i32, i32) {
    %c0_i32 = arith.constant 0 : i32
    %c0_i32_0 = arith.constant 0 : i32
    return %arg0, %c0_i32 : i32, i32
  }
  func.func @transform_1(%arg0: i32) -> (i32, i32) {
    %c0_i32 = arith.constant 0 : i32
    %c0_i32_0 = arith.constant 0 : i32
    %c0_i32_1 = arith.constant 0 : i32
    return %c0_i32, %c0_i32_0 : i32, i32
  }
  func.func @transform_2(%arg0: i32) -> (i32, i32) {
    %c0_i32 = arith.constant 0 : i32
    %c0_i32_0 = arith.constant 0 : i32
    return %arg0, %c0_i32 : i32, i32
  }
  func.func @transform_3(%arg0: i32) -> (i32, i32) {
    %c0_i32 = arith.constant 0 : i32
    %c0_i32_0 = arith.constant 0 : i32
    return %arg0, %c0_i32 : i32, i32
  }
}

module attributes {stable_mosaic.version = 14 : i64} {
  func.func @_edge_body(%arg0: i32, %arg1: memref<4000x1xi32, #tpu.memory_space<vmem>>, %arg2: memref<4000x128xf32, #tpu.memory_space<vmem>>, %arg3: memref<4000x128xi32, #tpu.memory_space<vmem>>, %arg4: memref<4000x128xf32, #tpu.memory_space<vmem>>, %arg5: memref<4000x128xf32, #tpu.memory_space<vmem>>) attributes {dimension_semantics = [#tpu.dimension_semantics<arbitrary>], iteration_bounds = array<i64: 80>, scalar_prefetch = 0 : i64, scratch_operands = 0 : i64, tpu.core_type = #tpu.core_type<tc>, window_params = [{transform_indices = @transform_0, window_bounds = array<i64: 4000, 1>}, {transform_indices = @transform_1, window_bounds = array<i64: 4000, 128>}, {transform_indices = @transform_2, window_bounds = array<i64: 4000, 128>}, {transform_indices = @transform_3, window_bounds = array<i64: 4000, 128>}, {transform_indices = @transform_4, window_bounds = array<i64: 4000, 128>}]} {
    %get3A = arith.constant 0 : index
    %get3A_0 = arith.constant 0 : index
    %get3A_1 = vector.load %arg2[%get3A, %get3A_0] : memref<4000x128xf32, #tpu.memory_space<vmem>>, vector<4000x128xf32>
    %get3A_2 = arith.constant 0 : index
    %get3A_3 = arith.constant 0 : index
    %get3A_4 = vector.load %arg3[%get3A_2, %get3A_3] : memref<4000x128xi32, #tpu.memory_space<vmem>>, vector<4000x128xi32>
    %slice3A = vector.extract_strided_slice %get3A_4 {offsets = [0, 0], sizes = [4000, 64], strides = [1, 1]} : vector<4000x128xi32> to vector<4000x64xi32>
    %slice3A_5 = vector.extract_strided_slice %get3A_4 {offsets = [0, 64], sizes = [4000, 64], strides = [1, 1]} : vector<4000x128xi32> to vector<4000x64xi32>
    %slice3A_6 = vector.extract_strided_slice %get3A_1 {offsets = [0, 0], sizes = [4000, 64], strides = [1, 1]} : vector<4000x128xf32> to vector<4000x64xf32>
    %shift_left3A = arith.constant 16 : i32
    %shift_left3A_7 = vector.broadcast %shift_left3A : i32 to vector<4000x64xi32>
    %shift_left3A_8 = arith.shli %slice3A, %shift_left3A_7 : vector<4000x64xi32>
    %bitcast_convert_type3A = tpu.bitcast %shift_left3A_8 : vector<4000x64xi32> -> vector<4000x64xf32>
    %mul3A = arith.mulf %slice3A_6, %bitcast_convert_type3A : vector<4000x64xf32>
    %slice3A_9 = vector.extract_strided_slice %get3A_1 {offsets = [0, 64], sizes = [4000, 64], strides = [1, 1]} : vector<4000x128xf32> to vector<4000x64xf32>
    %and3A = arith.constant -65536 : i32
    %and3A_10 = vector.broadcast %and3A : i32 to vector<4000x64xi32>
    %and3A_11 = arith.andi %slice3A, %and3A_10 : vector<4000x64xi32>
    %bitcast_convert_type3A_12 = tpu.bitcast %and3A_11 : vector<4000x64xi32> -> vector<4000x64xf32>
    %mul3A_13 = arith.mulf %slice3A_9, %bitcast_convert_type3A_12 : vector<4000x64xf32>
    %add3A = arith.addf %mul3A, %mul3A_13 : vector<4000x64xf32>
    %shift_left3A_14 = arith.constant 16 : i32
    %shift_left3A_15 = vector.broadcast %shift_left3A_14 : i32 to vector<4000x64xi32>
    %shift_left3A_16 = arith.shli %slice3A_5, %shift_left3A_15 : vector<4000x64xi32>
    %bitcast_convert_type3A_17 = tpu.bitcast %shift_left3A_16 : vector<4000x64xi32> -> vector<4000x64xf32>
    %and3A_18 = arith.constant -65536 : i32
    %and3A_19 = vector.broadcast %and3A_18 : i32 to vector<4000x64xi32>
    %and3A_20 = arith.andi %slice3A_5, %and3A_19 : vector<4000x64xi32>
    %bitcast_convert_type3A_21 = tpu.bitcast %and3A_20 : vector<4000x64xi32> -> vector<4000x64xf32>
    %concatenate3A = tpu.concatenate %bitcast_convert_type3A_17, %bitcast_convert_type3A_21 in 1 : vector<4000x64xf32>, vector<4000x64xf32> -> vector<4000x128xf32>
    %iota3A = tpu.iota {dimensions = array<i32: 0>} : vector<64x8xi32>
    %jit3A = arith.constant 8 : i32
    %div3A = vector.broadcast %jit3A : i32 to vector<64x8xi32>
    %div3A_22 = arith.divsi %iota3A, %div3A : vector<64x8xi32>
    %sign3A = arith.constant 0 : i32
    %sign3A_23 = vector.broadcast %sign3A : i32 to vector<64x8xi32>
    %sign3A_24 = arith.cmpi sgt, %iota3A, %sign3A_23 : vector<64x8xi32>
    %sign3A_25 = arith.extui %sign3A_24 : vector<64x8xi1> to vector<64x8xi32>
    %sign3A_26 = arith.constant 0 : i32
    %sign3A_27 = vector.broadcast %sign3A_26 : i32 to vector<64x8xi32>
    %sign3A_28 = arith.cmpi slt, %iota3A, %sign3A_27 : vector<64x8xi32>
    %sign3A_29 = arith.extui %sign3A_28 : vector<64x8xi1> to vector<64x8xi32>
    %sign3A_30 = arith.subi %sign3A_25, %sign3A_29 : vector<64x8xi32>
    %sign3A_31 = arith.constant 0 : i32
    %sign3A_32 = arith.cmpi sgt, %jit3A, %sign3A_31 : i32
    %sign3A_33 = arith.extui %sign3A_32 : i1 to i32
    %sign3A_34 = arith.constant 0 : i32
    %sign3A_35 = arith.cmpi slt, %jit3A, %sign3A_34 : i32
    %sign3A_36 = arith.extui %sign3A_35 : i1 to i32
    %sign3A_37 = arith.subi %sign3A_33, %sign3A_36 : i32
    %ne3A = vector.broadcast %sign3A_37 : i32 to vector<64x8xi32>
    %ne3A_38 = arith.cmpi ne, %sign3A_30, %ne3A : vector<64x8xi32>
    %rem3A = vector.broadcast %jit3A : i32 to vector<64x8xi32>
    %rem3A_39 = arith.remsi %iota3A, %rem3A : vector<64x8xi32>
    %ne3A_40 = arith.constant 0 : i32
    %ne3A_41 = vector.broadcast %ne3A_40 : i32 to vector<64x8xi32>
    %ne3A_42 = arith.cmpi ne, %rem3A_39, %ne3A_41 : vector<64x8xi32>
    %and3A_43 = arith.andi %ne3A_38, %ne3A_42 : vector<64x8xi1>
    %sub3A = arith.constant 1 : i32
    %sub3A_44 = vector.broadcast %sub3A : i32 to vector<64x8xi32>
    %sub3A_45 = arith.subi %div3A_22, %sub3A_44 : vector<64x8xi32>
    %select_n3A = arith.select %and3A_43, %sub3A_45, %div3A_22 : vector<64x8xi1>, vector<64x8xi32>
    %iota3A_46 = tpu.iota {dimensions = array<i32: 1>} : vector<64x8xi32>
    %eq3A = arith.cmpi eq, %select_n3A, %iota3A_46 : vector<64x8xi32>
    %convert_element_type3A = arith.extui %eq3A : vector<64x8xi1> to vector<64x8xi32>
    %convert_element_type3A_47 = arith.sitofp %convert_element_type3A : vector<64x8xi32> to vector<64x8xf32>
    %iota3A_48 = tpu.iota {dimensions = array<i32: 0>} : vector<8x128xi32>
    %iota3A_49 = tpu.iota {dimensions = array<i32: 1>} : vector<8x128xi32>
    %jit3A_50 = arith.constant 64 : i32
    %eq3A_51 = arith.constant 0 : i32
    %eq3A_52 = arith.cmpi eq, %jit3A_50, %eq3A_51 : i32
    %jit3A_53 = arith.constant 1 : i32
    %select_n3A_54 = arith.select %eq3A_52, %jit3A_53, %jit3A_50 : i32
    %rem3A_55 = vector.broadcast %select_n3A_54 : i32 to vector<8x128xi32>
    %rem3A_56 = arith.remsi %iota3A_49, %rem3A_55 : vector<8x128xi32>
    %ne3A_57 = arith.constant 0 : i32
    %ne3A_58 = vector.broadcast %ne3A_57 : i32 to vector<8x128xi32>
    %ne3A_59 = arith.cmpi ne, %rem3A_56, %ne3A_58 : vector<8x128xi32>
    %lt3A = arith.constant 0 : i32
    %lt3A_60 = vector.broadcast %lt3A : i32 to vector<8x128xi32>
    %lt3A_61 = arith.cmpi slt, %rem3A_56, %lt3A_60 : vector<8x128xi32>
    %lt3A_62 = arith.constant 0 : i32
    %lt3A_63 = arith.cmpi slt, %select_n3A_54, %lt3A_62 : i32
    %ne3A_64 = vector.broadcast %lt3A_63 : i1 to vector<8x128xi1>
    %ne3A_65 = vector.broadcast %ne3A_64 : vector<8x128xi1> to vector<8x128xi1>
    %ne3A_66 = arith.xori %lt3A_61, %ne3A_65 : vector<8x128xi1>
    %and3A_67 = arith.andi %ne3A_66, %ne3A_59 : vector<8x128xi1>
    %add3A_68 = vector.broadcast %select_n3A_54 : i32 to vector<8x128xi32>
    %add3A_69 = arith.addi %rem3A_56, %add3A_68 : vector<8x128xi32>
    %select_n3A_70 = arith.select %and3A_67, %add3A_69, %rem3A_56 : vector<8x128xi1>, vector<8x128xi32>
    %jit3A_71 = arith.constant 8 : i32
    %div3A_72 = vector.broadcast %jit3A_71 : i32 to vector<8x128xi32>
    %div3A_73 = arith.divsi %select_n3A_70, %div3A_72 : vector<8x128xi32>
    %sign3A_74 = arith.constant 0 : i32
    %sign3A_75 = vector.broadcast %sign3A_74 : i32 to vector<8x128xi32>
    %sign3A_76 = arith.cmpi sgt, %select_n3A_70, %sign3A_75 : vector<8x128xi32>
    %sign3A_77 = arith.extui %sign3A_76 : vector<8x128xi1> to vector<8x128xi32>
    %sign3A_78 = arith.constant 0 : i32
    %sign3A_79 = vector.broadcast %sign3A_78 : i32 to vector<8x128xi32>
    %sign3A_80 = arith.cmpi slt, %select_n3A_70, %sign3A_79 : vector<8x128xi32>
    %sign3A_81 = arith.extui %sign3A_80 : vector<8x128xi1> to vector<8x128xi32>
    %sign3A_82 = arith.subi %sign3A_77, %sign3A_81 : vector<8x128xi32>
    %sign3A_83 = arith.constant 0 : i32
    %sign3A_84 = arith.cmpi sgt, %jit3A_71, %sign3A_83 : i32
    %sign3A_85 = arith.extui %sign3A_84 : i1 to i32
    %sign3A_86 = arith.constant 0 : i32
    %sign3A_87 = arith.cmpi slt, %jit3A_71, %sign3A_86 : i32
    %sign3A_88 = arith.extui %sign3A_87 : i1 to i32
    %sign3A_89 = arith.subi %sign3A_85, %sign3A_88 : i32
    %ne3A_90 = vector.broadcast %sign3A_89 : i32 to vector<8x128xi32>
    %ne3A_91 = arith.cmpi ne, %sign3A_82, %ne3A_90 : vector<8x128xi32>
    %rem3A_92 = vector.broadcast %jit3A_71 : i32 to vector<8x128xi32>
    %rem3A_93 = arith.remsi %select_n3A_70, %rem3A_92 : vector<8x128xi32>
    %ne3A_94 = arith.constant 0 : i32
    %ne3A_95 = vector.broadcast %ne3A_94 : i32 to vector<8x128xi32>
    %ne3A_96 = arith.cmpi ne, %rem3A_93, %ne3A_95 : vector<8x128xi32>
    %and3A_97 = arith.andi %ne3A_91, %ne3A_96 : vector<8x128xi1>
    %sub3A_98 = arith.constant 1 : i32
    %sub3A_99 = vector.broadcast %sub3A_98 : i32 to vector<8x128xi32>
    %sub3A_100 = arith.subi %div3A_73, %sub3A_99 : vector<8x128xi32>
    %select_n3A_101 = arith.select %and3A_97, %sub3A_100, %div3A_73 : vector<8x128xi1>, vector<8x128xi32>
    %eq3A_102 = arith.cmpi eq, %select_n3A_101, %iota3A_48 : vector<8x128xi32>
    %convert_element_type3A_103 = arith.extui %eq3A_102 : vector<8x128xi1> to vector<8x128xi32>
    %convert_element_type3A_104 = arith.sitofp %convert_element_type3A_103 : vector<8x128xi32> to vector<8x128xf32>
    %and3A_105 = arith.constant 15 : i32
    %and3A_106 = vector.broadcast %and3A_105 : i32 to vector<8x128xi32>
    %and3A_107 = arith.andi %iota3A_49, %and3A_106 : vector<8x128xi32>
    %eq3A_108 = arith.cmpi eq, %and3A_107, %iota3A_48 : vector<8x128xi32>
    %convert_element_type3A_109 = arith.extui %eq3A_108 : vector<8x128xi1> to vector<8x128xi32>
    %convert_element_type3A_110 = arith.sitofp %convert_element_type3A_109 : vector<8x128xi32> to vector<8x128xf32>
    %dot_general3A = arith.constant dense<0.000000e+00> : vector<4000x8xf32>
    %dot_general3A_111 = tpu.matmul %add3A, %convert_element_type3A_47, %dot_general3A {dimension_numbers = #tpu.dot_dimension_numbers<[1], [0], [0], [1], [0, 0, 1, 1], [], []>, transpose_lhs_hint = false} : vector<4000x64xf32>, vector<64x8xf32>, vector<4000x8xf32> -> vector<4000x8xf32>
    %exp3A = math.exp %dot_general3A_111 : vector<4000x8xf32>
    %dot_general3A_112 = arith.constant dense<0.000000e+00> : vector<4000x128xf32>
    %dot_general3A_113 = tpu.matmul %exp3A, %convert_element_type3A_104, %dot_general3A_112 {dimension_numbers = #tpu.dot_dimension_numbers<[1], [0], [0], [1], [0, 0, 1, 1], [], []>, transpose_lhs_hint = false} : vector<4000x8xf32>, vector<8x128xf32>, vector<4000x128xf32> -> vector<4000x128xf32>
    %mul3A_114 = arith.mulf %dot_general3A_113, %concatenate3A : vector<4000x128xf32>
    %swap3A = arith.constant 0 : index
    %swap3A_115 = arith.constant 0 : index
    %swap3A_116 = vector.load %arg4[%swap3A, %swap3A_115] : memref<4000x128xf32, #tpu.memory_space<vmem>>, vector<4000x128xf32>
    tpu.vector_store %arg4[%swap3A, %swap3A_115], %mul3A_114 {strides = array<i32>} : memref<4000x128xf32, #tpu.memory_space<vmem>>, vector<4000x128xf32>,
    %dot_general3A_117 = arith.constant dense<0.000000e+00> : vector<4000x128xf32>
    %dot_general3A_118 = tpu.matmul %exp3A, %convert_element_type3A_110, %dot_general3A_117 {dimension_numbers = #tpu.dot_dimension_numbers<[1], [0], [0], [1], [0, 0, 1, 1], [], []>, transpose_lhs_hint = false} : vector<4000x8xf32>, vector<8x128xf32>, vector<4000x128xf32> -> vector<4000x128xf32>
    %get3A_119 = arith.constant 0 : index
    %get3A_120 = arith.constant 0 : index
    %get3A_121 = vector.load %arg1[%get3A_119, %get3A_120] : memref<4000x1xi32, #tpu.memory_space<vmem>>, vector<4000x1xi32>
    %and3A_122 = arith.constant 7 : i32
    %and3A_123 = vector.broadcast %and3A_122 : i32 to vector<4000x1xi32>
    %and3A_124 = arith.andi %get3A_121, %and3A_123 : vector<4000x1xi32>
    %broadcast_in_dim3A = vector.shape_cast %and3A_124 : vector<4000x1xi32> to vector<4000x1xi32>
    %broadcast_in_dim3A_125 = vector.broadcast %broadcast_in_dim3A : vector<4000x1xi32> to vector<4000x128xi32>
    %iota3A_126 = tpu.iota {dimensions = array<i32: 1>} : vector<4000x128xi32>
    %jit3A_127 = arith.constant 16 : i32
    %div3A_128 = vector.broadcast %jit3A_127 : i32 to vector<4000x128xi32>
    %div3A_129 = arith.divsi %iota3A_126, %div3A_128 : vector<4000x128xi32>
    %sign3A_130 = arith.constant 0 : i32
    %sign3A_131 = vector.broadcast %sign3A_130 : i32 to vector<4000x128xi32>
    %sign3A_132 = arith.cmpi sgt, %iota3A_126, %sign3A_131 : vector<4000x128xi32>
    %sign3A_133 = arith.extui %sign3A_132 : vector<4000x128xi1> to vector<4000x128xi32>
    %sign3A_134 = arith.constant 0 : i32
    %sign3A_135 = vector.broadcast %sign3A_134 : i32 to vector<4000x128xi32>
    %sign3A_136 = arith.cmpi slt, %iota3A_126, %sign3A_135 : vector<4000x128xi32>
    %sign3A_137 = arith.extui %sign3A_136 : vector<4000x128xi1> to vector<4000x128xi32>
    %sign3A_138 = arith.subi %sign3A_133, %sign3A_137 : vector<4000x128xi32>
    %sign3A_139 = arith.constant 0 : i32
    %sign3A_140 = arith.cmpi sgt, %jit3A_127, %sign3A_139 : i32
    %sign3A_141 = arith.extui %sign3A_140 : i1 to i32
    %sign3A_142 = arith.constant 0 : i32
    %sign3A_143 = arith.cmpi slt, %jit3A_127, %sign3A_142 : i32
    %sign3A_144 = arith.extui %sign3A_143 : i1 to i32
    %sign3A_145 = arith.subi %sign3A_141, %sign3A_144 : i32
    %ne3A_146 = vector.broadcast %sign3A_145 : i32 to vector<4000x128xi32>
    %ne3A_147 = arith.cmpi ne, %sign3A_138, %ne3A_146 : vector<4000x128xi32>
    %rem3A_148 = vector.broadcast %jit3A_127 : i32 to vector<4000x128xi32>
    %rem3A_149 = arith.remsi %iota3A_126, %rem3A_148 : vector<4000x128xi32>
    %ne3A_150 = arith.constant 0 : i32
    %ne3A_151 = vector.broadcast %ne3A_150 : i32 to vector<4000x128xi32>
    %ne3A_152 = arith.cmpi ne, %rem3A_149, %ne3A_151 : vector<4000x128xi32>
    %and3A_153 = arith.andi %ne3A_147, %ne3A_152 : vector<4000x128xi1>
    %sub3A_154 = arith.constant 1 : i32
    %sub3A_155 = vector.broadcast %sub3A_154 : i32 to vector<4000x128xi32>
    %sub3A_156 = arith.subi %div3A_129, %sub3A_155 : vector<4000x128xi32>
    %select_n3A_157 = arith.select %and3A_153, %sub3A_156, %div3A_129 : vector<4000x128xi1>, vector<4000x128xi32>
    %eq3A_158 = arith.cmpi eq, %select_n3A_157, %broadcast_in_dim3A_125 : vector<4000x128xi32>
    %jit3A_159 = arith.constant 0.000000e+00 : f32
    %broadcast_in_dim3A_160 = vector.broadcast %jit3A_159 : f32 to vector<4000x128xf32>
    %select_n3A_161 = arith.select %eq3A_158, %dot_general3A_118, %broadcast_in_dim3A_160 : vector<4000x128xi1>, vector<4000x128xf32>
    %swap3A_162 = arith.constant 0 : index
    %swap3A_163 = arith.constant 0 : index
    %swap3A_164 = vector.load %arg5[%swap3A_162, %swap3A_163] : memref<4000x128xf32, #tpu.memory_space<vmem>>, vector<4000x128xf32>
    tpu.vector_store %arg5[%swap3A_162, %swap3A_163], %select_n3A_161 {strides = array<i32>} : memref<4000x128xf32, #tpu.memory_space<vmem>>, vector<4000x128xf32>,
    return
  }
  func.func @transform_0(%arg0: i32) -> (i32, i32) {
    %c0_i32 = arith.constant 0 : i32
    %c0_i32_0 = arith.constant 0 : i32
    return %arg0, %c0_i32 : i32, i32
  }
  func.func @transform_1(%arg0: i32) -> (i32, i32) {
    %c0_i32 = arith.constant 0 : i32
    %c0_i32_0 = arith.constant 0 : i32
    return %arg0, %c0_i32 : i32, i32
  }
  func.func @transform_2(%arg0: i32) -> (i32, i32) {
    %c0_i32 = arith.constant 0 : i32
    %c0_i32_0 = arith.constant 0 : i32
    return %arg0, %c0_i32 : i32, i32
  }
  func.func @transform_3(%arg0: i32) -> (i32, i32) {
    %c0_i32 = arith.constant 0 : i32
    %c0_i32_0 = arith.constant 0 : i32
    return %arg0, %c0_i32 : i32, i32
  }
  func.func @transform_4(%arg0: i32) -> (i32, i32) {
    %c0_i32 = arith.constant 0 : i32
    %c0_i32_0 = arith.constant 0 : i32
    return %arg0, %c0_i32 : i32, i32
  }
}

module attributes {stable_mosaic.version = 14 : i64} {
  func.func @_comb_body(%arg0: i32, %arg1: memref<2x1000x128xf32, #tpu.memory_space<vmem>>, %arg2: memref<2x1000x16xf32, #tpu.memory_space<vmem>>, %arg3: memref<1000x128xf32, #tpu.memory_space<vmem>>) attributes {dimension_semantics = [#tpu.dimension_semantics<arbitrary>], iteration_bounds = array<i64: 10>, scalar_prefetch = 0 : i64, scratch_operands = 0 : i64, tpu.core_type = #tpu.core_type<tc>, window_params = [{transform_indices = @transform_0, window_bounds = array<i64: 2, 1000, 128>}, {transform_indices = @transform_1, window_bounds = array<i64: 2, 1000, 16>}, {transform_indices = @transform_2, window_bounds = array<i64: 1000, 128>}]} {
    %get3A = arith.constant 0 : index
    %get3A_0 = arith.constant 0 : index
    %get3A_1 = arith.constant 0 : index
    %get3A_2 = vector.load %arg1[%get3A, %get3A_0, %get3A_1] : memref<2x1000x128xf32, #tpu.memory_space<vmem>>, vector<1x1000x128xf32>
    %get3A_3 = vector.shape_cast %get3A_2 : vector<1x1000x128xf32> to vector<1000x128xf32>
    %get3A_4 = arith.constant 1 : index
    %get3A_5 = arith.constant 0 : index
    %get3A_6 = arith.constant 0 : index
    %get3A_7 = vector.load %arg1[%get3A_4, %get3A_5, %get3A_6] : memref<2x1000x128xf32, #tpu.memory_space<vmem>>, vector<1x1000x128xf32>
    %get3A_8 = vector.shape_cast %get3A_7 : vector<1x1000x128xf32> to vector<1000x128xf32>
    %add3A = arith.addf %get3A_3, %get3A_8 : vector<1000x128xf32>
    %get3A_9 = arith.constant 0 : index
    %get3A_10 = arith.constant 0 : index
    %get3A_11 = arith.constant 0 : index
    %get3A_12 = vector.load %arg2[%get3A_9, %get3A_10, %get3A_11] : memref<2x1000x16xf32, #tpu.memory_space<vmem>>, vector<1x1000x16xf32>
    %get3A_13 = vector.shape_cast %get3A_12 : vector<1x1000x16xf32> to vector<1000x16xf32>
    %get3A_14 = arith.constant 1 : index
    %get3A_15 = arith.constant 0 : index
    %get3A_16 = arith.constant 0 : index
    %get3A_17 = vector.load %arg2[%get3A_14, %get3A_15, %get3A_16] : memref<2x1000x16xf32, #tpu.memory_space<vmem>>, vector<1x1000x16xf32>
    %get3A_18 = vector.shape_cast %get3A_17 : vector<1x1000x16xf32> to vector<1000x16xf32>
    %add3A_19 = arith.addf %get3A_13, %get3A_18 : vector<1000x16xf32>
    %iota3A = tpu.iota {dimensions = array<i32: 1>} : vector<16x128xi32>
    %jit3A = arith.constant 64 : i32
    %eq3A = arith.constant 0 : i32
    %eq3A_20 = arith.cmpi eq, %jit3A, %eq3A : i32
    %jit3A_21 = arith.constant 1 : i32
    %select_n3A = arith.select %eq3A_20, %jit3A_21, %jit3A : i32
    %rem3A = vector.broadcast %select_n3A : i32 to vector<16x128xi32>
    %rem3A_22 = arith.remsi %iota3A, %rem3A : vector<16x128xi32>
    %ne3A = arith.constant 0 : i32
    %ne3A_23 = vector.broadcast %ne3A : i32 to vector<16x128xi32>
    %ne3A_24 = arith.cmpi ne, %rem3A_22, %ne3A_23 : vector<16x128xi32>
    %lt3A = arith.constant 0 : i32
    %lt3A_25 = vector.broadcast %lt3A : i32 to vector<16x128xi32>
    %lt3A_26 = arith.cmpi slt, %rem3A_22, %lt3A_25 : vector<16x128xi32>
    %lt3A_27 = arith.constant 0 : i32
    %lt3A_28 = arith.cmpi slt, %select_n3A, %lt3A_27 : i32
    %ne3A_29 = vector.broadcast %lt3A_28 : i1 to vector<16x128xi1>
    %ne3A_30 = vector.broadcast %ne3A_29 : vector<16x128xi1> to vector<16x128xi1>
    %ne3A_31 = arith.xori %lt3A_26, %ne3A_30 : vector<16x128xi1>
    %and3A = arith.andi %ne3A_31, %ne3A_24 : vector<16x128xi1>
    %add3A_32 = vector.broadcast %select_n3A : i32 to vector<16x128xi32>
    %add3A_33 = arith.addi %rem3A_22, %add3A_32 : vector<16x128xi32>
    %select_n3A_34 = arith.select %and3A, %add3A_33, %rem3A_22 : vector<16x128xi1>, vector<16x128xi32>
    %jit3A_35 = arith.constant 8 : i32
    %div3A = vector.broadcast %jit3A_35 : i32 to vector<16x128xi32>
    %div3A_36 = arith.divsi %select_n3A_34, %div3A : vector<16x128xi32>
    %sign3A = arith.constant 0 : i32
    %sign3A_37 = vector.broadcast %sign3A : i32 to vector<16x128xi32>
    %sign3A_38 = arith.cmpi sgt, %select_n3A_34, %sign3A_37 : vector<16x128xi32>
    %sign3A_39 = arith.extui %sign3A_38 : vector<16x128xi1> to vector<16x128xi32>
    %sign3A_40 = arith.constant 0 : i32
    %sign3A_41 = vector.broadcast %sign3A_40 : i32 to vector<16x128xi32>
    %sign3A_42 = arith.cmpi slt, %select_n3A_34, %sign3A_41 : vector<16x128xi32>
    %sign3A_43 = arith.extui %sign3A_42 : vector<16x128xi1> to vector<16x128xi32>
    %sign3A_44 = arith.subi %sign3A_39, %sign3A_43 : vector<16x128xi32>
    %sign3A_45 = arith.constant 0 : i32
    %sign3A_46 = arith.cmpi sgt, %jit3A_35, %sign3A_45 : i32
    %sign3A_47 = arith.extui %sign3A_46 : i1 to i32
    %sign3A_48 = arith.constant 0 : i32
    %sign3A_49 = arith.cmpi slt, %jit3A_35, %sign3A_48 : i32
    %sign3A_50 = arith.extui %sign3A_49 : i1 to i32
    %sign3A_51 = arith.subi %sign3A_47, %sign3A_50 : i32
    %ne3A_52 = vector.broadcast %sign3A_51 : i32 to vector<16x128xi32>
    %ne3A_53 = arith.cmpi ne, %sign3A_44, %ne3A_52 : vector<16x128xi32>
    %rem3A_54 = vector.broadcast %jit3A_35 : i32 to vector<16x128xi32>
    %rem3A_55 = arith.remsi %select_n3A_34, %rem3A_54 : vector<16x128xi32>
    %ne3A_56 = arith.constant 0 : i32
    %ne3A_57 = vector.broadcast %ne3A_56 : i32 to vector<16x128xi32>
    %ne3A_58 = arith.cmpi ne, %rem3A_55, %ne3A_57 : vector<16x128xi32>
    %and3A_59 = arith.andi %ne3A_53, %ne3A_58 : vector<16x128xi1>
    %sub3A = arith.constant 1 : i32
    %sub3A_60 = vector.broadcast %sub3A : i32 to vector<16x128xi32>
    %sub3A_61 = arith.subi %div3A_36, %sub3A_60 : vector<16x128xi32>
    %select_n3A_62 = arith.select %and3A_59, %sub3A_61, %div3A_36 : vector<16x128xi1>, vector<16x128xi32>
    %iota3A_63 = tpu.iota {dimensions = array<i32: 0>} : vector<16x128xi32>
    %eq3A_64 = arith.cmpi eq, %select_n3A_62, %iota3A_63 : vector<16x128xi32>
    %convert_element_type3A = arith.extui %eq3A_64 : vector<16x128xi1> to vector<16x128xi32>
    %convert_element_type3A_65 = arith.sitofp %convert_element_type3A : vector<16x128xi32> to vector<16x128xf32>
    %dot_general3A = arith.constant dense<0.000000e+00> : vector<1000x128xf32>
    %dot_general3A_66 = tpu.matmul %add3A_19, %convert_element_type3A_65, %dot_general3A {dimension_numbers = #tpu.dot_dimension_numbers<[1], [0], [0], [1], [0, 0, 1, 1], [], []>, transpose_lhs_hint = false} : vector<1000x16xf32>, vector<16x128xf32>, vector<1000x128xf32> -> vector<1000x128xf32>
    %gt3A = arith.constant 0.000000e+00 : f32
    %gt3A_67 = vector.broadcast %gt3A : f32 to vector<1000x128xf32>
    %gt3A_68 = arith.cmpf ogt, %dot_general3A_66, %gt3A_67 : vector<1000x128xf32>
    %div3A_69 = arith.divf %add3A, %dot_general3A_66 : vector<1000x128xf32>
    %jit3A_70 = arith.constant 0.000000e+00 : f32
    %broadcast_in_dim3A = vector.broadcast %jit3A_70 : f32 to vector<1000x128xf32>
    %select_n3A_71 = arith.select %gt3A_68, %div3A_69, %broadcast_in_dim3A : vector<1000x128xi1>, vector<1000x128xf32>
    %iota3A_72 = tpu.iota {dimensions = array<i32: 0>} : vector<128x128xi32>
    %iota3A_73 = tpu.iota {dimensions = array<i32: 1>} : vector<128x128xi32>
    %jit3A_74 = arith.constant 64 : i32
    %eq3A_75 = arith.constant 0 : i32
    %eq3A_76 = arith.cmpi eq, %jit3A_74, %eq3A_75 : i32
    %jit3A_77 = arith.constant 1 : i32
    %select_n3A_78 = arith.select %eq3A_76, %jit3A_77, %jit3A_74 : i32
    %rem3A_79 = vector.broadcast %select_n3A_78 : i32 to vector<128x128xi32>
    %rem3A_80 = arith.remsi %iota3A_73, %rem3A_79 : vector<128x128xi32>
    %ne3A_81 = arith.constant 0 : i32
    %ne3A_82 = vector.broadcast %ne3A_81 : i32 to vector<128x128xi32>
    %ne3A_83 = arith.cmpi ne, %rem3A_80, %ne3A_82 : vector<128x128xi32>
    %lt3A_84 = arith.constant 0 : i32
    %lt3A_85 = vector.broadcast %lt3A_84 : i32 to vector<128x128xi32>
    %lt3A_86 = arith.cmpi slt, %rem3A_80, %lt3A_85 : vector<128x128xi32>
    %lt3A_87 = arith.constant 0 : i32
    %lt3A_88 = arith.cmpi slt, %select_n3A_78, %lt3A_87 : i32
    %ne3A_89 = vector.broadcast %lt3A_88 : i1 to vector<128x128xi1>
    %ne3A_90 = vector.broadcast %ne3A_89 : vector<128x128xi1> to vector<128x128xi1>
    %ne3A_91 = arith.xori %lt3A_86, %ne3A_90 : vector<128x128xi1>
    %and3A_92 = arith.andi %ne3A_91, %ne3A_83 : vector<128x128xi1>
    %add3A_93 = vector.broadcast %select_n3A_78 : i32 to vector<128x128xi32>
    %add3A_94 = arith.addi %rem3A_80, %add3A_93 : vector<128x128xi32>
    %select_n3A_95 = arith.select %and3A_92, %add3A_94, %rem3A_80 : vector<128x128xi1>, vector<128x128xi32>
    %mul3A = arith.constant 2 : i32
    %mul3A_96 = vector.broadcast %mul3A : i32 to vector<128x128xi32>
    %mul3A_97 = arith.muli %mul3A_96, %select_n3A_95 : vector<128x128xi32>
    %jit3A_98 = arith.constant 64 : i32
    %div3A_99 = vector.broadcast %jit3A_98 : i32 to vector<128x128xi32>
    %div3A_100 = arith.divsi %iota3A_73, %div3A_99 : vector<128x128xi32>
    %sign3A_101 = arith.constant 0 : i32
    %sign3A_102 = vector.broadcast %sign3A_101 : i32 to vector<128x128xi32>
    %sign3A_103 = arith.cmpi sgt, %iota3A_73, %sign3A_102 : vector<128x128xi32>
    %sign3A_104 = arith.extui %sign3A_103 : vector<128x128xi1> to vector<128x128xi32>
    %sign3A_105 = arith.constant 0 : i32
    %sign3A_106 = vector.broadcast %sign3A_105 : i32 to vector<128x128xi32>
    %sign3A_107 = arith.cmpi slt, %iota3A_73, %sign3A_106 : vector<128x128xi32>
    %sign3A_108 = arith.extui %sign3A_107 : vector<128x128xi1> to vector<128x128xi32>
    %sign3A_109 = arith.subi %sign3A_104, %sign3A_108 : vector<128x128xi32>
    %sign3A_110 = arith.constant 0 : i32
    %sign3A_111 = arith.cmpi sgt, %jit3A_98, %sign3A_110 : i32
    %sign3A_112 = arith.extui %sign3A_111 : i1 to i32
    %sign3A_113 = arith.constant 0 : i32
    %sign3A_114 = arith.cmpi slt, %jit3A_98, %sign3A_113 : i32
    %sign3A_115 = arith.extui %sign3A_114 : i1 to i32
    %sign3A_116 = arith.subi %sign3A_112, %sign3A_115 : i32
    %ne3A_117 = vector.broadcast %sign3A_116 : i32 to vector<128x128xi32>
    %ne3A_118 = arith.cmpi ne, %sign3A_109, %ne3A_117 : vector<128x128xi32>
    %rem3A_119 = vector.broadcast %jit3A_98 : i32 to vector<128x128xi32>
    %rem3A_120 = arith.remsi %iota3A_73, %rem3A_119 : vector<128x128xi32>
    %ne3A_121 = arith.constant 0 : i32
    %ne3A_122 = vector.broadcast %ne3A_121 : i32 to vector<128x128xi32>
    %ne3A_123 = arith.cmpi ne, %rem3A_120, %ne3A_122 : vector<128x128xi32>
    %and3A_124 = arith.andi %ne3A_118, %ne3A_123 : vector<128x128xi1>
    %sub3A_125 = arith.constant 1 : i32
    %sub3A_126 = vector.broadcast %sub3A_125 : i32 to vector<128x128xi32>
    %sub3A_127 = arith.subi %div3A_100, %sub3A_126 : vector<128x128xi32>
    %select_n3A_128 = arith.select %and3A_124, %sub3A_127, %div3A_100 : vector<128x128xi1>, vector<128x128xi32>
    %add3A_129 = arith.addi %mul3A_97, %select_n3A_128 : vector<128x128xi32>
    %eq3A_130 = arith.cmpi eq, %iota3A_72, %add3A_129 : vector<128x128xi32>
    %convert_element_type3A_131 = arith.extui %eq3A_130 : vector<128x128xi1> to vector<128x128xi32>
    %convert_element_type3A_132 = arith.sitofp %convert_element_type3A_131 : vector<128x128xi32> to vector<128x128xf32>
    %dot_general3A_133 = arith.constant dense<0.000000e+00> : vector<1000x128xf32>
    %dot_general3A_134 = tpu.matmul %select_n3A_71, %convert_element_type3A_132, %dot_general3A_133 {dimension_numbers = #tpu.dot_dimension_numbers<[1], [1], [0], [0], [0, 0, 1, 0], [], []>, transpose_lhs_hint = false} : vector<1000x128xf32>, vector<128x128xf32>, vector<1000x128xf32> -> vector<1000x128xf32>
    %swap3A = arith.constant 0 : index
    %swap3A_135 = arith.constant 0 : index
    %swap3A_136 = vector.load %arg3[%swap3A, %swap3A_135] : memref<1000x128xf32, #tpu.memory_space<vmem>>, vector<1000x128xf32>
    tpu.vector_store %arg3[%swap3A, %swap3A_135], %dot_general3A_134 {strides = array<i32>} : memref<1000x128xf32, #tpu.memory_space<vmem>>, vector<1000x128xf32>,
    return
  }
  func.func @transform_0(%arg0: i32) -> (i32, i32, i32) {
    %c0_i32 = arith.constant 0 : i32
    %c0_i32_0 = arith.constant 0 : i32
    %c0_i32_1 = arith.constant 0 : i32
    return %c0_i32, %arg0, %c0_i32_0 : i32, i32, i32
  }
  func.func @transform_1(%arg0: i32) -> (i32, i32, i32) {
    %c0_i32 = arith.constant 0 : i32
    %c0_i32_0 = arith.constant 0 : i32
    %c0_i32_1 = arith.constant 0 : i32
    return %c0_i32, %arg0, %c0_i32_0 : i32, i32, i32
  }
  func.func @transform_2(%arg0: i32) -> (i32, i32) {
    %c0_i32 = arith.constant 0 : i32
    %c0_i32_0 = arith.constant 0 : i32
    return %arg0, %c0_i32 : i32, i32
  }
}

</mosaic_0001>

<sc_bundles>
// kernel: kernel.10.cloned.1.call-start
scs
__scs_entry_jumppad:
0x0: {  	(pc) =	sbr.rel $0x88, $3  }
0x1: {  	(tag) =	ssettag $0x0;
	lr =	simm.s32 $0x1  }
0x2: {  	[smem:$0x3F9E] =	sst lr;
	_ =	strace $0xD0000000  }
0x3: {  	_ = 	snop  }
0x4: {  	_ = 	snop  }
0x5: {  	_ = 	snop  }
0x6: {  	_ = 	snop  }
0x7: {  	_ = 	snop  }
__scs_overlays_trampoline_lowered:
0x8: {  	[smem:$0x3FAD] =	sst s0  }
0x9: {  	[smem:$0x3FAE] =	sst s1  }
0xa: {  	[smem:$0x3FAF] =	sst s2  }
0xb: {  	[smem:$0x3FB0] =	sst s3  }
0xc: {  	[smem:$0x3FB1] =	sst s4  }
0xd: {  	[smem:$0x3FB2] =	sst s5  }
0xe: {  	[smem:$0x3FB3] =	sst s6  }
0xf: {  	[smem:$0x3FB4] =	sst s7  }
0x10: {  	[smem:$0x3FB5] =	sst s8  }
0x11: {  	[smem:$0x3FB6] =	sst s9;
	s0 =	simm.s32 @!p0 $0x0  }
0x12: {  	s1 =	sld [smem:$0x3F9C];
	s0 =	simm.s32 @p0 $0x1  }
0x13: {  	[smem:$0x3FB7] =	sst s0;
	s0 =	simm.s32 @!p1 $0x0  }
0x14: {  	s2 =	sld [smem:$0x3F9B];
	s0 =	simm.s32 @p1 $0x1  }
0x15: {  	[smem:$0x3FB8] =	sst s0;
	s0 =	simm.s32 @!p2 $0x0  }
0x16: {  	s3 =	sld [smem:$0x3FDB];
	s0 =	simm.s32 @p2 $0x1  }
0x17: {  	s4 =	simm.s32 $0x1BF5;
	[smem:$0x3FBA] =	sst s0  }
0x18: {  	s0 =	sld [smem:$0x3F9D];
	_ =	swait.ge [sflag:s4], $0x0  }
0x19: {  	s7 =	sld [smem:$0x3F9E]  }
0x1a: {  	s8 =	sadd.s32 $0xFFFFE003, lr  }
0x1b: {  	s9 =	sadd.s32 $0xFFFFFEF7, lr;
	s5 =	simm.s32 $0xFFFFFFFF;
	p2 =	slt.u32 s8, $0xFFFFF086  }
0x1c: {  	p1 =	slt.u32 s9, $0xF7A;
	s5 =	simm.s32 @!p2 $0x0  }
0x1d: {  	s5 =	simm.s32 @p1 $0x1;
	p0 =	seq.s32 s7, s2  }
0x1e: {  	s7 =	smul.u32 @!p0 $0xF7A, s2;
	p2 =	seq.s32 @!p0 s5, $0x0  }
0x1f: {  	s9 =	smul.u32 $0xF7A, s1;
	s8 =	simm.s32 @!p0 $0x1BF5;
	p2 =	por !p2, p0  }
0x20: {  	[sflag:s8] =	ssyncset.s32 @!p0 $0xFFFFF086;
	s6 =	sadd.s32 @!p0 s3, s7;
	s7 =	simm.s32 @!p0 $0x108  }
0x21: {  	s3 =	sadd.s32 s3, s9;
	s6 =	sadd.s32 @!p0 $0x88, s6;
	s7 =	simm.s32 @p2 $0x1082  }
0x22: {  	[simem:s7], [sflag:s8] =	dma.local @!p0 [hbm:s6], $0xF7A  }
0x23: {  	s9 =	sor.u32 $0xD0000000, s2;
	s6 =	simm.s32 $0x108;
	_ =	swait.ge @!p0 [sflag:s8], $0x0  }
0x24: {  	s3 =	sadd.s32 $0x88, s3;
	s6 =	simm.s32 @!p1 $0x1082;
	[sflag:s4] =	ssyncset.s32 $0xFFFFF086  }
0x25: {  	[simem:s6], [sflag:s4] =	dma.local [hbm:s3], $0xF7A  }
0x26: {  	[smem:$0x3F9E] =	sst s1;
	(tag) =	ssettag s2;
	_ =	strace s9  }
0x27: {  	s1 =	sld [smem:$0x3FAE]  }
0x28: {  	s2 =	sld [smem:$0x3FAF]  }
0x29: {  	s4 =	sld [smem:$0x3FB1]  }
0x2a: {  	p0 =	seq.s32 s5, $0x0;
	s5 =	sld [smem:$0x3FB2]  }
0x2b: {  	s6 =	sld [smem:$0x3FB3]  }
0x2c: {  	s7 =	sld [smem:$0x3FB4]  }
0x2d: {  	s3 =	simm.s32 $0x108;
	s8 =	sld [smem:$0x3FB5]  }
0x2e: {  	s3 =	simm.s32 @!p0 $0x1082;
	s9 =	sld [smem:$0x3FB6]  }
0x2f: {  	lr =	sadd.s32 s0, s3;
	s0 =	sld [smem:$0x3FAD]  }
0x30: {  	s3 =	sld [smem:$0x3FB0]  }
0x31: {  	[smem:$0x3FB9] =	sst s10  }
0x32: {  	s10 =	sld [smem:$0x3FB7];
	_ =	sdelay $0x3  }
0x33: {  	p0 =	seq.s32 s10, $0x1;
	s10 =	sld [smem:$0x3FB9];
	_ =	sdelay $0x3  }
0x34: {  	[smem:$0x3FB9] =	sst s10  }
0x35: {  	s10 =	sld [smem:$0x3FB8];
	_ =	sdelay $0x3  }
0x36: {  	p1 =	seq.s32 s10, $0x1;
	s10 =	sld [smem:$0x3FB9];
	_ =	sdelay $0x3  }
0x37: {  	[smem:$0x3FB9] =	sst s10  }
0x38: {  	s10 =	sld [smem:$0x3FBA]  }
0x39: {  	_ = 	snop;
	(pc) =	sbr.ind lr, $3  }
0x3a: {  	_ = 	snop  }
0x3b: {  	_ = 	snop  }
0x3c: {  	p2 =	seq.s32 s10, $0x1;
	s10 =	sld [smem:$0x3FB9]  }
0x3d: {  	_ =	shalt  }
0x3e: {  	_ =	shalt  }
0x3f: {  	_ =	shalt  }
0x40: {  	_ =	shalt  }
0x41: {  	_ =	shalt  }
0x42: {  	_ =	shalt  }
0x43: {  	_ =	shalt  }
0x44: {  	_ =	shalt  }
0x45: {  	_ =	shalt  }
0x46: {  	_ =	shalt  }
0x47: {  	_ =	shalt  }
0x48: {  	_ =	shalt  }
0x49: {  	_ =	shalt  }
0x4a: {  	_ =	shalt  }
0x4b: {  	_ =	shalt  }
0x4c: {  	_ =	shalt  }
0x4d: {  	_ =	shalt  }
0x4e: {  	_ =	shalt  }
0x4f: {  	_ =	shalt  }
0x50: {  	_ =	shalt  }
0x51: {  	_ =	shalt  }
0x52: {  	_ =	shalt  }
0x53: {  	_ =	shalt  }
0x54: {  	_ =	shalt  }
0x55: {  	_ =	shalt  }
0x56: {  	_ =	shalt  }
0x57: {  	_ =	shalt  }
0x58: {  	_ =	shalt  }
0x59: {  	_ =	shalt  }
0x5a: {  	_ =	shalt  }
0x5b: {  	_ =	shalt  }
0x5c: {  	_ =	shalt  }
0x5d: {  	_ =	shalt  }
0x5e: {  	_ =	shalt  }
0x5f: {  	_ =	shalt  }
0x60: {  	_ =	shalt  }
0x61: {  	_ =	shalt  }
0x62: {  	_ =	shalt  }
0x63: {  	_ =	shalt  }
0x64: {  	_ =	shalt  }
0x65: {  	_ =	shalt  }
0x66: {  	_ =	shalt  }
0x67: {  	_ =	shalt  }
0x68: {  	_ =	shalt  }
0x69: {  	_ =	shalt  }
0x6a: {  	_ =	shalt  }
0x6b: {  	_ =	shalt  }
0x6c: {  	_ =	shalt  }
0x6d: {  	_ =	shalt  }
0x6e: {  	_ =	shalt  }
0x6f: {  	_ =	shalt  }
0x70: {  	_ =	shalt  }
0x71: {  	_ =	shalt  }
0x72: {  	_ =	shalt  }
0x73: {  	_ =	shalt  }
0x74: {  	_ =	shalt  }
0x75: {  	_ =	shalt  }
0x76: {  	_ =	shalt  }
0x77: {  	_ =	shalt  }
0x78: {  	_ =	shalt  }
0x79: {  	_ =	shalt  }
0x7a: {  	_ =	shalt  }
0x7b: {  	_ =	shalt  }
0x7c: {  	_ =	shalt  }
0x7d: {  	_ =	shalt  }
0x7e: {  	_ =	shalt  }
0x7f: {  	_ =	shalt  }
0x80: {  	_ =	shalt  }
0x81: {  	_ =	shalt  }
0x82: {  	_ =	shalt  }
0x83: {  	_ =	shalt  }
0x84: {  	_ =	shalt  }
0x85: {  	_ =	shalt  }
0x86: {  	_ =	shalt  }
0x87: {  	_ =	shalt  }
.Lfunc_end0:
.L_simem_size_0:
called_computation.1_lowered:
.L_overlay_start_0:
0x88: {  	s2 =	sld [smem:$0x3FD9]  }
0x89: {  	s3 =	sld [smem:$0x3FFE];
	_ =	sdelay $0x1  }
0x8a: {  	s1 =	srdreg.scid  }
0x8b: {  	s0 =	sand.u32 $0x1, s1  }
0x8c: {  	s17 =	sshll.u32 s0, $0xA;
	s2 =	sadd.s32 s3, s2  }
0x8d: {  	s2 =	sadd.s32 s2, s17  }
0x8e: {  	[smem:$0x3FC5] =	sst s2  }
0x8f: {  	_ = 	snop  }
0x90: {  	s2 =	sld [smem:$0x3FD0];
	(tm) =	ssettm $0x1  }
0x91: {  	s18 =	sld [smem:$0x3FFB];
	_ =	sdelay $0x3  }
0x92: {  	_ =	strace s18  }
0x93: {  	s3 =	sld [smem:$0x3FFC];
	_ =	sdelay $0x3  }
0x94: {  	_ =	strace s3  }
0x95: {  	s3 =	sld [smem:$0x3FFD];
	_ =	sdelay $0x3  }
0x96: {  	_ =	strace s3  }
0x97: {  	_ =	strace $0x8FFFFFFF  }
0x98: {  	s19 =	sld [smem:$0x3FDB];
	_ =	sdelay $0x1  }
0x99: {  	s4 =	simm.s32 $_scs_section_size  }
0x9a: {  	s5 =	simm.s32 $_size__tile_overlayer_lowered;
	s6 =	simm.s32 $_tile_overlayer_lowered  }
0x9b: {  	s22 =	simm.s32 $0x1BFF;
	s21 =	sshll.u32 s6, $0x1;
	s3 =	sadd.s32 s4, s19  }
0x9c: {  	s7 =	simm.s32 $0x0;
	s20 =	sshll.u32 s5, $0x1;
	s5 =	sadd.s32 s21, s3  }
0x9d: {  	[timem:s7], [sflag:s22] =	dma.local [hbm:s5], s20  }
0x9e: {  	_ =	swait.ge [sflag:s22], s20  }
0x9f: {  	s4 =	ssub.s32 $0x0, s20;
	[sflag:s22] =	ssyncset.done $0x0  }
0xa0: {  	[sflag:s22] =	ssyncadd.s32 s4;
	_ =	sdelay $0x1  }
0xa1: {  	s23 =	simm.s32 $0x1B8B  }
0xa2: {  	_ =	swait.ge [sflag:s23], $0x1  }
0xa3: {  	[sflag:s23] =	ssyncset.done $0x0  }
0xa4: {  	s25 =	simm.s32 $0x1B8E;
	s24 =	sld [smem:$0x3FFE];
	[sflag:s23] =	ssyncadd.s32 $0xFFFFFFFF  }
0xa5: {  	s26 =	simm.s32 $execute0_lowered;
	[smem:$0x3FD2] =	sst s25  }
0xa6: {  	s5 =	sshll.u32 s26, $0x1;
	_ =	strace $0x80000049;
	[dreg:$0x1] =	wrdreg $0xFFFFFFFF  }
0xa7: {  	s28 =	simm.s32 $_size_execute0_lowered;
	s3 =	sadd.s32 s3, s5;
	[dreg:$0x0] =	wrdreg $0x0  }
0xa8: {  	s5 =	sshll.u32 s28, $0x1;
	[dreg:$0x2] =	wrdreg s3  }
0xa9: {  	[dreg:$0x3] =	wrdreg s5  }
0xaa: {  	[dreg:$0x4] =	wrdreg $0xC0  }
0xab: {  	_ =	task [dreg:s7], $0x5FFFF  }
0xac: {  	[dreg:$0x1] =	wrdreg $0xFFFFFFFF  }
0xad: {  	[dreg:$0x0] =	wrdreg $0x60  }
0xae: {  	[dreg:$0x2] =	wrdreg s24  }
0xaf: {  	[dreg:$0x3] =	wrdreg s2  }
0xb0: {  	[dreg:$0x4] =	wrdreg $0x8A800  }
0xb1: {  	[dreg:$0x5] =	wrdreg $0x1CA800  }
0xb2: {  	[dreg:$0x6] =	wrdreg $0x9  }
0xb3: {  	_ =	task.clear_ibuf [dreg:s7], $0x7FFFF;
	_ =	strace $0x90000049  }
0xb4: {  	s29 =	simm.s32 $0x9;
	_ =	strace $0x8000004B  }
0xb5: {  	_ =	swait.ge [sflag:s29], $0x1  }
0xb6: {  	[sflag:s29] =	ssyncadd.s32 $0xFFFFFFFF  }
0xb7: {  	_ =	strace $0x9000004B  }
0xb8: {  	_ =	sfence  }
0xb9: {  	s30 =	sld [smem:$0x0];
	_ =	sdelay $0x2  }
0xba: {  	s31 =	sshll.u32 s1, $0xD;
	s1 =	sshrl.u32 s1, $0x2  }
0xbb: {  	s3 =	sand.u32 $0x4000, s31;
	s1 =	sadd.s32 s1, s30  }
0xbc: {  	s0 =	sor.u32 s3, s0;
	s1 =	sshll.u32 s1, $0x11  }
0xbd: {  	s0 =	sor.u32 s1, s0  }
0xbe: {  	s0 =	sadd.s32 $0x8F2B, s0  }
0xbf: {  	[sflag:s0] =	ssyncadd.remote.s32 $0x1  }
0xc0: {  	_ =	sfence.sel $0xFFFF  }
0xc1: {  	[dreg:$0x0] =	wrdreg $0xFFFFFFFF;
	(pc) =	sbr.abs _section_cstart, $3  }
0xc2: {  	[dreg:$0x1] =	wrdreg $0xFFFFFFFF  }
0xc3: {  	_ =	task.clear_ibuf [dreg:s7], $0x2FFFF;
	_ =	strace $0x9FFFFFFF  }
0xc4: {  	(tm) =	ssettm $0x7FFFFFFF  }
0xc5: {  	_ =	shalt  }
tec
execute0_lowered:
.L_overlay_start_1:
0x0: {  	(tag) =	ssettag $0x1  }
0x1: {  	s0 =	srdreg.scid;
	s2 =	rddreg [dreg:$0x0]  }
0x2: {  	s31 =	stileid.u32;
	s1 =	simm.s32 $0x0;
	s28 =	rddreg [dreg:$0x3]  }
0x3: {  	s12 =	sand.u32 $0x1, s0;
	s13 =	smul.u32 $0x14000, s31;
	s14 =	sadd.s32 $0x15200, s2  }
0x4: {  	s16 =	smul.u32 $0x2800, s31;
	[smem:$0x7FF] =	sst s1;
	s0 =	ssub.s32 $0x2, s12  }
0x5: {  	s15 =	smul.u32 $0x140000, s12;
	s3 =	sshrl.u32 s0, $0x1;
	s8 =	sor.u32 $0x2000, s13  }
0x6: {  	s9 =	sadd.s32 $0x4000, s13;
	s4 =	sadd.s32 $0x8000, s13;
	s5 =	sadd.s32 $0xA000, s13  }
0x7: {  	s10 =	sadd.s32 $0xC000, s13;
	s11 =	sadd.s32 $0xE000, s13;
	s6 =	sadd.s32 $0x10000, s13  }
0x8: {  	s7 =	sadd.s32 $0x12000, s13;
	s0 =	ssub.s32 s0, s3;
	s3 =	sadd.s32 $0x6000, s13  }
0x9: {  	s13 =	sadd.s32 s13, s15;
	s17 =	sadd.s32 s15, s8;
	s18 =	sadd.s32 s15, s9  }
0xa: {  	s24 =	sadd.s32 s15, s4;
	s25 =	sadd.s32 s15, s5;
	s19 =	sadd.s32 s15, s11  }
0xb: {  	s13 =	sshrl.u32 s13, $0x3;
	s20 =	sshrl.u32 s17, $0x3;
	s21 =	sshrl.u32 s18, $0x3  }
0xc: {  	s23 =	sadd.s32 s15, s3;
	s26 =	sshrl.u32 s24, $0x3;
	s30 =	sshrl.u32 s25, $0x3  }
0xd: {  	s18 =	sadd.s32 s15, s10;
	s24 =	sadd.s32 s15, s7;
	s13 =	sadd.s32 s14, s13  }
0xe: {  	s25 =	sshll.u32 s12, $0x4;
	s22 =	sadd.s32 s14, s21;
	[dreg:$0x5] =	wrdreg s13  }
0xf: {  	s17 =	sadd.s32 s14, s30;
	s21 =	sshrl.u32 s19, $0x3;
	[dreg:$0x7] =	wrdreg s22  }
0x10: {  	s30 =	sor.u32 s31, s25;
	s13 =	sadd.s32 s14, s20;
	[dreg:$0xa] =	wrdreg s17  }
0x11: {  	s20 =	sadd.s32 s15, s6;
	[dreg:$0x6] =	wrdreg s13;
	s13 =	sshrl.u32 s23, $0x3  }
0x12: {  	s22 =	sshrl.u32 s20, $0x3;
	s20 =	rddreg [dreg:$0x1];
	s13 =	sadd.s32 s14, s13  }
0x13: {  	s15 =	sadd.s32 $0x1800, s16;
	[dreg:$0x8] =	wrdreg s13;
	s13 =	sadd.s32 s14, s26  }
0x14: {  	s23 =	sadd.s32 s14, s22;
	[dreg:$0x9] =	wrdreg s13;
	s13 =	sshrl.u32 s18, $0x3  }
0x15: {  	[dreg:$0xd] =	wrdreg s23;
	s26 =	smul.u32 $0x28000, s12;
	s13 =	sadd.s32 s14, s13  }
0x16: {  	s18 =	smul.u32 $0x27100, s30;
	[dreg:$0xb] =	wrdreg s13;
	s13 =	sadd.s32 s14, s21  }
0x17: {  	s19 =	sadd.s32 s16, s26;
	[dreg:$0xc] =	wrdreg s13;
	s13 =	sshrl.u32 s24, $0x3  }
0x18: {  	s25 =	sadd.s32 s26, s15;
	s19 =	sshrl.u32 s19, $0x3;
	s13 =	sadd.s32 s14, s13  }
0x19: {  	s21 =	smul.u32 $0x2710, s30;
	[dreg:$0xe] =	wrdreg s13;
	s13 =	sadd.s32 $0x800, s16  }
0x1a: {  	s30 =	sadd.s32 $0xEE2400, s2;
	s19 =	sadd.s32 s20, s19;
	s22 =	sadd.s32 s26, s13  }
0x1b: {  	s14 =	sadd.s32 $0x1000, s16;
	[dreg:$0xf] =	wrdreg s19;
	s23 =	sshrl.u32 s22, $0x3  }
0x1c: {  	s16 =	sadd.s32 $0x2000, s16;
	s24 =	sadd.s32 s26, s14;
	s19 =	sadd.s32 s20, s23  }
0x1d: {  	s17 =	sadd.s32 s26, s16;
	[dreg:$0x10] =	wrdreg s19;
	s19 =	sshrl.u32 s24, $0x3  }
0x1e: {  	s22 =	sshrl.u32 s25, $0x3;
	s17 =	sshrl.u32 s17, $0x3;
	s19 =	sadd.s32 s20, s19  }
0x1f: {  	s26 =	sadd.s32 s20, s22;
	[dreg:$0x11] =	wrdreg s19;
	s19 =	sadd.s32 $0x13C4400, s2  }
0x20: {  	[dreg:$0x12] =	wrdreg s26;
	s24 =	sadd.s32 s30, s18;
	s18 =	sadd.s32 s19, s18  }
0x21: {  	s17 =	sadd.s32 s20, s17;
	[dreg:$0x15] =	wrdreg s18;
	s18 =	sadd.s32 $0x40, s21  }
0x22: {  	s22 =	sadd.s32 $0x2700, s21;
	[dreg:$0x13] =	wrdreg s17;
	s25 =	sshll.u32 s18, $0x4  }
0x23: {  	s23 =	smul.u32 $0x271000, s12;
	[dreg:$0x14] =	wrdreg s24;
	s24 =	sadd.s32 s30, s25  }
0x24: {  	s26 =	sshll.u32 s22, $0x4;
	s20 =	sadd.s32 s19, s25;
	[dreg:$0x16] =	wrdreg s24  }
0x25: {  	s25 =	sadd.s32 s30, s26;
	[dreg:$0x17] =	wrdreg s20  }
0x26: {  	s17 =	sadd.s32 s23, s30;
	s30 =	smul.u32 $0x27100, s31;
	[dreg:$0x18] =	wrdreg s25  }
0x27: {  	s24 =	sadd.s32 s19, s26;
	s19 =	sadd.s32 s23, s19;
	s23 =	rddreg [dreg:$0x2]  }
0x28: {  	[dreg:$0x19] =	wrdreg s24  }
0x29: {  	s25 =	sadd.s32 s30, s17;
	s26 =	sadd.s32 s30, s19;
	s3 =	sadd.s32 s3, s23  }
0x2a: {  	s30 =	sadd.s32 s4, s23;
	_ =	strace $0x8000004A;
	[dreg:$0x1a] =	wrdreg s3  }
0x2b: {  	s4 =	sadd.s32 s5, s23;
	[dreg:$0x1b] =	wrdreg s30  }
0x2c: {  	s29 =	smul.u32 $0x2710, s31;
	s5 =	sadd.s32 s10, s23;
	[dreg:$0x1c] =	wrdreg s4  }
0x2d: {  	s0 =	smax.u32 s0, $0x1;
	s10 =	sadd.s32 s11, s23;
	[dreg:$0x1d] =	wrdreg s5  }
0x2e: {  	s12 =	smul.u32 $0x27100, s12;
	s11 =	sadd.s32 s13, s28;
	[dreg:$0x1e] =	wrdreg s10  }
0x2f: {  	s20 =	smul.u32 $0x50000, s31;
	s13 =	sadd.s32 s14, s28;
	[smem:$0x7D6] =	sst s11  }
0x30: {  	s17 =	sadd.s32 s29, s12;
	s19 =	sadd.s32 s15, s28;
	[smem:$0x7D7] =	sst s13  }
0x31: {  	s29 =	sadd.s32 $0xB400, s2;
	s24 =	smul.u32 $0xA000, s31;
	[smem:$0x7D8] =	sst s19  }
0x32: {  	s20 =	sshrl.u32 s20, $0x2;
	[smem:$0x7DD] =	sst s0;
	s11 =	sadd.s32 $0x80, s17  }
0x33: {  	s12 =	sadd.s32 s20, s23;
	s20 =	sadd.s32 s16, s28;
	[smem:$0x7DF] =	sst s11  }
0x34: {  	s30 =	sadd.s32 $0xC0, s17;
	s2 =	sshrl.u32 s24, $0x2;
	[smem:$0x7D9] =	sst s20  }
0x35: {  	s24 =	sshrl.u32 s22, $0x3;
	s2 =	sadd.s32 s2, s28;
	[dreg:$0x1f] =	wrdreg s12  }
0x36: {  	s5 =	sshrl.u32 s30, $0x3;
	s3 =	sadd.s32 s29, s24;
	[smem:$0x7D5] =	sst s2  }
0x37: {  	s10 =	sadd.s32 s5, s29;
	[smem:$0x7DC] =	sst s3  }
0x38: {  	s13 =	sadd.s32 $0x800, s12;
	[smem:$0x7DE] =	sst s10  }
0x39: {  	s15 =	sadd.s32 $0x1800, s12;
	[smem:$0x7E0] =	sst s13  }
0x3a: {  	s16 =	sadd.s32 $0x2800, s12;
	[smem:$0x7E2] =	sst s15  }
0x3b: {  	s14 =	sshrl.u32 s21, $0x3;
	s17 =	sadd.s32 $0x3000, s12;
	[smem:$0x7E3] =	sst s16  }
0x3c: {  	s21 =	sshrl.u32 s18, $0x3;
	s18 =	sadd.s32 $0x3800, s12;
	[smem:$0x7E4] =	sst s17  }
0x3d: {  	s19 =	sadd.s32 $0x4800, s12;
	[smem:$0x7E5] =	sst s18  }
0x3e: {  	s20 =	sadd.s32 $0x5000, s12;
	[smem:$0x7E6] =	sst s19  }
0x3f: {  	s22 =	sadd.s32 $0x6800, s12;
	[smem:$0x7E7] =	sst s20  }
0x40: {  	s24 =	sadd.s32 $0x7000, s12;
	[smem:$0x7E9] =	sst s22  }
0x41: {  	s30 =	sadd.s32 $0x7800, s12;
	[smem:$0x7EA] =	sst s24  }
0x42: {  	s4 =	sadd.s32 $0x9800, s12;
	[smem:$0x7EB] =	sst s30  }
0x43: {  	s5 =	sadd.s32 $0xA800, s12;
	[smem:$0x7EE] =	sst s4  }
0x44: {  	s11 =	sadd.s32 $0xB800, s12;
	[smem:$0x7EF] =	sst s5  }
0x45: {  	s2 =	sadd.s32 s29, s14;
	[smem:$0x7F1] =	sst s11  }
0x46: {  	s14 =	sadd.s32 $0x1000, s12;
	[smem:$0x7DA] =	sst s2  }
0x47: {  	s3 =	sadd.s32 $0x9000, s12;
	[smem:$0x7E1] =	sst s14  }
0x48: {  	s10 =	sadd.s32 $0xB000, s12;
	[smem:$0x7ED] =	sst s3  }
0x49: {  	s13 =	sadd.s32 $0xC800, s12;
	[smem:$0x7F0] =	sst s10  }
0x4a: {  	s15 =	sadd.s32 $0xD800, s12;
	[smem:$0x7F2] =	sst s13  }
0x4b: {  	s16 =	sadd.s32 $0xE800, s12;
	[smem:$0x7F4] =	sst s15  }
0x4c: {  	s8 =	sadd.s32 s8, s23;
	s17 =	sadd.s32 $0xF000, s12;
	[smem:$0x7F5] =	sst s16  }
0x4d: {  	s9 =	sadd.s32 s9, s23;
	s18 =	sadd.s32 $0xF800, s12;
	[smem:$0x7F6] =	sst s17  }
0x4e: {  	s6 =	sadd.s32 s6, s23;
	s19 =	sadd.s32 $0x10800, s12;
	[smem:$0x7F7] =	sst s18  }
0x4f: {  	s7 =	sadd.s32 s7, s23;
	s20 =	sadd.s32 $0x11000, s12;
	[smem:$0x7F8] =	sst s19  }
0x50: {  	s31 =	simm.s32 $0x6;
	s22 =	sadd.s32 $0x12800, s12;
	[smem:$0x7F9] =	sst s20  }
0x51: {  	s0 =	simm.s32 $0x2;
	s24 =	sadd.s32 $0x13000, s12;
	[smem:$0x7FB] =	sst s22  }
0x52: {  	s30 =	sadd.s32 $0x13800, s12;
	s2 =	sadd.s32 s29, s21;
	[smem:$0x7FC] =	sst s24  }
0x53: {  	s21 =	sadd.s32 $0x5800, s12;
	s14 =	sadd.s32 $0xD000, s12;
	[smem:$0x7FD] =	sst s30  }
0x54: {  	s22 =	simm.s32 $0x5;
	s17 =	simm.s32 $0x80;
	s13 =	simm.s32 $0x2080  }
0x55: {  	s18 =	simm.s32 $0x4080;
	s15 =	simm.s32 $0x6100;
	s16 =	simm.s32 $0x1  }
.Ltmp0:
0x56: {  	s19 =	simm.s32 $0x3;
	[smem:$0x7DB] =	sst s2;
	(pc) =	sbr.rel .LBB2_1-.Ltmp0, $4  }
0x57: {  	s20 =	simm.s32 $0x40;
	s24 =	simm.s32 $0x8180;
	[smem:$0x7E8] =	sst s21  }
0x58: {  	s3 =	simm.s32 $0x0;
	s2 =	sadd.s32 $0x8800, s12;
	[smem:$0x7F3] =	sst s14  }
0x59: {  	s21 =	sadd.s32 $0x11800, s12;
	s14 =	simm.s32 $0x4100;
	[smem:$0x7EC] =	sst s2  }
0x5a: {  	v0 =	vimm.f32 $0.0e+00;
	[smem:$0x7FA] =	sst s21;
	s21 =	simm.s32 $0x8280;
	s2 =	simm.s32 $0x4  }
.LBB2_6:
0x5b: {  	s4 =	sld [smem:$0x7DC];
	_ =	sdelay $0x1  }
0x5c: {  	s5 =	simm.s32 $0x8100  }
0x5d: {  	[tilespmem:s5], [sflag:$0x6] =	stream.linear.gather [hbm4b:s4+s1], $0x10, $0x38;
	[tilespmem:$0x1F280] =	vst v63  }
0x5e: {  	_ =	swait.ge [sflag:s31], $0x10  }
0x5f: {  	[sflag:s31] =	ssyncset.done $0x0  }
0x60: {  	s7 =	rddreg [dreg:$0x18];
	[sflag:s31] =	ssyncadd.s32 $0xFFFFFFF0  }
0x61: {  	[tilespmem:s17], [sflag:$0x6] =	stream.linear.gather [hbm4b:s7+s1], $0x800, $0x38;
	[tilespmem:$0x1F280] =	vst v63  }
0x62: {  	_ =	swait.ge [sflag:s31], $0x800  }
0x63: {  	[sflag:s31] =	ssyncset.done $0x0  }
0x64: {  	s8 =	rddreg [dreg:$0x19];
	[sflag:s31] =	ssyncadd.s32 $0xFFFFF800  }
0x65: {  	[tilespmem:s13], [sflag:$0x6] =	stream.linear.gather [hbm4b:s8+s1], $0x800, $0x38;
	[tilespmem:$0x1F280] =	vst v63  }
0x66: {  	_ =	swait.ge [sflag:s31], $0x800  }
0x67: {  	[sflag:s31] =	ssyncset.done $0x0  }
0x68: {  	[sflag:s31] =	ssyncadd.s32 $0xFFFFF800  }
0x69: {  	v1 =	vld [tilespmem:$0x8100];
	_ =	sdelay $0x4  }
0x6a: {  	v1 =	vshrl.u32 v1, $0x3  }
0x6b: {  	s9 =	simm.s32 $0x10;
	[tilespmem:$0x8200] =	vst v1  }
0x6c: {  	[spmem:s23] =	stream.indirect.scatter.add.f32 [tilespmem:s17], [sflag:$0x6], $0x80, s5, s9, $0xb8;
	[tilespmem:$0x1F280] =	vst v63  }
0x6d: {  	_ =	swait.ge [sflag:s31], $0x800  }
0x6e: {  	[sflag:s31] =	ssyncset.done $0x0  }
0x6f: {  	s6 =	simm.s32 $0x8200;
	[sflag:s31] =	ssyncadd.s32 $0xFFFFF800  }
0x70: {  	[spmem:s28] =	stream.indirect.scatter.add.f32 [tilespmem:s13], [sflag:$0x6], $0x80, s6, s9, $0xb8;
	[tilespmem:$0x1F280] =	vst v63  }
0x71: {  	_ =	swait.ge [sflag:s31], $0x800  }
0x72: {  	[sflag:s31] =	ssyncset.done $0x0  }
0x73: {  	[sflag:s31] =	ssyncadd.s32 $0xFFFFF800  }
0x74: {  	[bflag:$0x0] =	sbarrier.arrive $0xFFFF  }
0x75: {  	s7 =	rddreg [dreg:$0x1f]  }
0x76: {  	[tilespmem:s17], [sflag:$0x6] =	stream.linear.gather [spmem:s7], $0x2000, $0x38;
	[tilespmem:$0x1F280] =	vst v63  }
0x77: {  	_ =	swait.ge [sflag:s31], $0x2000  }
0x78: {  	[sflag:s31] =	ssyncset.done $0x0  }
0x79: {  	s8 =	rddreg [dreg:$0x5];
	[sflag:s31] =	ssyncadd.s32 $0xFFFFE000  }
0x7a: {  	[hbm4b:s8+s1] =	stream.linear.scatter [tilespmem:s17], [sflag:$0x6], $0x2000, $0x38;
	[tilespmem:$0x1F280] =	vst v63  }
0x7b: {  	_ =	swait.ge [sflag:s31], $0x2000  }
0x7c: {  	[sflag:s31] =	ssyncset.done $0x0  }
0x7d: {  	[sflag:s31] =	ssyncadd.s32 $0xFFFFE000  }
0x7e: {  	[tilespmem:s17], [sflag:$0x6] =	stream.linear.gather [spmem:s10], $0x2000, $0x38;
	[tilespmem:$0x1F280] =	vst v63  }
0x7f: {  	_ =	swait.ge [sflag:s31], $0x2000  }
0x80: {  	[sflag:s31] =	ssyncset.done $0x0  }
0x81: {  	s9 =	rddreg [dreg:$0x6];
	[sflag:s31] =	ssyncadd.s32 $0xFFFFE000  }
0x82: {  	[hbm4b:s9+s1] =	stream.linear.scatter [tilespmem:s17], [sflag:$0x6], $0x2000, $0x38;
	[tilespmem:$0x1F280] =	vst v63  }
0x83: {  	_ =	swait.ge [sflag:s31], $0x2000  }
0x84: {  	[sflag:s31] =	ssyncset.done $0x0  }
0x85: {  	[sflag:s31] =	ssyncadd.s32 $0xFFFFE000  }
0x86: {  	[tilespmem:s17], [sflag:$0x6] =	stream.linear.gather [spmem:s11], $0x2000, $0x38;
	[tilespmem:$0x1F280] =	vst v63  }
0x87: {  	_ =	swait.ge [sflag:s31], $0x2000  }
0x88: {  	[sflag:s31] =	ssyncset.done $0x0  }
0x89: {  	s8 =	smov.u32 s10;
	s10 =	rddreg [dreg:$0x7];
	[sflag:s31] =	ssyncadd.s32 $0xFFFFE000  }
0x8a: {  	[hbm4b:s10+s1] =	stream.linear.scatter [tilespmem:s17], [sflag:$0x6], $0x2000, $0x38;
	[tilespmem:$0x1F280] =	vst v63  }
0x8b: {  	_ =	swait.ge [sflag:s31], $0x2000  }
0x8c: {  	[sflag:s31] =	ssyncset.done $0x0  }
0x8d: {  	s9 =	smov.u32 s11;
	s11 =	rddreg [dreg:$0x1a];
	[sflag:s31] =	ssyncadd.s32 $0xFFFFE000  }
0x8e: {  	[tilespmem:s17], [sflag:$0x6] =	stream.linear.gather [spmem:s11], $0x2000, $0x38;
	[tilespmem:$0x1F280] =	vst v63  }
0x8f: {  	_ =	swait.ge [sflag:s31], $0x2000  }
0x90: {  	[sflag:s31] =	ssyncset.done $0x0  }
0x91: {  	s5 =	rddreg [dreg:$0x8];
	[sflag:s31] =	ssyncadd.s32 $0xFFFFE000  }
0x92: {  	[hbm4b:s5+s1] =	stream.linear.scatter [tilespmem:s17], [sflag:$0x6], $0x2000, $0x38;
	[tilespmem:$0x1F280] =	vst v63  }
0x93: {  	_ =	swait.ge [sflag:s31], $0x2000  }
0x94: {  	[sflag:s31] =	ssyncset.done $0x0  }
0x95: {  	s6 =	rddreg [dreg:$0x1b];
	[sflag:s31] =	ssyncadd.s32 $0xFFFFE000  }
0x96: {  	[tilespmem:s17], [sflag:$0x6] =	stream.linear.gather [spmem:s6], $0x2000, $0x38;
	[tilespmem:$0x1F280] =	vst v63  }
0x97: {  	_ =	swait.ge [sflag:s31], $0x2000  }
0x98: {  	[sflag:s31] =	ssyncset.done $0x0  }
0x99: {  	s7 =	rddreg [dreg:$0x9];
	[sflag:s31] =	ssyncadd.s32 $0xFFFFE000  }
0x9a: {  	[hbm4b:s7+s1] =	stream.linear.scatter [tilespmem:s17], [sflag:$0x6], $0x2000, $0x38;
	[tilespmem:$0x1F280] =	vst v63  }
0x9b: {  	_ =	swait.ge [sflag:s31], $0x2000  }
0x9c: {  	[sflag:s31] =	ssyncset.done $0x0  }
0x9d: {  	s10 =	rddreg [dreg:$0x1c];
	[sflag:s31] =	ssyncadd.s32 $0xFFFFE000  }
0x9e: {  	[tilespmem:s17], [sflag:$0x6] =	stream.linear.gather [spmem:s10], $0x2000, $0x38;
	[tilespmem:$0x1F280] =	vst v63  }
0x9f: {  	_ =	swait.ge [sflag:s31], $0x2000  }
0xa0: {  	[sflag:s31] =	ssyncset.done $0x0  }
0xa1: {  	s11 =	rddreg [dreg:$0xa];
	[sflag:s31] =	ssyncadd.s32 $0xFFFFE000  }
0xa2: {  	[hbm4b:s11+s1] =	stream.linear.scatter [tilespmem:s17], [sflag:$0x6], $0x2000, $0x38;
	[tilespmem:$0x1F280] =	vst v63  }
0xa3: {  	_ =	swait.ge [sflag:s31], $0x2000  }
0xa4: {  	[sflag:s31] =	ssyncset.done $0x0  }
0xa5: {  	s5 =	rddreg [dreg:$0x1d];
	[sflag:s31] =	ssyncadd.s32 $0xFFFFE000  }
0xa6: {  	[tilespmem:s17], [sflag:$0x6] =	stream.linear.gather [spmem:s5], $0x2000, $0x38;
	[tilespmem:$0x1F280] =	vst v63  }
0xa7: {  	_ =	swait.ge [sflag:s31], $0x2000  }
0xa8: {  	[sflag:s31] =	ssyncset.done $0x0  }
0xa9: {  	s6 =	rddreg [dreg:$0xb];
	[sflag:s31] =	ssyncadd.s32 $0xFFFFE000  }
0xaa: {  	[hbm4b:s6+s1] =	stream.linear.scatter [tilespmem:s17], [sflag:$0x6], $0x2000, $0x38;
	[tilespmem:$0x1F280] =	vst v63  }
0xab: {  	_ =	swait.ge [sflag:s31], $0x2000  }
0xac: {  	[sflag:s31] =	ssyncset.done $0x0  }
0xad: {  	s7 =	rddreg [dreg:$0x1e];
	[sflag:s31] =	ssyncadd.s32 $0xFFFFE000  }
0xae: {  	[tilespmem:s17], [sflag:$0x6] =	stream.linear.gather [spmem:s7], $0x2000, $0x38;
	[tilespmem:$0x1F280] =	vst v63  }
0xaf: {  	_ =	swait.ge [sflag:s31], $0x2000  }
0xb0: {  	[sflag:s31] =	ssyncset.done $0x0  }
0xb1: {  	s10 =	rddreg [dreg:$0xc];
	[sflag:s31] =	ssyncadd.s32 $0xFFFFE000  }
0xb2: {  	[hbm4b:s10+s1] =	stream.linear.scatter [tilespmem:s17], [sflag:$0x6], $0x2000, $0x38;
	[tilespmem:$0x1F280] =	vst v63  }
0xb3: {  	_ =	swait.ge [sflag:s31], $0x2000  }
0xb4: {  	[sflag:s31] =	ssyncset.done $0x0  }
0xb5: {  	[sflag:s31] =	ssyncadd.s32 $0xFFFFE000  }
0xb6: {  	[tilespmem:s17], [sflag:$0x6] =	stream.linear.gather [spmem:s12], $0x2000, $0x38;
	[tilespmem:$0x1F280] =	vst v63  }
0xb7: {  	_ =	swait.ge [sflag:s31], $0x2000  }
0xb8: {  	[sflag:s31] =	ssyncset.done $0x0  }
0xb9: {  	s11 =	rddreg [dreg:$0xd];
	[sflag:s31] =	ssyncadd.s32 $0xFFFFE000  }
0xba: {  	[hbm4b:s11+s1] =	stream.linear.scatter [tilespmem:s17], [sflag:$0x6], $0x2000, $0x38;
	[tilespmem:$0x1F280] =	vst v63  }
0xbb: {  	_ =	swait.ge [sflag:s31], $0x2000  }
0xbc: {  	[sflag:s31] =	ssyncset.done $0x0  }
0xbd: {  	[sflag:s31] =	ssyncadd.s32 $0xFFFFE000  }
0xbe: {  	[tilespmem:s17], [sflag:$0x6] =	stream.linear.gather [spmem:s30], $0x2000, $0x38;
	[tilespmem:$0x1F280] =	vst v63  }
0xbf: {  	_ =	swait.ge [sflag:s31], $0x2000  }
0xc0: {  	[sflag:s31] =	ssyncset.done $0x0  }
0xc1: {  	s6 =	smov.u32 s12;
	s12 =	rddreg [dreg:$0xe];
	[sflag:s31] =	ssyncadd.s32 $0xFFFFE000  }
0xc2: {  	[hbm4b:s12+s1] =	stream.linear.scatter [tilespmem:s17], [sflag:$0x6], $0x2000, $0x38;
	[tilespmem:$0x1F280] =	vst v63  }
0xc3: {  	_ =	swait.ge [sflag:s31], $0x2000  }
0xc4: {  	s7 =	smov.u32 s30;
	s30 =	sld [smem:$0x7D5]  }
0xc5: {  	[sflag:s31] =	ssyncset.done $0x0  }
0xc6: {  	[sflag:s31] =	ssyncadd.s32 $0xFFFFE000  }
0xc7: {  	[tilespmem:s17], [sflag:$0x6] =	stream.linear.gather [spmem:s30], $0x800, $0x38;
	[tilespmem:$0x1F280] =	vst v63  }
0xc8: {  	_ =	swait.ge [sflag:s31], $0x800  }
0xc9: {  	[sflag:s31] =	ssyncset.done $0x0  }
0xca: {  	s5 =	rddreg [dreg:$0xf];
	[sflag:s31] =	ssyncadd.s32 $0xFFFFF800  }
0xcb: {  	[hbm4b:s5+s1] =	stream.linear.scatter [tilespmem:s17], [sflag:$0x6], $0x800, $0x38;
	[tilespmem:$0x1F280] =	vst v63  }
0xcc: {  	_ =	swait.ge [sflag:s31], $0x800  }
0xcd: {  	s10 =	sld [smem:$0x7D6]  }
0xce: {  	[sflag:s31] =	ssyncset.done $0x0  }
0xcf: {  	[sflag:s31] =	ssyncadd.s32 $0xFFFFF800  }
0xd0: {  	[tilespmem:s17], [sflag:$0x6] =	stream.linear.gather [spmem:s10], $0x800, $0x38;
	[tilespmem:$0x1F280] =	vst v63  }
0xd1: {  	_ =	swait.ge [sflag:s31], $0x800  }
0xd2: {  	[sflag:s31] =	ssyncset.done $0x0  }
0xd3: {  	s11 =	rddreg [dreg:$0x10];
	[sflag:s31] =	ssyncadd.s32 $0xFFFFF800  }
0xd4: {  	[hbm4b:s11+s1] =	stream.linear.scatter [tilespmem:s17], [sflag:$0x6], $0x800, $0x38;
	[tilespmem:$0x1F280] =	vst v63  }
0xd5: {  	_ =	swait.ge [sflag:s31], $0x800  }
0xd6: {  	s12 =	sld [smem:$0x7D7]  }
0xd7: {  	[sflag:s31] =	ssyncset.done $0x0  }
0xd8: {  	[sflag:s31] =	ssyncadd.s32 $0xFFFFF800  }
0xd9: {  	[tilespmem:s17], [sflag:$0x6] =	stream.linear.gather [spmem:s12], $0x800, $0x38;
	[tilespmem:$0x1F280] =	vst v63  }
0xda: {  	_ =	swait.ge [sflag:s31], $0x800  }
0xdb: {  	[sflag:s31] =	ssyncset.done $0x0  }
0xdc: {  	s30 =	rddreg [dreg:$0x11];
	[sflag:s31] =	ssyncadd.s32 $0xFFFFF800  }
0xdd: {  	[hbm4b:s30+s1] =	stream.linear.scatter [tilespmem:s17], [sflag:$0x6], $0x800, $0x38;
	[tilespmem:$0x1F280] =	vst v63  }
0xde: {  	_ =	swait.ge [sflag:s31], $0x800  }
0xdf: {  	s5 =	sld [smem:$0x7D8]  }
0xe0: {  	[sflag:s31] =	ssyncset.done $0x0  }
0xe1: {  	[sflag:s31] =	ssyncadd.s32 $0xFFFFF800  }
0xe2: {  	[tilespmem:s17], [sflag:$0x6] =	stream.linear.gather [spmem:s5], $0x800, $0x38;
	[tilespmem:$0x1F280] =	vst v63  }
0xe3: {  	_ =	swait.ge [sflag:s31], $0x800  }
0xe4: {  	[sflag:s31] =	ssyncset.done $0x0  }
0xe5: {  	s10 =	rddreg [dreg:$0x12];
	[sflag:s31] =	ssyncadd.s32 $0xFFFFF800  }
0xe6: {  	[hbm4b:s10+s1] =	stream.linear.scatter [tilespmem:s17], [sflag:$0x6], $0x800, $0x38;
	[tilespmem:$0x1F280] =	vst v63  }
0xe7: {  	_ =	swait.ge [sflag:s31], $0x800  }
0xe8: {  	s11 =	sld [smem:$0x7D9]  }
0xe9: {  	[sflag:s31] =	ssyncset.done $0x0  }
0xea: {  	[sflag:s31] =	ssyncadd.s32 $0xFFFFF800  }
0xeb: {  	[tilespmem:s17], [sflag:$0x6] =	stream.linear.gather [spmem:s11], $0x800, $0x38;
	[tilespmem:$0x1F280] =	vst v63  }
0xec: {  	_ =	swait.ge [sflag:s31], $0x800  }
0xed: {  	[sflag:s31] =	ssyncset.done $0x0  }
0xee: {  	s12 =	rddreg [dreg:$0x13];
	[sflag:s31] =	ssyncadd.s32 $0xFFFFF800  }
0xef: {  	[hbm4b:s12+s1] =	stream.linear.scatter [tilespmem:s17], [sflag:$0x6], $0x800, $0x38;
	[tilespmem:$0x1F280] =	vst v63  }
0xf0: {  	_ =	swait.ge [sflag:s31], $0x800  }
0xf1: {  	s30 =	sld [smem:$0x7DD];
	_ =	sdelay $0x1  }
0xf2: {  	s3 =	sadd.s32 $0x1, s3  }
0xf3: {  	p0 =	sne.s32 s3, s30  }
.Ltmp1:
0xf4: {  	_ = 	snop;
	(pc) =	sbr.rel @!p0 .LBB2_7-.Ltmp1, $3  }
0xf5: {  	_ =	sdelay $0x1  }
0xf6: {  	[sflag:s31] =	ssyncset.done $0x0  }
0xf7: {  	[sflag:s31] =	ssyncadd.s32 $0xFFFFF800  }
.LBB2_1:
0xf8: {  	s4 =	simm.s32 $0x0;
	s5 =	simm.s32 $0x200  }
.LBB2_2:
0xf9: {  	p0 =	sne.s32 s5, $0x1E00;
	[tilespmem:s4+$0x82F0] =	vst v0  }
0xfa: {  	[tilespmem:s4+$0x8280] =	vst v0  }
0xfb: {  	[tilespmem:s4+$0x8290] =	vst v0  }
.Ltmp2:
0xfc: {  	[tilespmem:s4+$0x82A0] =	vst v0;
	(pc) =	sbr.rel @p0 .LBB2_2-.Ltmp2, $4  }
0xfd: {  	[tilespmem:s4+$0x82B0] =	vst v0  }
0xfe: {  	[tilespmem:s4+$0x82C0] =	vst v0  }
0xff: {  	[tilespmem:s4+$0x82D0] =	vst v0  }
0x100: {  	[tilespmem:s4+$0x82E0] =	vst v0;
	s4 =	sshra.s32 s5, $0x2;
	s5 =	sadd.s32 $0x200, s5  }
0x101: {  	[tilespmem:s4+$0x82F0] =	vst v0  }
0x102: {  	[tilespmem:s4+$0x8280] =	vst v0  }
0x103: {  	[tilespmem:s4+$0x8290] =	vst v0  }
0x104: {  	[tilespmem:s4+$0x82A0] =	vst v0  }
0x105: {  	[tilespmem:s4+$0x82B0] =	vst v0  }
0x106: {  	[tilespmem:s4+$0x82C0] =	vst v0  }
0x107: {  	[tilespmem:s4+$0x82D0] =	vst v0;
	s12 =	rddreg [dreg:$0x1f]  }
0x108: {  	[tilespmem:s4+$0x82E0] =	vst v0;
	s5 =	sld [smem:$0x7E0]  }
0x109: {  	[spmem:s12] =	stream.linear.scatter [tilespmem:s21], [sflag:$0x5], $0x800, $0x38;
	[tilespmem:$0x1F280] =	vst v63  }
0x10a: {  	s10 =	sld [smem:$0x7E1]  }
0x10b: {  	[spmem:s5] =	stream.linear.scatter [tilespmem:s21], [sflag:$0x5], $0x800, $0x38;
	[tilespmem:$0x1F280] =	vst v63  }
0x10c: {  	s11 =	sld [smem:$0x7E2]  }
0x10d: {  	[spmem:s10] =	stream.linear.scatter [tilespmem:s21], [sflag:$0x5], $0x800, $0x38;
	[tilespmem:$0x1F280] =	vst v63  }
0x10e: {  	_ = 	snop  }
0x10f: {  	[spmem:s11] =	stream.linear.scatter [tilespmem:s21], [sflag:$0x5], $0x800, $0x38;
	[tilespmem:$0x1F280] =	vst v63  }
0x110: {  	s12 =	sld [smem:$0x7E3]  }
0x111: {  	[spmem:s8] =	stream.linear.scatter [tilespmem:s21], [sflag:$0x5], $0x800, $0x38;
	[tilespmem:$0x1F280] =	vst v63  }
0x112: {  	s5 =	sld [smem:$0x7E4]  }
0x113: {  	[spmem:s12] =	stream.linear.scatter [tilespmem:s21], [sflag:$0x5], $0x800, $0x38;
	[tilespmem:$0x1F280] =	vst v63  }
0x114: {  	s10 =	smov.u32 s8;
	s8 =	sld [smem:$0x7E5]  }
0x115: {  	[spmem:s5] =	stream.linear.scatter [tilespmem:s21], [sflag:$0x5], $0x800, $0x38;
	[tilespmem:$0x1F280] =	vst v63  }
0x116: {  	_ = 	snop  }
0x117: {  	[spmem:s8] =	stream.linear.scatter [tilespmem:s21], [sflag:$0x5], $0x800, $0x38;
	[tilespmem:$0x1F280] =	vst v63  }
0x118: {  	_ = 	snop  }
0x119: {  	[spmem:s9] =	stream.linear.scatter [tilespmem:s21], [sflag:$0x5], $0x800, $0x38;
	[tilespmem:$0x1F280] =	vst v63  }
0x11a: {  	s11 =	smov.u32 s9;
	s9 =	sld [smem:$0x7E6];
	_ =	sdelay $0x1  }
0x11b: {  	s12 =	sld [smem:$0x7E7]  }
0x11c: {  	[spmem:s9] =	stream.linear.scatter [tilespmem:s21], [sflag:$0x5], $0x800, $0x38;
	[tilespmem:$0x1F280] =	vst v63  }
0x11d: {  	s5 =	sld [smem:$0x7E8]  }
0x11e: {  	[spmem:s12] =	stream.linear.scatter [tilespmem:s21], [sflag:$0x5], $0x800, $0x38;
	[tilespmem:$0x1F280] =	vst v63  }
0x11f: {  	s8 =	rddreg [dreg:$0x1a]  }
0x120: {  	[spmem:s5] =	stream.linear.scatter [tilespmem:s21], [sflag:$0x5], $0x800, $0x38;
	[tilespmem:$0x1F280] =	vst v63  }
0x121: {  	s9 =	sld [smem:$0x7E9]  }
0x122: {  	[spmem:s8] =	stream.linear.scatter [tilespmem:s21], [sflag:$0x5], $0x800, $0x38;
	[tilespmem:$0x1F280] =	vst v63  }
0x123: {  	s12 =	sld [smem:$0x7EA]  }
0x124: {  	[spmem:s9] =	stream.linear.scatter [tilespmem:s21], [sflag:$0x5], $0x800, $0x38;
	[tilespmem:$0x1F280] =	vst v63  }
0x125: {  	_ = 	snop  }
0x126: {  	[spmem:s12] =	stream.linear.scatter [tilespmem:s21], [sflag:$0x5], $0x800, $0x38;
	[tilespmem:$0x1F280] =	vst v63  }
0x127: {  	_ =	swait.ge [sflag:s22], $0x800  }
0x128: {  	[sflag:s22] =	ssyncset.done $0x0  }
0x129: {  	[sflag:s22] =	ssyncadd.s32 $0xFFFFF800  }
0x12a: {  	_ =	swait.ge [sflag:s22], $0x800  }
0x12b: {  	[sflag:s22] =	ssyncset.done $0x0  }
0x12c: {  	[sflag:s22] =	ssyncadd.s32 $0xFFFFF800  }
0x12d: {  	_ =	swait.ge [sflag:s22], $0x800  }
0x12e: {  	[sflag:s22] =	ssyncset.done $0x0  }
0x12f: {  	[sflag:s22] =	ssyncadd.s32 $0xFFFFF800  }
0x130: {  	_ =	swait.ge [sflag:s22], $0x800  }
0x131: {  	[sflag:s22] =	ssyncset.done $0x0  }
0x132: {  	[sflag:s22] =	ssyncadd.s32 $0xFFFFF800  }
0x133: {  	_ =	swait.ge [sflag:s22], $0x800  }
0x134: {  	[sflag:s22] =	ssyncset.done $0x0  }
0x135: {  	[sflag:s22] =	ssyncadd.s32 $0xFFFFF800  }
0x136: {  	_ =	swait.ge [sflag:s22], $0x800  }
0x137: {  	[sflag:s22] =	ssyncset.done $0x0  }
0x138: {  	[sflag:s22] =	ssyncadd.s32 $0xFFFFF800  }
0x139: {  	_ =	swait.ge [sflag:s22], $0x800  }
0x13a: {  	[sflag:s22] =	ssyncset.done $0x0  }
0x13b: {  	[sflag:s22] =	ssyncadd.s32 $0xFFFFF800  }
0x13c: {  	_ =	swait.ge [sflag:s22], $0x800  }
0x13d: {  	[sflag:s22] =	ssyncset.done $0x0  }
0x13e: {  	[sflag:s22] =	ssyncadd.s32 $0xFFFFF800  }
0x13f: {  	_ =	swait.ge [sflag:s22], $0x800  }
0x140: {  	[sflag:s22] =	ssyncset.done $0x0  }
0x141: {  	[sflag:s22] =	ssyncadd.s32 $0xFFFFF800  }
0x142: {  	_ =	swait.ge [sflag:s22], $0x800  }
0x143: {  	[sflag:s22] =	ssyncset.done $0x0  }
0x144: {  	[sflag:s22] =	ssyncadd.s32 $0xFFFFF800  }
0x145: {  	_ =	swait.ge [sflag:s22], $0x800  }
0x146: {  	[sflag:s22] =	ssyncset.done $0x0  }
0x147: {  	[sflag:s22] =	ssyncadd.s32 $0xFFFFF800  }
0x148: {  	_ =	swait.ge [sflag:s22], $0x800  }
0x149: {  	[sflag:s22] =	ssyncset.done $0x0  }
0x14a: {  	[sflag:s22] =	ssyncadd.s32 $0xFFFFF800  }
0x14b: {  	_ =	swait.ge [sflag:s22], $0x800  }
0x14c: {  	[sflag:s22] =	ssyncset.done $0x0  }
0x14d: {  	[sflag:s22] =	ssyncadd.s32 $0xFFFFF800  }
0x14e: {  	_ =	swait.ge [sflag:s22], $0x800  }
0x14f: {  	[sflag:s22] =	ssyncset.done $0x0  }
0x150: {  	[sflag:s22] =	ssyncadd.s32 $0xFFFFF800  }
0x151: {  	_ =	swait.ge [sflag:s22], $0x800  }
0x152: {  	s5 =	sld [smem:$0x7EB]  }
0x153: {  	[sflag:s22] =	ssyncset.done $0x0  }
0x154: {  	s8 =	rddreg [dreg:$0x1b];
	[sflag:s22] =	ssyncadd.s32 $0xFFFFF800  }
0x155: {  	[spmem:s5] =	stream.linear.scatter [tilespmem:s21], [sflag:$0x5], $0x800, $0x38;
	[tilespmem:$0x1F280] =	vst v63  }
0x156: {  	s9 =	sld [smem:$0x7EC]  }
0x157: {  	[spmem:s8] =	stream.linear.scatter [tilespmem:s21], [sflag:$0x5], $0x800, $0x38;
	[tilespmem:$0x1F280] =	vst v63  }
0x158: {  	s12 =	sld [smem:$0x7ED]  }
0x159: {  	[spmem:s9] =	stream.linear.scatter [tilespmem:s21], [sflag:$0x5], $0x800, $0x38;
	[tilespmem:$0x1F280] =	vst v63  }
0x15a: {  	s5 =	sld [smem:$0x7EE]  }
0x15b: {  	[spmem:s12] =	stream.linear.scatter [tilespmem:s21], [sflag:$0x5], $0x800, $0x38;
	[tilespmem:$0x1F280] =	vst v63  }
0x15c: {  	s8 =	rddreg [dreg:$0x1c]  }
0x15d: {  	[spmem:s5] =	stream.linear.scatter [tilespmem:s21], [sflag:$0x5], $0x800, $0x38;
	[tilespmem:$0x1F280] =	vst v63  }
0x15e: {  	s9 =	sld [smem:$0x7EF]  }
0x15f: {  	[spmem:s8] =	stream.linear.scatter [tilespmem:s21], [sflag:$0x5], $0x800, $0x38;
	[tilespmem:$0x1F280] =	vst v63  }
0x160: {  	s12 =	sld [smem:$0x7F0]  }
0x161: {  	[spmem:s9] =	stream.linear.scatter [tilespmem:s21], [sflag:$0x5], $0x800, $0x38;
	[tilespmem:$0x1F280] =	vst v63  }
0x162: {  	s5 =	sld [smem:$0x7F1]  }
0x163: {  	[spmem:s12] =	stream.linear.scatter [tilespmem:s21], [sflag:$0x5], $0x800, $0x38;
	[tilespmem:$0x1F280] =	vst v63  }
0x164: {  	s8 =	rddreg [dreg:$0x1d]  }
0x165: {  	[spmem:s5] =	stream.linear.scatter [tilespmem:s21], [sflag:$0x5], $0x800, $0x38;
	[tilespmem:$0x1F280] =	vst v63  }
0x166: {  	s9 =	sld [smem:$0x7F2]  }
0x167: {  	[spmem:s8] =	stream.linear.scatter [tilespmem:s21], [sflag:$0x5], $0x800, $0x38;
	[tilespmem:$0x1F280] =	vst v63  }
0x168: {  	s12 =	sld [smem:$0x7F3]  }
0x169: {  	[spmem:s9] =	stream.linear.scatter [tilespmem:s21], [sflag:$0x5], $0x800, $0x38;
	[tilespmem:$0x1F280] =	vst v63  }
0x16a: {  	s5 =	sld [smem:$0x7F4]  }
0x16b: {  	[spmem:s12] =	stream.linear.scatter [tilespmem:s21], [sflag:$0x5], $0x800, $0x38;
	[tilespmem:$0x1F280] =	vst v63  }
0x16c: {  	s8 =	rddreg [dreg:$0x1e]  }
0x16d: {  	[spmem:s5] =	stream.linear.scatter [tilespmem:s21], [sflag:$0x5], $0x800, $0x38;
	[tilespmem:$0x1F280] =	vst v63  }
0x16e: {  	s9 =	sld [smem:$0x7F5]  }
0x16f: {  	[spmem:s8] =	stream.linear.scatter [tilespmem:s21], [sflag:$0x5], $0x800, $0x38;
	[tilespmem:$0x1F280] =	vst v63  }
0x170: {  	_ = 	snop  }
0x171: {  	[spmem:s9] =	stream.linear.scatter [tilespmem:s21], [sflag:$0x5], $0x800, $0x38;
	[tilespmem:$0x1F280] =	vst v63  }
0x172: {  	_ =	swait.ge [sflag:s22], $0x800  }
0x173: {  	[sflag:s22] =	ssyncset.done $0x0  }
0x174: {  	[sflag:s22] =	ssyncadd.s32 $0xFFFFF800  }
0x175: {  	_ =	swait.ge [sflag:s22], $0x800  }
0x176: {  	[sflag:s22] =	ssyncset.done $0x0  }
0x177: {  	[sflag:s22] =	ssyncadd.s32 $0xFFFFF800  }
0x178: {  	_ =	swait.ge [sflag:s22], $0x800  }
0x179: {  	[sflag:s22] =	ssyncset.done $0x0  }
0x17a: {  	[sflag:s22] =	ssyncadd.s32 $0xFFFFF800  }
0x17b: {  	_ =	swait.ge [sflag:s22], $0x800  }
0x17c: {  	[sflag:s22] =	ssyncset.done $0x0  }
0x17d: {  	[sflag:s22] =	ssyncadd.s32 $0xFFFFF800  }
0x17e: {  	_ =	swait.ge [sflag:s22], $0x800  }
0x17f: {  	[sflag:s22] =	ssyncset.done $0x0  }
0x180: {  	[sflag:s22] =	ssyncadd.s32 $0xFFFFF800  }
0x181: {  	_ =	swait.ge [sflag:s22], $0x800  }
0x182: {  	[sflag:s22] =	ssyncset.done $0x0  }
0x183: {  	[sflag:s22] =	ssyncadd.s32 $0xFFFFF800  }
0x184: {  	_ =	swait.ge [sflag:s22], $0x800  }
0x185: {  	[sflag:s22] =	ssyncset.done $0x0  }
0x186: {  	[sflag:s22] =	ssyncadd.s32 $0xFFFFF800  }
0x187: {  	_ =	swait.ge [sflag:s22], $0x800  }
0x188: {  	[sflag:s22] =	ssyncset.done $0x0  }
0x189: {  	[sflag:s22] =	ssyncadd.s32 $0xFFFFF800  }
0x18a: {  	_ =	swait.ge [sflag:s22], $0x800  }
0x18b: {  	[sflag:s22] =	ssyncset.done $0x0  }
0x18c: {  	[sflag:s22] =	ssyncadd.s32 $0xFFFFF800  }
0x18d: {  	_ =	swait.ge [sflag:s22], $0x800  }
0x18e: {  	[sflag:s22] =	ssyncset.done $0x0  }
0x18f: {  	[sflag:s22] =	ssyncadd.s32 $0xFFFFF800  }
0x190: {  	_ =	swait.ge [sflag:s22], $0x800  }
0x191: {  	[sflag:s22] =	ssyncset.done $0x0  }
0x192: {  	[sflag:s22] =	ssyncadd.s32 $0xFFFFF800  }
0x193: {  	_ =	swait.ge [sflag:s22], $0x800  }
0x194: {  	[sflag:s22] =	ssyncset.done $0x0  }
0x195: {  	[sflag:s22] =	ssyncadd.s32 $0xFFFFF800  }
0x196: {  	_ =	swait.ge [sflag:s22], $0x800  }
0x197: {  	[sflag:s22] =	ssyncset.done $0x0  }
0x198: {  	[sflag:s22] =	ssyncadd.s32 $0xFFFFF800  }
0x199: {  	_ =	swait.ge [sflag:s22], $0x800  }
0x19a: {  	[sflag:s22] =	ssyncset.done $0x0  }
0x19b: {  	[sflag:s22] =	ssyncadd.s32 $0xFFFFF800  }
0x19c: {  	_ =	swait.ge [sflag:s22], $0x800  }
0x19d: {  	s12 =	sld [smem:$0x7F6]  }
0x19e: {  	[sflag:s22] =	ssyncset.done $0x0  }
0x19f: {  	s5 =	sld [smem:$0x7F7];
	[sflag:s22] =	ssyncadd.s32 $0xFFFFF800  }
0x1a0: {  	[spmem:s12] =	stream.linear.scatter [tilespmem:s21], [sflag:$0x5], $0x800, $0x38;
	[tilespmem:$0x1F280] =	vst v63  }
0x1a1: {  	_ = 	snop  }
0x1a2: {  	[spmem:s5] =	stream.linear.scatter [tilespmem:s21], [sflag:$0x5], $0x800, $0x38;
	[tilespmem:$0x1F280] =	vst v63  }
0x1a3: {  	s8 =	sld [smem:$0x7F8]  }
0x1a4: {  	[spmem:s6] =	stream.linear.scatter [tilespmem:s21], [sflag:$0x5], $0x800, $0x38;
	[tilespmem:$0x1F280] =	vst v63  }
0x1a5: {  	s9 =	sld [smem:$0x7F9]  }
0x1a6: {  	[spmem:s8] =	stream.linear.scatter [tilespmem:s21], [sflag:$0x5], $0x800, $0x38;
	[tilespmem:$0x1F280] =	vst v63  }
0x1a7: {  	s5 =	sld [smem:$0x7FA]  }
0x1a8: {  	[spmem:s9] =	stream.linear.scatter [tilespmem:s21], [sflag:$0x5], $0x800, $0x38;
	[tilespmem:$0x1F280] =	vst v63  }
0x1a9: {  	_ = 	snop  }
0x1aa: {  	[spmem:s5] =	stream.linear.scatter [tilespmem:s21], [sflag:$0x5], $0x800, $0x38;
	[tilespmem:$0x1F280] =	vst v63  }
0x1ab: {  	s12 =	smov.u32 s6;
	s6 =	sld [smem:$0x7FB]  }
0x1ac: {  	[spmem:s7] =	stream.linear.scatter [tilespmem:s21], [sflag:$0x5], $0x800, $0x38;
	[tilespmem:$0x1F280] =	vst v63  }
0x1ad: {  	s30 =	smov.u32 s7;
	s7 =	sld [smem:$0x7FC]  }
0x1ae: {  	[spmem:s6] =	stream.linear.scatter [tilespmem:s21], [sflag:$0x5], $0x800, $0x38;
	[tilespmem:$0x1F280] =	vst v63  }
0x1af: {  	s8 =	sld [smem:$0x7FD]  }
0x1b0: {  	[spmem:s7] =	stream.linear.scatter [tilespmem:s21], [sflag:$0x5], $0x800, $0x38;
	[tilespmem:$0x1F280] =	vst v63  }
0x1b1: {  	s9 =	sld [smem:$0x7D5]  }
0x1b2: {  	[spmem:s8] =	stream.linear.scatter [tilespmem:s21], [sflag:$0x5], $0x800, $0x38;
	[tilespmem:$0x1F280] =	vst v63  }
0x1b3: {  	s5 =	sld [smem:$0x7D6]  }
0x1b4: {  	[spmem:s9] =	stream.linear.scatter [tilespmem:s21], [sflag:$0x5], $0x800, $0x38;
	[tilespmem:$0x1F280] =	vst v63  }
0x1b5: {  	s6 =	sld [smem:$0x7D7]  }
0x1b6: {  	[spmem:s5] =	stream.linear.scatter [tilespmem:s21], [sflag:$0x5], $0x800, $0x38;
	[tilespmem:$0x1F280] =	vst v63  }
0x1b7: {  	s7 =	sld [smem:$0x7D8]  }
0x1b8: {  	[spmem:s6] =	stream.linear.scatter [tilespmem:s21], [sflag:$0x5], $0x800, $0x38;
	[tilespmem:$0x1F280] =	vst v63  }
0x1b9: {  	s8 =	sld [smem:$0x7D9]  }
0x1ba: {  	[spmem:s7] =	stream.linear.scatter [tilespmem:s21], [sflag:$0x5], $0x800, $0x38;
	[tilespmem:$0x1F280] =	vst v63  }
0x1bb: {  	_ = 	snop  }
0x1bc: {  	[spmem:s8] =	stream.linear.scatter [tilespmem:s21], [sflag:$0x5], $0x800, $0x38;
	[tilespmem:$0x1F280] =	vst v63  }
0x1bd: {  	_ =	swait.ge [sflag:s22], $0x800  }
0x1be: {  	[sflag:s22] =	ssyncset.done $0x0  }
0x1bf: {  	[sflag:s22] =	ssyncadd.s32 $0xFFFFF800  }
0x1c0: {  	_ =	swait.ge [sflag:s22], $0x800  }
0x1c1: {  	[sflag:s22] =	ssyncset.done $0x0  }
0x1c2: {  	[sflag:s22] =	ssyncadd.s32 $0xFFFFF800  }
0x1c3: {  	_ =	swait.ge [sflag:s22], $0x800  }
0x1c4: {  	[sflag:s22] =	ssyncset.done $0x0  }
0x1c5: {  	[sflag:s22] =	ssyncadd.s32 $0xFFFFF800  }
0x1c6: {  	_ =	swait.ge [sflag:s22], $0x800  }
0x1c7: {  	[sflag:s22] =	ssyncset.done $0x0  }
0x1c8: {  	[sflag:s22] =	ssyncadd.s32 $0xFFFFF800  }
0x1c9: {  	_ =	swait.ge [sflag:s22], $0x800  }
0x1ca: {  	[sflag:s22] =	ssyncset.done $0x0  }
0x1cb: {  	[sflag:s22] =	ssyncadd.s32 $0xFFFFF800  }
0x1cc: {  	_ =	swait.ge [sflag:s22], $0x800  }
0x1cd: {  	[sflag:s22] =	ssyncset.done $0x0  }
0x1ce: {  	[sflag:s22] =	ssyncadd.s32 $0xFFFFF800  }
0x1cf: {  	_ =	swait.ge [sflag:s22], $0x800  }
0x1d0: {  	[sflag:s22] =	ssyncset.done $0x0  }
0x1d1: {  	[sflag:s22] =	ssyncadd.s32 $0xFFFFF800  }
0x1d2: {  	_ =	swait.ge [sflag:s22], $0x800  }
0x1d3: {  	[sflag:s22] =	ssyncset.done $0x0  }
0x1d4: {  	[sflag:s22] =	ssyncadd.s32 $0xFFFFF800  }
0x1d5: {  	_ =	swait.ge [sflag:s22], $0x800  }
0x1d6: {  	[sflag:s22] =	ssyncset.done $0x0  }
0x1d7: {  	[sflag:s22] =	ssyncadd.s32 $0xFFFFF800  }
0x1d8: {  	_ =	swait.ge [sflag:s22], $0x800  }
0x1d9: {  	[sflag:s22] =	ssyncset.done $0x0  }
0x1da: {  	[sflag:s22] =	ssyncadd.s32 $0xFFFFF800  }
0x1db: {  	_ =	swait.ge [sflag:s22], $0x800  }
0x1dc: {  	[sflag:s22] =	ssyncset.done $0x0  }
0x1dd: {  	[sflag:s22] =	ssyncadd.s32 $0xFFFFF800  }
0x1de: {  	_ =	swait.ge [sflag:s22], $0x800  }
0x1df: {  	[sflag:s22] =	ssyncset.done $0x0  }
0x1e0: {  	[sflag:s22] =	ssyncadd.s32 $0xFFFFF800  }
0x1e1: {  	_ =	swait.ge [sflag:s22], $0x800  }
0x1e2: {  	[sflag:s22] =	ssyncset.done $0x0  }
0x1e3: {  	[sflag:s22] =	ssyncadd.s32 $0xFFFFF800  }
0x1e4: {  	_ =	swait.ge [sflag:s22], $0x800  }
0x1e5: {  	[sflag:s22] =	ssyncset.done $0x0  }
0x1e6: {  	[sflag:s22] =	ssyncadd.s32 $0xFFFFF800  }
0x1e7: {  	_ =	swait.ge [sflag:s22], $0x800  }
0x1e8: {  	[sflag:s22] =	ssyncset.done $0x0  }
0x1e9: {  	[sflag:s22] =	ssyncadd.s32 $0xFFFFF800  }
0x1ea: {  	[bflag:$0x0] =	sbarrier.arrive $0xFFFF  }
0x1eb: {  	s5 =	sld [smem:$0x7DA]  }
0x1ec: {  	s9 =	rddreg [dreg:$0x14]  }
0x1ed: {  	s4 =	simm.s32 $0x0;
	s6 =	rddreg [dreg:$0x15]  }
0x1ee: {  	[tilespmem:s4], [sflag:$0x1] =	stream.linear.gather [hbm4b:s5+s4], $0x40, $0x38;
	[tilespmem:$0x1F280] =	vst v63  }
0x1ef: {  	s7 =	sld [smem:$0x7DB]  }
0x1f0: {  	[tilespmem:s17], [sflag:$0x3] =	stream.linear.gather [hbm4b:s9+s4], $0x2000, $0x38;
	[tilespmem:$0x1F280] =	vst v63  }
0x1f1: {  	s8 =	rddreg [dreg:$0x16]  }
0x1f2: {  	[tilespmem:s13], [sflag:$0x3] =	stream.linear.gather [hbm4b:s6+s4], $0x2000, $0x38;
	[tilespmem:$0x1F280] =	vst v63  }
0x1f3: {  	s5 =	sld [smem:$0x7DF]  }
0x1f4: {  	[tilespmem:s18], [sflag:$0x2] =	stream.linear.gather [hbm4b:s7+s4], $0x40, $0x38;
	[tilespmem:$0x1F280] =	vst v63  }
0x1f5: {  	s9 =	rddreg [dreg:$0x17]  }
0x1f6: {  	[tilespmem:s14], [sflag:$0x4] =	stream.linear.gather [hbm4b:s8+s4], $0x2000, $0x38;
	[tilespmem:$0x1F280] =	vst v63  }
0x1f7: {  	s6 =	sld [smem:$0x7DE]  }
0x1f8: {  	[tilespmem:s15], [sflag:$0x4] =	stream.linear.gather [hbm4b:s9+s4], $0x2000, $0x38;
	[tilespmem:$0x1F280] =	vst v63  }
.LBB2_4:
0x1f9: {  	_ =	swait.ge [sflag:s16], $0x40  }
0x1fa: {  	[sflag:s16] =	ssyncset.done $0x0  }
0x1fb: {  	[sflag:s16] =	ssyncadd.s32 $0xFFFFFFC0  }
0x1fc: {  	_ =	swait.ge [sflag:s19], $0x2000  }
0x1fd: {  	[sflag:s19] =	ssyncset.done $0x0  }
0x1fe: {  	[sflag:s19] =	ssyncadd.s32 $0xFFFFE000  }
0x1ff: {  	_ =	swait.ge [sflag:s19], $0x2000  }
0x200: {  	[sflag:s19] =	ssyncset.done $0x0  }
0x201: {  	[sflag:s19] =	ssyncadd.s32 $0xFFFFE000  }
0x202: {  	v1 =	vld [tilespmem:$0x0]  }
0x203: {  	v2 =	vld [tilespmem:$0x10]  }
0x204: {  	v3 =	vld [tilespmem:$0x20]  }
0x205: {  	v4 =	vld [tilespmem:$0x30];
	_ =	sdelay $0x1  }
0x206: {  	v1 =	vshrl.u32 v1, $0x3  }
0x207: {  	[tilespmem:$0x8180] =	vst v1;
	v1 =	vshrl.u32 v2, $0x3  }
0x208: {  	[tilespmem:$0x8190] =	vst v1;
	v1 =	vshrl.u32 v3, $0x3  }
0x209: {  	[tilespmem:$0x81A0] =	vst v1;
	v1 =	vshrl.u32 v4, $0x3  }
0x20a: {  	[tilespmem:$0x81B0] =	vst v1  }
0x20b: {  	[spmem:s23] =	stream.indirect.scatter.add.f32 [tilespmem:s17], [sflag:$0x6], $0x80, s1, s20, $0xb8;
	[tilespmem:$0x1F280] =	vst v63  }
0x20c: {  	_ =	swait.ge [sflag:s31], $0x2000  }
0x20d: {  	[sflag:s31] =	ssyncset.done $0x0  }
0x20e: {  	[sflag:s31] =	ssyncadd.s32 $0xFFFFE000  }
0x20f: {  	[spmem:s28] =	stream.indirect.scatter.add.f32 [tilespmem:s13], [sflag:$0x6], $0x80, s24, s20, $0xb8;
	[tilespmem:$0x1F280] =	vst v63  }
0x210: {  	p0 =	seq.s32 s4, $0x26800;
	_ =	swait.ge [sflag:s31], $0x2000  }
0x211: {  	s7 =	sshrl.u32 @!p0 s5, $0x3;
	[sflag:s31] =	ssyncset.done $0x0  }
0x212: {  	s8 =	simm.s32 @!p0 $0x0;
	s7 =	sadd.s32 @!p0 s29, s7;
	[sflag:s31] =	ssyncadd.s32 $0xFFFFE000  }
0x213: {  	[tilespmem:s8], [sflag:$0x1] =	stream.linear.gather @!p0 [hbm4b:s7+s8], $0x40, $0x38;
	[tilespmem:$0x1F280] =	vst v63  }
0x214: {  	s7 =	sadd.s32 @!p0 s4, s25  }
0x215: {  	s9 =	simm.s32 @!p0 $0x80;
	s7 =	sadd.s32 @!p0 $0x800, s7  }
0x216: {  	[tilespmem:s9], [sflag:$0x3] =	stream.linear.gather @!p0 [hbm4b:s7+s8], $0x2000, $0x38;
	[tilespmem:$0x1F280] =	vst v63  }
0x217: {  	s7 =	sadd.s32 @!p0 s4, s26  }
0x218: {  	s9 =	simm.s32 @!p0 $0x2080;
	s7 =	sadd.s32 @!p0 $0x800, s7  }
0x219: {  	[tilespmem:s9], [sflag:$0x3] =	stream.linear.gather @!p0 [hbm4b:s7+s8], $0x2000, $0x38;
	[tilespmem:$0x1F280] =	vst v63  }
0x21a: {  	_ =	swait.ge [sflag:s0], $0x40  }
0x21b: {  	[sflag:s0] =	ssyncset.done $0x0  }
0x21c: {  	[sflag:s0] =	ssyncadd.s32 $0xFFFFFFC0  }
0x21d: {  	_ =	swait.ge [sflag:s2], $0x2000  }
0x21e: {  	[sflag:s2] =	ssyncset.done $0x0  }
0x21f: {  	[sflag:s2] =	ssyncadd.s32 $0xFFFFE000  }
0x220: {  	_ =	swait.ge [sflag:s2], $0x2000  }
0x221: {  	[sflag:s2] =	ssyncset.done $0x0  }
0x222: {  	[sflag:s2] =	ssyncadd.s32 $0xFFFFE000  }
0x223: {  	v1 =	vld [tilespmem:$0x4080]  }
0x224: {  	v2 =	vld [tilespmem:$0x4090]  }
0x225: {  	v3 =	vld [tilespmem:$0x40A0]  }
0x226: {  	v63 =	vld [tilespmem:$0x40B0];
	_ =	sdelay $0x1  }
0x227: {  	v1 =	vshrl.u32 v1, $0x3  }
0x228: {  	[tilespmem:$0x8180] =	vst v1;
	v1 =	vshrl.u32 v2, $0x3  }
0x229: {  	[tilespmem:$0x8190] =	vst v1;
	v1 =	vshrl.u32 v3, $0x3  }
0x22a: {  	[tilespmem:$0x81A0] =	vst v1;
	v1 =	vshrl.u32 v63, $0x3  }
0x22b: {  	[tilespmem:$0x81B0] =	vst v1  }
0x22c: {  	[spmem:s23] =	stream.indirect.scatter.add.f32 [tilespmem:s14], [sflag:$0x6], $0x80, s18, s20, $0xb8;
	[tilespmem:$0x1F280] =	vst v63  }
0x22d: {  	_ =	swait.ge [sflag:s31], $0x2000  }
0x22e: {  	[sflag:s31] =	ssyncset.done $0x0  }
.Ltmp3:
0x22f: {  	[sflag:s31] =	ssyncadd.s32 $0xFFFFE000;
	(pc) =	sbr.rel @p0 .LBB2_6-.Ltmp3, $4  }
0x230: {  	[spmem:s28] =	stream.indirect.scatter.add.f32 [tilespmem:s15], [sflag:$0x6], $0x80, s24, s20, $0xb8;
	[tilespmem:$0x1F280] =	vst v63  }
0x231: {  	_ =	swait.ge [sflag:s31], $0x2000  }
0x232: {  	[sflag:s31] =	ssyncset.done $0x0  }
0x233: {  	[sflag:s31] =	ssyncadd.s32 $0xFFFFE000  }
0x234: {  	[tilespmem:s18], [sflag:$0x2] =	stream.linear.gather [hbm4b:s6+s1], $0x40, $0x38;
	[tilespmem:$0x1F280] =	vst v63  }
.Ltmp4:
0x235: {  	s7 =	sadd.s32 s4, s25;
	(pc) =	sbr.rel .LBB2_4-.Ltmp4, $4  }
0x236: {  	s9 =	sadd.s32 s4, s26;
	s4 =	sadd.s32 $0x800, s4;
	s7 =	sadd.s32 $0xC00, s7  }
0x237: {  	[tilespmem:s14], [sflag:$0x4] =	stream.linear.gather [hbm4b:s7+s1], $0x2000, $0x38;
	[tilespmem:$0x1F280] =	vst v63  }
0x238: {  	s6 =	sadd.s32 $0x10, s6;
	s5 =	sadd.s32 $0x80, s5;
	s7 =	sadd.s32 $0xC00, s9  }
0x239: {  	[tilespmem:s15], [sflag:$0x4] =	stream.linear.gather [hbm4b:s7+s1], $0x2000, $0x38;
	[tilespmem:$0x1F280] =	vst v63  }
.LBB2_7:
0x23a: {  	_ =	sfence.sel $0x180000  }
0x23b: {  	[bflag:$0x0] =	sbarrier.arrive $0xFFFF  }
0x23c: {  	_ =	strace $0x9000004A  }
0x23d: {  	s0 =	stileid.u32;
	[bflag:$0x2] =	sbarrier.arrive $0xFFFF  }
0x23e: {  	p0 =	sne.s32 s0, $0x0;
	s0 =	rddreg [dreg:$0x4]  }
0x23f: {  	s0 =	sadd.s32 @!p0 $0x100000, s0  }
0x240: {  	[sflag:s0] =	ssyncadd.tile.s32 @!p0 $0x1;
	_ =	shalt  }
.Lfunc_end2:
_tile_overlayer_lowered:
.L_overlay_start_2:
0x241: {  	(tag) =	ssettag $0x2  }
0x242: {  	s0 =	rddreg [dreg:$0x0];
	s2 =	stileid.u32  }
0x243: {  	s1 =	rddreg [dreg:$0x1];
	p0 =	sne.s32 s2, $0x0  }
0x244: {  	s3 =	rddreg [dreg:$0x2];
	[bflag:$0x3] =	sbarrier.arrive $0xFFFF;
	s2 =	simm.s32 @!p0 $0x1C06  }
0x245: {  	[timem:s3], [sflag:s2] =	dma.local @!p0 [hbm:s0], s1  }
0x246: {  	s0 =	simm.s32 @!p0 $0x6  }
0x247: {  	_ =	swait.ge @!p0 [sflag:s0], s1  }
0x248: {  	s1 =	ssub.s32 @!p0 $0x0, s1;
	[sflag:s0] =	ssyncset.done @!p0 $0x0  }
0x249: {  	[sflag:s0] =	ssyncadd.s32 @!p0 s1  }
0x24a: {  	[bflag:$0x3] =	sbarrier.arrive $0xFFFF  }
0x24b: {  	_ =	shalt  }

// kernel: kernel.7.cloned.1.call-start
scs
__scs_entry_jumppad:
0x0: {  	(pc) =	sbr.rel $0x88, $3  }
0x1: {  	(tag) =	ssettag $0x0;
	lr =	simm.s32 $0x1  }
0x2: {  	[smem:$0x3F9E] =	sst lr;
	_ =	strace $0xD0000000  }
0x3: {  	_ = 	snop  }
0x4: {  	_ = 	snop  }
0x5: {  	_ = 	snop  }
0x6: {  	_ = 	snop  }
0x7: {  	_ = 	snop  }
__scs_overlays_trampoline_lowered:
0x8: {  	[smem:$0x3FAD] =	sst s0  }
0x9: {  	[smem:$0x3FAE] =	sst s1  }
0xa: {  	[smem:$0x3FAF] =	sst s2  }
0xb: {  	[smem:$0x3FB0] =	sst s3  }
0xc: {  	[smem:$0x3FB1] =	sst s4  }
0xd: {  	[smem:$0x3FB2] =	sst s5  }
0xe: {  	[smem:$0x3FB3] =	sst s6  }
0xf: {  	[smem:$0x3FB4] =	sst s7  }
0x10: {  	[smem:$0x3FB5] =	sst s8  }
0x11: {  	[smem:$0x3FB6] =	sst s9;
	s0 =	simm.s32 @!p0 $0x0  }
0x12: {  	s1 =	sld [smem:$0x3F9C];
	s0 =	simm.s32 @p0 $0x1  }
0x13: {  	[smem:$0x3FB7] =	sst s0;
	s0 =	simm.s32 @!p1 $0x0  }
0x14: {  	s2 =	sld [smem:$0x3F9B];
	s0 =	simm.s32 @p1 $0x1  }
0x15: {  	[smem:$0x3FB8] =	sst s0;
	s0 =	simm.s32 @!p2 $0x0  }
0x16: {  	s3 =	sld [smem:$0x3FDB];
	s0 =	simm.s32 @p2 $0x1  }
0x17: {  	s4 =	simm.s32 $0x1BF5;
	[smem:$0x3FBA] =	sst s0  }
0x18: {  	s0 =	sld [smem:$0x3F9D];
	_ =	swait.ge [sflag:s4], $0x0  }
0x19: {  	s7 =	sld [smem:$0x3F9E]  }
0x1a: {  	s8 =	sadd.s32 $0xFFFFE003, lr  }
0x1b: {  	s9 =	sadd.s32 $0xFFFFFEF7, lr;
	s5 =	simm.s32 $0xFFFFFFFF;
	p2 =	slt.u32 s8, $0xFFFFF086  }
0x1c: {  	p1 =	slt.u32 s9, $0xF7A;
	s5 =	simm.s32 @!p2 $0x0  }
0x1d: {  	s5 =	simm.s32 @p1 $0x1;
	p0 =	seq.s32 s7, s2  }
0x1e: {  	s7 =	smul.u32 @!p0 $0xF7A, s2;
	p2 =	seq.s32 @!p0 s5, $0x0  }
0x1f: {  	s9 =	smul.u32 $0xF7A, s1;
	s8 =	simm.s32 @!p0 $0x1BF5;
	p2 =	por !p2, p0  }
0x20: {  	[sflag:s8] =	ssyncset.s32 @!p0 $0xFFFFF086;
	s6 =	sadd.s32 @!p0 s3, s7;
	s7 =	simm.s32 @!p0 $0x108  }
0x21: {  	s3 =	sadd.s32 s3, s9;
	s6 =	sadd.s32 @!p0 $0x88, s6;
	s7 =	simm.s32 @p2 $0x1082  }
0x22: {  	[simem:s7], [sflag:s8] =	dma.local @!p0 [hbm:s6], $0xF7A  }
0x23: {  	s9 =	sor.u32 $0xD0000000, s2;
	s6 =	simm.s32 $0x108;
	_ =	swait.ge @!p0 [sflag:s8], $0x0  }
0x24: {  	s3 =	sadd.s32 $0x88, s3;
	s6 =	simm.s32 @!p1 $0x1082;
	[sflag:s4] =	ssyncset.s32 $0xFFFFF086  }
0x25: {  	[simem:s6], [sflag:s4] =	dma.local [hbm:s3], $0xF7A  }
0x26: {  	[smem:$0x3F9E] =	sst s1;
	(tag) =	ssettag s2;
	_ =	strace s9  }
0x27: {  	s1 =	sld [smem:$0x3FAE]  }
0x28: {  	s2 =	sld [smem:$0x3FAF]  }
0x29: {  	s4 =	sld [smem:$0x3FB1]  }
0x2a: {  	p0 =	seq.s32 s5, $0x0;
	s5 =	sld [smem:$0x3FB2]  }
0x2b: {  	s6 =	sld [smem:$0x3FB3]  }
0x2c: {  	s7 =	sld [smem:$0x3FB4]  }
0x2d: {  	s3 =	simm.s32 $0x108;
	s8 =	sld [smem:$0x3FB5]  }
0x2e: {  	s3 =	simm.s32 @!p0 $0x1082;
	s9 =	sld [smem:$0x3FB6]  }
0x2f: {  	lr =	sadd.s32 s0, s3;
	s0 =	sld [smem:$0x3FAD]  }
0x30: {  	s3 =	sld [smem:$0x3FB0]  }
0x31: {  	[smem:$0x3FB9] =	sst s10  }
0x32: {  	s10 =	sld [smem:$0x3FB7];
	_ =	sdelay $0x3  }
0x33: {  	p0 =	seq.s32 s10, $0x1;
	s10 =	sld [smem:$0x3FB9];
	_ =	sdelay $0x3  }
0x34: {  	[smem:$0x3FB9] =	sst s10  }
0x35: {  	s10 =	sld [smem:$0x3FB8];
	_ =	sdelay $0x3  }
0x36: {  	p1 =	seq.s32 s10, $0x1;
	s10 =	sld [smem:$0x3FB9];
	_ =	sdelay $0x3  }
0x37: {  	[smem:$0x3FB9] =	sst s10  }
0x38: {  	s10 =	sld [smem:$0x3FBA]  }
0x39: {  	_ = 	snop;
	(pc) =	sbr.ind lr, $3  }
0x3a: {  	_ = 	snop  }
0x3b: {  	_ = 	snop  }
0x3c: {  	p2 =	seq.s32 s10, $0x1;
	s10 =	sld [smem:$0x3FB9]  }
0x3d: {  	_ =	shalt  }
0x3e: {  	_ =	shalt  }
0x3f: {  	_ =	shalt  }
0x40: {  	_ =	shalt  }
0x41: {  	_ =	shalt  }
0x42: {  	_ =	shalt  }
0x43: {  	_ =	shalt  }
0x44: {  	_ =	shalt  }
0x45: {  	_ =	shalt  }
0x46: {  	_ =	shalt  }
0x47: {  	_ =	shalt  }
0x48: {  	_ =	shalt  }
0x49: {  	_ =	shalt  }
0x4a: {  	_ =	shalt  }
0x4b: {  	_ =	shalt  }
0x4c: {  	_ =	shalt  }
0x4d: {  	_ =	shalt  }
0x4e: {  	_ =	shalt  }
0x4f: {  	_ =	shalt  }
0x50: {  	_ =	shalt  }
0x51: {  	_ =	shalt  }
0x52: {  	_ =	shalt  }
0x53: {  	_ =	shalt  }
0x54: {  	_ =	shalt  }
0x55: {  	_ =	shalt  }
0x56: {  	_ =	shalt  }
0x57: {  	_ =	shalt  }
0x58: {  	_ =	shalt  }
0x59: {  	_ =	shalt  }
0x5a: {  	_ =	shalt  }
0x5b: {  	_ =	shalt  }
0x5c: {  	_ =	shalt  }
0x5d: {  	_ =	shalt  }
0x5e: {  	_ =	shalt  }
0x5f: {  	_ =	shalt  }
0x60: {  	_ =	shalt  }
0x61: {  	_ =	shalt  }
0x62: {  	_ =	shalt  }
0x63: {  	_ =	shalt  }
0x64: {  	_ =	shalt  }
0x65: {  	_ =	shalt  }
0x66: {  	_ =	shalt  }
0x67: {  	_ =	shalt  }
0x68: {  	_ =	shalt  }
0x69: {  	_ =	shalt  }
0x6a: {  	_ =	shalt  }
0x6b: {  	_ =	shalt  }
0x6c: {  	_ =	shalt  }
0x6d: {  	_ =	shalt  }
0x6e: {  	_ =	shalt  }
0x6f: {  	_ =	shalt  }
0x70: {  	_ =	shalt  }
0x71: {  	_ =	shalt  }
0x72: {  	_ =	shalt  }
0x73: {  	_ =	shalt  }
0x74: {  	_ =	shalt  }
0x75: {  	_ =	shalt  }
0x76: {  	_ =	shalt  }
0x77: {  	_ =	shalt  }
0x78: {  	_ =	shalt  }
0x79: {  	_ =	shalt  }
0x7a: {  	_ =	shalt  }
0x7b: {  	_ =	shalt  }
0x7c: {  	_ =	shalt  }
0x7d: {  	_ =	shalt  }
0x7e: {  	_ =	shalt  }
0x7f: {  	_ =	shalt  }
0x80: {  	_ =	shalt  }
0x81: {  	_ =	shalt  }
0x82: {  	_ =	shalt  }
0x83: {  	_ =	shalt  }
0x84: {  	_ =	shalt  }
0x85: {  	_ =	shalt  }
0x86: {  	_ =	shalt  }
0x87: {  	_ =	shalt  }
.Lfunc_end0:
.L_simem_size_0:
called_computation_lowered:
.L_overlay_start_0:
0x88: {  	s2 =	sld [smem:$0x3FD9]  }
0x89: {  	s3 =	sld [smem:$0x3FFE];
	_ =	sdelay $0x1  }
0x8a: {  	s1 =	srdreg.scid  }
0x8b: {  	s0 =	sand.u32 $0x1, s1  }
0x8c: {  	s17 =	sshll.u32 s0, $0xA;
	s2 =	sadd.s32 s3, s2  }
0x8d: {  	s2 =	sadd.s32 s2, s17  }
0x8e: {  	[smem:$0x3FC5] =	sst s2  }
0x8f: {  	_ = 	snop  }
0x90: {  	s2 =	sld [smem:$0x3FD0];
	(tm) =	ssettm $0x1  }
0x91: {  	s18 =	sld [smem:$0x3FFB];
	_ =	sdelay $0x3  }
0x92: {  	_ =	strace s18  }
0x93: {  	s3 =	sld [smem:$0x3FFC];
	_ =	sdelay $0x3  }
0x94: {  	_ =	strace s3  }
0x95: {  	s3 =	sld [smem:$0x3FFD];
	_ =	sdelay $0x3  }
0x96: {  	_ =	strace s3  }
0x97: {  	_ =	strace $0x8FFFFFFF  }
0x98: {  	s19 =	sld [smem:$0x3FDB];
	_ =	sdelay $0x1  }
0x99: {  	s4 =	simm.s32 $_scs_section_size  }
0x9a: {  	s5 =	simm.s32 $_size__tile_overlayer_lowered;
	s6 =	simm.s32 $_tile_overlayer_lowered  }
0x9b: {  	s22 =	simm.s32 $0x1BFF;
	s21 =	sshll.u32 s6, $0x1;
	s3 =	sadd.s32 s4, s19  }
0x9c: {  	s7 =	simm.s32 $0x0;
	s20 =	sshll.u32 s5, $0x1;
	s5 =	sadd.s32 s21, s3  }
0x9d: {  	[timem:s7], [sflag:s22] =	dma.local [hbm:s5], s20  }
0x9e: {  	_ =	swait.ge [sflag:s22], s20  }
0x9f: {  	s4 =	ssub.s32 $0x0, s20;
	[sflag:s22] =	ssyncset.done $0x0  }
0xa0: {  	[sflag:s22] =	ssyncadd.s32 s4;
	_ =	sdelay $0x1  }
0xa1: {  	s23 =	simm.s32 $0x1B8B  }
0xa2: {  	_ =	swait.ge [sflag:s23], $0x1  }
0xa3: {  	[sflag:s23] =	ssyncset.done $0x0  }
0xa4: {  	s25 =	simm.s32 $0x1B8E;
	s24 =	sld [smem:$0x3FFE];
	[sflag:s23] =	ssyncadd.s32 $0xFFFFFFFF  }
0xa5: {  	s26 =	simm.s32 $execute0_lowered;
	[smem:$0x3FD2] =	sst s25  }
0xa6: {  	s5 =	sshll.u32 s26, $0x1;
	_ =	strace $0x80000046;
	[dreg:$0x1] =	wrdreg $0xFFFFFFFF  }
0xa7: {  	s28 =	simm.s32 $_size_execute0_lowered;
	s3 =	sadd.s32 s3, s5;
	[dreg:$0x0] =	wrdreg $0x0  }
0xa8: {  	s5 =	sshll.u32 s28, $0x1;
	[dreg:$0x2] =	wrdreg s3  }
0xa9: {  	[dreg:$0x3] =	wrdreg s5  }
0xaa: {  	[dreg:$0x4] =	wrdreg $0xC0  }
0xab: {  	_ =	task [dreg:s7], $0x5FFFF  }
0xac: {  	[dreg:$0x1] =	wrdreg $0xFFFFFFFF  }
0xad: {  	[dreg:$0x0] =	wrdreg $0x60  }
0xae: {  	[dreg:$0x2] =	wrdreg s2  }
0xaf: {  	[dreg:$0x3] =	wrdreg s24  }
0xb0: {  	[dreg:$0x4] =	wrdreg $0x9  }
0xb1: {  	_ =	task.clear_ibuf [dreg:s7], $0x5FFFF;
	_ =	strace $0x90000046  }
0xb2: {  	s29 =	simm.s32 $0x9;
	_ =	strace $0x80000048  }
0xb3: {  	_ =	swait.ge [sflag:s29], $0x1  }
0xb4: {  	[sflag:s29] =	ssyncadd.s32 $0xFFFFFFFF  }
0xb5: {  	_ =	strace $0x90000048  }
0xb6: {  	_ =	sfence  }
0xb7: {  	s30 =	sld [smem:$0x0];
	_ =	sdelay $0x2  }
0xb8: {  	s31 =	sshll.u32 s1, $0xD;
	s1 =	sshrl.u32 s1, $0x2  }
0xb9: {  	s3 =	sand.u32 $0x4000, s31;
	s1 =	sadd.s32 s1, s30  }
0xba: {  	s0 =	sor.u32 s3, s0;
	s1 =	sshll.u32 s1, $0x11  }
0xbb: {  	s0 =	sor.u32 s1, s0  }
0xbc: {  	s0 =	sadd.s32 $0x8F2B, s0  }
0xbd: {  	[sflag:s0] =	ssyncadd.remote.s32 $0x1  }
0xbe: {  	_ =	sfence.sel $0xFFFF  }
0xbf: {  	[dreg:$0x0] =	wrdreg $0xFFFFFFFF;
	(pc) =	sbr.abs _section_cstart, $3  }
0xc0: {  	[dreg:$0x1] =	wrdreg $0xFFFFFFFF  }
0xc1: {  	_ =	task.clear_ibuf [dreg:s7], $0x2FFFF;
	_ =	strace $0x9FFFFFFF  }
0xc2: {  	(tm) =	ssettm $0x7FFFFFFF  }
0xc3: {  	_ =	shalt  }
tec
execute0_lowered:
.L_overlay_start_1:
0x0: {  	(tag) =	ssettag $0x1  }
0x1: {  	s0 =	rddreg [dreg:$0x1];
	s2 =	srdreg.scid  }
0x2: {  	s3 =	simm.s32 $0x0;
	s11 =	stileid.u32;
	s30 =	simm.s32 $0x300  }
0x3: {  	s28 =	simm.s32 $0x1;
	s29 =	simm.s32 $0x50;
	s2 =	sand.u32 $0x1, s2  }
0x4: {  	[smem:$0x7FF] =	sst s3;
	s10 =	sadd.s32 $0xB400, s0;
	s17 =	smul.u32 $0x2710, s11  }
0x5: {  	s12 =	sadd.s32 $0x1600, s0;
	s7 =	sadd.s32 $0x3C400, s0;
	s21 =	smul.u32 $0x27100, s11  }
0x6: {  	s4 =	sshll.u32 s2, $0x4;
	_ =	strace $0x80000047;
	[dreg:$0x3] =	wrdreg s10  }
0x7: {  	s8 =	ssub.s32 $0x2, s2;
	s16 =	smul.u32 $0x27100, s2;
	[dreg:$0x4] =	wrdreg s12  }
0x8: {  	s2 =	smul.u32 $0x271000, s2;
	s5 =	sor.u32 s11, s4;
	s4 =	sadd.s32 $0x15200, s0  }
0x9: {  	s0 =	sadd.s32 $0x51E400, s0;
	s9 =	sshrl.u32 s8, $0x1;
	s11 =	simm.s32 $0x3  }
0xa: {  	s6 =	smul.u32 $0x2710, s5;
	s8 =	ssub.s32 s8, s9;
	s19 =	sadd.s32 s17, s16  }
0xb: {  	s5 =	smul.u32 $0x138800, s5;
	s16 =	simm.s32 $0x7C00;
	s22 =	sadd.s32 $0xF0, s19  }
0xc: {  	s8 =	smax.u32 s8, $0x1;
	s24 =	sadd.s32 $0x1E0, s19;
	s25 =	sadd.s32 $0x190, s19  }
0xd: {  	s31 =	sadd.s32 $0x140, s19;
	s6 =	sshrl.u32 s6, $0x3;
	s5 =	sshrl.u32 s5, $0x3  }
0xe: {  	[dreg:$0xd] =	wrdreg s8;
	s1 =	sshrl.u32 s22, $0x3;
	s26 =	sshrl.u32 s24, $0x3  }
0xf: {  	s20 =	sshrl.u32 s25, $0x3;
	[dreg:$0x10] =	wrdreg s31;
	s8 =	simm.s32 $0x5  }
0x10: {  	s24 =	simm.s32 $0x7;
	s13 =	sadd.s32 s10, s6;
	[dreg:$0x12] =	wrdreg s1  }
0x11: {  	s14 =	sadd.s32 $0xA, s6;
	s5 =	sadd.s32 $0x26C00, s5;
	[dreg:$0x11] =	wrdreg s26  }
0x12: {  	s1 =	simm.s32 $0x0;
	[dreg:$0x5] =	wrdreg s13;
	s13 =	sadd.s32 s12, s6  }
0x13: {  	s15 =	sadd.s32 s10, s14;
	s9 =	sadd.s32 s12, s14;
	[dreg:$0x6] =	wrdreg s13  }
0x14: {  	s6 =	sadd.s32 $0x14, s6;
	s18 =	sadd.s32 s7, s5;
	[dreg:$0x7] =	wrdreg s15  }
0x15: {  	s5 =	sadd.s32 s0, s5;
	s7 =	sadd.s32 s2, s7;
	[dreg:$0x8] =	wrdreg s9  }
0x16: {  	s0 =	sadd.s32 s2, s0;
	s14 =	simm.s32 $0x6;
	[dreg:$0xb] =	wrdreg s18  }
0x17: {  	s10 =	sadd.s32 s10, s6;
	s6 =	sadd.s32 s12, s6;
	[dreg:$0xc] =	wrdreg s5  }
.Ltmp0:
0x18: {  	s23 =	sadd.s32 s21, s7;
	[dreg:$0x9] =	wrdreg s10;
	(pc) =	sbr.rel .LBB2_1-.Ltmp0, $4  }
0x19: {  	s0 =	sadd.s32 s21, s0;
	s12 =	simm.s32 $0xA400;
	[dreg:$0xa] =	wrdreg s6  }
0x1a: {  	s15 =	simm.s32 $0x4;
	s5 =	simm.s32 $0x9;
	[dreg:$0xe] =	wrdreg s23  }
0x1b: {  	s13 =	simm.s32 $0xA400;
	[dreg:$0xf] =	wrdreg s0;
	s10 =	simm.s32 $0x100  }
0x1c: {  	s0 =	simm.s32 $0x2;
	s6 =	simm.s32 $0x8;
	s23 =	simm.s32 $0x380  }
.LBB2_4:
0x1d: {  	_ =	swait.ge [sflag:s8], $0x2800  }
0x1e: {  	[sflag:s8] =	ssyncset.done $0x0  }
0x1f: {  	[sflag:s8] =	ssyncadd.s32 $0xFFFFD800  }
0x20: {  	_ =	swait.ge [sflag:s8], $0x2800  }
0x21: {  	[sflag:s8] =	ssyncset.done $0x0  }
0x22: {  	s2 =	rddreg [dreg:$0xb];
	[sflag:s8] =	ssyncadd.s32 $0xFFFFD800  }
0x23: {  	[hbm4b:s2+s3] =	stream.linear.scatter [tilespmem:s9], [sflag:$0x9], $0x2800, $0x38;
	[tilespmem:$0x14400] =	vst v63  }
0x24: {  	s12 =	simm.s32 $0xA400;
	s1 =	simm.s32 $0xA;
	s21 =	rddreg [dreg:$0xc]  }
0x25: {  	[hbm4b:s21+s3] =	stream.linear.scatter [tilespmem:s12], [sflag:$0x9], $0x2800, $0x38;
	[tilespmem:$0x14400] =	vst v63  }
0x26: {  	_ =	swait.ge [sflag:s1], $0x2800  }
0x27: {  	[sflag:s1] =	ssyncset.done $0x0  }
0x28: {  	[sflag:s1] =	ssyncadd.s32 $0xFFFFD800  }
0x29: {  	_ =	swait.ge [sflag:s1], $0x2800  }
0x2a: {  	[sflag:s1] =	ssyncset.done $0x0  }
0x2b: {  	s22 =	simm.s32 $0xB;
	[sflag:s1] =	ssyncadd.s32 $0xFFFFD800  }
0x2c: {  	_ =	swait.ge [sflag:s22], $0x2800  }
0x2d: {  	[sflag:s22] =	ssyncset.done $0x0  }
0x2e: {  	[sflag:s22] =	ssyncadd.s32 $0xFFFFD800  }
0x2f: {  	_ =	swait.ge [sflag:s22], $0x2800  }
0x30: {  	[sflag:s22] =	ssyncset.done $0x0  }
0x31: {  	s25 =	simm.s32 $0xC;
	[sflag:s22] =	ssyncadd.s32 $0xFFFFD800  }
0x32: {  	_ =	swait.ge [sflag:s25], $0x2800  }
0x33: {  	[sflag:s25] =	ssyncset.done $0x0  }
0x34: {  	[sflag:s25] =	ssyncadd.s32 $0xFFFFD800  }
0x35: {  	_ =	swait.ge [sflag:s25], $0x2800  }
0x36: {  	[sflag:s25] =	ssyncset.done $0x0  }
0x37: {  	[sflag:s25] =	ssyncadd.s32 $0xFFFFD800  }
0x38: {  	_ =	swait.ge [sflag:s5], $0x2800  }
0x39: {  	[sflag:s5] =	ssyncset.done $0x0  }
0x3a: {  	[sflag:s5] =	ssyncadd.s32 $0xFFFFD800  }
0x3b: {  	_ =	swait.ge [sflag:s5], $0x2800  }
0x3c: {  	s26 =	rddreg [dreg:$0x13]  }
0x3d: {  	s31 =	rddreg [dreg:$0xd];
	s1 =	sadd.s32 $0x1, s26  }
0x3e: {  	p0 =	sne.s32 s1, s31  }
.Ltmp1:
0x3f: {  	_ = 	snop;
	(pc) =	sbr.rel @!p0 .LBB2_5-.Ltmp1, $3  }
0x40: {  	_ =	sdelay $0x1  }
0x41: {  	[sflag:s5] =	ssyncset.done $0x0  }
0x42: {  	s10 =	simm.s32 $0x100;
	s30 =	simm.s32 $0x300;
	[sflag:s5] =	ssyncadd.s32 $0xFFFFD800  }
.LBB2_1:
0x43: {  	[dreg:$0x13] =	wrdreg s1  }
0x44: {  	s2 =	rddreg [dreg:$0x5]  }
0x45: {  	[tilespmem:s3], [sflag:$0x1] =	stream.linear.gather [hbm4b:s2+s3], $0x50, $0x38;
	[tilespmem:$0x14400] =	vst v63  }
0x46: {  	s18 =	rddreg [dreg:$0x6];
	s7 =	simm.s32 $0x200  }
0x47: {  	[tilespmem:s7], [sflag:$0x1] =	stream.linear.gather [hbm4b:s18+s3], $0x50, $0x38;
	[tilespmem:$0x14400] =	vst v63  }
0x48: {  	s19 =	rddreg [dreg:$0x7];
	s9 =	simm.s32 $0x80  }
0x49: {  	[tilespmem:s9], [sflag:$0x2] =	stream.linear.gather [hbm4b:s19+s3], $0x50, $0x38;
	[tilespmem:$0x14400] =	vst v63  }
0x4a: {  	s21 =	rddreg [dreg:$0x8];
	s22 =	simm.s32 $0x280  }
0x4b: {  	[tilespmem:s22], [sflag:$0x2] =	stream.linear.gather [hbm4b:s21+s3], $0x50, $0x38;
	[tilespmem:$0x14400] =	vst v63  }
0x4c: {  	s25 =	rddreg [dreg:$0x9]  }
0x4d: {  	[tilespmem:s10], [sflag:$0x3] =	stream.linear.gather [hbm4b:s25+s3], $0x50, $0x38;
	[tilespmem:$0x14400] =	vst v63  }
0x4e: {  	s26 =	rddreg [dreg:$0xa]  }
0x4f: {  	[tilespmem:s30], [sflag:$0x3] =	stream.linear.gather [hbm4b:s26+s3], $0x50, $0x38;
	[tilespmem:$0x14400] =	vst v63  }
0x50: {  	_ =	swait.ge [sflag:s28], $0x50  }
0x51: {  	[sflag:s28] =	ssyncset.done $0x0  }
0x52: {  	[sflag:s28] =	ssyncadd.s32 $0xFFFFFFB0  }
0x53: {  	_ =	swait.ge [sflag:s28], $0x50  }
0x54: {  	[sflag:s28] =	ssyncset.done $0x0;
	s17 =	rddreg [dreg:$0x10]  }
0x55: {  	s25 =	rddreg [dreg:$0x3];
	[sflag:s28] =	ssyncadd.s32 $0xFFFFFFB0  }
0x56: {  	s9 =	simm.s32 $0x400;
	s31 =	rddreg [dreg:$0x0]  }
0x57: {  	[tilespmem:s9], [sflag:$0x5] =	stream.indirect.gather [hbm4b:s31+s29], $0x80, s3, s29, $0xb8;
	[tilespmem:$0x14400] =	vst v63  }
0x58: {  	s18 =	simm.s32 $0x0;
	s26 =	rddreg [dreg:$0x4]  }
0x59: {  	[tilespmem:s12], [sflag:$0x5] =	stream.indirect.gather [hbm4b:s4+s29], $0x80, s7, s29, $0xb8;
	[tilespmem:$0x14400] =	vst v63  }
.LBB2_2:
0x5a: {  	_ =	swait.ge [sflag:s0], $0x50  }
0x5b: {  	[sflag:s0] =	ssyncset.done $0x0  }
0x5c: {  	[sflag:s0] =	ssyncadd.s32 $0xFFFFFFB0  }
0x5d: {  	_ =	swait.ge [sflag:s0], $0x50  }
0x5e: {  	p0 =	seq.s32 s18, $0x0;
	[sflag:s0] =	ssyncset.done $0x0  }
0x5f: {  	s2 =	simm.s32 @!p0 $0xA;
	[sflag:s0] =	ssyncadd.s32 $0xFFFFFFB0  }
0x60: {  	_ =	swait.ge @!p0 [sflag:s2], $0x2800  }
0x61: {  	[sflag:s2] =	ssyncset.done @!p0 $0x0  }
0x62: {  	[sflag:s2] =	ssyncadd.s32 @!p0 $0xFFFFD800  }
0x63: {  	_ =	swait.ge @!p0 [sflag:s2], $0x2800  }
0x64: {  	[sflag:s2] =	ssyncset.done @!p0 $0x0  }
0x65: {  	[sflag:s2] =	ssyncadd.s32 @!p0 $0xFFFFD800  }
0x66: {  	s21 =	simm.s32 $0x80;
	s12 =	simm.s32 $0x2C00;
	s19 =	rddreg [dreg:$0x0]  }
0x67: {  	[tilespmem:s12], [sflag:$0x6] =	stream.indirect.gather [hbm4b:s19+s29], $0x80, s21, s29, $0xb8;
	[tilespmem:$0x14400] =	vst v63  }
0x68: {  	s22 =	simm.s32 $0x280;
	s31 =	simm.s32 $0xCC00  }
0x69: {  	[tilespmem:s31], [sflag:$0x6] =	stream.indirect.gather [hbm4b:s4+s29], $0x80, s22, s29, $0xb8;
	[tilespmem:$0x14400] =	vst v63  }
0x6a: {  	_ =	swait.ge [sflag:s8], $0x2800  }
0x6b: {  	[sflag:s8] =	ssyncset.done $0x0  }
0x6c: {  	[sflag:s8] =	ssyncadd.s32 $0xFFFFD800  }
0x6d: {  	_ =	swait.ge [sflag:s8], $0x2800  }
0x6e: {  	[sflag:s8] =	ssyncset.done $0x0;
	s1 =	rddreg [dreg:$0xe]  }
0x6f: {  	s7 =	rddreg [dreg:$0xf];
	[sflag:s8] =	ssyncadd.s32 $0xFFFFD800;
	s22 =	sadd.s32 s18, s1  }
0x70: {  	[hbm4b:s22+s3] =	stream.linear.scatter [tilespmem:s9], [sflag:$0x9], $0x2800, $0x38;
	[tilespmem:$0x14400] =	vst v63  }
0x71: {  	s2 =	sadd.s32 s18, s7;
	s1 =	rddreg [dreg:$0x12]  }
0x72: {  	[hbm4b:s2+s3] =	stream.linear.scatter [tilespmem:s13], [sflag:$0x9], $0x2800, $0x38;
	[tilespmem:$0x14400] =	vst v63  }
0x73: {  	s21 =	simm.s32 $0x180;
	s7 =	sadd.s32 s25, s1  }
0x74: {  	[tilespmem:s21], [sflag:$0x4] =	stream.linear.gather [hbm4b:s7+s3], $0x50, $0x38;
	[tilespmem:$0x14400] =	vst v63  }
0x75: {  	s9 =	sadd.s32 s26, s1  }
0x76: {  	[tilespmem:s23], [sflag:$0x4] =	stream.linear.gather [hbm4b:s9+s3], $0x50, $0x38;
	[tilespmem:$0x14400] =	vst v63  }
0x77: {  	_ =	swait.ge [sflag:s11], $0x50  }
0x78: {  	[sflag:s11] =	ssyncset.done $0x0  }
0x79: {  	[sflag:s11] =	ssyncadd.s32 $0xFFFFFFB0  }
0x7a: {  	_ =	swait.ge [sflag:s11], $0x50  }
0x7b: {  	[sflag:s11] =	ssyncset.done $0x0  }
0x7c: {  	s7 =	simm.s32 @!p0 $0xB;
	[sflag:s11] =	ssyncadd.s32 $0xFFFFFFB0  }
0x7d: {  	_ =	swait.ge @!p0 [sflag:s7], $0x2800  }
0x7e: {  	[sflag:s7] =	ssyncset.done @!p0 $0x0  }
0x7f: {  	[sflag:s7] =	ssyncadd.s32 @!p0 $0xFFFFD800  }
0x80: {  	_ =	swait.ge @!p0 [sflag:s7], $0x2800  }
0x81: {  	[sflag:s7] =	ssyncset.done @!p0 $0x0  }
0x82: {  	s1 =	simm.s32 $0x5400;
	[sflag:s7] =	ssyncadd.s32 @!p0 $0xFFFFD800  }
0x83: {  	[tilespmem:s1], [sflag:$0x7] =	stream.indirect.gather [hbm4b:s19+s29], $0x80, s10, s29, $0xb8;
	[tilespmem:$0x14400] =	vst v63  }
0x84: {  	s10 =	simm.s32 $0xF400  }
0x85: {  	[tilespmem:s10], [sflag:$0x7] =	stream.indirect.gather [hbm4b:s4+s29], $0x80, s30, s29, $0xb8;
	[tilespmem:$0x14400] =	vst v63  }
0x86: {  	_ =	swait.ge [sflag:s14], $0x2800  }
0x87: {  	[sflag:s14] =	ssyncset.done $0x0  }
0x88: {  	[sflag:s14] =	ssyncadd.s32 $0xFFFFD800  }
0x89: {  	_ =	swait.ge [sflag:s14], $0x2800  }
0x8a: {  	[sflag:s14] =	ssyncset.done $0x0  }
0x8b: {  	s30 =	sadd.s32 $0x500, s22;
	[sflag:s14] =	ssyncadd.s32 $0xFFFFD800  }
0x8c: {  	[hbm4b:s30+s3] =	stream.linear.scatter [tilespmem:s12], [sflag:$0xA], $0x2800, $0x38;
	[tilespmem:$0x14400] =	vst v63  }
0x8d: {  	s9 =	sadd.s32 $0x500, s2;
	s7 =	sshrl.u32 s17, $0x3;
	s12 =	rddreg [dreg:$0x3]  }
0x8e: {  	[hbm4b:s9+s3] =	stream.linear.scatter [tilespmem:s31], [sflag:$0xA], $0x2800, $0x38;
	[tilespmem:$0x14400] =	vst v63  }
0x8f: {  	s30 =	rddreg [dreg:$0x4];
	s9 =	sadd.s32 s12, s7  }
0x90: {  	[tilespmem:s3], [sflag:$0x1] =	stream.linear.gather [hbm4b:s9+s3], $0x50, $0x38;
	[tilespmem:$0x14400] =	vst v63  }
0x91: {  	s7 =	sadd.s32 s30, s7;
	s30 =	simm.s32 $0x200  }
0x92: {  	[tilespmem:s30], [sflag:$0x1] =	stream.linear.gather [hbm4b:s7+s3], $0x50, $0x38;
	[tilespmem:$0x14400] =	vst v63  }
0x93: {  	_ =	swait.ge [sflag:s15], $0x50  }
0x94: {  	[sflag:s15] =	ssyncset.done $0x0  }
0x95: {  	[sflag:s15] =	ssyncadd.s32 $0xFFFFFFB0  }
0x96: {  	_ =	swait.ge [sflag:s15], $0x50  }
0x97: {  	[sflag:s15] =	ssyncset.done $0x0  }
0x98: {  	s7 =	simm.s32 @!p0 $0xC;
	[sflag:s15] =	ssyncadd.s32 $0xFFFFFFB0  }
0x99: {  	_ =	swait.ge @!p0 [sflag:s7], $0x2800  }
0x9a: {  	[sflag:s7] =	ssyncset.done @!p0 $0x0  }
0x9b: {  	[sflag:s7] =	ssyncadd.s32 @!p0 $0xFFFFD800  }
0x9c: {  	_ =	swait.ge @!p0 [sflag:s7], $0x2800  }
0x9d: {  	[sflag:s7] =	ssyncset.done @!p0 $0x0  }
0x9e: {  	[sflag:s7] =	ssyncadd.s32 @!p0 $0xFFFFD800  }
0x9f: {  	[tilespmem:s16], [sflag:$0x8] =	stream.indirect.gather [hbm4b:s19+s29], $0x80, s21, s29, $0xb8;
	[tilespmem:$0x14400] =	vst v63  }
0xa0: {  	s21 =	simm.s32 $0x11C00  }
0xa1: {  	[tilespmem:s21], [sflag:$0x8] =	stream.indirect.gather [hbm4b:s4+s29], $0x80, s23, s29, $0xb8;
	[tilespmem:$0x14400] =	vst v63  }
0xa2: {  	_ =	swait.ge [sflag:s24], $0x2800  }
0xa3: {  	[sflag:s24] =	ssyncset.done $0x0  }
0xa4: {  	[sflag:s24] =	ssyncadd.s32 $0xFFFFD800  }
0xa5: {  	_ =	swait.ge [sflag:s24], $0x2800  }
0xa6: {  	[sflag:s24] =	ssyncset.done $0x0  }
0xa7: {  	s9 =	sadd.s32 $0xA00, s22;
	[sflag:s24] =	ssyncadd.s32 $0xFFFFD800  }
0xa8: {  	[hbm4b:s9+s3] =	stream.linear.scatter [tilespmem:s1], [sflag:$0xB], $0x2800, $0x38;
	[tilespmem:$0x14400] =	vst v63  }
0xa9: {  	p0 =	seq.s32 s18, $0x25800;
	s9 =	sadd.s32 $0xA00, s2  }
0xaa: {  	[hbm4b:s9+s3] =	stream.linear.scatter [tilespmem:s10], [sflag:$0xB], $0x2800, $0x38;
	[tilespmem:$0x14400] =	vst v63  }
0xab: {  	s7 =	sadd.s32 @!p0 s25, s20;
	s9 =	simm.s32 @!p0 $0x0;
	s10 =	simm.s32 @!p0 $0x80  }
0xac: {  	[tilespmem:s10], [sflag:$0x2] =	stream.linear.gather @!p0 [hbm4b:s7+s9], $0x50, $0x38;
	[tilespmem:$0x14400] =	vst v63  }
0xad: {  	s7 =	sadd.s32 @!p0 s26, s20;
	s10 =	simm.s32 @!p0 $0x280  }
0xae: {  	[tilespmem:s10], [sflag:$0x2] =	stream.linear.gather @!p0 [hbm4b:s7+s9], $0x50, $0x38;
	[tilespmem:$0x14400] =	vst v63  }
0xaf: {  	_ =	swait.ge [sflag:s28], $0x50  }
0xb0: {  	[sflag:s28] =	ssyncset.done $0x0  }
0xb1: {  	[sflag:s28] =	ssyncadd.s32 $0xFFFFFFB0  }
0xb2: {  	_ =	swait.ge [sflag:s28], $0x50  }
0xb3: {  	[sflag:s28] =	ssyncset.done $0x0  }
0xb4: {  	[sflag:s28] =	ssyncadd.s32 $0xFFFFFFB0  }
0xb5: {  	_ =	swait.ge [sflag:s5], $0x2800  }
0xb6: {  	[sflag:s5] =	ssyncset.done $0x0  }
0xb7: {  	[sflag:s5] =	ssyncadd.s32 $0xFFFFD800  }
0xb8: {  	_ =	swait.ge [sflag:s5], $0x2800  }
0xb9: {  	[sflag:s5] =	ssyncset.done $0x0  }
0xba: {  	s9 =	simm.s32 $0x400;
	[sflag:s5] =	ssyncadd.s32 $0xFFFFD800  }
0xbb: {  	[tilespmem:s9], [sflag:$0x5] =	stream.indirect.gather [hbm4b:s19+s29], $0x80, s3, s29, $0xb8;
	[tilespmem:$0x14400] =	vst v63  }
0xbc: {  	_ = 	snop  }
0xbd: {  	[tilespmem:s13], [sflag:$0x5] =	stream.indirect.gather [hbm4b:s4+s29], $0x80, s30, s29, $0xb8;
	[tilespmem:$0x14400] =	vst v63  }
0xbe: {  	_ =	swait.ge [sflag:s6], $0x2800  }
0xbf: {  	[sflag:s6] =	ssyncset.done $0x0  }
0xc0: {  	[sflag:s6] =	ssyncadd.s32 $0xFFFFD800  }
0xc1: {  	_ =	swait.ge [sflag:s6], $0x2800  }
.Ltmp2:
0xc2: {  	[sflag:s6] =	ssyncset.done $0x0;
	(pc) =	sbr.rel @p0 .LBB2_4-.Ltmp2, $4  }
0xc3: {  	s30 =	sadd.s32 $0xF00, s22;
	[sflag:s6] =	ssyncadd.s32 $0xFFFFD800  }
0xc4: {  	[hbm4b:s30+s3] =	stream.linear.scatter [tilespmem:s16], [sflag:$0xC], $0x2800, $0x38;
	[tilespmem:$0x14400] =	vst v63  }
0xc5: {  	s12 =	simm.s32 $0x300;
	s31 =	simm.s32 $0x100;
	s2 =	sadd.s32 $0xF00, s2  }
0xc6: {  	[hbm4b:s2+s3] =	stream.linear.scatter [tilespmem:s21], [sflag:$0xC], $0x2800, $0x38;
	[tilespmem:$0x14400] =	vst v63  }
0xc7: {  	s1 =	rddreg [dreg:$0x11]  }
.Ltmp3:
0xc8: {  	s18 =	sadd.s32 $0x1400, s18;
	s17 =	sadd.s32 $0x140, s17;
	(pc) =	sbr.rel .LBB2_2-.Ltmp3, $4  }
0xc9: {  	s10 =	simm.s32 $0x100;
	s30 =	simm.s32 $0x300;
	s2 =	sadd.s32 s25, s1  }
0xca: {  	[tilespmem:s31], [sflag:$0x3] =	stream.linear.gather [hbm4b:s2+s3], $0x50, $0x38;
	[tilespmem:$0x14400] =	vst v63  }
0xcb: {  	s25 =	sadd.s32 $0x28, s25;
	s31 =	sadd.s32 s26, s1;
	s26 =	sadd.s32 $0x28, s26  }
0xcc: {  	[tilespmem:s12], [sflag:$0x3] =	stream.linear.gather [hbm4b:s31+s3], $0x50, $0x38;
	[tilespmem:$0x14400] =	vst v63  }
.LBB2_5:
0xcd: {  	_ =	sfence.sel $0x180000  }
0xce: {  	[bflag:$0x0] =	sbarrier.arrive $0xFFFF  }
0xcf: {  	_ =	strace $0x90000047  }
0xd0: {  	s0 =	stileid.u32;
	[bflag:$0x2] =	sbarrier.arrive $0xFFFF  }
0xd1: {  	p0 =	sne.s32 s0, $0x0;
	s0 =	rddreg [dreg:$0x2]  }
0xd2: {  	s0 =	sadd.s32 @!p0 $0x100000, s0  }
0xd3: {  	[sflag:s0] =	ssyncadd.tile.s32 @!p0 $0x1;
	_ =	shalt  }
.Lfunc_end2:
_tile_overlayer_lowered:
.L_overlay_start_2:
0xd4: {  	(tag) =	ssettag $0x2  }
0xd5: {  	s0 =	rddreg [dreg:$0x0];
	s2 =	stileid.u32  }
0xd6: {  	s1 =	rddreg [dreg:$0x1];
	p0 =	sne.s32 s2, $0x0  }
0xd7: {  	s3 =	rddreg [dreg:$0x2];
	[bflag:$0x3] =	sbarrier.arrive $0xFFFF;
	s2 =	simm.s32 @!p0 $0x1C0D  }
0xd8: {  	[timem:s3], [sflag:s2] =	dma.local @!p0 [hbm:s0], s1  }
0xd9: {  	s0 =	simm.s32 @!p0 $0xD  }
0xda: {  	_ =	swait.ge @!p0 [sflag:s0], s1  }
0xdb: {  	s1 =	ssub.s32 @!p0 $0x0, s1;
	[sflag:s0] =	ssyncset.done @!p0 $0x0  }
0xdc: {  	[sflag:s0] =	ssyncadd.s32 @!p0 s1  }
0xdd: {  	[bflag:$0x3] =	sbarrier.arrive $0xFFFF  }
0xde: {  	_ =	shalt  }

</sc_bundles>
